<compile_context>
chip_gen: v7x
topology: tpu7x:2x2x1
jax: 0.10.2.dev20260603
libtpu: 0.0.44.dev20260713+nightly
codegen_flags: <defaults>
</compile_context>

<pallas_src>
import jax
import jax.numpy as jnp
from jax import lax
from jax.experimental import pallas as pl
from jax.experimental.pallas import tpu as pltpu
from jax.experimental.pallas import tpu_sc as plsc

N = 10000
E = 320000
D = 128
G = 64

NC = 2
NS = 16
NW = NC * NS
CHUNK = 128
EP = NW * 10240
EPW = EP // NW
NCHUNK = EPW // CHUNK
NP = 10240
RPS = NP // NS
ZCH = 128
NZ = RPS // ZCH

ROWS = 2000
NB = N // ROWS


SB = 16
SROWS = SB + 8
NSB = NCHUNK // SB


def _sc_agg_body(h_hbm, src_hbm, dst_hbm, zeros_hbm, out_hbm,
                 sidx0, sidx1, didx0, didx1, rows0, rows1, acc_sh,
                 isem, gsem0, gsem1, gsem2, gsem3, ssem0, ssem1, wsem):
    c = lax.axis_index("c")
    s = lax.axis_index("s")
    w = s * NC + c
    wrow = w * NCHUNK

    pltpu.sync_copy(zeros_hbm, rows0)
    for j in range(NZ):
        pltpu.async_copy(rows0, acc_sh.at[pl.ds(s * RPS + j * ZCH, ZCH)], wsem)
    pltpu.sync_copy(src_hbm.at[pl.ds(wrow, SROWS)], sidx0)
    pltpu.sync_copy(dst_hbm.at[pl.ds(wrow, SB)], didx0)
    for j in range(NZ):
        pltpu.make_async_copy(rows0, acc_sh.at[pl.ds(0, ZCH)], wsem).wait()
    pltpu.async_copy(h_hbm.at[sidx0.at[0, pl.ds(0, CHUNK // 2)]],
                     rows0.at[pl.ds(0, CHUNK // 2)], gsem0)
    pltpu.async_copy(h_hbm.at[sidx0.at[0, pl.ds(CHUNK // 2, CHUNK // 2)]],
                     rows0.at[pl.ds(CHUNK // 2, CHUNK // 2)], gsem2)
    pltpu.async_copy(h_hbm.at[sidx0.at[1, pl.ds(0, CHUNK // 2)]],
                     rows1.at[pl.ds(0, CHUNK // 2)], gsem1)
    pltpu.async_copy(h_hbm.at[sidx0.at[1, pl.ds(CHUNK // 2, CHUNK // 2)]],
                     rows1.at[pl.ds(CHUNK // 2, CHUNK // 2)], gsem3)
    plsc.subcore_barrier()

    sb = (sidx0, sidx1)
    db = (didx0, didx1)

    HC = CHUNK // 2

    def _g2(buf, sbp, l, sa, sb2):
        pltpu.async_copy(h_hbm.at[sbp.at[l, pl.ds(0, HC)]],
                         buf.at[pl.ds(0, HC)], sa)
        pltpu.async_copy(h_hbm.at[sbp.at[l, pl.ds(HC, HC)]],
                         buf.at[pl.ds(HC, HC)], sb2)

    def _w2(buf, sa, sb2):
        pltpu.make_async_copy(h_hbm.at[sidx0.at[0, pl.ds(0, HC)]],
                              buf.at[pl.ds(0, HC)], sa).wait()
        pltpu.make_async_copy(h_hbm.at[sidx0.at[0, pl.ds(0, HC)]],
                              buf.at[pl.ds(HC, HC)], sb2).wait()

    def _make_pair(sbp, dbp):
        def pair(t, _):
            l0 = 2 * t
            l1 = l0 + 1
            _w2(rows0, gsem0, gsem2)
            pltpu.async_copy(rows0, acc_sh.at[dbp.at[l0]], ssem0, add=True)
            _w2(rows1, gsem1, gsem3)
            pltpu.async_copy(rows1, acc_sh.at[dbp.at[l1]], ssem1, add=True)
            pltpu.make_async_copy(rows0, acc_sh.at[dbp.at[l0]], ssem0).wait()
            _g2(rows0, sbp, l0 + 2, gsem0, gsem2)
            pltpu.make_async_copy(rows1, acc_sh.at[dbp.at[l1]], ssem1).wait()
            _g2(rows1, sbp, l1 + 2, gsem1, gsem3)
            return ()
        return pair

    for jb in range(NSB):
        p = jb % 2
        if jb > 0:
            pltpu.make_async_copy(src_hbm.at[pl.ds(0, SROWS)], sb[p], isem).wait()
            pltpu.make_async_copy(dst_hbm.at[pl.ds(0, SB)], db[p], isem).wait()
        pair = _make_pair(sb[p], db[p])
        lax.fori_loop(0, SB // 4, pair, ())
        if jb + 1 < NSB:
            nrow = wrow + (jb + 1) * SB
            pltpu.async_copy(src_hbm.at[pl.ds(nrow, SROWS)], sb[1 - p], isem)
            pltpu.async_copy(dst_hbm.at[pl.ds(nrow, SB)], db[1 - p], isem)
        lax.fori_loop(SB // 4, SB // 2, pair, ())

    _w2(rows0, gsem0, gsem2)
    _w2(rows1, gsem1, gsem3)
    plsc.subcore_barrier()

    pltpu.sync_copy(acc_sh.at[pl.ds(s * RPS, ZCH)], rows0)
    for j in range(NZ):
        r = s * RPS + j * ZCH
        buf = rows0 if j % 2 == 0 else rows1
        nbuf = rows1 if j % 2 == 0 else rows0
        pltpu.async_copy(buf, out_hbm.at[c, pl.ds(r, ZCH)], wsem)
        if j + 1 < NZ:
            pltpu.sync_copy(acc_sh.at[pl.ds(r + ZCH, ZCH)], nbuf)
        pltpu.make_async_copy(buf, out_hbm.at[c, pl.ds(r, ZCH)], wsem).wait()


@jax.jit
def _sc_agg(h, src, dst, zeros):
    mesh = plsc.VectorSubcoreMesh(core_axis_name="c", subcore_axis_name="s")
    return pl.kernel(
        _sc_agg_body,
        out_type=jax.ShapeDtypeStruct((NC, NP, D), jnp.float32),
        mesh=mesh,
        scratch_types=[
            pltpu.VMEM((SROWS, CHUNK), jnp.int32),
            pltpu.VMEM((SROWS, CHUNK), jnp.int32),
            pltpu.VMEM((SB, CHUNK), jnp.int32),
            pltpu.VMEM((SB, CHUNK), jnp.int32),
            pltpu.VMEM((CHUNK, D), jnp.float32),
            pltpu.VMEM((CHUNK, D), jnp.float32),
            pltpu.VMEM_SHARED((NP, D), jnp.float32),
            pltpu.SemaphoreType.DMA,
            pltpu.SemaphoreType.DMA,
            pltpu.SemaphoreType.DMA,
            pltpu.SemaphoreType.DMA,
            pltpu.SemaphoreType.DMA,
            pltpu.SemaphoreType.DMA,
            pltpu.SemaphoreType.DMA,
            pltpu.SemaphoreType.DMA,
        ],
    )(h, src, dst, zeros)


def _mlp_block(h_ref, a0_ref, a1_ref, w1_ref, b1_ref, w2_ref, b2_ref):
    z = h_ref[...] + a0_ref[0] + a1_ref[0]
    z = jnp.dot(z, w1_ref[...], preferred_element_type=jnp.float32)
    z = jnp.maximum(z + b1_ref[...], 0.0)
    z = jnp.dot(z, w2_ref[...], preferred_element_type=jnp.float32)
    return jnp.maximum(z + b2_ref[...], 0.0)


def _mlp_body(h_ref, a0_ref, a1_ref, w1_ref, b1_ref, w2_ref, b2_ref, out_ref):
    out_ref[...] = _mlp_block(h_ref, a0_ref, a1_ref, w1_ref, b1_ref, w2_ref, b2_ref)


def _mlp_pool_body(h_ref, a0_ref, a1_ref, w1_ref, b1_ref, w2_ref, b2_ref,
                   batch_ref, out_ref, sums, counts):
    i = pl.program_id(0)

    @pl.when(i == 0)
    def _():
        sums[...] = jnp.zeros_like(sums)
        counts[...] = jnp.zeros_like(counts)

    z = _mlp_block(h_ref, a0_ref, a1_ref, w1_ref, b1_ref, w2_ref, b2_ref)
    b = batch_ref[0, 0, :]
    onehot = (b[:, None] == lax.broadcasted_iota(jnp.int32, (1, G), 1)
              ).astype(jnp.float32)
    sums[...] += lax.dot_general(onehot, z, (((0,), (0,)), ((), ())),
                                 preferred_element_type=jnp.float32)
    counts[...] += jnp.broadcast_to(jnp.sum(onehot, axis=0)[:, None], (G, D))

    @pl.when(i == pl.num_programs(0) - 1)
    def _():
        out_ref[...] = sums[...] / jnp.maximum(counts[...], 1.0)


def _mlp_specs():
    return [
        pl.BlockSpec((ROWS, D), lambda i: (i, 0)),
        pl.BlockSpec((1, ROWS, D), lambda i: (0, i, 0)),
        pl.BlockSpec((1, ROWS, D), lambda i: (1, i, 0)),
        pl.BlockSpec((D, D), lambda i: (0, 0)),
        pl.BlockSpec((1, D), lambda i: (0, 0)),
        pl.BlockSpec((D, D), lambda i: (0, 0)),
        pl.BlockSpec((1, D), lambda i: (0, 0)),
    ]


@jax.jit
def _mlp(h, aggs, w1, b1, w2, b2):
    return pl.pallas_call(
        _mlp_body,
        grid=(NB,),
        in_specs=_mlp_specs(),
        out_specs=pl.BlockSpec((ROWS, D), lambda i: (i, 0)),
        out_shape=jax.ShapeDtypeStruct((N, D), jnp.float32),
    )(h, aggs, aggs, w1, b1.reshape(1, D), w2, b2.reshape(1, D))


@jax.jit
def _mlp_pool(h, aggs, w1, b1, w2, b2, batch3):
    return pl.pallas_call(
        _mlp_pool_body,
        grid=(NB,),
        in_specs=_mlp_specs() + [pl.BlockSpec((1, 1, ROWS), lambda i: (i, 0, 0))],
        out_specs=pl.BlockSpec((G, D), lambda i: (0, 0)),
        out_shape=jax.ShapeDtypeStruct((G, D), jnp.float32),
        scratch_shapes=[
            pltpu.VMEM((G, D), jnp.float32),
            pltpu.VMEM((G, D), jnp.float32),
        ],
    )(h, aggs, aggs, w1, b1.reshape(1, D), w2, b2.reshape(1, D), batch3)


def kernel(x, edge_index, batch,
           w1_0, b1_0, w2_0, b2_0,
           w1_1, b1_1, w2_1, b2_1,
           w1_2, b1_2, w2_2, b2_2):
    npad = EP - E
    pad_src = (jnp.arange(npad + 8 * CHUNK, dtype=jnp.int32) * 37) % N
    pad_dst = N + (jnp.arange(npad, dtype=jnp.int32) % (NP - N))
    src = jnp.concatenate([edge_index[0], pad_src]).reshape(-1, CHUNK)
    dst = jnp.concatenate([edge_index[1], pad_dst]).reshape(-1, CHUNK)
    zeros = jnp.zeros((ZCH, D), jnp.float32)
    batch3 = batch.reshape(NB, 1, ROWS)
    params = [(w1_0, b1_0, w2_0, b2_0),
              (w1_1, b1_1, w2_1, b2_1),
              (w1_2, b1_2, w2_2, b2_2)]
    h = x
    for l, (w1, b1, w2, b2) in enumerate(params):
        aggs = _sc_agg(h, src, dst, zeros)
        if l < 2:
            h = _mlp(h, aggs, w1, b1, w2, b2)
        else:
            return _mlp_pool(h, aggs, w1, b1, w2, b2, batch3)

# --- scband reference (transcript-rebuilt; emitter-appended) ---
"""Pipeline reference for scband-ginencoder-12635793785089 (READ-ONLY COPY).

The authoritative reference and input builder live on the scoring server;
editing this copy changes nothing except your own understanding.
"""

import jax, jax.numpy as jnp
import numpy as np

N, E, D, H, G = 10000, 320000, 128, 128, 64


def setup_inputs(seed: int = 0):
    key = jax.random.key(seed)
    ks = jax.random.split(key, 16)
    inp = {}
    inp["x"] = jax.random.normal(ks[0], (N, D), dtype=jnp.float32)
    inp["edge_index"] = jax.random.randint(ks[1], (2, E), 0, N, dtype=jnp.int32)
    inp["batch"] = jnp.sort(jax.random.randint(ks[2], (N,), 0, G, dtype=jnp.int32))
    dims = [D, H, H]
    for i in range(3):
        din = dims[i]
        inp[f"w1_{i}"] = jax.random.normal(ks[3 + 4 * i], (din, H), dtype=jnp.float32) * (1.0 / np.sqrt(din))
        inp[f"b1_{i}"] = jnp.zeros((H,), dtype=jnp.float32)
        inp[f"w2_{i}"] = jax.random.normal(ks[4 + 4 * i], (H, H), dtype=jnp.float32) * (1.0 / np.sqrt(H))
        inp[f"b2_{i}"] = jnp.zeros((H,), dtype=jnp.float32)
    return inp


def _gin_forward(x, edge_index, batch, params):
    # GINConv (eps=0, train_eps=False): h_i' = MLP((1+eps)*h_i + sum_{j->i} h_j)
    src = edge_index[0]
    dst = edge_index[1]
    n = x.shape[0]
    h = x
    for (w1, b1, w2, b2) in params:
        msgs = h[src]                                   # gather along edges
        agg = jax.ops.segment_sum(msgs, dst, num_segments=n)  # scatter-add at dst
        z = h + agg                                     # (1 + eps) * x + aggr, eps = 0
        z = jnp.maximum(jnp.dot(z, w1) + b1, 0.0)       # Linear -> ReLU
        z = jnp.dot(z, w2) + b2                         # Linear
        h = jnp.maximum(z, 0.0)                         # outer ReLU (self.act)
    # global_mean_pool over batch segment ids
    sums = jax.ops.segment_sum(h, batch, num_segments=G)
    counts = jax.ops.segment_sum(jnp.ones((n,), jnp.float32), batch, num_segments=G)
    return sums / jnp.clip(counts, 1.0)[:, None]


def reference(x, edge_index, batch, w1_0, b1_0, w2_0, b2_0, w1_1, b1_1, w2_1, b2_1, w1_2, b1_2, w2_2, b2_2):
    params = [(w1_0, b1_0, w2_0, b2_0), (w1_1, b1_1, w2_1, b2_1), (w1_2, b1_2, w2_2, b2_2)]
    return _gin_forward(x, edge_index, batch, params)

if __name__ == "__main__":
    import jax
    _d = setup_inputs()
    print(jax.jit(kernel)(*tuple(_d.values())))

</pallas_src>

<mosaic_0001>
#map = affine_map<(d0, d1) -> (0, 0)>
#map1 = affine_map<(d0, d1) -> (0, 0, 0)>
module attributes {stable_mosaic.version = 14 : i64} {
  func.func @_sc_agg_body(%arg0: i32, %arg1: i32, %arg2: memref<10000x128xf32, #tpu.memory_space<hbm>>, %arg3: memref<2568x128xi32, #tpu.memory_space<hbm>>, %arg4: memref<2560x128xi32, #tpu.memory_space<hbm>>, %arg5: memref<128x128xf32, #tpu.memory_space<hbm>>, %arg6: memref<2x10240x128xf32, #tpu.memory_space<hbm>>, %arg7: memref<24x128xi32, #tpu.memory_space<vmem>>, %arg8: memref<24x128xi32, #tpu.memory_space<vmem>>, %arg9: memref<16x128xi32, #tpu.memory_space<vmem>>, %arg10: memref<16x128xi32, #tpu.memory_space<vmem>>, %arg11: memref<128x128xf32, #tpu.memory_space<vmem>>, %arg12: memref<128x128xf32, #tpu.memory_space<vmem>>, %arg13: memref<10240x128xf32, #tpu.memory_space<vmem_shared>>, %arg14: memref<!tpu.dma_semaphore, #tpu.memory_space<semaphore_mem>>, %arg15: memref<!tpu.dma_semaphore, #tpu.memory_space<semaphore_mem>>, %arg16: memref<!tpu.dma_semaphore, #tpu.memory_space<semaphore_mem>>, %arg17: memref<!tpu.dma_semaphore, #tpu.memory_space<semaphore_mem>>, %arg18: memref<!tpu.dma_semaphore, #tpu.memory_space<semaphore_mem>>, %arg19: memref<!tpu.dma_semaphore, #tpu.memory_space<semaphore_mem>>, %arg20: memref<!tpu.dma_semaphore, #tpu.memory_space<semaphore_mem>>, %arg21: memref<!tpu.dma_semaphore, #tpu.memory_space<semaphore_mem>>) attributes {dimension_semantics = [#tpu.dimension_semantics<core_parallel>, #tpu.dimension_semantics<subcore_parallel>], iteration_bounds = array<i64: 2, 16>, scalar_prefetch = 0 : i64, scratch_operands = 15 : i64, tpu.core_type = #tpu.core_type<sc_vector_subcore>, window_params = [{transform_indices = #map}, {transform_indices = #map}, {transform_indices = #map}, {transform_indices = #map}, {transform_indices = #map1}]} {
    %mul3A = arith.constant 2 : i32
    %mul3A_0 = arith.muli %arg1, %mul3A : i32
    %add3A = arith.addi %mul3A_0, %arg0 : i32
    %mul3A_1 = arith.constant 80 : i32
    %mul3A_2 = arith.muli %add3A, %mul3A_1 : i32
    "tpu.region"() ({
      %run_scoped3A = tpu.sem_alloc : memref<!tpu.dma_semaphore, #tpu.memory_space<semaphore_mem>>
      tpu.enqueue_dma source(%arg5 : memref<128x128xf32, #tpu.memory_space<hbm>>) target(%arg11 : memref<128x128xf32, #tpu.memory_space<vmem>>) target_semaphore(%run_scoped3A : memref<!tpu.dma_semaphore, #tpu.memory_space<semaphore_mem>>)
      tpu.wait_dma2 semaphore(%run_scoped3A : memref<!tpu.dma_semaphore, #tpu.memory_space<semaphore_mem>>) src(%arg5 : memref<128x128xf32, #tpu.memory_space<hbm>>) dst(%arg11 : memref<128x128xf32, #tpu.memory_space<vmem>>)
      tpu.yield
    }) : () -> ()
    %mul3A_3 = arith.constant 640 : i32
    %mul3A_4 = arith.muli %arg1, %mul3A_3 : i32
    %add3A_5 = arith.constant 0 : i32
    %add3A_6 = arith.addi %mul3A_4, %add3A_5 : i32
    %dma_start3A = arith.constant 0 : i32
    %dma_start3A_7 = tpu.memref_slice %arg13[%add3A_6, %dma_start3A] : memref<10240x128xf32, #tpu.memory_space<vmem_shared>> -> memref<128x128xf32, #tpu.memory_space<vmem_shared>>
    %dma_start3A_8 = arith.constant 0 : i32
    %dma_start3A_9 = tpu.memref_slice %arg13[%add3A_6, %dma_start3A_8] : memref<10240x128xf32, #tpu.memory_space<vmem_shared>> -> memref<128x128xf32, #tpu.memory_space<vmem_shared>>
    tpu.enqueue_dma source(%arg11 : memref<128x128xf32, #tpu.memory_space<vmem>>) target(%dma_start3A_9 : memref<128x128xf32, #tpu.memory_space<vmem_shared>>) target_semaphore(%arg21 : memref<!tpu.dma_semaphore, #tpu.memory_space<semaphore_mem>>)
    %mul3A_10 = arith.constant 640 : i32
    %mul3A_11 = arith.muli %arg1, %mul3A_10 : i32
    %add3A_12 = arith.constant 128 : i32
    %add3A_13 = arith.addi %mul3A_11, %add3A_12 : i32
    %dma_start3A_14 = arith.constant 0 : i32
    %dma_start3A_15 = tpu.memref_slice %arg13[%add3A_13, %dma_start3A_14] : memref<10240x128xf32, #tpu.memory_space<vmem_shared>> -> memref<128x128xf32, #tpu.memory_space<vmem_shared>>
    %dma_start3A_16 = arith.constant 0 : i32
    %dma_start3A_17 = tpu.memref_slice %arg13[%add3A_13, %dma_start3A_16] : memref<10240x128xf32, #tpu.memory_space<vmem_shared>> -> memref<128x128xf32, #tpu.memory_space<vmem_shared>>
    tpu.enqueue_dma source(%arg11 : memref<128x128xf32, #tpu.memory_space<vmem>>) target(%dma_start3A_17 : memref<128x128xf32, #tpu.memory_space<vmem_shared>>) target_semaphore(%arg21 : memref<!tpu.dma_semaphore, #tpu.memory_space<semaphore_mem>>)
    %mul3A_18 = arith.constant 640 : i32
    %mul3A_19 = arith.muli %arg1, %mul3A_18 : i32
    %add3A_20 = arith.constant 256 : i32
    %add3A_21 = arith.addi %mul3A_19, %add3A_20 : i32
    %dma_start3A_22 = arith.constant 0 : i32
    %dma_start3A_23 = tpu.memref_slice %arg13[%add3A_21, %dma_start3A_22] : memref<10240x128xf32, #tpu.memory_space<vmem_shared>> -> memref<128x128xf32, #tpu.memory_space<vmem_shared>>
    %dma_start3A_24 = arith.constant 0 : i32
    %dma_start3A_25 = tpu.memref_slice %arg13[%add3A_21, %dma_start3A_24] : memref<10240x128xf32, #tpu.memory_space<vmem_shared>> -> memref<128x128xf32, #tpu.memory_space<vmem_shared>>
    tpu.enqueue_dma source(%arg11 : memref<128x128xf32, #tpu.memory_space<vmem>>) target(%dma_start3A_25 : memref<128x128xf32, #tpu.memory_space<vmem_shared>>) target_semaphore(%arg21 : memref<!tpu.dma_semaphore, #tpu.memory_space<semaphore_mem>>)
    %mul3A_26 = arith.constant 640 : i32
    %mul3A_27 = arith.muli %arg1, %mul3A_26 : i32
    %add3A_28 = arith.constant 384 : i32
    %add3A_29 = arith.addi %mul3A_27, %add3A_28 : i32
    %dma_start3A_30 = arith.constant 0 : i32
    %dma_start3A_31 = tpu.memref_slice %arg13[%add3A_29, %dma_start3A_30] : memref<10240x128xf32, #tpu.memory_space<vmem_shared>> -> memref<128x128xf32, #tpu.memory_space<vmem_shared>>
    %dma_start3A_32 = arith.constant 0 : i32
    %dma_start3A_33 = tpu.memref_slice %arg13[%add3A_29, %dma_start3A_32] : memref<10240x128xf32, #tpu.memory_space<vmem_shared>> -> memref<128x128xf32, #tpu.memory_space<vmem_shared>>
    tpu.enqueue_dma source(%arg11 : memref<128x128xf32, #tpu.memory_space<vmem>>) target(%dma_start3A_33 : memref<128x128xf32, #tpu.memory_space<vmem_shared>>) target_semaphore(%arg21 : memref<!tpu.dma_semaphore, #tpu.memory_space<semaphore_mem>>)
    %mul3A_34 = arith.constant 640 : i32
    %mul3A_35 = arith.muli %arg1, %mul3A_34 : i32
    %add3A_36 = arith.constant 512 : i32
    %add3A_37 = arith.addi %mul3A_35, %add3A_36 : i32
    %dma_start3A_38 = arith.constant 0 : i32
    %dma_start3A_39 = tpu.memref_slice %arg13[%add3A_37, %dma_start3A_38] : memref<10240x128xf32, #tpu.memory_space<vmem_shared>> -> memref<128x128xf32, #tpu.memory_space<vmem_shared>>
    %dma_start3A_40 = arith.constant 0 : i32
    %dma_start3A_41 = tpu.memref_slice %arg13[%add3A_37, %dma_start3A_40] : memref<10240x128xf32, #tpu.memory_space<vmem_shared>> -> memref<128x128xf32, #tpu.memory_space<vmem_shared>>
    tpu.enqueue_dma source(%arg11 : memref<128x128xf32, #tpu.memory_space<vmem>>) target(%dma_start3A_41 : memref<128x128xf32, #tpu.memory_space<vmem_shared>>) target_semaphore(%arg21 : memref<!tpu.dma_semaphore, #tpu.memory_space<semaphore_mem>>)
    "tpu.region"() ({
      %run_scoped3A = tpu.sem_alloc : memref<!tpu.dma_semaphore, #tpu.memory_space<semaphore_mem>>
      %dma_start3A_379 = arith.constant 0 : i32
      %dma_start3A_380 = tpu.memref_slice %arg3[%mul3A_2, %dma_start3A_379] : memref<2568x128xi32, #tpu.memory_space<hbm>> -> memref<24x128xi32, #tpu.memory_space<hbm>>
      %dma_start3A_381 = arith.constant 0 : i32
      %dma_start3A_382 = tpu.memref_slice %arg3[%mul3A_2, %dma_start3A_381] : memref<2568x128xi32, #tpu.memory_space<hbm>> -> memref<24x128xi32, #tpu.memory_space<hbm>>
      tpu.enqueue_dma source(%dma_start3A_382 : memref<24x128xi32, #tpu.memory_space<hbm>>) target(%arg7 : memref<24x128xi32, #tpu.memory_space<vmem>>) target_semaphore(%run_scoped3A : memref<!tpu.dma_semaphore, #tpu.memory_space<semaphore_mem>>)
      %dma_wait3A_383 = arith.constant 0 : i32
      %dma_wait3A_384 = tpu.memref_slice %arg3[%mul3A_2, %dma_wait3A_383] : memref<2568x128xi32, #tpu.memory_space<hbm>> -> memref<24x128xi32, #tpu.memory_space<hbm>>
      %dma_wait3A_385 = arith.constant 0 : i32
      %dma_wait3A_386 = tpu.memref_slice %arg3[%mul3A_2, %dma_wait3A_385] : memref<2568x128xi32, #tpu.memory_space<hbm>> -> memref<24x128xi32, #tpu.memory_space<hbm>>
      tpu.wait_dma2 semaphore(%run_scoped3A : memref<!tpu.dma_semaphore, #tpu.memory_space<semaphore_mem>>) src(%dma_wait3A_386 : memref<24x128xi32, #tpu.memory_space<hbm>>) dst(%arg7 : memref<24x128xi32, #tpu.memory_space<vmem>>)
      tpu.yield
    }) : () -> ()
    "tpu.region"() ({
      %run_scoped3A = tpu.sem_alloc : memref<!tpu.dma_semaphore, #tpu.memory_space<semaphore_mem>>
      %dma_start3A_379 = arith.constant 0 : i32
      %dma_start3A_380 = tpu.memref_slice %arg4[%mul3A_2, %dma_start3A_379] : memref<2560x128xi32, #tpu.memory_space<hbm>> -> memref<16x128xi32, #tpu.memory_space<hbm>>
      %dma_start3A_381 = arith.constant 0 : i32
      %dma_start3A_382 = tpu.memref_slice %arg4[%mul3A_2, %dma_start3A_381] : memref<2560x128xi32, #tpu.memory_space<hbm>> -> memref<16x128xi32, #tpu.memory_space<hbm>>
      tpu.enqueue_dma source(%dma_start3A_382 : memref<16x128xi32, #tpu.memory_space<hbm>>) target(%arg9 : memref<16x128xi32, #tpu.memory_space<vmem>>) target_semaphore(%run_scoped3A : memref<!tpu.dma_semaphore, #tpu.memory_space<semaphore_mem>>)
      %dma_wait3A_383 = arith.constant 0 : i32
      %dma_wait3A_384 = tpu.memref_slice %arg4[%mul3A_2, %dma_wait3A_383] : memref<2560x128xi32, #tpu.memory_space<hbm>> -> memref<16x128xi32, #tpu.memory_space<hbm>>
      %dma_wait3A_385 = arith.constant 0 : i32
      %dma_wait3A_386 = tpu.memref_slice %arg4[%mul3A_2, %dma_wait3A_385] : memref<2560x128xi32, #tpu.memory_space<hbm>> -> memref<16x128xi32, #tpu.memory_space<hbm>>
      tpu.wait_dma2 semaphore(%run_scoped3A : memref<!tpu.dma_semaphore, #tpu.memory_space<semaphore_mem>>) src(%dma_wait3A_386 : memref<16x128xi32, #tpu.memory_space<hbm>>) dst(%arg9 : memref<16x128xi32, #tpu.memory_space<vmem>>)
      tpu.yield
    }) : () -> ()
    %dma_wait3A = arith.constant 0 : i32
    %dma_wait3A_42 = arith.constant 0 : i32
    %dma_wait3A_43 = tpu.memref_slice %arg13[%dma_wait3A, %dma_wait3A_42] : memref<10240x128xf32, #tpu.memory_space<vmem_shared>> -> memref<128x128xf32, #tpu.memory_space<vmem_shared>>
    %dma_wait3A_44 = arith.constant 0 : i32
    %dma_wait3A_45 = arith.constant 0 : i32
    %dma_wait3A_46 = tpu.memref_slice %arg13[%dma_wait3A_44, %dma_wait3A_45] : memref<10240x128xf32, #tpu.memory_space<vmem_shared>> -> memref<128x128xf32, #tpu.memory_space<vmem_shared>>
    tpu.wait_dma2 semaphore(%arg21 : memref<!tpu.dma_semaphore, #tpu.memory_space<semaphore_mem>>) src(%arg11 : memref<128x128xf32, #tpu.memory_space<vmem>>) dst(%dma_wait3A_46 : memref<128x128xf32, #tpu.memory_space<vmem_shared>>)
    %dma_wait3A_47 = arith.constant 0 : i32
    %dma_wait3A_48 = arith.constant 0 : i32
    %dma_wait3A_49 = tpu.memref_slice %arg13[%dma_wait3A_47, %dma_wait3A_48] : memref<10240x128xf32, #tpu.memory_space<vmem_shared>> -> memref<128x128xf32, #tpu.memory_space<vmem_shared>>
    %dma_wait3A_50 = arith.constant 0 : i32
    %dma_wait3A_51 = arith.constant 0 : i32
    %dma_wait3A_52 = tpu.memref_slice %arg13[%dma_wait3A_50, %dma_wait3A_51] : memref<10240x128xf32, #tpu.memory_space<vmem_shared>> -> memref<128x128xf32, #tpu.memory_space<vmem_shared>>
    tpu.wait_dma2 semaphore(%arg21 : memref<!tpu.dma_semaphore, #tpu.memory_space<semaphore_mem>>) src(%arg11 : memref<128x128xf32, #tpu.memory_space<vmem>>) dst(%dma_wait3A_52 : memref<128x128xf32, #tpu.memory_space<vmem_shared>>)
    %dma_wait3A_53 = arith.constant 0 : i32
    %dma_wait3A_54 = arith.constant 0 : i32
    %dma_wait3A_55 = tpu.memref_slice %arg13[%dma_wait3A_53, %dma_wait3A_54] : memref<10240x128xf32, #tpu.memory_space<vmem_shared>> -> memref<128x128xf32, #tpu.memory_space<vmem_shared>>
    %dma_wait3A_56 = arith.constant 0 : i32
    %dma_wait3A_57 = arith.constant 0 : i32
    %dma_wait3A_58 = tpu.memref_slice %arg13[%dma_wait3A_56, %dma_wait3A_57] : memref<10240x128xf32, #tpu.memory_space<vmem_shared>> -> memref<128x128xf32, #tpu.memory_space<vmem_shared>>
    tpu.wait_dma2 semaphore(%arg21 : memref<!tpu.dma_semaphore, #tpu.memory_space<semaphore_mem>>) src(%arg11 : memref<128x128xf32, #tpu.memory_space<vmem>>) dst(%dma_wait3A_58 : memref<128x128xf32, #tpu.memory_space<vmem_shared>>)
    %dma_wait3A_59 = arith.constant 0 : i32
    %dma_wait3A_60 = arith.constant 0 : i32
    %dma_wait3A_61 = tpu.memref_slice %arg13[%dma_wait3A_59, %dma_wait3A_60] : memref<10240x128xf32, #tpu.memory_space<vmem_shared>> -> memref<128x128xf32, #tpu.memory_space<vmem_shared>>
    %dma_wait3A_62 = arith.constant 0 : i32
    %dma_wait3A_63 = arith.constant 0 : i32
    %dma_wait3A_64 = tpu.memref_slice %arg13[%dma_wait3A_62, %dma_wait3A_63] : memref<10240x128xf32, #tpu.memory_space<vmem_shared>> -> memref<128x128xf32, #tpu.memory_space<vmem_shared>>
    tpu.wait_dma2 semaphore(%arg21 : memref<!tpu.dma_semaphore, #tpu.memory_space<semaphore_mem>>) src(%arg11 : memref<128x128xf32, #tpu.memory_space<vmem>>) dst(%dma_wait3A_64 : memref<128x128xf32, #tpu.memory_space<vmem_shared>>)
    %dma_wait3A_65 = arith.constant 0 : i32
    %dma_wait3A_66 = arith.constant 0 : i32
    %dma_wait3A_67 = tpu.memref_slice %arg13[%dma_wait3A_65, %dma_wait3A_66] : memref<10240x128xf32, #tpu.memory_space<vmem_shared>> -> memref<128x128xf32, #tpu.memory_space<vmem_shared>>
    %dma_wait3A_68 = arith.constant 0 : i32
    %dma_wait3A_69 = arith.constant 0 : i32
    %dma_wait3A_70 = tpu.memref_slice %arg13[%dma_wait3A_68, %dma_wait3A_69] : memref<10240x128xf32, #tpu.memory_space<vmem_shared>> -> memref<128x128xf32, #tpu.memory_space<vmem_shared>>
    tpu.wait_dma2 semaphore(%arg21 : memref<!tpu.dma_semaphore, #tpu.memory_space<semaphore_mem>>) src(%arg11 : memref<128x128xf32, #tpu.memory_space<vmem>>) dst(%dma_wait3A_70 : memref<128x128xf32, #tpu.memory_space<vmem_shared>>)
    %dma_start3A_71 = arith.constant 0 : i32
    %dma_start3A_72 = arith.constant 0 : i32
    %dma_start3A_73 = arith.constant 0 : i32
    %dma_start3A_74 = tpu.memref_slice %arg11[%dma_start3A_72, %dma_start3A_73] : memref<128x128xf32, #tpu.memory_space<vmem>> -> memref<64x128xf32, #tpu.memory_space<vmem>>
    %dma_start3A_75 = arith.constant 0 : i32
    %dma_start3A_76 = tpu.memref_slice %arg7[%dma_start3A_71, %dma_start3A_75] : memref<24x128xi32, #tpu.memory_space<vmem>> -> memref<1x64xi32, #tpu.memory_space<vmem>>
    %dma_start3A_77 = tpu.memref_squeeze %dma_start3A_76 : memref<1x64xi32, #tpu.memory_space<vmem>> -> memref<64xi32, #tpu.memory_space<vmem>>
    %dma_start3A_78 = arith.constant 0 : i32
    %dma_start3A_79 = arith.constant 0 : i32
    %dma_start3A_80 = tpu.memref_slice %arg2[%dma_start3A_78, %dma_start3A_79] : memref<10000x128xf32, #tpu.memory_space<hbm>> -> memref<10000x128xf32, #tpu.memory_space<hbm>>
    tpu.enqueue_indirect_dma source(%dma_start3A_80 : memref<10000x128xf32, #tpu.memory_space<hbm>>) target(%dma_start3A_74 : memref<64x128xf32, #tpu.memory_space<vmem>>) offsets(%dma_start3A_77 : memref<64xi32, #tpu.memory_space<vmem>>) semaphore(%arg15 : memref<!tpu.dma_semaphore, #tpu.memory_space<semaphore_mem>>)
    %dma_start3A_81 = arith.constant 0 : i32
    %dma_start3A_82 = arith.constant 64 : i32
    %dma_start3A_83 = arith.constant 0 : i32
    %dma_start3A_84 = tpu.memref_slice %arg11[%dma_start3A_82, %dma_start3A_83] : memref<128x128xf32, #tpu.memory_space<vmem>> -> memref<64x128xf32, #tpu.memory_space<vmem>>
    %dma_start3A_85 = arith.constant 64 : i32
    %dma_start3A_86 = tpu.memref_slice %arg7[%dma_start3A_81, %dma_start3A_85] : memref<24x128xi32, #tpu.memory_space<vmem>> -> memref<1x64xi32, #tpu.memory_space<vmem>>
    %dma_start3A_87 = tpu.memref_squeeze %dma_start3A_86 : memref<1x64xi32, #tpu.memory_space<vmem>> -> memref<64xi32, #tpu.memory_space<vmem>>
    %dma_start3A_88 = arith.constant 0 : i32
    %dma_start3A_89 = arith.constant 0 : i32
    %dma_start3A_90 = tpu.memref_slice %arg2[%dma_start3A_88, %dma_start3A_89] : memref<10000x128xf32, #tpu.memory_space<hbm>> -> memref<10000x128xf32, #tpu.memory_space<hbm>>
    tpu.enqueue_indirect_dma source(%dma_start3A_90 : memref<10000x128xf32, #tpu.memory_space<hbm>>) target(%dma_start3A_84 : memref<64x128xf32, #tpu.memory_space<vmem>>) offsets(%dma_start3A_87 : memref<64xi32, #tpu.memory_space<vmem>>) semaphore(%arg17 : memref<!tpu.dma_semaphore, #tpu.memory_space<semaphore_mem>>)
    %dma_start3A_91 = arith.constant 1 : i32
    %dma_start3A_92 = arith.constant 0 : i32
    %dma_start3A_93 = arith.constant 0 : i32
    %dma_start3A_94 = tpu.memref_slice %arg12[%dma_start3A_92, %dma_start3A_93] : memref<128x128xf32, #tpu.memory_space<vmem>> -> memref<64x128xf32, #tpu.memory_space<vmem>>
    %dma_start3A_95 = arith.constant 0 : i32
    %dma_start3A_96 = tpu.memref_slice %arg7[%dma_start3A_91, %dma_start3A_95] : memref<24x128xi32, #tpu.memory_space<vmem>> -> memref<1x64xi32, #tpu.memory_space<vmem>>
    %dma_start3A_97 = tpu.memref_squeeze %dma_start3A_96 : memref<1x64xi32, #tpu.memory_space<vmem>> -> memref<64xi32, #tpu.memory_space<vmem>>
    %dma_start3A_98 = arith.constant 0 : i32
    %dma_start3A_99 = arith.constant 0 : i32
    %dma_start3A_100 = tpu.memref_slice %arg2[%dma_start3A_98, %dma_start3A_99] : memref<10000x128xf32, #tpu.memory_space<hbm>> -> memref<10000x128xf32, #tpu.memory_space<hbm>>
    tpu.enqueue_indirect_dma source(%dma_start3A_100 : memref<10000x128xf32, #tpu.memory_space<hbm>>) target(%dma_start3A_94 : memref<64x128xf32, #tpu.memory_space<vmem>>) offsets(%dma_start3A_97 : memref<64xi32, #tpu.memory_space<vmem>>) semaphore(%arg16 : memref<!tpu.dma_semaphore, #tpu.memory_space<semaphore_mem>>)
    %dma_start3A_101 = arith.constant 1 : i32
    %dma_start3A_102 = arith.constant 64 : i32
    %dma_start3A_103 = arith.constant 0 : i32
    %dma_start3A_104 = tpu.memref_slice %arg12[%dma_start3A_102, %dma_start3A_103] : memref<128x128xf32, #tpu.memory_space<vmem>> -> memref<64x128xf32, #tpu.memory_space<vmem>>
    %dma_start3A_105 = arith.constant 64 : i32
    %dma_start3A_106 = tpu.memref_slice %arg7[%dma_start3A_101, %dma_start3A_105] : memref<24x128xi32, #tpu.memory_space<vmem>> -> memref<1x64xi32, #tpu.memory_space<vmem>>
    %dma_start3A_107 = tpu.memref_squeeze %dma_start3A_106 : memref<1x64xi32, #tpu.memory_space<vmem>> -> memref<64xi32, #tpu.memory_space<vmem>>
    %dma_start3A_108 = arith.constant 0 : i32
    %dma_start3A_109 = arith.constant 0 : i32
    %dma_start3A_110 = tpu.memref_slice %arg2[%dma_start3A_108, %dma_start3A_109] : memref<10000x128xf32, #tpu.memory_space<hbm>> -> memref<10000x128xf32, #tpu.memory_space<hbm>>
    tpu.enqueue_indirect_dma source(%dma_start3A_110 : memref<10000x128xf32, #tpu.memory_space<hbm>>) target(%dma_start3A_104 : memref<64x128xf32, #tpu.memory_space<vmem>>) offsets(%dma_start3A_107 : memref<64xi32, #tpu.memory_space<vmem>>) semaphore(%arg18 : memref<!tpu.dma_semaphore, #tpu.memory_space<semaphore_mem>>)
    %barrier3A = arith.constant 0 : index
    tpu.barrier barrier_id(%barrier3A)
    %scan3A = arith.constant 0 : i32
    %scan3A_111 = arith.constant 4 : i32
    %scan3A_112 = arith.addi %scan3A, %scan3A_111 : i32
    %scan3A_113 = arith.constant 1 : i32
    scf.for %scan3A_379 = %scan3A to %scan3A_112 step %scan3A_113  : i32 {
      %mul3A_380 = arith.constant 2 : i32
      %mul3A_381 = arith.muli %mul3A_380, %scan3A_379 : i32
      %add3A_382 = arith.constant 1 : i32
      %add3A_383 = arith.addi %mul3A_381, %add3A_382 : i32
      %dma_wait3A_384 = arith.constant 0 : i32
      %dma_wait3A_385 = arith.constant 0 : i32
      %dma_wait3A_386 = arith.constant 0 : i32
      %dma_wait3A_387 = tpu.memref_slice %arg11[%dma_wait3A_385, %dma_wait3A_386] : memref<128x128xf32, #tpu.memory_space<vmem>> -> memref<64x128xf32, #tpu.memory_space<vmem>>
      %dma_wait3A_388 = arith.constant 0 : i32
      %dma_wait3A_389 = tpu.memref_slice %arg7[%dma_wait3A_384, %dma_wait3A_388] : memref<24x128xi32, #tpu.memory_space<vmem>> -> memref<1x64xi32, #tpu.memory_space<vmem>>
      %dma_wait3A_390 = tpu.memref_squeeze %dma_wait3A_389 : memref<1x64xi32, #tpu.memory_space<vmem>> -> memref<64xi32, #tpu.memory_space<vmem>>
      %dma_wait3A_391 = arith.constant 0 : i32
      %dma_wait3A_392 = arith.constant 0 : i32
      %dma_wait3A_393 = tpu.memref_slice %arg2[%dma_wait3A_391, %dma_wait3A_392] : memref<10000x128xf32, #tpu.memory_space<hbm>> -> memref<10000x128xf32, #tpu.memory_space<hbm>>
      tpu.wait_indirect_dma semaphore(%arg15 : memref<!tpu.dma_semaphore, #tpu.memory_space<semaphore_mem>>) src(%dma_wait3A_393 : memref<10000x128xf32, #tpu.memory_space<hbm>>) dst(%dma_wait3A_387 : memref<64x128xf32, #tpu.memory_space<vmem>>)
      %dma_wait3A_394 = arith.constant 0 : i32
      %dma_wait3A_395 = arith.constant 64 : i32
      %dma_wait3A_396 = arith.constant 0 : i32
      %dma_wait3A_397 = tpu.memref_slice %arg11[%dma_wait3A_395, %dma_wait3A_396] : memref<128x128xf32, #tpu.memory_space<vmem>> -> memref<64x128xf32, #tpu.memory_space<vmem>>
      %dma_wait3A_398 = arith.constant 0 : i32
      %dma_wait3A_399 = tpu.memref_slice %arg7[%dma_wait3A_394, %dma_wait3A_398] : memref<24x128xi32, #tpu.memory_space<vmem>> -> memref<1x64xi32, #tpu.memory_space<vmem>>
      %dma_wait3A_400 = tpu.memref_squeeze %dma_wait3A_399 : memref<1x64xi32, #tpu.memory_space<vmem>> -> memref<64xi32, #tpu.memory_space<vmem>>
      %dma_wait3A_401 = arith.constant 0 : i32
      %dma_wait3A_402 = arith.constant 0 : i32
      %dma_wait3A_403 = tpu.memref_slice %arg2[%dma_wait3A_401, %dma_wait3A_402] : memref<10000x128xf32, #tpu.memory_space<hbm>> -> memref<10000x128xf32, #tpu.memory_space<hbm>>
      tpu.wait_indirect_dma semaphore(%arg17 : memref<!tpu.dma_semaphore, #tpu.memory_space<semaphore_mem>>) src(%dma_wait3A_403 : memref<10000x128xf32, #tpu.memory_space<hbm>>) dst(%dma_wait3A_397 : memref<64x128xf32, #tpu.memory_space<vmem>>)
      %dma_start3A_404 = arith.constant 0 : i32
      %dma_start3A_405 = tpu.memref_slice %arg9[%mul3A_381, %dma_start3A_404] : memref<16x128xi32, #tpu.memory_space<vmem>> -> memref<1x128xi32, #tpu.memory_space<vmem>>
      %dma_start3A_406 = tpu.memref_squeeze %dma_start3A_405 : memref<1x128xi32, #tpu.memory_space<vmem>> -> memref<128xi32, #tpu.memory_space<vmem>>
      %dma_start3A_407 = arith.constant 0 : i32
      %dma_start3A_408 = arith.constant 0 : i32
      %dma_start3A_409 = tpu.memref_slice %arg13[%dma_start3A_407, %dma_start3A_408] : memref<10240x128xf32, #tpu.memory_space<vmem_shared>> -> memref<10240x128xf32, #tpu.memory_space<vmem_shared>>
      tpu.enqueue_indirect_dma source(%arg11 : memref<128x128xf32, #tpu.memory_space<vmem>>) target(%dma_start3A_409 : memref<10240x128xf32, #tpu.memory_space<vmem_shared>>) offsets(%dma_start3A_406 : memref<128xi32, #tpu.memory_space<vmem>>) semaphore(%arg19 : memref<!tpu.dma_semaphore, #tpu.memory_space<semaphore_mem>>) {add = true}
      %dma_wait3A_410 = arith.constant 0 : i32
      %dma_wait3A_411 = arith.constant 0 : i32
      %dma_wait3A_412 = arith.constant 0 : i32
      %dma_wait3A_413 = tpu.memref_slice %arg12[%dma_wait3A_411, %dma_wait3A_412] : memref<128x128xf32, #tpu.memory_space<vmem>> -> memref<64x128xf32, #tpu.memory_space<vmem>>
      %dma_wait3A_414 = arith.constant 0 : i32
      %dma_wait3A_415 = tpu.memref_slice %arg7[%dma_wait3A_410, %dma_wait3A_414] : memref<24x128xi32, #tpu.memory_space<vmem>> -> memref<1x64xi32, #tpu.memory_space<vmem>>
      %dma_wait3A_416 = tpu.memref_squeeze %dma_wait3A_415 : memref<1x64xi32, #tpu.memory_space<vmem>> -> memref<64xi32, #tpu.memory_space<vmem>>
      %dma_wait3A_417 = arith.constant 0 : i32
      %dma_wait3A_418 = arith.constant 0 : i32
      %dma_wait3A_419 = tpu.memref_slice %arg2[%dma_wait3A_417, %dma_wait3A_418] : memref<10000x128xf32, #tpu.memory_space<hbm>> -> memref<10000x128xf32, #tpu.memory_space<hbm>>
      tpu.wait_indirect_dma semaphore(%arg16 : memref<!tpu.dma_semaphore, #tpu.memory_space<semaphore_mem>>) src(%dma_wait3A_419 : memref<10000x128xf32, #tpu.memory_space<hbm>>) dst(%dma_wait3A_413 : memref<64x128xf32, #tpu.memory_space<vmem>>)
      %dma_wait3A_420 = arith.constant 0 : i32
      %dma_wait3A_421 = arith.constant 64 : i32
      %dma_wait3A_422 = arith.constant 0 : i32
      %dma_wait3A_423 = tpu.memref_slice %arg12[%dma_wait3A_421, %dma_wait3A_422] : memref<128x128xf32, #tpu.memory_space<vmem>> -> memref<64x128xf32, #tpu.memory_space<vmem>>
      %dma_wait3A_424 = arith.constant 0 : i32
      %dma_wait3A_425 = tpu.memref_slice %arg7[%dma_wait3A_420, %dma_wait3A_424] : memref<24x128xi32, #tpu.memory_space<vmem>> -> memref<1x64xi32, #tpu.memory_space<vmem>>
      %dma_wait3A_426 = tpu.memref_squeeze %dma_wait3A_425 : memref<1x64xi32, #tpu.memory_space<vmem>> -> memref<64xi32, #tpu.memory_space<vmem>>
      %dma_wait3A_427 = arith.constant 0 : i32
      %dma_wait3A_428 = arith.constant 0 : i32
      %dma_wait3A_429 = tpu.memref_slice %arg2[%dma_wait3A_427, %dma_wait3A_428] : memref<10000x128xf32, #tpu.memory_space<hbm>> -> memref<10000x128xf32, #tpu.memory_space<hbm>>
      tpu.wait_indirect_dma semaphore(%arg18 : memref<!tpu.dma_semaphore, #tpu.memory_space<semaphore_mem>>) src(%dma_wait3A_429 : memref<10000x128xf32, #tpu.memory_space<hbm>>) dst(%dma_wait3A_423 : memref<64x128xf32, #tpu.memory_space<vmem>>)
      %dma_start3A_430 = arith.constant 0 : i32
      %dma_start3A_431 = tpu.memref_slice %arg9[%add3A_383, %dma_start3A_430] : memref<16x128xi32, #tpu.memory_space<vmem>> -> memref<1x128xi32, #tpu.memory_space<vmem>>
      %dma_start3A_432 = tpu.memref_squeeze %dma_start3A_431 : memref<1x128xi32, #tpu.memory_space<vmem>> -> memref<128xi32, #tpu.memory_space<vmem>>
      %dma_start3A_433 = arith.constant 0 : i32
      %dma_start3A_434 = arith.constant 0 : i32
      %dma_start3A_435 = tpu.memref_slice %arg13[%dma_start3A_433, %dma_start3A_434] : memref<10240x128xf32, #tpu.memory_space<vmem_shared>> -> memref<10240x128xf32, #tpu.memory_space<vmem_shared>>
      tpu.enqueue_indirect_dma source(%arg12 : memref<128x128xf32, #tpu.memory_space<vmem>>) target(%dma_start3A_435 : memref<10240x128xf32, #tpu.memory_space<vmem_shared>>) offsets(%dma_start3A_432 : memref<128xi32, #tpu.memory_space<vmem>>) semaphore(%arg20 : memref<!tpu.dma_semaphore, #tpu.memory_space<semaphore_mem>>) {add = true}
      %dma_wait3A_436 = arith.constant 0 : i32
      %dma_wait3A_437 = tpu.memref_slice %arg9[%mul3A_381, %dma_wait3A_436] : memref<16x128xi32, #tpu.memory_space<vmem>> -> memref<1x128xi32, #tpu.memory_space<vmem>>
      %dma_wait3A_438 = tpu.memref_squeeze %dma_wait3A_437 : memref<1x128xi32, #tpu.memory_space<vmem>> -> memref<128xi32, #tpu.memory_space<vmem>>
      %dma_wait3A_439 = arith.constant 0 : i32
      %dma_wait3A_440 = arith.constant 0 : i32
      %dma_wait3A_441 = tpu.memref_slice %arg13[%dma_wait3A_439, %dma_wait3A_440] : memref<10240x128xf32, #tpu.memory_space<vmem_shared>> -> memref<10240x128xf32, #tpu.memory_space<vmem_shared>>
      tpu.wait_indirect_dma semaphore(%arg19 : memref<!tpu.dma_semaphore, #tpu.memory_space<semaphore_mem>>) src(%arg11 : memref<128x128xf32, #tpu.memory_space<vmem>>) dst(%dma_wait3A_441 : memref<10240x128xf32, #tpu.memory_space<vmem_shared>>)
      %add3A_442 = arith.constant 2 : i32
      %add3A_443 = arith.addi %mul3A_381, %add3A_442 : i32
      %dma_start3A_444 = arith.constant 0 : i32
      %dma_start3A_445 = arith.constant 0 : i32
      %dma_start3A_446 = tpu.memref_slice %arg11[%dma_start3A_444, %dma_start3A_445] : memref<128x128xf32, #tpu.memory_space<vmem>> -> memref<64x128xf32, #tpu.memory_space<vmem>>
      %dma_start3A_447 = arith.constant 0 : i32
      %dma_start3A_448 = tpu.memref_slice %arg7[%add3A_443, %dma_start3A_447] : memref<24x128xi32, #tpu.memory_space<vmem>> -> memref<1x64xi32, #tpu.memory_space<vmem>>
      %dma_start3A_449 = tpu.memref_squeeze %dma_start3A_448 : memref<1x64xi32, #tpu.memory_space<vmem>> -> memref<64xi32, #tpu.memory_space<vmem>>
      %dma_start3A_450 = arith.constant 0 : i32
      %dma_start3A_451 = arith.constant 0 : i32
      %dma_start3A_452 = tpu.memref_slice %arg2[%dma_start3A_450, %dma_start3A_451] : memref<10000x128xf32, #tpu.memory_space<hbm>> -> memref<10000x128xf32, #tpu.memory_space<hbm>>
      tpu.enqueue_indirect_dma source(%dma_start3A_452 : memref<10000x128xf32, #tpu.memory_space<hbm>>) target(%dma_start3A_446 : memref<64x128xf32, #tpu.memory_space<vmem>>) offsets(%dma_start3A_449 : memref<64xi32, #tpu.memory_space<vmem>>) semaphore(%arg15 : memref<!tpu.dma_semaphore, #tpu.memory_space<semaphore_mem>>)
      %dma_start3A_453 = arith.constant 64 : i32
      %dma_start3A_454 = arith.constant 0 : i32
      %dma_start3A_455 = tpu.memref_slice %arg11[%dma_start3A_453, %dma_start3A_454] : memref<128x128xf32, #tpu.memory_space<vmem>> -> memref<64x128xf32, #tpu.memory_space<vmem>>
      %dma_start3A_456 = arith.constant 64 : i32
      %dma_start3A_457 = tpu.memref_slice %arg7[%add3A_443, %dma_start3A_456] : memref<24x128xi32, #tpu.memory_space<vmem>> -> memref<1x64xi32, #tpu.memory_space<vmem>>
      %dma_start3A_458 = tpu.memref_squeeze %dma_start3A_457 : memref<1x64xi32, #tpu.memory_space<vmem>> -> memref<64xi32, #tpu.memory_space<vmem>>
      %dma_start3A_459 = arith.constant 0 : i32
      %dma_start3A_460 = arith.constant 0 : i32
      %dma_start3A_461 = tpu.memref_slice %arg2[%dma_start3A_459, %dma_start3A_460] : memref<10000x128xf32, #tpu.memory_space<hbm>> -> memref<10000x128xf32, #tpu.memory_space<hbm>>
      tpu.enqueue_indirect_dma source(%dma_start3A_461 : memref<10000x128xf32, #tpu.memory_space<hbm>>) target(%dma_start3A_455 : memref<64x128xf32, #tpu.memory_space<vmem>>) offsets(%dma_start3A_458 : memref<64xi32, #tpu.memory_space<vmem>>) semaphore(%arg17 : memref<!tpu.dma_semaphore, #tpu.memory_space<semaphore_mem>>)
      %dma_wait3A_462 = arith.constant 0 : i32
      %dma_wait3A_463 = tpu.memref_slice %arg9[%add3A_383, %dma_wait3A_462] : memref<16x128xi32, #tpu.memory_space<vmem>> -> memref<1x128xi32, #tpu.memory_space<vmem>>
      %dma_wait3A_464 = tpu.memref_squeeze %dma_wait3A_463 : memref<1x128xi32, #tpu.memory_space<vmem>> -> memref<128xi32, #tpu.memory_space<vmem>>
      %dma_wait3A_465 = arith.constant 0 : i32
      %dma_wait3A_466 = arith.constant 0 : i32
      %dma_wait3A_467 = tpu.memref_slice %arg13[%dma_wait3A_465, %dma_wait3A_466] : memref<10240x128xf32, #tpu.memory_space<vmem_shared>> -> memref<10240x128xf32, #tpu.memory_space<vmem_shared>>
      tpu.wait_indirect_dma semaphore(%arg20 : memref<!tpu.dma_semaphore, #tpu.memory_space<semaphore_mem>>) src(%arg12 : memref<128x128xf32, #tpu.memory_space<vmem>>) dst(%dma_wait3A_467 : memref<10240x128xf32, #tpu.memory_space<vmem_shared>>)
      %add3A_468 = arith.constant 2 : i32
      %add3A_469 = arith.addi %add3A_383, %add3A_468 : i32
      %dma_start3A_470 = arith.constant 0 : i32
      %dma_start3A_471 = arith.constant 0 : i32
      %dma_start3A_472 = tpu.memref_slice %arg12[%dma_start3A_470, %dma_start3A_471] : memref<128x128xf32, #tpu.memory_space<vmem>> -> memref<64x128xf32, #tpu.memory_space<vmem>>
      %dma_start3A_473 = arith.constant 0 : i32
      %dma_start3A_474 = tpu.memref_slice %arg7[%add3A_469, %dma_start3A_473] : memref<24x128xi32, #tpu.memory_space<vmem>> -> memref<1x64xi32, #tpu.memory_space<vmem>>
      %dma_start3A_475 = tpu.memref_squeeze %dma_start3A_474 : memref<1x64xi32, #tpu.memory_space<vmem>> -> memref<64xi32, #tpu.memory_space<vmem>>
      %dma_start3A_476 = arith.constant 0 : i32
      %dma_start3A_477 = arith.constant 0 : i32
      %dma_start3A_478 = tpu.memref_slice %arg2[%dma_start3A_476, %dma_start3A_477] : memref<10000x128xf32, #tpu.memory_space<hbm>> -> memref<10000x128xf32, #tpu.memory_space<hbm>>
      tpu.enqueue_indirect_dma source(%dma_start3A_478 : memref<10000x128xf32, #tpu.memory_space<hbm>>) target(%dma_start3A_472 : memref<64x128xf32, #tpu.memory_space<vmem>>) offsets(%dma_start3A_475 : memref<64xi32, #tpu.memory_space<vmem>>) semaphore(%arg16 : memref<!tpu.dma_semaphore, #tpu.memory_space<semaphore_mem>>)
      %dma_start3A_479 = arith.constant 64 : i32
      %dma_start3A_480 = arith.constant 0 : i32
      %dma_start3A_481 = tpu.memref_slice %arg12[%dma_start3A_479, %dma_start3A_480] : memref<128x128xf32, #tpu.memory_space<vmem>> -> memref<64x128xf32, #tpu.memory_space<vmem>>
      %dma_start3A_482 = arith.constant 64 : i32
      %dma_start3A_483 = tpu.memref_slice %arg7[%add3A_469, %dma_start3A_482] : memref<24x128xi32, #tpu.memory_space<vmem>> -> memref<1x64xi32, #tpu.memory_space<vmem>>
      %dma_start3A_484 = tpu.memref_squeeze %dma_start3A_483 : memref<1x64xi32, #tpu.memory_space<vmem>> -> memref<64xi32, #tpu.memory_space<vmem>>
      %dma_start3A_485 = arith.constant 0 : i32
      %dma_start3A_486 = arith.constant 0 : i32
      %dma_start3A_487 = tpu.memref_slice %arg2[%dma_start3A_485, %dma_start3A_486] : memref<10000x128xf32, #tpu.memory_space<hbm>> -> memref<10000x128xf32, #tpu.memory_space<hbm>>
      tpu.enqueue_indirect_dma source(%dma_start3A_487 : memref<10000x128xf32, #tpu.memory_space<hbm>>) target(%dma_start3A_481 : memref<64x128xf32, #tpu.memory_space<vmem>>) offsets(%dma_start3A_484 : memref<64xi32, #tpu.memory_space<vmem>>) semaphore(%arg18 : memref<!tpu.dma_semaphore, #tpu.memory_space<semaphore_mem>>)
    }
    %scan3A_114 = arith.constant 4 : i32
    %add3A_115 = arith.constant 16 : i32
    %add3A_116 = arith.addi %mul3A_2, %add3A_115 : i32
    %dma_start3A_117 = arith.constant 0 : i32
    %dma_start3A_118 = tpu.memref_slice %arg3[%add3A_116, %dma_start3A_117] : memref<2568x128xi32, #tpu.memory_space<hbm>> -> memref<24x128xi32, #tpu.memory_space<hbm>>
    %dma_start3A_119 = arith.constant 0 : i32
    %dma_start3A_120 = tpu.memref_slice %arg3[%add3A_116, %dma_start3A_119] : memref<2568x128xi32, #tpu.memory_space<hbm>> -> memref<24x128xi32, #tpu.memory_space<hbm>>
    tpu.enqueue_dma source(%dma_start3A_120 : memref<24x128xi32, #tpu.memory_space<hbm>>) target(%arg8 : memref<24x128xi32, #tpu.memory_space<vmem>>) target_semaphore(%arg14 : memref<!tpu.dma_semaphore, #tpu.memory_space<semaphore_mem>>)
    %dma_start3A_121 = arith.constant 0 : i32
    %dma_start3A_122 = tpu.memref_slice %arg4[%add3A_116, %dma_start3A_121] : memref<2560x128xi32, #tpu.memory_space<hbm>> -> memref<16x128xi32, #tpu.memory_space<hbm>>
    %dma_start3A_123 = arith.constant 0 : i32
    %dma_start3A_124 = tpu.memref_slice %arg4[%add3A_116, %dma_start3A_123] : memref<2560x128xi32, #tpu.memory_space<hbm>> -> memref<16x128xi32, #tpu.memory_space<hbm>>
    tpu.enqueue_dma source(%dma_start3A_124 : memref<16x128xi32, #tpu.memory_space<hbm>>) target(%arg10 : memref<16x128xi32, #tpu.memory_space<vmem>>) target_semaphore(%arg14 : memref<!tpu.dma_semaphore, #tpu.memory_space<semaphore_mem>>)
    %scan3A_125 = arith.constant 4 : i32
    %scan3A_126 = arith.constant 4 : i32
    %scan3A_127 = arith.addi %scan3A_125, %scan3A_126 : i32
    %scan3A_128 = arith.constant 1 : i32
    scf.for %scan3A_379 = %scan3A_125 to %scan3A_127 step %scan3A_128  : i32 {
      %mul3A_380 = arith.constant 2 : i32
      %mul3A_381 = arith.muli %mul3A_380, %scan3A_379 : i32
      %add3A_382 = arith.constant 1 : i32
      %add3A_383 = arith.addi %mul3A_381, %add3A_382 : i32
      %dma_wait3A_384 = arith.constant 0 : i32
      %dma_wait3A_385 = arith.constant 0 : i32
      %dma_wait3A_386 = arith.constant 0 : i32
      %dma_wait3A_387 = tpu.memref_slice %arg11[%dma_wait3A_385, %dma_wait3A_386] : memref<128x128xf32, #tpu.memory_space<vmem>> -> memref<64x128xf32, #tpu.memory_space<vmem>>
      %dma_wait3A_388 = arith.constant 0 : i32
      %dma_wait3A_389 = tpu.memref_slice %arg7[%dma_wait3A_384, %dma_wait3A_388] : memref<24x128xi32, #tpu.memory_space<vmem>> -> memref<1x64xi32, #tpu.memory_space<vmem>>
      %dma_wait3A_390 = tpu.memref_squeeze %dma_wait3A_389 : memref<1x64xi32, #tpu.memory_space<vmem>> -> memref<64xi32, #tpu.memory_space<vmem>>
      %dma_wait3A_391 = arith.constant 0 : i32
      %dma_wait3A_392 = arith.constant 0 : i32
      %dma_wait3A_393 = tpu.memref_slice %arg2[%dma_wait3A_391, %dma_wait3A_392] : memref<10000x128xf32, #tpu.memory_space<hbm>> -> memref<10000x128xf32, #tpu.memory_space<hbm>>
      tpu.wait_indirect_dma semaphore(%arg15 : memref<!tpu.dma_semaphore, #tpu.memory_space<semaphore_mem>>) src(%dma_wait3A_393 : memref<10000x128xf32, #tpu.memory_space<hbm>>) dst(%dma_wait3A_387 : memref<64x128xf32, #tpu.memory_space<vmem>>)
      %dma_wait3A_394 = arith.constant 0 : i32
      %dma_wait3A_395 = arith.constant 64 : i32
      %dma_wait3A_396 = arith.constant 0 : i32
      %dma_wait3A_397 = tpu.memref_slice %arg11[%dma_wait3A_395, %dma_wait3A_396] : memref<128x128xf32, #tpu.memory_space<vmem>> -> memref<64x128xf32, #tpu.memory_space<vmem>>
      %dma_wait3A_398 = arith.constant 0 : i32
      %dma_wait3A_399 = tpu.memref_slice %arg7[%dma_wait3A_394, %dma_wait3A_398] : memref<24x128xi32, #tpu.memory_space<vmem>> -> memref<1x64xi32, #tpu.memory_space<vmem>>
      %dma_wait3A_400 = tpu.memref_squeeze %dma_wait3A_399 : memref<1x64xi32, #tpu.memory_space<vmem>> -> memref<64xi32, #tpu.memory_space<vmem>>
      %dma_wait3A_401 = arith.constant 0 : i32
      %dma_wait3A_402 = arith.constant 0 : i32
      %dma_wait3A_403 = tpu.memref_slice %arg2[%dma_wait3A_401, %dma_wait3A_402] : memref<10000x128xf32, #tpu.memory_space<hbm>> -> memref<10000x128xf32, #tpu.memory_space<hbm>>
      tpu.wait_indirect_dma semaphore(%arg17 : memref<!tpu.dma_semaphore, #tpu.memory_space<semaphore_mem>>) src(%dma_wait3A_403 : memref<10000x128xf32, #tpu.memory_space<hbm>>) dst(%dma_wait3A_397 : memref<64x128xf32, #tpu.memory_space<vmem>>)
      %dma_start3A_404 = arith.constant 0 : i32
      %dma_start3A_405 = tpu.memref_slice %arg9[%mul3A_381, %dma_start3A_404] : memref<16x128xi32, #tpu.memory_space<vmem>> -> memref<1x128xi32, #tpu.memory_space<vmem>>
      %dma_start3A_406 = tpu.memref_squeeze %dma_start3A_405 : memref<1x128xi32, #tpu.memory_space<vmem>> -> memref<128xi32, #tpu.memory_space<vmem>>
      %dma_start3A_407 = arith.constant 0 : i32
      %dma_start3A_408 = arith.constant 0 : i32
      %dma_start3A_409 = tpu.memref_slice %arg13[%dma_start3A_407, %dma_start3A_408] : memref<10240x128xf32, #tpu.memory_space<vmem_shared>> -> memref<10240x128xf32, #tpu.memory_space<vmem_shared>>
      tpu.enqueue_indirect_dma source(%arg11 : memref<128x128xf32, #tpu.memory_space<vmem>>) target(%dma_start3A_409 : memref<10240x128xf32, #tpu.memory_space<vmem_shared>>) offsets(%dma_start3A_406 : memref<128xi32, #tpu.memory_space<vmem>>) semaphore(%arg19 : memref<!tpu.dma_semaphore, #tpu.memory_space<semaphore_mem>>) {add = true}
      %dma_wait3A_410 = arith.constant 0 : i32
      %dma_wait3A_411 = arith.constant 0 : i32
      %dma_wait3A_412 = arith.constant 0 : i32
      %dma_wait3A_413 = tpu.memref_slice %arg12[%dma_wait3A_411, %dma_wait3A_412] : memref<128x128xf32, #tpu.memory_space<vmem>> -> memref<64x128xf32, #tpu.memory_space<vmem>>
      %dma_wait3A_414 = arith.constant 0 : i32
      %dma_wait3A_415 = tpu.memref_slice %arg7[%dma_wait3A_410, %dma_wait3A_414] : memref<24x128xi32, #tpu.memory_space<vmem>> -> memref<1x64xi32, #tpu.memory_space<vmem>>
      %dma_wait3A_416 = tpu.memref_squeeze %dma_wait3A_415 : memref<1x64xi32, #tpu.memory_space<vmem>> -> memref<64xi32, #tpu.memory_space<vmem>>
      %dma_wait3A_417 = arith.constant 0 : i32
      %dma_wait3A_418 = arith.constant 0 : i32
      %dma_wait3A_419 = tpu.memref_slice %arg2[%dma_wait3A_417, %dma_wait3A_418] : memref<10000x128xf32, #tpu.memory_space<hbm>> -> memref<10000x128xf32, #tpu.memory_space<hbm>>
      tpu.wait_indirect_dma semaphore(%arg16 : memref<!tpu.dma_semaphore, #tpu.memory_space<semaphore_mem>>) src(%dma_wait3A_419 : memref<10000x128xf32, #tpu.memory_space<hbm>>) dst(%dma_wait3A_413 : memref<64x128xf32, #tpu.memory_space<vmem>>)
      %dma_wait3A_420 = arith.constant 0 : i32
      %dma_wait3A_421 = arith.constant 64 : i32
      %dma_wait3A_422 = arith.constant 0 : i32
      %dma_wait3A_423 = tpu.memref_slice %arg12[%dma_wait3A_421, %dma_wait3A_422] : memref<128x128xf32, #tpu.memory_space<vmem>> -> memref<64x128xf32, #tpu.memory_space<vmem>>
      %dma_wait3A_424 = arith.constant 0 : i32
      %dma_wait3A_425 = tpu.memref_slice %arg7[%dma_wait3A_420, %dma_wait3A_424] : memref<24x128xi32, #tpu.memory_space<vmem>> -> memref<1x64xi32, #tpu.memory_space<vmem>>
      %dma_wait3A_426 = tpu.memref_squeeze %dma_wait3A_425 : memref<1x64xi32, #tpu.memory_space<vmem>> -> memref<64xi32, #tpu.memory_space<vmem>>
      %dma_wait3A_427 = arith.constant 0 : i32
      %dma_wait3A_428 = arith.constant 0 : i32
      %dma_wait3A_429 = tpu.memref_slice %arg2[%dma_wait3A_427, %dma_wait3A_428] : memref<10000x128xf32, #tpu.memory_space<hbm>> -> memref<10000x128xf32, #tpu.memory_space<hbm>>
      tpu.wait_indirect_dma semaphore(%arg18 : memref<!tpu.dma_semaphore, #tpu.memory_space<semaphore_mem>>) src(%dma_wait3A_429 : memref<10000x128xf32, #tpu.memory_space<hbm>>) dst(%dma_wait3A_423 : memref<64x128xf32, #tpu.memory_space<vmem>>)
      %dma_start3A_430 = arith.constant 0 : i32
      %dma_start3A_431 = tpu.memref_slice %arg9[%add3A_383, %dma_start3A_430] : memref<16x128xi32, #tpu.memory_space<vmem>> -> memref<1x128xi32, #tpu.memory_space<vmem>>
      %dma_start3A_432 = tpu.memref_squeeze %dma_start3A_431 : memref<1x128xi32, #tpu.memory_space<vmem>> -> memref<128xi32, #tpu.memory_space<vmem>>
      %dma_start3A_433 = arith.constant 0 : i32
      %dma_start3A_434 = arith.constant 0 : i32
      %dma_start3A_435 = tpu.memref_slice %arg13[%dma_start3A_433, %dma_start3A_434] : memref<10240x128xf32, #tpu.memory_space<vmem_shared>> -> memref<10240x128xf32, #tpu.memory_space<vmem_shared>>
      tpu.enqueue_indirect_dma source(%arg12 : memref<128x128xf32, #tpu.memory_space<vmem>>) target(%dma_start3A_435 : memref<10240x128xf32, #tpu.memory_space<vmem_shared>>) offsets(%dma_start3A_432 : memref<128xi32, #tpu.memory_space<vmem>>) semaphore(%arg20 : memref<!tpu.dma_semaphore, #tpu.memory_space<semaphore_mem>>) {add = true}
      %dma_wait3A_436 = arith.constant 0 : i32
      %dma_wait3A_437 = tpu.memref_slice %arg9[%mul3A_381, %dma_wait3A_436] : memref<16x128xi32, #tpu.memory_space<vmem>> -> memref<1x128xi32, #tpu.memory_space<vmem>>
      %dma_wait3A_438 = tpu.memref_squeeze %dma_wait3A_437 : memref<1x128xi32, #tpu.memory_space<vmem>> -> memref<128xi32, #tpu.memory_space<vmem>>
      %dma_wait3A_439 = arith.constant 0 : i32
      %dma_wait3A_440 = arith.constant 0 : i32
      %dma_wait3A_441 = tpu.memref_slice %arg13[%dma_wait3A_439, %dma_wait3A_440] : memref<10240x128xf32, #tpu.memory_space<vmem_shared>> -> memref<10240x128xf32, #tpu.memory_space<vmem_shared>>
      tpu.wait_indirect_dma semaphore(%arg19 : memref<!tpu.dma_semaphore, #tpu.memory_space<semaphore_mem>>) src(%arg11 : memref<128x128xf32, #tpu.memory_space<vmem>>) dst(%dma_wait3A_441 : memref<10240x128xf32, #tpu.memory_space<vmem_shared>>)
      %add3A_442 = arith.constant 2 : i32
      %add3A_443 = arith.addi %mul3A_381, %add3A_442 : i32
      %dma_start3A_444 = arith.constant 0 : i32
      %dma_start3A_445 = arith.constant 0 : i32
      %dma_start3A_446 = tpu.memref_slice %arg11[%dma_start3A_444, %dma_start3A_445] : memref<128x128xf32, #tpu.memory_space<vmem>> -> memref<64x128xf32, #tpu.memory_space<vmem>>
      %dma_start3A_447 = arith.constant 0 : i32
      %dma_start3A_448 = tpu.memref_slice %arg7[%add3A_443, %dma_start3A_447] : memref<24x128xi32, #tpu.memory_space<vmem>> -> memref<1x64xi32, #tpu.memory_space<vmem>>
      %dma_start3A_449 = tpu.memref_squeeze %dma_start3A_448 : memref<1x64xi32, #tpu.memory_space<vmem>> -> memref<64xi32, #tpu.memory_space<vmem>>
      %dma_start3A_450 = arith.constant 0 : i32
      %dma_start3A_451 = arith.constant 0 : i32
      %dma_start3A_452 = tpu.memref_slice %arg2[%dma_start3A_450, %dma_start3A_451] : memref<10000x128xf32, #tpu.memory_space<hbm>> -> memref<10000x128xf32, #tpu.memory_space<hbm>>
      tpu.enqueue_indirect_dma source(%dma_start3A_452 : memref<10000x128xf32, #tpu.memory_space<hbm>>) target(%dma_start3A_446 : memref<64x128xf32, #tpu.memory_space<vmem>>) offsets(%dma_start3A_449 : memref<64xi32, #tpu.memory_space<vmem>>) semaphore(%arg15 : memref<!tpu.dma_semaphore, #tpu.memory_space<semaphore_mem>>)
      %dma_start3A_453 = arith.constant 64 : i32
      %dma_start3A_454 = arith.constant 0 : i32
      %dma_start3A_455 = tpu.memref_slice %arg11[%dma_start3A_453, %dma_start3A_454] : memref<128x128xf32, #tpu.memory_space<vmem>> -> memref<64x128xf32, #tpu.memory_space<vmem>>
      %dma_start3A_456 = arith.constant 64 : i32
      %dma_start3A_457 = tpu.memref_slice %arg7[%add3A_443, %dma_start3A_456] : memref<24x128xi32, #tpu.memory_space<vmem>> -> memref<1x64xi32, #tpu.memory_space<vmem>>
      %dma_start3A_458 = tpu.memref_squeeze %dma_start3A_457 : memref<1x64xi32, #tpu.memory_space<vmem>> -> memref<64xi32, #tpu.memory_space<vmem>>
      %dma_start3A_459 = arith.constant 0 : i32
      %dma_start3A_460 = arith.constant 0 : i32
      %dma_start3A_461 = tpu.memref_slice %arg2[%dma_start3A_459, %dma_start3A_460] : memref<10000x128xf32, #tpu.memory_space<hbm>> -> memref<10000x128xf32, #tpu.memory_space<hbm>>
      tpu.enqueue_indirect_dma source(%dma_start3A_461 : memref<10000x128xf32, #tpu.memory_space<hbm>>) target(%dma_start3A_455 : memref<64x128xf32, #tpu.memory_space<vmem>>) offsets(%dma_start3A_458 : memref<64xi32, #tpu.memory_space<vmem>>) semaphore(%arg17 : memref<!tpu.dma_semaphore, #tpu.memory_space<semaphore_mem>>)
      %dma_wait3A_462 = arith.constant 0 : i32
      %dma_wait3A_463 = tpu.memref_slice %arg9[%add3A_383, %dma_wait3A_462] : memref<16x128xi32, #tpu.memory_space<vmem>> -> memref<1x128xi32, #tpu.memory_space<vmem>>
      %dma_wait3A_464 = tpu.memref_squeeze %dma_wait3A_463 : memref<1x128xi32, #tpu.memory_space<vmem>> -> memref<128xi32, #tpu.memory_space<vmem>>
      %dma_wait3A_465 = arith.constant 0 : i32
      %dma_wait3A_466 = arith.constant 0 : i32
      %dma_wait3A_467 = tpu.memref_slice %arg13[%dma_wait3A_465, %dma_wait3A_466] : memref<10240x128xf32, #tpu.memory_space<vmem_shared>> -> memref<10240x128xf32, #tpu.memory_space<vmem_shared>>
      tpu.wait_indirect_dma semaphore(%arg20 : memref<!tpu.dma_semaphore, #tpu.memory_space<semaphore_mem>>) src(%arg12 : memref<128x128xf32, #tpu.memory_space<vmem>>) dst(%dma_wait3A_467 : memref<10240x128xf32, #tpu.memory_space<vmem_shared>>)
      %add3A_468 = arith.constant 2 : i32
      %add3A_469 = arith.addi %add3A_383, %add3A_468 : i32
      %dma_start3A_470 = arith.constant 0 : i32
      %dma_start3A_471 = arith.constant 0 : i32
      %dma_start3A_472 = tpu.memref_slice %arg12[%dma_start3A_470, %dma_start3A_471] : memref<128x128xf32, #tpu.memory_space<vmem>> -> memref<64x128xf32, #tpu.memory_space<vmem>>
      %dma_start3A_473 = arith.constant 0 : i32
      %dma_start3A_474 = tpu.memref_slice %arg7[%add3A_469, %dma_start3A_473] : memref<24x128xi32, #tpu.memory_space<vmem>> -> memref<1x64xi32, #tpu.memory_space<vmem>>
      %dma_start3A_475 = tpu.memref_squeeze %dma_start3A_474 : memref<1x64xi32, #tpu.memory_space<vmem>> -> memref<64xi32, #tpu.memory_space<vmem>>
      %dma_start3A_476 = arith.constant 0 : i32
      %dma_start3A_477 = arith.constant 0 : i32
      %dma_start3A_478 = tpu.memref_slice %arg2[%dma_start3A_476, %dma_start3A_477] : memref<10000x128xf32, #tpu.memory_space<hbm>> -> memref<10000x128xf32, #tpu.memory_space<hbm>>
      tpu.enqueue_indirect_dma source(%dma_start3A_478 : memref<10000x128xf32, #tpu.memory_space<hbm>>) target(%dma_start3A_472 : memref<64x128xf32, #tpu.memory_space<vmem>>) offsets(%dma_start3A_475 : memref<64xi32, #tpu.memory_space<vmem>>) semaphore(%arg16 : memref<!tpu.dma_semaphore, #tpu.memory_space<semaphore_mem>>)
      %dma_start3A_479 = arith.constant 64 : i32
      %dma_start3A_480 = arith.constant 0 : i32
      %dma_start3A_481 = tpu.memref_slice %arg12[%dma_start3A_479, %dma_start3A_480] : memref<128x128xf32, #tpu.memory_space<vmem>> -> memref<64x128xf32, #tpu.memory_space<vmem>>
      %dma_start3A_482 = arith.constant 64 : i32
      %dma_start3A_483 = tpu.memref_slice %arg7[%add3A_469, %dma_start3A_482] : memref<24x128xi32, #tpu.memory_space<vmem>> -> memref<1x64xi32, #tpu.memory_space<vmem>>
      %dma_start3A_484 = tpu.memref_squeeze %dma_start3A_483 : memref<1x64xi32, #tpu.memory_space<vmem>> -> memref<64xi32, #tpu.memory_space<vmem>>
      %dma_start3A_485 = arith.constant 0 : i32
      %dma_start3A_486 = arith.constant 0 : i32
      %dma_start3A_487 = tpu.memref_slice %arg2[%dma_start3A_485, %dma_start3A_486] : memref<10000x128xf32, #tpu.memory_space<hbm>> -> memref<10000x128xf32, #tpu.memory_space<hbm>>
      tpu.enqueue_indirect_dma source(%dma_start3A_487 : memref<10000x128xf32, #tpu.memory_space<hbm>>) target(%dma_start3A_481 : memref<64x128xf32, #tpu.memory_space<vmem>>) offsets(%dma_start3A_484 : memref<64xi32, #tpu.memory_space<vmem>>) semaphore(%arg18 : memref<!tpu.dma_semaphore, #tpu.memory_space<semaphore_mem>>)
    }
    %scan3A_129 = arith.constant 4 : i32
    %dma_wait3A_130 = arith.constant 0 : i32
    %dma_wait3A_131 = arith.constant 0 : i32
    %dma_wait3A_132 = tpu.memref_slice %arg3[%dma_wait3A_130, %dma_wait3A_131] : memref<2568x128xi32, #tpu.memory_space<hbm>> -> memref<24x128xi32, #tpu.memory_space<hbm>>
    %dma_wait3A_133 = arith.constant 0 : i32
    %dma_wait3A_134 = arith.constant 0 : i32
    %dma_wait3A_135 = tpu.memref_slice %arg3[%dma_wait3A_133, %dma_wait3A_134] : memref<2568x128xi32, #tpu.memory_space<hbm>> -> memref<24x128xi32, #tpu.memory_space<hbm>>
    tpu.wait_dma2 semaphore(%arg14 : memref<!tpu.dma_semaphore, #tpu.memory_space<semaphore_mem>>) src(%dma_wait3A_135 : memref<24x128xi32, #tpu.memory_space<hbm>>) dst(%arg8 : memref<24x128xi32, #tpu.memory_space<vmem>>)
    %dma_wait3A_136 = arith.constant 0 : i32
    %dma_wait3A_137 = arith.constant 0 : i32
    %dma_wait3A_138 = tpu.memref_slice %arg4[%dma_wait3A_136, %dma_wait3A_137] : memref<2560x128xi32, #tpu.memory_space<hbm>> -> memref<16x128xi32, #tpu.memory_space<hbm>>
    %dma_wait3A_139 = arith.constant 0 : i32
    %dma_wait3A_140 = arith.constant 0 : i32
    %dma_wait3A_141 = tpu.memref_slice %arg4[%dma_wait3A_139, %dma_wait3A_140] : memref<2560x128xi32, #tpu.memory_space<hbm>> -> memref<16x128xi32, #tpu.memory_space<hbm>>
    tpu.wait_dma2 semaphore(%arg14 : memref<!tpu.dma_semaphore, #tpu.memory_space<semaphore_mem>>) src(%dma_wait3A_141 : memref<16x128xi32, #tpu.memory_space<hbm>>) dst(%arg10 : memref<16x128xi32, #tpu.memory_space<vmem>>)
    %scan3A_142 = arith.constant 0 : i32
    %scan3A_143 = arith.constant 4 : i32
    %scan3A_144 = arith.addi %scan3A_142, %scan3A_143 : i32
    %scan3A_145 = arith.constant 1 : i32
    scf.for %scan3A_379 = %scan3A_142 to %scan3A_144 step %scan3A_145  : i32 {
      %mul3A_380 = arith.constant 2 : i32
      %mul3A_381 = arith.muli %mul3A_380, %scan3A_379 : i32
      %add3A_382 = arith.constant 1 : i32
      %add3A_383 = arith.addi %mul3A_381, %add3A_382 : i32
      %dma_wait3A_384 = arith.constant 0 : i32
      %dma_wait3A_385 = arith.constant 0 : i32
      %dma_wait3A_386 = arith.constant 0 : i32
      %dma_wait3A_387 = tpu.memref_slice %arg11[%dma_wait3A_385, %dma_wait3A_386] : memref<128x128xf32, #tpu.memory_space<vmem>> -> memref<64x128xf32, #tpu.memory_space<vmem>>
      %dma_wait3A_388 = arith.constant 0 : i32
      %dma_wait3A_389 = tpu.memref_slice %arg7[%dma_wait3A_384, %dma_wait3A_388] : memref<24x128xi32, #tpu.memory_space<vmem>> -> memref<1x64xi32, #tpu.memory_space<vmem>>
      %dma_wait3A_390 = tpu.memref_squeeze %dma_wait3A_389 : memref<1x64xi32, #tpu.memory_space<vmem>> -> memref<64xi32, #tpu.memory_space<vmem>>
      %dma_wait3A_391 = arith.constant 0 : i32
      %dma_wait3A_392 = arith.constant 0 : i32
      %dma_wait3A_393 = tpu.memref_slice %arg2[%dma_wait3A_391, %dma_wait3A_392] : memref<10000x128xf32, #tpu.memory_space<hbm>> -> memref<10000x128xf32, #tpu.memory_space<hbm>>
      tpu.wait_indirect_dma semaphore(%arg15 : memref<!tpu.dma_semaphore, #tpu.memory_space<semaphore_mem>>) src(%dma_wait3A_393 : memref<10000x128xf32, #tpu.memory_space<hbm>>) dst(%dma_wait3A_387 : memref<64x128xf32, #tpu.memory_space<vmem>>)
      %dma_wait3A_394 = arith.constant 0 : i32
      %dma_wait3A_395 = arith.constant 64 : i32
      %dma_wait3A_396 = arith.constant 0 : i32
      %dma_wait3A_397 = tpu.memref_slice %arg11[%dma_wait3A_395, %dma_wait3A_396] : memref<128x128xf32, #tpu.memory_space<vmem>> -> memref<64x128xf32, #tpu.memory_space<vmem>>
      %dma_wait3A_398 = arith.constant 0 : i32
      %dma_wait3A_399 = tpu.memref_slice %arg7[%dma_wait3A_394, %dma_wait3A_398] : memref<24x128xi32, #tpu.memory_space<vmem>> -> memref<1x64xi32, #tpu.memory_space<vmem>>
      %dma_wait3A_400 = tpu.memref_squeeze %dma_wait3A_399 : memref<1x64xi32, #tpu.memory_space<vmem>> -> memref<64xi32, #tpu.memory_space<vmem>>
      %dma_wait3A_401 = arith.constant 0 : i32
      %dma_wait3A_402 = arith.constant 0 : i32
      %dma_wait3A_403 = tpu.memref_slice %arg2[%dma_wait3A_401, %dma_wait3A_402] : memref<10000x128xf32, #tpu.memory_space<hbm>> -> memref<10000x128xf32, #tpu.memory_space<hbm>>
      tpu.wait_indirect_dma semaphore(%arg17 : memref<!tpu.dma_semaphore, #tpu.memory_space<semaphore_mem>>) src(%dma_wait3A_403 : memref<10000x128xf32, #tpu.memory_space<hbm>>) dst(%dma_wait3A_397 : memref<64x128xf32, #tpu.memory_space<vmem>>)
      %dma_start3A_404 = arith.constant 0 : i32
      %dma_start3A_405 = tpu.memref_slice %arg10[%mul3A_381, %dma_start3A_404] : memref<16x128xi32, #tpu.memory_space<vmem>> -> memref<1x128xi32, #tpu.memory_space<vmem>>
      %dma_start3A_406 = tpu.memref_squeeze %dma_start3A_405 : memref<1x128xi32, #tpu.memory_space<vmem>> -> memref<128xi32, #tpu.memory_space<vmem>>
      %dma_start3A_407 = arith.constant 0 : i32
      %dma_start3A_408 = arith.constant 0 : i32
      %dma_start3A_409 = tpu.memref_slice %arg13[%dma_start3A_407, %dma_start3A_408] : memref<10240x128xf32, #tpu.memory_space<vmem_shared>> -> memref<10240x128xf32, #tpu.memory_space<vmem_shared>>
      tpu.enqueue_indirect_dma source(%arg11 : memref<128x128xf32, #tpu.memory_space<vmem>>) target(%dma_start3A_409 : memref<10240x128xf32, #tpu.memory_space<vmem_shared>>) offsets(%dma_start3A_406 : memref<128xi32, #tpu.memory_space<vmem>>) semaphore(%arg19 : memref<!tpu.dma_semaphore, #tpu.memory_space<semaphore_mem>>) {add = true}
      %dma_wait3A_410 = arith.constant 0 : i32
      %dma_wait3A_411 = arith.constant 0 : i32
      %dma_wait3A_412 = arith.constant 0 : i32
      %dma_wait3A_413 = tpu.memref_slice %arg12[%dma_wait3A_411, %dma_wait3A_412] : memref<128x128xf32, #tpu.memory_space<vmem>> -> memref<64x128xf32, #tpu.memory_space<vmem>>
      %dma_wait3A_414 = arith.constant 0 : i32
      %dma_wait3A_415 = tpu.memref_slice %arg7[%dma_wait3A_410, %dma_wait3A_414] : memref<24x128xi32, #tpu.memory_space<vmem>> -> memref<1x64xi32, #tpu.memory_space<vmem>>
      %dma_wait3A_416 = tpu.memref_squeeze %dma_wait3A_415 : memref<1x64xi32, #tpu.memory_space<vmem>> -> memref<64xi32, #tpu.memory_space<vmem>>
      %dma_wait3A_417 = arith.constant 0 : i32
      %dma_wait3A_418 = arith.constant 0 : i32
      %dma_wait3A_419 = tpu.memref_slice %arg2[%dma_wait3A_417, %dma_wait3A_418] : memref<10000x128xf32, #tpu.memory_space<hbm>> -> memref<10000x128xf32, #tpu.memory_space<hbm>>
      tpu.wait_indirect_dma semaphore(%arg16 : memref<!tpu.dma_semaphore, #tpu.memory_space<semaphore_mem>>) src(%dma_wait3A_419 : memref<10000x128xf32, #tpu.memory_space<hbm>>) dst(%dma_wait3A_413 : memref<64x128xf32, #tpu.memory_space<vmem>>)
      %dma_wait3A_420 = arith.constant 0 : i32
      %dma_wait3A_421 = arith.constant 64 : i32
      %dma_wait3A_422 = arith.constant 0 : i32
      %dma_wait3A_423 = tpu.memref_slice %arg12[%dma_wait3A_421, %dma_wait3A_422] : memref<128x128xf32, #tpu.memory_space<vmem>> -> memref<64x128xf32, #tpu.memory_space<vmem>>
      %dma_wait3A_424 = arith.constant 0 : i32
      %dma_wait3A_425 = tpu.memref_slice %arg7[%dma_wait3A_420, %dma_wait3A_424] : memref<24x128xi32, #tpu.memory_space<vmem>> -> memref<1x64xi32, #tpu.memory_space<vmem>>
      %dma_wait3A_426 = tpu.memref_squeeze %dma_wait3A_425 : memref<1x64xi32, #tpu.memory_space<vmem>> -> memref<64xi32, #tpu.memory_space<vmem>>
      %dma_wait3A_427 = arith.constant 0 : i32
      %dma_wait3A_428 = arith.constant 0 : i32
      %dma_wait3A_429 = tpu.memref_slice %arg2[%dma_wait3A_427, %dma_wait3A_428] : memref<10000x128xf32, #tpu.memory_space<hbm>> -> memref<10000x128xf32, #tpu.memory_space<hbm>>
      tpu.wait_indirect_dma semaphore(%arg18 : memref<!tpu.dma_semaphore, #tpu.memory_space<semaphore_mem>>) src(%dma_wait3A_429 : memref<10000x128xf32, #tpu.memory_space<hbm>>) dst(%dma_wait3A_423 : memref<64x128xf32, #tpu.memory_space<vmem>>)
      %dma_start3A_430 = arith.constant 0 : i32
      %dma_start3A_431 = tpu.memref_slice %arg10[%add3A_383, %dma_start3A_430] : memref<16x128xi32, #tpu.memory_space<vmem>> -> memref<1x128xi32, #tpu.memory_space<vmem>>
      %dma_start3A_432 = tpu.memref_squeeze %dma_start3A_431 : memref<1x128xi32, #tpu.memory_space<vmem>> -> memref<128xi32, #tpu.memory_space<vmem>>
      %dma_start3A_433 = arith.constant 0 : i32
      %dma_start3A_434 = arith.constant 0 : i32
      %dma_start3A_435 = tpu.memref_slice %arg13[%dma_start3A_433, %dma_start3A_434] : memref<10240x128xf32, #tpu.memory_space<vmem_shared>> -> memref<10240x128xf32, #tpu.memory_space<vmem_shared>>
      tpu.enqueue_indirect_dma source(%arg12 : memref<128x128xf32, #tpu.memory_space<vmem>>) target(%dma_start3A_435 : memref<10240x128xf32, #tpu.memory_space<vmem_shared>>) offsets(%dma_start3A_432 : memref<128xi32, #tpu.memory_space<vmem>>) semaphore(%arg20 : memref<!tpu.dma_semaphore, #tpu.memory_space<semaphore_mem>>) {add = true}
      %dma_wait3A_436 = arith.constant 0 : i32
      %dma_wait3A_437 = tpu.memref_slice %arg10[%mul3A_381, %dma_wait3A_436] : memref<16x128xi32, #tpu.memory_space<vmem>> -> memref<1x128xi32, #tpu.memory_space<vmem>>
      %dma_wait3A_438 = tpu.memref_squeeze %dma_wait3A_437 : memref<1x128xi32, #tpu.memory_space<vmem>> -> memref<128xi32, #tpu.memory_space<vmem>>
      %dma_wait3A_439 = arith.constant 0 : i32
      %dma_wait3A_440 = arith.constant 0 : i32
      %dma_wait3A_441 = tpu.memref_slice %arg13[%dma_wait3A_439, %dma_wait3A_440] : memref<10240x128xf32, #tpu.memory_space<vmem_shared>> -> memref<10240x128xf32, #tpu.memory_space<vmem_shared>>
      tpu.wait_indirect_dma semaphore(%arg19 : memref<!tpu.dma_semaphore, #tpu.memory_space<semaphore_mem>>) src(%arg11 : memref<128x128xf32, #tpu.memory_space<vmem>>) dst(%dma_wait3A_441 : memref<10240x128xf32, #tpu.memory_space<vmem_shared>>)
      %add3A_442 = arith.constant 2 : i32
      %add3A_443 = arith.addi %mul3A_381, %add3A_442 : i32
      %dma_start3A_444 = arith.constant 0 : i32
      %dma_start3A_445 = arith.constant 0 : i32
      %dma_start3A_446 = tpu.memref_slice %arg11[%dma_start3A_444, %dma_start3A_445] : memref<128x128xf32, #tpu.memory_space<vmem>> -> memref<64x128xf32, #tpu.memory_space<vmem>>
      %dma_start3A_447 = arith.constant 0 : i32
      %dma_start3A_448 = tpu.memref_slice %arg8[%add3A_443, %dma_start3A_447] : memref<24x128xi32, #tpu.memory_space<vmem>> -> memref<1x64xi32, #tpu.memory_space<vmem>>
      %dma_start3A_449 = tpu.memref_squeeze %dma_start3A_448 : memref<1x64xi32, #tpu.memory_space<vmem>> -> memref<64xi32, #tpu.memory_space<vmem>>
      %dma_start3A_450 = arith.constant 0 : i32
      %dma_start3A_451 = arith.constant 0 : i32
      %dma_start3A_452 = tpu.memref_slice %arg2[%dma_start3A_450, %dma_start3A_451] : memref<10000x128xf32, #tpu.memory_space<hbm>> -> memref<10000x128xf32, #tpu.memory_space<hbm>>
      tpu.enqueue_indirect_dma source(%dma_start3A_452 : memref<10000x128xf32, #tpu.memory_space<hbm>>) target(%dma_start3A_446 : memref<64x128xf32, #tpu.memory_space<vmem>>) offsets(%dma_start3A_449 : memref<64xi32, #tpu.memory_space<vmem>>) semaphore(%arg15 : memref<!tpu.dma_semaphore, #tpu.memory_space<semaphore_mem>>)
      %dma_start3A_453 = arith.constant 64 : i32
      %dma_start3A_454 = arith.constant 0 : i32
      %dma_start3A_455 = tpu.memref_slice %arg11[%dma_start3A_453, %dma_start3A_454] : memref<128x128xf32, #tpu.memory_space<vmem>> -> memref<64x128xf32, #tpu.memory_space<vmem>>
      %dma_start3A_456 = arith.constant 64 : i32
      %dma_start3A_457 = tpu.memref_slice %arg8[%add3A_443, %dma_start3A_456] : memref<24x128xi32, #tpu.memory_space<vmem>> -> memref<1x64xi32, #tpu.memory_space<vmem>>
      %dma_start3A_458 = tpu.memref_squeeze %dma_start3A_457 : memref<1x64xi32, #tpu.memory_space<vmem>> -> memref<64xi32, #tpu.memory_space<vmem>>
      %dma_start3A_459 = arith.constant 0 : i32
      %dma_start3A_460 = arith.constant 0 : i32
      %dma_start3A_461 = tpu.memref_slice %arg2[%dma_start3A_459, %dma_start3A_460] : memref<10000x128xf32, #tpu.memory_space<hbm>> -> memref<10000x128xf32, #tpu.memory_space<hbm>>
      tpu.enqueue_indirect_dma source(%dma_start3A_461 : memref<10000x128xf32, #tpu.memory_space<hbm>>) target(%dma_start3A_455 : memref<64x128xf32, #tpu.memory_space<vmem>>) offsets(%dma_start3A_458 : memref<64xi32, #tpu.memory_space<vmem>>) semaphore(%arg17 : memref<!tpu.dma_semaphore, #tpu.memory_space<semaphore_mem>>)
      %dma_wait3A_462 = arith.constant 0 : i32
      %dma_wait3A_463 = tpu.memref_slice %arg10[%add3A_383, %dma_wait3A_462] : memref<16x128xi32, #tpu.memory_space<vmem>> -> memref<1x128xi32, #tpu.memory_space<vmem>>
      %dma_wait3A_464 = tpu.memref_squeeze %dma_wait3A_463 : memref<1x128xi32, #tpu.memory_space<vmem>> -> memref<128xi32, #tpu.memory_space<vmem>>
      %dma_wait3A_465 = arith.constant 0 : i32
      %dma_wait3A_466 = arith.constant 0 : i32
      %dma_wait3A_467 = tpu.memref_slice %arg13[%dma_wait3A_465, %dma_wait3A_466] : memref<10240x128xf32, #tpu.memory_space<vmem_shared>> -> memref<10240x128xf32, #tpu.memory_space<vmem_shared>>
      tpu.wait_indirect_dma semaphore(%arg20 : memref<!tpu.dma_semaphore, #tpu.memory_space<semaphore_mem>>) src(%arg12 : memref<128x128xf32, #tpu.memory_space<vmem>>) dst(%dma_wait3A_467 : memref<10240x128xf32, #tpu.memory_space<vmem_shared>>)
      %add3A_468 = arith.constant 2 : i32
      %add3A_469 = arith.addi %add3A_383, %add3A_468 : i32
      %dma_start3A_470 = arith.constant 0 : i32
      %dma_start3A_471 = arith.constant 0 : i32
      %dma_start3A_472 = tpu.memref_slice %arg12[%dma_start3A_470, %dma_start3A_471] : memref<128x128xf32, #tpu.memory_space<vmem>> -> memref<64x128xf32, #tpu.memory_space<vmem>>
      %dma_start3A_473 = arith.constant 0 : i32
      %dma_start3A_474 = tpu.memref_slice %arg8[%add3A_469, %dma_start3A_473] : memref<24x128xi32, #tpu.memory_space<vmem>> -> memref<1x64xi32, #tpu.memory_space<vmem>>
      %dma_start3A_475 = tpu.memref_squeeze %dma_start3A_474 : memref<1x64xi32, #tpu.memory_space<vmem>> -> memref<64xi32, #tpu.memory_space<vmem>>
      %dma_start3A_476 = arith.constant 0 : i32
      %dma_start3A_477 = arith.constant 0 : i32
      %dma_start3A_478 = tpu.memref_slice %arg2[%dma_start3A_476, %dma_start3A_477] : memref<10000x128xf32, #tpu.memory_space<hbm>> -> memref<10000x128xf32, #tpu.memory_space<hbm>>
      tpu.enqueue_indirect_dma source(%dma_start3A_478 : memref<10000x128xf32, #tpu.memory_space<hbm>>) target(%dma_start3A_472 : memref<64x128xf32, #tpu.memory_space<vmem>>) offsets(%dma_start3A_475 : memref<64xi32, #tpu.memory_space<vmem>>) semaphore(%arg16 : memref<!tpu.dma_semaphore, #tpu.memory_space<semaphore_mem>>)
      %dma_start3A_479 = arith.constant 64 : i32
      %dma_start3A_480 = arith.constant 0 : i32
      %dma_start3A_481 = tpu.memref_slice %arg12[%dma_start3A_479, %dma_start3A_480] : memref<128x128xf32, #tpu.memory_space<vmem>> -> memref<64x128xf32, #tpu.memory_space<vmem>>
      %dma_start3A_482 = arith.constant 64 : i32
      %dma_start3A_483 = tpu.memref_slice %arg8[%add3A_469, %dma_start3A_482] : memref<24x128xi32, #tpu.memory_space<vmem>> -> memref<1x64xi32, #tpu.memory_space<vmem>>
      %dma_start3A_484 = tpu.memref_squeeze %dma_start3A_483 : memref<1x64xi32, #tpu.memory_space<vmem>> -> memref<64xi32, #tpu.memory_space<vmem>>
      %dma_start3A_485 = arith.constant 0 : i32
      %dma_start3A_486 = arith.constant 0 : i32
      %dma_start3A_487 = tpu.memref_slice %arg2[%dma_start3A_485, %dma_start3A_486] : memref<10000x128xf32, #tpu.memory_space<hbm>> -> memref<10000x128xf32, #tpu.memory_space<hbm>>
      tpu.enqueue_indirect_dma source(%dma_start3A_487 : memref<10000x128xf32, #tpu.memory_space<hbm>>) target(%dma_start3A_481 : memref<64x128xf32, #tpu.memory_space<vmem>>) offsets(%dma_start3A_484 : memref<64xi32, #tpu.memory_space<vmem>>) semaphore(%arg18 : memref<!tpu.dma_semaphore, #tpu.memory_space<semaphore_mem>>)
    }
    %scan3A_146 = arith.constant 4 : i32
    %add3A_147 = arith.constant 32 : i32
    %add3A_148 = arith.addi %mul3A_2, %add3A_147 : i32
    %dma_start3A_149 = arith.constant 0 : i32
    %dma_start3A_150 = tpu.memref_slice %arg3[%add3A_148, %dma_start3A_149] : memref<2568x128xi32, #tpu.memory_space<hbm>> -> memref<24x128xi32, #tpu.memory_space<hbm>>
    %dma_start3A_151 = arith.constant 0 : i32
    %dma_start3A_152 = tpu.memref_slice %arg3[%add3A_148, %dma_start3A_151] : memref<2568x128xi32, #tpu.memory_space<hbm>> -> memref<24x128xi32, #tpu.memory_space<hbm>>
    tpu.enqueue_dma source(%dma_start3A_152 : memref<24x128xi32, #tpu.memory_space<hbm>>) target(%arg7 : memref<24x128xi32, #tpu.memory_space<vmem>>) target_semaphore(%arg14 : memref<!tpu.dma_semaphore, #tpu.memory_space<semaphore_mem>>)
    %dma_start3A_153 = arith.constant 0 : i32
    %dma_start3A_154 = tpu.memref_slice %arg4[%add3A_148, %dma_start3A_153] : memref<2560x128xi32, #tpu.memory_space<hbm>> -> memref<16x128xi32, #tpu.memory_space<hbm>>
    %dma_start3A_155 = arith.constant 0 : i32
    %dma_start3A_156 = tpu.memref_slice %arg4[%add3A_148, %dma_start3A_155] : memref<2560x128xi32, #tpu.memory_space<hbm>> -> memref<16x128xi32, #tpu.memory_space<hbm>>
    tpu.enqueue_dma source(%dma_start3A_156 : memref<16x128xi32, #tpu.memory_space<hbm>>) target(%arg9 : memref<16x128xi32, #tpu.memory_space<vmem>>) target_semaphore(%arg14 : memref<!tpu.dma_semaphore, #tpu.memory_space<semaphore_mem>>)
    %scan3A_157 = arith.constant 4 : i32
    %scan3A_158 = arith.constant 4 : i32
    %scan3A_159 = arith.addi %scan3A_157, %scan3A_158 : i32
    %scan3A_160 = arith.constant 1 : i32
    scf.for %scan3A_379 = %scan3A_157 to %scan3A_159 step %scan3A_160  : i32 {
      %mul3A_380 = arith.constant 2 : i32
      %mul3A_381 = arith.muli %mul3A_380, %scan3A_379 : i32
      %add3A_382 = arith.constant 1 : i32
      %add3A_383 = arith.addi %mul3A_381, %add3A_382 : i32
      %dma_wait3A_384 = arith.constant 0 : i32
      %dma_wait3A_385 = arith.constant 0 : i32
      %dma_wait3A_386 = arith.constant 0 : i32
      %dma_wait3A_387 = tpu.memref_slice %arg11[%dma_wait3A_385, %dma_wait3A_386] : memref<128x128xf32, #tpu.memory_space<vmem>> -> memref<64x128xf32, #tpu.memory_space<vmem>>
      %dma_wait3A_388 = arith.constant 0 : i32
      %dma_wait3A_389 = tpu.memref_slice %arg7[%dma_wait3A_384, %dma_wait3A_388] : memref<24x128xi32, #tpu.memory_space<vmem>> -> memref<1x64xi32, #tpu.memory_space<vmem>>
      %dma_wait3A_390 = tpu.memref_squeeze %dma_wait3A_389 : memref<1x64xi32, #tpu.memory_space<vmem>> -> memref<64xi32, #tpu.memory_space<vmem>>
      %dma_wait3A_391 = arith.constant 0 : i32
      %dma_wait3A_392 = arith.constant 0 : i32
      %dma_wait3A_393 = tpu.memref_slice %arg2[%dma_wait3A_391, %dma_wait3A_392] : memref<10000x128xf32, #tpu.memory_space<hbm>> -> memref<10000x128xf32, #tpu.memory_space<hbm>>
      tpu.wait_indirect_dma semaphore(%arg15 : memref<!tpu.dma_semaphore, #tpu.memory_space<semaphore_mem>>) src(%dma_wait3A_393 : memref<10000x128xf32, #tpu.memory_space<hbm>>) dst(%dma_wait3A_387 : memref<64x128xf32, #tpu.memory_space<vmem>>)
      %dma_wait3A_394 = arith.constant 0 : i32
      %dma_wait3A_395 = arith.constant 64 : i32
      %dma_wait3A_396 = arith.constant 0 : i32
      %dma_wait3A_397 = tpu.memref_slice %arg11[%dma_wait3A_395, %dma_wait3A_396] : memref<128x128xf32, #tpu.memory_space<vmem>> -> memref<64x128xf32, #tpu.memory_space<vmem>>
      %dma_wait3A_398 = arith.constant 0 : i32
      %dma_wait3A_399 = tpu.memref_slice %arg7[%dma_wait3A_394, %dma_wait3A_398] : memref<24x128xi32, #tpu.memory_space<vmem>> -> memref<1x64xi32, #tpu.memory_space<vmem>>
      %dma_wait3A_400 = tpu.memref_squeeze %dma_wait3A_399 : memref<1x64xi32, #tpu.memory_space<vmem>> -> memref<64xi32, #tpu.memory_space<vmem>>
      %dma_wait3A_401 = arith.constant 0 : i32
      %dma_wait3A_402 = arith.constant 0 : i32
      %dma_wait3A_403 = tpu.memref_slice %arg2[%dma_wait3A_401, %dma_wait3A_402] : memref<10000x128xf32, #tpu.memory_space<hbm>> -> memref<10000x128xf32, #tpu.memory_space<hbm>>
      tpu.wait_indirect_dma semaphore(%arg17 : memref<!tpu.dma_semaphore, #tpu.memory_space<semaphore_mem>>) src(%dma_wait3A_403 : memref<10000x128xf32, #tpu.memory_space<hbm>>) dst(%dma_wait3A_397 : memref<64x128xf32, #tpu.memory_space<vmem>>)
      %dma_start3A_404 = arith.constant 0 : i32
      %dma_start3A_405 = tpu.memref_slice %arg10[%mul3A_381, %dma_start3A_404] : memref<16x128xi32, #tpu.memory_space<vmem>> -> memref<1x128xi32, #tpu.memory_space<vmem>>
      %dma_start3A_406 = tpu.memref_squeeze %dma_start3A_405 : memref<1x128xi32, #tpu.memory_space<vmem>> -> memref<128xi32, #tpu.memory_space<vmem>>
      %dma_start3A_407 = arith.constant 0 : i32
      %dma_start3A_408 = arith.constant 0 : i32
      %dma_start3A_409 = tpu.memref_slice %arg13[%dma_start3A_407, %dma_start3A_408] : memref<10240x128xf32, #tpu.memory_space<vmem_shared>> -> memref<10240x128xf32, #tpu.memory_space<vmem_shared>>
      tpu.enqueue_indirect_dma source(%arg11 : memref<128x128xf32, #tpu.memory_space<vmem>>) target(%dma_start3A_409 : memref<10240x128xf32, #tpu.memory_space<vmem_shared>>) offsets(%dma_start3A_406 : memref<128xi32, #tpu.memory_space<vmem>>) semaphore(%arg19 : memref<!tpu.dma_semaphore, #tpu.memory_space<semaphore_mem>>) {add = true}
      %dma_wait3A_410 = arith.constant 0 : i32
      %dma_wait3A_411 = arith.constant 0 : i32
      %dma_wait3A_412 = arith.constant 0 : i32
      %dma_wait3A_413 = tpu.memref_slice %arg12[%dma_wait3A_411, %dma_wait3A_412] : memref<128x128xf32, #tpu.memory_space<vmem>> -> memref<64x128xf32, #tpu.memory_space<vmem>>
      %dma_wait3A_414 = arith.constant 0 : i32
      %dma_wait3A_415 = tpu.memref_slice %arg7[%dma_wait3A_410, %dma_wait3A_414] : memref<24x128xi32, #tpu.memory_space<vmem>> -> memref<1x64xi32, #tpu.memory_space<vmem>>
      %dma_wait3A_416 = tpu.memref_squeeze %dma_wait3A_415 : memref<1x64xi32, #tpu.memory_space<vmem>> -> memref<64xi32, #tpu.memory_space<vmem>>
      %dma_wait3A_417 = arith.constant 0 : i32
      %dma_wait3A_418 = arith.constant 0 : i32
      %dma_wait3A_419 = tpu.memref_slice %arg2[%dma_wait3A_417, %dma_wait3A_418] : memref<10000x128xf32, #tpu.memory_space<hbm>> -> memref<10000x128xf32, #tpu.memory_space<hbm>>
      tpu.wait_indirect_dma semaphore(%arg16 : memref<!tpu.dma_semaphore, #tpu.memory_space<semaphore_mem>>) src(%dma_wait3A_419 : memref<10000x128xf32, #tpu.memory_space<hbm>>) dst(%dma_wait3A_413 : memref<64x128xf32, #tpu.memory_space<vmem>>)
      %dma_wait3A_420 = arith.constant 0 : i32
      %dma_wait3A_421 = arith.constant 64 : i32
      %dma_wait3A_422 = arith.constant 0 : i32
      %dma_wait3A_423 = tpu.memref_slice %arg12[%dma_wait3A_421, %dma_wait3A_422] : memref<128x128xf32, #tpu.memory_space<vmem>> -> memref<64x128xf32, #tpu.memory_space<vmem>>
      %dma_wait3A_424 = arith.constant 0 : i32
      %dma_wait3A_425 = tpu.memref_slice %arg7[%dma_wait3A_420, %dma_wait3A_424] : memref<24x128xi32, #tpu.memory_space<vmem>> -> memref<1x64xi32, #tpu.memory_space<vmem>>
      %dma_wait3A_426 = tpu.memref_squeeze %dma_wait3A_425 : memref<1x64xi32, #tpu.memory_space<vmem>> -> memref<64xi32, #tpu.memory_space<vmem>>
      %dma_wait3A_427 = arith.constant 0 : i32
      %dma_wait3A_428 = arith.constant 0 : i32
      %dma_wait3A_429 = tpu.memref_slice %arg2[%dma_wait3A_427, %dma_wait3A_428] : memref<10000x128xf32, #tpu.memory_space<hbm>> -> memref<10000x128xf32, #tpu.memory_space<hbm>>
      tpu.wait_indirect_dma semaphore(%arg18 : memref<!tpu.dma_semaphore, #tpu.memory_space<semaphore_mem>>) src(%dma_wait3A_429 : memref<10000x128xf32, #tpu.memory_space<hbm>>) dst(%dma_wait3A_423 : memref<64x128xf32, #tpu.memory_space<vmem>>)
      %dma_start3A_430 = arith.constant 0 : i32
      %dma_start3A_431 = tpu.memref_slice %arg10[%add3A_383, %dma_start3A_430] : memref<16x128xi32, #tpu.memory_space<vmem>> -> memref<1x128xi32, #tpu.memory_space<vmem>>
      %dma_start3A_432 = tpu.memref_squeeze %dma_start3A_431 : memref<1x128xi32, #tpu.memory_space<vmem>> -> memref<128xi32, #tpu.memory_space<vmem>>
      %dma_start3A_433 = arith.constant 0 : i32
      %dma_start3A_434 = arith.constant 0 : i32
      %dma_start3A_435 = tpu.memref_slice %arg13[%dma_start3A_433, %dma_start3A_434] : memref<10240x128xf32, #tpu.memory_space<vmem_shared>> -> memref<10240x128xf32, #tpu.memory_space<vmem_shared>>
      tpu.enqueue_indirect_dma source(%arg12 : memref<128x128xf32, #tpu.memory_space<vmem>>) target(%dma_start3A_435 : memref<10240x128xf32, #tpu.memory_space<vmem_shared>>) offsets(%dma_start3A_432 : memref<128xi32, #tpu.memory_space<vmem>>) semaphore(%arg20 : memref<!tpu.dma_semaphore, #tpu.memory_space<semaphore_mem>>) {add = true}
      %dma_wait3A_436 = arith.constant 0 : i32
      %dma_wait3A_437 = tpu.memref_slice %arg10[%mul3A_381, %dma_wait3A_436] : memref<16x128xi32, #tpu.memory_space<vmem>> -> memref<1x128xi32, #tpu.memory_space<vmem>>
      %dma_wait3A_438 = tpu.memref_squeeze %dma_wait3A_437 : memref<1x128xi32, #tpu.memory_space<vmem>> -> memref<128xi32, #tpu.memory_space<vmem>>
      %dma_wait3A_439 = arith.constant 0 : i32
      %dma_wait3A_440 = arith.constant 0 : i32
      %dma_wait3A_441 = tpu.memref_slice %arg13[%dma_wait3A_439, %dma_wait3A_440] : memref<10240x128xf32, #tpu.memory_space<vmem_shared>> -> memref<10240x128xf32, #tpu.memory_space<vmem_shared>>
      tpu.wait_indirect_dma semaphore(%arg19 : memref<!tpu.dma_semaphore, #tpu.memory_space<semaphore_mem>>) src(%arg11 : memref<128x128xf32, #tpu.memory_space<vmem>>) dst(%dma_wait3A_441 : memref<10240x128xf32, #tpu.memory_space<vmem_shared>>)
      %add3A_442 = arith.constant 2 : i32
      %add3A_443 = arith.addi %mul3A_381, %add3A_442 : i32
      %dma_start3A_444 = arith.constant 0 : i32
      %dma_start3A_445 = arith.constant 0 : i32
      %dma_start3A_446 = tpu.memref_slice %arg11[%dma_start3A_444, %dma_start3A_445] : memref<128x128xf32, #tpu.memory_space<vmem>> -> memref<64x128xf32, #tpu.memory_space<vmem>>
      %dma_start3A_447 = arith.constant 0 : i32
      %dma_start3A_448 = tpu.memref_slice %arg8[%add3A_443, %dma_start3A_447] : memref<24x128xi32, #tpu.memory_space<vmem>> -> memref<1x64xi32, #tpu.memory_space<vmem>>
      %dma_start3A_449 = tpu.memref_squeeze %dma_start3A_448 : memref<1x64xi32, #tpu.memory_space<vmem>> -> memref<64xi32, #tpu.memory_space<vmem>>
      %dma_start3A_450 = arith.constant 0 : i32
      %dma_start3A_451 = arith.constant 0 : i32
      %dma_start3A_452 = tpu.memref_slice %arg2[%dma_start3A_450, %dma_start3A_451] : memref<10000x128xf32, #tpu.memory_space<hbm>> -> memref<10000x128xf32, #tpu.memory_space<hbm>>
      tpu.enqueue_indirect_dma source(%dma_start3A_452 : memref<10000x128xf32, #tpu.memory_space<hbm>>) target(%dma_start3A_446 : memref<64x128xf32, #tpu.memory_space<vmem>>) offsets(%dma_start3A_449 : memref<64xi32, #tpu.memory_space<vmem>>) semaphore(%arg15 : memref<!tpu.dma_semaphore, #tpu.memory_space<semaphore_mem>>)
      %dma_start3A_453 = arith.constant 64 : i32
      %dma_start3A_454 = arith.constant 0 : i32
      %dma_start3A_455 = tpu.memref_slice %arg11[%dma_start3A_453, %dma_start3A_454] : memref<128x128xf32, #tpu.memory_space<vmem>> -> memref<64x128xf32, #tpu.memory_space<vmem>>
      %dma_start3A_456 = arith.constant 64 : i32
      %dma_start3A_457 = tpu.memref_slice %arg8[%add3A_443, %dma_start3A_456] : memref<24x128xi32, #tpu.memory_space<vmem>> -> memref<1x64xi32, #tpu.memory_space<vmem>>
      %dma_start3A_458 = tpu.memref_squeeze %dma_start3A_457 : memref<1x64xi32, #tpu.memory_space<vmem>> -> memref<64xi32, #tpu.memory_space<vmem>>
      %dma_start3A_459 = arith.constant 0 : i32
      %dma_start3A_460 = arith.constant 0 : i32
      %dma_start3A_461 = tpu.memref_slice %arg2[%dma_start3A_459, %dma_start3A_460] : memref<10000x128xf32, #tpu.memory_space<hbm>> -> memref<10000x128xf32, #tpu.memory_space<hbm>>
      tpu.enqueue_indirect_dma source(%dma_start3A_461 : memref<10000x128xf32, #tpu.memory_space<hbm>>) target(%dma_start3A_455 : memref<64x128xf32, #tpu.memory_space<vmem>>) offsets(%dma_start3A_458 : memref<64xi32, #tpu.memory_space<vmem>>) semaphore(%arg17 : memref<!tpu.dma_semaphore, #tpu.memory_space<semaphore_mem>>)
      %dma_wait3A_462 = arith.constant 0 : i32
      %dma_wait3A_463 = tpu.memref_slice %arg10[%add3A_383, %dma_wait3A_462] : memref<16x128xi32, #tpu.memory_space<vmem>> -> memref<1x128xi32, #tpu.memory_space<vmem>>
      %dma_wait3A_464 = tpu.memref_squeeze %dma_wait3A_463 : memref<1x128xi32, #tpu.memory_space<vmem>> -> memref<128xi32, #tpu.memory_space<vmem>>
      %dma_wait3A_465 = arith.constant 0 : i32
      %dma_wait3A_466 = arith.constant 0 : i32
      %dma_wait3A_467 = tpu.memref_slice %arg13[%dma_wait3A_465, %dma_wait3A_466] : memref<10240x128xf32, #tpu.memory_space<vmem_shared>> -> memref<10240x128xf32, #tpu.memory_space<vmem_shared>>
      tpu.wait_indirect_dma semaphore(%arg20 : memref<!tpu.dma_semaphore, #tpu.memory_space<semaphore_mem>>) src(%arg12 : memref<128x128xf32, #tpu.memory_space<vmem>>) dst(%dma_wait3A_467 : memref<10240x128xf32, #tpu.memory_space<vmem_shared>>)
      %add3A_468 = arith.constant 2 : i32
      %add3A_469 = arith.addi %add3A_383, %add3A_468 : i32
      %dma_start3A_470 = arith.constant 0 : i32
      %dma_start3A_471 = arith.constant 0 : i32
      %dma_start3A_472 = tpu.memref_slice %arg12[%dma_start3A_470, %dma_start3A_471] : memref<128x128xf32, #tpu.memory_space<vmem>> -> memref<64x128xf32, #tpu.memory_space<vmem>>
      %dma_start3A_473 = arith.constant 0 : i32
      %dma_start3A_474 = tpu.memref_slice %arg8[%add3A_469, %dma_start3A_473] : memref<24x128xi32, #tpu.memory_space<vmem>> -> memref<1x64xi32, #tpu.memory_space<vmem>>
      %dma_start3A_475 = tpu.memref_squeeze %dma_start3A_474 : memref<1x64xi32, #tpu.memory_space<vmem>> -> memref<64xi32, #tpu.memory_space<vmem>>
      %dma_start3A_476 = arith.constant 0 : i32
      %dma_start3A_477 = arith.constant 0 : i32
      %dma_start3A_478 = tpu.memref_slice %arg2[%dma_start3A_476, %dma_start3A_477] : memref<10000x128xf32, #tpu.memory_space<hbm>> -> memref<10000x128xf32, #tpu.memory_space<hbm>>
      tpu.enqueue_indirect_dma source(%dma_start3A_478 : memref<10000x128xf32, #tpu.memory_space<hbm>>) target(%dma_start3A_472 : memref<64x128xf32, #tpu.memory_space<vmem>>) offsets(%dma_start3A_475 : memref<64xi32, #tpu.memory_space<vmem>>) semaphore(%arg16 : memref<!tpu.dma_semaphore, #tpu.memory_space<semaphore_mem>>)
      %dma_start3A_479 = arith.constant 64 : i32
      %dma_start3A_480 = arith.constant 0 : i32
      %dma_start3A_481 = tpu.memref_slice %arg12[%dma_start3A_479, %dma_start3A_480] : memref<128x128xf32, #tpu.memory_space<vmem>> -> memref<64x128xf32, #tpu.memory_space<vmem>>
      %dma_start3A_482 = arith.constant 64 : i32
      %dma_start3A_483 = tpu.memref_slice %arg8[%add3A_469, %dma_start3A_482] : memref<24x128xi32, #tpu.memory_space<vmem>> -> memref<1x64xi32, #tpu.memory_space<vmem>>
      %dma_start3A_484 = tpu.memref_squeeze %dma_start3A_483 : memref<1x64xi32, #tpu.memory_space<vmem>> -> memref<64xi32, #tpu.memory_space<vmem>>
      %dma_start3A_485 = arith.constant 0 : i32
      %dma_start3A_486 = arith.constant 0 : i32
      %dma_start3A_487 = tpu.memref_slice %arg2[%dma_start3A_485, %dma_start3A_486] : memref<10000x128xf32, #tpu.memory_space<hbm>> -> memref<10000x128xf32, #tpu.memory_space<hbm>>
      tpu.enqueue_indirect_dma source(%dma_start3A_487 : memref<10000x128xf32, #tpu.memory_space<hbm>>) target(%dma_start3A_481 : memref<64x128xf32, #tpu.memory_space<vmem>>) offsets(%dma_start3A_484 : memref<64xi32, #tpu.memory_space<vmem>>) semaphore(%arg18 : memref<!tpu.dma_semaphore, #tpu.memory_space<semaphore_mem>>)
    }
    %scan3A_161 = arith.constant 4 : i32
    %dma_wait3A_162 = arith.constant 0 : i32
    %dma_wait3A_163 = arith.constant 0 : i32
    %dma_wait3A_164 = tpu.memref_slice %arg3[%dma_wait3A_162, %dma_wait3A_163] : memref<2568x128xi32, #tpu.memory_space<hbm>> -> memref<24x128xi32, #tpu.memory_space<hbm>>
    %dma_wait3A_165 = arith.constant 0 : i32
    %dma_wait3A_166 = arith.constant 0 : i32
    %dma_wait3A_167 = tpu.memref_slice %arg3[%dma_wait3A_165, %dma_wait3A_166] : memref<2568x128xi32, #tpu.memory_space<hbm>> -> memref<24x128xi32, #tpu.memory_space<hbm>>
    tpu.wait_dma2 semaphore(%arg14 : memref<!tpu.dma_semaphore, #tpu.memory_space<semaphore_mem>>) src(%dma_wait3A_167 : memref<24x128xi32, #tpu.memory_space<hbm>>) dst(%arg7 : memref<24x128xi32, #tpu.memory_space<vmem>>)
    %dma_wait3A_168 = arith.constant 0 : i32
    %dma_wait3A_169 = arith.constant 0 : i32
    %dma_wait3A_170 = tpu.memref_slice %arg4[%dma_wait3A_168, %dma_wait3A_169] : memref<2560x128xi32, #tpu.memory_space<hbm>> -> memref<16x128xi32, #tpu.memory_space<hbm>>
    %dma_wait3A_171 = arith.constant 0 : i32
    %dma_wait3A_172 = arith.constant 0 : i32
    %dma_wait3A_173 = tpu.memref_slice %arg4[%dma_wait3A_171, %dma_wait3A_172] : memref<2560x128xi32, #tpu.memory_space<hbm>> -> memref<16x128xi32, #tpu.memory_space<hbm>>
    tpu.wait_dma2 semaphore(%arg14 : memref<!tpu.dma_semaphore, #tpu.memory_space<semaphore_mem>>) src(%dma_wait3A_173 : memref<16x128xi32, #tpu.memory_space<hbm>>) dst(%arg9 : memref<16x128xi32, #tpu.memory_space<vmem>>)
    %scan3A_174 = arith.constant 0 : i32
    %scan3A_175 = arith.constant 4 : i32
    %scan3A_176 = arith.addi %scan3A_174, %scan3A_175 : i32
    %scan3A_177 = arith.constant 1 : i32
    scf.for %scan3A_379 = %scan3A_174 to %scan3A_176 step %scan3A_177  : i32 {
      %mul3A_380 = arith.constant 2 : i32
      %mul3A_381 = arith.muli %mul3A_380, %scan3A_379 : i32
      %add3A_382 = arith.constant 1 : i32
      %add3A_383 = arith.addi %mul3A_381, %add3A_382 : i32
      %dma_wait3A_384 = arith.constant 0 : i32
      %dma_wait3A_385 = arith.constant 0 : i32
      %dma_wait3A_386 = arith.constant 0 : i32
      %dma_wait3A_387 = tpu.memref_slice %arg11[%dma_wait3A_385, %dma_wait3A_386] : memref<128x128xf32, #tpu.memory_space<vmem>> -> memref<64x128xf32, #tpu.memory_space<vmem>>
      %dma_wait3A_388 = arith.constant 0 : i32
      %dma_wait3A_389 = tpu.memref_slice %arg7[%dma_wait3A_384, %dma_wait3A_388] : memref<24x128xi32, #tpu.memory_space<vmem>> -> memref<1x64xi32, #tpu.memory_space<vmem>>
      %dma_wait3A_390 = tpu.memref_squeeze %dma_wait3A_389 : memref<1x64xi32, #tpu.memory_space<vmem>> -> memref<64xi32, #tpu.memory_space<vmem>>
      %dma_wait3A_391 = arith.constant 0 : i32
      %dma_wait3A_392 = arith.constant 0 : i32
      %dma_wait3A_393 = tpu.memref_slice %arg2[%dma_wait3A_391, %dma_wait3A_392] : memref<10000x128xf32, #tpu.memory_space<hbm>> -> memref<10000x128xf32, #tpu.memory_space<hbm>>
      tpu.wait_indirect_dma semaphore(%arg15 : memref<!tpu.dma_semaphore, #tpu.memory_space<semaphore_mem>>) src(%dma_wait3A_393 : memref<10000x128xf32, #tpu.memory_space<hbm>>) dst(%dma_wait3A_387 : memref<64x128xf32, #tpu.memory_space<vmem>>)
      %dma_wait3A_394 = arith.constant 0 : i32
      %dma_wait3A_395 = arith.constant 64 : i32
      %dma_wait3A_396 = arith.constant 0 : i32
      %dma_wait3A_397 = tpu.memref_slice %arg11[%dma_wait3A_395, %dma_wait3A_396] : memref<128x128xf32, #tpu.memory_space<vmem>> -> memref<64x128xf32, #tpu.memory_space<vmem>>
      %dma_wait3A_398 = arith.constant 0 : i32
      %dma_wait3A_399 = tpu.memref_slice %arg7[%dma_wait3A_394, %dma_wait3A_398] : memref<24x128xi32, #tpu.memory_space<vmem>> -> memref<1x64xi32, #tpu.memory_space<vmem>>
      %dma_wait3A_400 = tpu.memref_squeeze %dma_wait3A_399 : memref<1x64xi32, #tpu.memory_space<vmem>> -> memref<64xi32, #tpu.memory_space<vmem>>
      %dma_wait3A_401 = arith.constant 0 : i32
      %dma_wait3A_402 = arith.constant 0 : i32
      %dma_wait3A_403 = tpu.memref_slice %arg2[%dma_wait3A_401, %dma_wait3A_402] : memref<10000x128xf32, #tpu.memory_space<hbm>> -> memref<10000x128xf32, #tpu.memory_space<hbm>>
      tpu.wait_indirect_dma semaphore(%arg17 : memref<!tpu.dma_semaphore, #tpu.memory_space<semaphore_mem>>) src(%dma_wait3A_403 : memref<10000x128xf32, #tpu.memory_space<hbm>>) dst(%dma_wait3A_397 : memref<64x128xf32, #tpu.memory_space<vmem>>)
      %dma_start3A_404 = arith.constant 0 : i32
      %dma_start3A_405 = tpu.memref_slice %arg9[%mul3A_381, %dma_start3A_404] : memref<16x128xi32, #tpu.memory_space<vmem>> -> memref<1x128xi32, #tpu.memory_space<vmem>>
      %dma_start3A_406 = tpu.memref_squeeze %dma_start3A_405 : memref<1x128xi32, #tpu.memory_space<vmem>> -> memref<128xi32, #tpu.memory_space<vmem>>
      %dma_start3A_407 = arith.constant 0 : i32
      %dma_start3A_408 = arith.constant 0 : i32
      %dma_start3A_409 = tpu.memref_slice %arg13[%dma_start3A_407, %dma_start3A_408] : memref<10240x128xf32, #tpu.memory_space<vmem_shared>> -> memref<10240x128xf32, #tpu.memory_space<vmem_shared>>
      tpu.enqueue_indirect_dma source(%arg11 : memref<128x128xf32, #tpu.memory_space<vmem>>) target(%dma_start3A_409 : memref<10240x128xf32, #tpu.memory_space<vmem_shared>>) offsets(%dma_start3A_406 : memref<128xi32, #tpu.memory_space<vmem>>) semaphore(%arg19 : memref<!tpu.dma_semaphore, #tpu.memory_space<semaphore_mem>>) {add = true}
      %dma_wait3A_410 = arith.constant 0 : i32
      %dma_wait3A_411 = arith.constant 0 : i32
      %dma_wait3A_412 = arith.constant 0 : i32
      %dma_wait3A_413 = tpu.memref_slice %arg12[%dma_wait3A_411, %dma_wait3A_412] : memref<128x128xf32, #tpu.memory_space<vmem>> -> memref<64x128xf32, #tpu.memory_space<vmem>>
      %dma_wait3A_414 = arith.constant 0 : i32
      %dma_wait3A_415 = tpu.memref_slice %arg7[%dma_wait3A_410, %dma_wait3A_414] : memref<24x128xi32, #tpu.memory_space<vmem>> -> memref<1x64xi32, #tpu.memory_space<vmem>>
      %dma_wait3A_416 = tpu.memref_squeeze %dma_wait3A_415 : memref<1x64xi32, #tpu.memory_space<vmem>> -> memref<64xi32, #tpu.memory_space<vmem>>
      %dma_wait3A_417 = arith.constant 0 : i32
      %dma_wait3A_418 = arith.constant 0 : i32
      %dma_wait3A_419 = tpu.memref_slice %arg2[%dma_wait3A_417, %dma_wait3A_418] : memref<10000x128xf32, #tpu.memory_space<hbm>> -> memref<10000x128xf32, #tpu.memory_space<hbm>>
      tpu.wait_indirect_dma semaphore(%arg16 : memref<!tpu.dma_semaphore, #tpu.memory_space<semaphore_mem>>) src(%dma_wait3A_419 : memref<10000x128xf32, #tpu.memory_space<hbm>>) dst(%dma_wait3A_413 : memref<64x128xf32, #tpu.memory_space<vmem>>)
      %dma_wait3A_420 = arith.constant 0 : i32
      %dma_wait3A_421 = arith.constant 64 : i32
      %dma_wait3A_422 = arith.constant 0 : i32
      %dma_wait3A_423 = tpu.memref_slice %arg12[%dma_wait3A_421, %dma_wait3A_422] : memref<128x128xf32, #tpu.memory_space<vmem>> -> memref<64x128xf32, #tpu.memory_space<vmem>>
      %dma_wait3A_424 = arith.constant 0 : i32
      %dma_wait3A_425 = tpu.memref_slice %arg7[%dma_wait3A_420, %dma_wait3A_424] : memref<24x128xi32, #tpu.memory_space<vmem>> -> memref<1x64xi32, #tpu.memory_space<vmem>>
      %dma_wait3A_426 = tpu.memref_squeeze %dma_wait3A_425 : memref<1x64xi32, #tpu.memory_space<vmem>> -> memref<64xi32, #tpu.memory_space<vmem>>
      %dma_wait3A_427 = arith.constant 0 : i32
      %dma_wait3A_428 = arith.constant 0 : i32
      %dma_wait3A_429 = tpu.memref_slice %arg2[%dma_wait3A_427, %dma_wait3A_428] : memref<10000x128xf32, #tpu.memory_space<hbm>> -> memref<10000x128xf32, #tpu.memory_space<hbm>>
      tpu.wait_indirect_dma semaphore(%arg18 : memref<!tpu.dma_semaphore, #tpu.memory_space<semaphore_mem>>) src(%dma_wait3A_429 : memref<10000x128xf32, #tpu.memory_space<hbm>>) dst(%dma_wait3A_423 : memref<64x128xf32, #tpu.memory_space<vmem>>)
      %dma_start3A_430 = arith.constant 0 : i32
      %dma_start3A_431 = tpu.memref_slice %arg9[%add3A_383, %dma_start3A_430] : memref<16x128xi32, #tpu.memory_space<vmem>> -> memref<1x128xi32, #tpu.memory_space<vmem>>
      %dma_start3A_432 = tpu.memref_squeeze %dma_start3A_431 : memref<1x128xi32, #tpu.memory_space<vmem>> -> memref<128xi32, #tpu.memory_space<vmem>>
      %dma_start3A_433 = arith.constant 0 : i32
      %dma_start3A_434 = arith.constant 0 : i32
      %dma_start3A_435 = tpu.memref_slice %arg13[%dma_start3A_433, %dma_start3A_434] : memref<10240x128xf32, #tpu.memory_space<vmem_shared>> -> memref<10240x128xf32, #tpu.memory_space<vmem_shared>>
      tpu.enqueue_indirect_dma source(%arg12 : memref<128x128xf32, #tpu.memory_space<vmem>>) target(%dma_start3A_435 : memref<10240x128xf32, #tpu.memory_space<vmem_shared>>) offsets(%dma_start3A_432 : memref<128xi32, #tpu.memory_space<vmem>>) semaphore(%arg20 : memref<!tpu.dma_semaphore, #tpu.memory_space<semaphore_mem>>) {add = true}
      %dma_wait3A_436 = arith.constant 0 : i32
      %dma_wait3A_437 = tpu.memref_slice %arg9[%mul3A_381, %dma_wait3A_436] : memref<16x128xi32, #tpu.memory_space<vmem>> -> memref<1x128xi32, #tpu.memory_space<vmem>>
      %dma_wait3A_438 = tpu.memref_squeeze %dma_wait3A_437 : memref<1x128xi32, #tpu.memory_space<vmem>> -> memref<128xi32, #tpu.memory_space<vmem>>
      %dma_wait3A_439 = arith.constant 0 : i32
      %dma_wait3A_440 = arith.constant 0 : i32
      %dma_wait3A_441 = tpu.memref_slice %arg13[%dma_wait3A_439, %dma_wait3A_440] : memref<10240x128xf32, #tpu.memory_space<vmem_shared>> -> memref<10240x128xf32, #tpu.memory_space<vmem_shared>>
      tpu.wait_indirect_dma semaphore(%arg19 : memref<!tpu.dma_semaphore, #tpu.memory_space<semaphore_mem>>) src(%arg11 : memref<128x128xf32, #tpu.memory_space<vmem>>) dst(%dma_wait3A_441 : memref<10240x128xf32, #tpu.memory_space<vmem_shared>>)
      %add3A_442 = arith.constant 2 : i32
      %add3A_443 = arith.addi %mul3A_381, %add3A_442 : i32
      %dma_start3A_444 = arith.constant 0 : i32
      %dma_start3A_445 = arith.constant 0 : i32
      %dma_start3A_446 = tpu.memref_slice %arg11[%dma_start3A_444, %dma_start3A_445] : memref<128x128xf32, #tpu.memory_space<vmem>> -> memref<64x128xf32, #tpu.memory_space<vmem>>
      %dma_start3A_447 = arith.constant 0 : i32
      %dma_start3A_448 = tpu.memref_slice %arg7[%add3A_443, %dma_start3A_447] : memref<24x128xi32, #tpu.memory_space<vmem>> -> memref<1x64xi32, #tpu.memory_space<vmem>>
      %dma_start3A_449 = tpu.memref_squeeze %dma_start3A_448 : memref<1x64xi32, #tpu.memory_space<vmem>> -> memref<64xi32, #tpu.memory_space<vmem>>
      %dma_start3A_450 = arith.constant 0 : i32
      %dma_start3A_451 = arith.constant 0 : i32
      %dma_start3A_452 = tpu.memref_slice %arg2[%dma_start3A_450, %dma_start3A_451] : memref<10000x128xf32, #tpu.memory_space<hbm>> -> memref<10000x128xf32, #tpu.memory_space<hbm>>
      tpu.enqueue_indirect_dma source(%dma_start3A_452 : memref<10000x128xf32, #tpu.memory_space<hbm>>) target(%dma_start3A_446 : memref<64x128xf32, #tpu.memory_space<vmem>>) offsets(%dma_start3A_449 : memref<64xi32, #tpu.memory_space<vmem>>) semaphore(%arg15 : memref<!tpu.dma_semaphore, #tpu.memory_space<semaphore_mem>>)
      %dma_start3A_453 = arith.constant 64 : i32
      %dma_start3A_454 = arith.constant 0 : i32
      %dma_start3A_455 = tpu.memref_slice %arg11[%dma_start3A_453, %dma_start3A_454] : memref<128x128xf32, #tpu.memory_space<vmem>> -> memref<64x128xf32, #tpu.memory_space<vmem>>
      %dma_start3A_456 = arith.constant 64 : i32
      %dma_start3A_457 = tpu.memref_slice %arg7[%add3A_443, %dma_start3A_456] : memref<24x128xi32, #tpu.memory_space<vmem>> -> memref<1x64xi32, #tpu.memory_space<vmem>>
      %dma_start3A_458 = tpu.memref_squeeze %dma_start3A_457 : memref<1x64xi32, #tpu.memory_space<vmem>> -> memref<64xi32, #tpu.memory_space<vmem>>
      %dma_start3A_459 = arith.constant 0 : i32
      %dma_start3A_460 = arith.constant 0 : i32
      %dma_start3A_461 = tpu.memref_slice %arg2[%dma_start3A_459, %dma_start3A_460] : memref<10000x128xf32, #tpu.memory_space<hbm>> -> memref<10000x128xf32, #tpu.memory_space<hbm>>
      tpu.enqueue_indirect_dma source(%dma_start3A_461 : memref<10000x128xf32, #tpu.memory_space<hbm>>) target(%dma_start3A_455 : memref<64x128xf32, #tpu.memory_space<vmem>>) offsets(%dma_start3A_458 : memref<64xi32, #tpu.memory_space<vmem>>) semaphore(%arg17 : memref<!tpu.dma_semaphore, #tpu.memory_space<semaphore_mem>>)
      %dma_wait3A_462 = arith.constant 0 : i32
      %dma_wait3A_463 = tpu.memref_slice %arg9[%add3A_383, %dma_wait3A_462] : memref<16x128xi32, #tpu.memory_space<vmem>> -> memref<1x128xi32, #tpu.memory_space<vmem>>
      %dma_wait3A_464 = tpu.memref_squeeze %dma_wait3A_463 : memref<1x128xi32, #tpu.memory_space<vmem>> -> memref<128xi32, #tpu.memory_space<vmem>>
      %dma_wait3A_465 = arith.constant 0 : i32
      %dma_wait3A_466 = arith.constant 0 : i32
      %dma_wait3A_467 = tpu.memref_slice %arg13[%dma_wait3A_465, %dma_wait3A_466] : memref<10240x128xf32, #tpu.memory_space<vmem_shared>> -> memref<10240x128xf32, #tpu.memory_space<vmem_shared>>
      tpu.wait_indirect_dma semaphore(%arg20 : memref<!tpu.dma_semaphore, #tpu.memory_space<semaphore_mem>>) src(%arg12 : memref<128x128xf32, #tpu.memory_space<vmem>>) dst(%dma_wait3A_467 : memref<10240x128xf32, #tpu.memory_space<vmem_shared>>)
      %add3A_468 = arith.constant 2 : i32
      %add3A_469 = arith.addi %add3A_383, %add3A_468 : i32
      %dma_start3A_470 = arith.constant 0 : i32
      %dma_start3A_471 = arith.constant 0 : i32
      %dma_start3A_472 = tpu.memref_slice %arg12[%dma_start3A_470, %dma_start3A_471] : memref<128x128xf32, #tpu.memory_space<vmem>> -> memref<64x128xf32, #tpu.memory_space<vmem>>
      %dma_start3A_473 = arith.constant 0 : i32
      %dma_start3A_474 = tpu.memref_slice %arg7[%add3A_469, %dma_start3A_473] : memref<24x128xi32, #tpu.memory_space<vmem>> -> memref<1x64xi32, #tpu.memory_space<vmem>>
      %dma_start3A_475 = tpu.memref_squeeze %dma_start3A_474 : memref<1x64xi32, #tpu.memory_space<vmem>> -> memref<64xi32, #tpu.memory_space<vmem>>
      %dma_start3A_476 = arith.constant 0 : i32
      %dma_start3A_477 = arith.constant 0 : i32
      %dma_start3A_478 = tpu.memref_slice %arg2[%dma_start3A_476, %dma_start3A_477] : memref<10000x128xf32, #tpu.memory_space<hbm>> -> memref<10000x128xf32, #tpu.memory_space<hbm>>
      tpu.enqueue_indirect_dma source(%dma_start3A_478 : memref<10000x128xf32, #tpu.memory_space<hbm>>) target(%dma_start3A_472 : memref<64x128xf32, #tpu.memory_space<vmem>>) offsets(%dma_start3A_475 : memref<64xi32, #tpu.memory_space<vmem>>) semaphore(%arg16 : memref<!tpu.dma_semaphore, #tpu.memory_space<semaphore_mem>>)
      %dma_start3A_479 = arith.constant 64 : i32
      %dma_start3A_480 = arith.constant 0 : i32
      %dma_start3A_481 = tpu.memref_slice %arg12[%dma_start3A_479, %dma_start3A_480] : memref<128x128xf32, #tpu.memory_space<vmem>> -> memref<64x128xf32, #tpu.memory_space<vmem>>
      %dma_start3A_482 = arith.constant 64 : i32
      %dma_start3A_483 = tpu.memref_slice %arg7[%add3A_469, %dma_start3A_482] : memref<24x128xi32, #tpu.memory_space<vmem>> -> memref<1x64xi32, #tpu.memory_space<vmem>>
      %dma_start3A_484 = tpu.memref_squeeze %dma_start3A_483 : memref<1x64xi32, #tpu.memory_space<vmem>> -> memref<64xi32, #tpu.memory_space<vmem>>
      %dma_start3A_485 = arith.constant 0 : i32
      %dma_start3A_486 = arith.constant 0 : i32
      %dma_start3A_487 = tpu.memref_slice %arg2[%dma_start3A_485, %dma_start3A_486] : memref<10000x128xf32, #tpu.memory_space<hbm>> -> memref<10000x128xf32, #tpu.memory_space<hbm>>
      tpu.enqueue_indirect_dma source(%dma_start3A_487 : memref<10000x128xf32, #tpu.memory_space<hbm>>) target(%dma_start3A_481 : memref<64x128xf32, #tpu.memory_space<vmem>>) offsets(%dma_start3A_484 : memref<64xi32, #tpu.memory_space<vmem>>) semaphore(%arg18 : memref<!tpu.dma_semaphore, #tpu.memory_space<semaphore_mem>>)
    }
    %scan3A_178 = arith.constant 4 : i32
    %add3A_179 = arith.constant 48 : i32
    %add3A_180 = arith.addi %mul3A_2, %add3A_179 : i32
    %dma_start3A_181 = arith.constant 0 : i32
    %dma_start3A_182 = tpu.memref_slice %arg3[%add3A_180, %dma_start3A_181] : memref<2568x128xi32, #tpu.memory_space<hbm>> -> memref<24x128xi32, #tpu.memory_space<hbm>>
    %dma_start3A_183 = arith.constant 0 : i32
    %dma_start3A_184 = tpu.memref_slice %arg3[%add3A_180, %dma_start3A_183] : memref<2568x128xi32, #tpu.memory_space<hbm>> -> memref<24x128xi32, #tpu.memory_space<hbm>>
    tpu.enqueue_dma source(%dma_start3A_184 : memref<24x128xi32, #tpu.memory_space<hbm>>) target(%arg8 : memref<24x128xi32, #tpu.memory_space<vmem>>) target_semaphore(%arg14 : memref<!tpu.dma_semaphore, #tpu.memory_space<semaphore_mem>>)
    %dma_start3A_185 = arith.constant 0 : i32
    %dma_start3A_186 = tpu.memref_slice %arg4[%add3A_180, %dma_start3A_185] : memref<2560x128xi32, #tpu.memory_space<hbm>> -> memref<16x128xi32, #tpu.memory_space<hbm>>
    %dma_start3A_187 = arith.constant 0 : i32
    %dma_start3A_188 = tpu.memref_slice %arg4[%add3A_180, %dma_start3A_187] : memref<2560x128xi32, #tpu.memory_space<hbm>> -> memref<16x128xi32, #tpu.memory_space<hbm>>
    tpu.enqueue_dma source(%dma_start3A_188 : memref<16x128xi32, #tpu.memory_space<hbm>>) target(%arg10 : memref<16x128xi32, #tpu.memory_space<vmem>>) target_semaphore(%arg14 : memref<!tpu.dma_semaphore, #tpu.memory_space<semaphore_mem>>)
    %scan3A_189 = arith.constant 4 : i32
    %scan3A_190 = arith.constant 4 : i32
    %scan3A_191 = arith.addi %scan3A_189, %scan3A_190 : i32
    %scan3A_192 = arith.constant 1 : i32
    scf.for %scan3A_379 = %scan3A_189 to %scan3A_191 step %scan3A_192  : i32 {
      %mul3A_380 = arith.constant 2 : i32
      %mul3A_381 = arith.muli %mul3A_380, %scan3A_379 : i32
      %add3A_382 = arith.constant 1 : i32
      %add3A_383 = arith.addi %mul3A_381, %add3A_382 : i32
      %dma_wait3A_384 = arith.constant 0 : i32
      %dma_wait3A_385 = arith.constant 0 : i32
      %dma_wait3A_386 = arith.constant 0 : i32
      %dma_wait3A_387 = tpu.memref_slice %arg11[%dma_wait3A_385, %dma_wait3A_386] : memref<128x128xf32, #tpu.memory_space<vmem>> -> memref<64x128xf32, #tpu.memory_space<vmem>>
      %dma_wait3A_388 = arith.constant 0 : i32
      %dma_wait3A_389 = tpu.memref_slice %arg7[%dma_wait3A_384, %dma_wait3A_388] : memref<24x128xi32, #tpu.memory_space<vmem>> -> memref<1x64xi32, #tpu.memory_space<vmem>>
      %dma_wait3A_390 = tpu.memref_squeeze %dma_wait3A_389 : memref<1x64xi32, #tpu.memory_space<vmem>> -> memref<64xi32, #tpu.memory_space<vmem>>
      %dma_wait3A_391 = arith.constant 0 : i32
      %dma_wait3A_392 = arith.constant 0 : i32
      %dma_wait3A_393 = tpu.memref_slice %arg2[%dma_wait3A_391, %dma_wait3A_392] : memref<10000x128xf32, #tpu.memory_space<hbm>> -> memref<10000x128xf32, #tpu.memory_space<hbm>>
      tpu.wait_indirect_dma semaphore(%arg15 : memref<!tpu.dma_semaphore, #tpu.memory_space<semaphore_mem>>) src(%dma_wait3A_393 : memref<10000x128xf32, #tpu.memory_space<hbm>>) dst(%dma_wait3A_387 : memref<64x128xf32, #tpu.memory_space<vmem>>)
      %dma_wait3A_394 = arith.constant 0 : i32
      %dma_wait3A_395 = arith.constant 64 : i32
      %dma_wait3A_396 = arith.constant 0 : i32
      %dma_wait3A_397 = tpu.memref_slice %arg11[%dma_wait3A_395, %dma_wait3A_396] : memref<128x128xf32, #tpu.memory_space<vmem>> -> memref<64x128xf32, #tpu.memory_space<vmem>>
      %dma_wait3A_398 = arith.constant 0 : i32
      %dma_wait3A_399 = tpu.memref_slice %arg7[%dma_wait3A_394, %dma_wait3A_398] : memref<24x128xi32, #tpu.memory_space<vmem>> -> memref<1x64xi32, #tpu.memory_space<vmem>>
      %dma_wait3A_400 = tpu.memref_squeeze %dma_wait3A_399 : memref<1x64xi32, #tpu.memory_space<vmem>> -> memref<64xi32, #tpu.memory_space<vmem>>
      %dma_wait3A_401 = arith.constant 0 : i32
      %dma_wait3A_402 = arith.constant 0 : i32
      %dma_wait3A_403 = tpu.memref_slice %arg2[%dma_wait3A_401, %dma_wait3A_402] : memref<10000x128xf32, #tpu.memory_space<hbm>> -> memref<10000x128xf32, #tpu.memory_space<hbm>>
      tpu.wait_indirect_dma semaphore(%arg17 : memref<!tpu.dma_semaphore, #tpu.memory_space<semaphore_mem>>) src(%dma_wait3A_403 : memref<10000x128xf32, #tpu.memory_space<hbm>>) dst(%dma_wait3A_397 : memref<64x128xf32, #tpu.memory_space<vmem>>)
      %dma_start3A_404 = arith.constant 0 : i32
      %dma_start3A_405 = tpu.memref_slice %arg9[%mul3A_381, %dma_start3A_404] : memref<16x128xi32, #tpu.memory_space<vmem>> -> memref<1x128xi32, #tpu.memory_space<vmem>>
      %dma_start3A_406 = tpu.memref_squeeze %dma_start3A_405 : memref<1x128xi32, #tpu.memory_space<vmem>> -> memref<128xi32, #tpu.memory_space<vmem>>
      %dma_start3A_407 = arith.constant 0 : i32
      %dma_start3A_408 = arith.constant 0 : i32
      %dma_start3A_409 = tpu.memref_slice %arg13[%dma_start3A_407, %dma_start3A_408] : memref<10240x128xf32, #tpu.memory_space<vmem_shared>> -> memref<10240x128xf32, #tpu.memory_space<vmem_shared>>
      tpu.enqueue_indirect_dma source(%arg11 : memref<128x128xf32, #tpu.memory_space<vmem>>) target(%dma_start3A_409 : memref<10240x128xf32, #tpu.memory_space<vmem_shared>>) offsets(%dma_start3A_406 : memref<128xi32, #tpu.memory_space<vmem>>) semaphore(%arg19 : memref<!tpu.dma_semaphore, #tpu.memory_space<semaphore_mem>>) {add = true}
      %dma_wait3A_410 = arith.constant 0 : i32
      %dma_wait3A_411 = arith.constant 0 : i32
      %dma_wait3A_412 = arith.constant 0 : i32
      %dma_wait3A_413 = tpu.memref_slice %arg12[%dma_wait3A_411, %dma_wait3A_412] : memref<128x128xf32, #tpu.memory_space<vmem>> -> memref<64x128xf32, #tpu.memory_space<vmem>>
      %dma_wait3A_414 = arith.constant 0 : i32
      %dma_wait3A_415 = tpu.memref_slice %arg7[%dma_wait3A_410, %dma_wait3A_414] : memref<24x128xi32, #tpu.memory_space<vmem>> -> memref<1x64xi32, #tpu.memory_space<vmem>>
      %dma_wait3A_416 = tpu.memref_squeeze %dma_wait3A_415 : memref<1x64xi32, #tpu.memory_space<vmem>> -> memref<64xi32, #tpu.memory_space<vmem>>
      %dma_wait3A_417 = arith.constant 0 : i32
      %dma_wait3A_418 = arith.constant 0 : i32
      %dma_wait3A_419 = tpu.memref_slice %arg2[%dma_wait3A_417, %dma_wait3A_418] : memref<10000x128xf32, #tpu.memory_space<hbm>> -> memref<10000x128xf32, #tpu.memory_space<hbm>>
      tpu.wait_indirect_dma semaphore(%arg16 : memref<!tpu.dma_semaphore, #tpu.memory_space<semaphore_mem>>) src(%dma_wait3A_419 : memref<10000x128xf32, #tpu.memory_space<hbm>>) dst(%dma_wait3A_413 : memref<64x128xf32, #tpu.memory_space<vmem>>)
      %dma_wait3A_420 = arith.constant 0 : i32
      %dma_wait3A_421 = arith.constant 64 : i32
      %dma_wait3A_422 = arith.constant 0 : i32
      %dma_wait3A_423 = tpu.memref_slice %arg12[%dma_wait3A_421, %dma_wait3A_422] : memref<128x128xf32, #tpu.memory_space<vmem>> -> memref<64x128xf32, #tpu.memory_space<vmem>>
      %dma_wait3A_424 = arith.constant 0 : i32
      %dma_wait3A_425 = tpu.memref_slice %arg7[%dma_wait3A_420, %dma_wait3A_424] : memref<24x128xi32, #tpu.memory_space<vmem>> -> memref<1x64xi32, #tpu.memory_space<vmem>>
      %dma_wait3A_426 = tpu.memref_squeeze %dma_wait3A_425 : memref<1x64xi32, #tpu.memory_space<vmem>> -> memref<64xi32, #tpu.memory_space<vmem>>
      %dma_wait3A_427 = arith.constant 0 : i32
      %dma_wait3A_428 = arith.constant 0 : i32
      %dma_wait3A_429 = tpu.memref_slice %arg2[%dma_wait3A_427, %dma_wait3A_428] : memref<10000x128xf32, #tpu.memory_space<hbm>> -> memref<10000x128xf32, #tpu.memory_space<hbm>>
      tpu.wait_indirect_dma semaphore(%arg18 : memref<!tpu.dma_semaphore, #tpu.memory_space<semaphore_mem>>) src(%dma_wait3A_429 : memref<10000x128xf32, #tpu.memory_space<hbm>>) dst(%dma_wait3A_423 : memref<64x128xf32, #tpu.memory_space<vmem>>)
      %dma_start3A_430 = arith.constant 0 : i32
      %dma_start3A_431 = tpu.memref_slice %arg9[%add3A_383, %dma_start3A_430] : memref<16x128xi32, #tpu.memory_space<vmem>> -> memref<1x128xi32, #tpu.memory_space<vmem>>
      %dma_start3A_432 = tpu.memref_squeeze %dma_start3A_431 : memref<1x128xi32, #tpu.memory_space<vmem>> -> memref<128xi32, #tpu.memory_space<vmem>>
      %dma_start3A_433 = arith.constant 0 : i32
      %dma_start3A_434 = arith.constant 0 : i32
      %dma_start3A_435 = tpu.memref_slice %arg13[%dma_start3A_433, %dma_start3A_434] : memref<10240x128xf32, #tpu.memory_space<vmem_shared>> -> memref<10240x128xf32, #tpu.memory_space<vmem_shared>>
      tpu.enqueue_indirect_dma source(%arg12 : memref<128x128xf32, #tpu.memory_space<vmem>>) target(%dma_start3A_435 : memref<10240x128xf32, #tpu.memory_space<vmem_shared>>) offsets(%dma_start3A_432 : memref<128xi32, #tpu.memory_space<vmem>>) semaphore(%arg20 : memref<!tpu.dma_semaphore, #tpu.memory_space<semaphore_mem>>) {add = true}
      %dma_wait3A_436 = arith.constant 0 : i32
      %dma_wait3A_437 = tpu.memref_slice %arg9[%mul3A_381, %dma_wait3A_436] : memref<16x128xi32, #tpu.memory_space<vmem>> -> memref<1x128xi32, #tpu.memory_space<vmem>>
      %dma_wait3A_438 = tpu.memref_squeeze %dma_wait3A_437 : memref<1x128xi32, #tpu.memory_space<vmem>> -> memref<128xi32, #tpu.memory_space<vmem>>
      %dma_wait3A_439 = arith.constant 0 : i32
      %dma_wait3A_440 = arith.constant 0 : i32
      %dma_wait3A_441 = tpu.memref_slice %arg13[%dma_wait3A_439, %dma_wait3A_440] : memref<10240x128xf32, #tpu.memory_space<vmem_shared>> -> memref<10240x128xf32, #tpu.memory_space<vmem_shared>>
      tpu.wait_indirect_dma semaphore(%arg19 : memref<!tpu.dma_semaphore, #tpu.memory_space<semaphore_mem>>) src(%arg11 : memref<128x128xf32, #tpu.memory_space<vmem>>) dst(%dma_wait3A_441 : memref<10240x128xf32, #tpu.memory_space<vmem_shared>>)
      %add3A_442 = arith.constant 2 : i32
      %add3A_443 = arith.addi %mul3A_381, %add3A_442 : i32
      %dma_start3A_444 = arith.constant 0 : i32
      %dma_start3A_445 = arith.constant 0 : i32
      %dma_start3A_446 = tpu.memref_slice %arg11[%dma_start3A_444, %dma_start3A_445] : memref<128x128xf32, #tpu.memory_space<vmem>> -> memref<64x128xf32, #tpu.memory_space<vmem>>
      %dma_start3A_447 = arith.constant 0 : i32
      %dma_start3A_448 = tpu.memref_slice %arg7[%add3A_443, %dma_start3A_447] : memref<24x128xi32, #tpu.memory_space<vmem>> -> memref<1x64xi32, #tpu.memory_space<vmem>>
      %dma_start3A_449 = tpu.memref_squeeze %dma_start3A_448 : memref<1x64xi32, #tpu.memory_space<vmem>> -> memref<64xi32, #tpu.memory_space<vmem>>
      %dma_start3A_450 = arith.constant 0 : i32
      %dma_start3A_451 = arith.constant 0 : i32
      %dma_start3A_452 = tpu.memref_slice %arg2[%dma_start3A_450, %dma_start3A_451] : memref<10000x128xf32, #tpu.memory_space<hbm>> -> memref<10000x128xf32, #tpu.memory_space<hbm>>
      tpu.enqueue_indirect_dma source(%dma_start3A_452 : memref<10000x128xf32, #tpu.memory_space<hbm>>) target(%dma_start3A_446 : memref<64x128xf32, #tpu.memory_space<vmem>>) offsets(%dma_start3A_449 : memref<64xi32, #tpu.memory_space<vmem>>) semaphore(%arg15 : memref<!tpu.dma_semaphore, #tpu.memory_space<semaphore_mem>>)
      %dma_start3A_453 = arith.constant 64 : i32
      %dma_start3A_454 = arith.constant 0 : i32
      %dma_start3A_455 = tpu.memref_slice %arg11[%dma_start3A_453, %dma_start3A_454] : memref<128x128xf32, #tpu.memory_space<vmem>> -> memref<64x128xf32, #tpu.memory_space<vmem>>
      %dma_start3A_456 = arith.constant 64 : i32
      %dma_start3A_457 = tpu.memref_slice %arg7[%add3A_443, %dma_start3A_456] : memref<24x128xi32, #tpu.memory_space<vmem>> -> memref<1x64xi32, #tpu.memory_space<vmem>>
      %dma_start3A_458 = tpu.memref_squeeze %dma_start3A_457 : memref<1x64xi32, #tpu.memory_space<vmem>> -> memref<64xi32, #tpu.memory_space<vmem>>
      %dma_start3A_459 = arith.constant 0 : i32
      %dma_start3A_460 = arith.constant 0 : i32
      %dma_start3A_461 = tpu.memref_slice %arg2[%dma_start3A_459, %dma_start3A_460] : memref<10000x128xf32, #tpu.memory_space<hbm>> -> memref<10000x128xf32, #tpu.memory_space<hbm>>
      tpu.enqueue_indirect_dma source(%dma_start3A_461 : memref<10000x128xf32, #tpu.memory_space<hbm>>) target(%dma_start3A_455 : memref<64x128xf32, #tpu.memory_space<vmem>>) offsets(%dma_start3A_458 : memref<64xi32, #tpu.memory_space<vmem>>) semaphore(%arg17 : memref<!tpu.dma_semaphore, #tpu.memory_space<semaphore_mem>>)
      %dma_wait3A_462 = arith.constant 0 : i32
      %dma_wait3A_463 = tpu.memref_slice %arg9[%add3A_383, %dma_wait3A_462] : memref<16x128xi32, #tpu.memory_space<vmem>> -> memref<1x128xi32, #tpu.memory_space<vmem>>
      %dma_wait3A_464 = tpu.memref_squeeze %dma_wait3A_463 : memref<1x128xi32, #tpu.memory_space<vmem>> -> memref<128xi32, #tpu.memory_space<vmem>>
      %dma_wait3A_465 = arith.constant 0 : i32
      %dma_wait3A_466 = arith.constant 0 : i32
      %dma_wait3A_467 = tpu.memref_slice %arg13[%dma_wait3A_465, %dma_wait3A_466] : memref<10240x128xf32, #tpu.memory_space<vmem_shared>> -> memref<10240x128xf32, #tpu.memory_space<vmem_shared>>
      tpu.wait_indirect_dma semaphore(%arg20 : memref<!tpu.dma_semaphore, #tpu.memory_space<semaphore_mem>>) src(%arg12 : memref<128x128xf32, #tpu.memory_space<vmem>>) dst(%dma_wait3A_467 : memref<10240x128xf32, #tpu.memory_space<vmem_shared>>)
      %add3A_468 = arith.constant 2 : i32
      %add3A_469 = arith.addi %add3A_383, %add3A_468 : i32
      %dma_start3A_470 = arith.constant 0 : i32
      %dma_start3A_471 = arith.constant 0 : i32
      %dma_start3A_472 = tpu.memref_slice %arg12[%dma_start3A_470, %dma_start3A_471] : memref<128x128xf32, #tpu.memory_space<vmem>> -> memref<64x128xf32, #tpu.memory_space<vmem>>
      %dma_start3A_473 = arith.constant 0 : i32
      %dma_start3A_474 = tpu.memref_slice %arg7[%add3A_469, %dma_start3A_473] : memref<24x128xi32, #tpu.memory_space<vmem>> -> memref<1x64xi32, #tpu.memory_space<vmem>>
      %dma_start3A_475 = tpu.memref_squeeze %dma_start3A_474 : memref<1x64xi32, #tpu.memory_space<vmem>> -> memref<64xi32, #tpu.memory_space<vmem>>
      %dma_start3A_476 = arith.constant 0 : i32
      %dma_start3A_477 = arith.constant 0 : i32
      %dma_start3A_478 = tpu.memref_slice %arg2[%dma_start3A_476, %dma_start3A_477] : memref<10000x128xf32, #tpu.memory_space<hbm>> -> memref<10000x128xf32, #tpu.memory_space<hbm>>
      tpu.enqueue_indirect_dma source(%dma_start3A_478 : memref<10000x128xf32, #tpu.memory_space<hbm>>) target(%dma_start3A_472 : memref<64x128xf32, #tpu.memory_space<vmem>>) offsets(%dma_start3A_475 : memref<64xi32, #tpu.memory_space<vmem>>) semaphore(%arg16 : memref<!tpu.dma_semaphore, #tpu.memory_space<semaphore_mem>>)
      %dma_start3A_479 = arith.constant 64 : i32
      %dma_start3A_480 = arith.constant 0 : i32
      %dma_start3A_481 = tpu.memref_slice %arg12[%dma_start3A_479, %dma_start3A_480] : memref<128x128xf32, #tpu.memory_space<vmem>> -> memref<64x128xf32, #tpu.memory_space<vmem>>
      %dma_start3A_482 = arith.constant 64 : i32
      %dma_start3A_483 = tpu.memref_slice %arg7[%add3A_469, %dma_start3A_482] : memref<24x128xi32, #tpu.memory_space<vmem>> -> memref<1x64xi32, #tpu.memory_space<vmem>>
      %dma_start3A_484 = tpu.memref_squeeze %dma_start3A_483 : memref<1x64xi32, #tpu.memory_space<vmem>> -> memref<64xi32, #tpu.memory_space<vmem>>
      %dma_start3A_485 = arith.constant 0 : i32
      %dma_start3A_486 = arith.constant 0 : i32
      %dma_start3A_487 = tpu.memref_slice %arg2[%dma_start3A_485, %dma_start3A_486] : memref<10000x128xf32, #tpu.memory_space<hbm>> -> memref<10000x128xf32, #tpu.memory_space<hbm>>
      tpu.enqueue_indirect_dma source(%dma_start3A_487 : memref<10000x128xf32, #tpu.memory_space<hbm>>) target(%dma_start3A_481 : memref<64x128xf32, #tpu.memory_space<vmem>>) offsets(%dma_start3A_484 : memref<64xi32, #tpu.memory_space<vmem>>) semaphore(%arg18 : memref<!tpu.dma_semaphore, #tpu.memory_space<semaphore_mem>>)
    }
    %scan3A_193 = arith.constant 4 : i32
    %dma_wait3A_194 = arith.constant 0 : i32
    %dma_wait3A_195 = arith.constant 0 : i32
    %dma_wait3A_196 = tpu.memref_slice %arg3[%dma_wait3A_194, %dma_wait3A_195] : memref<2568x128xi32, #tpu.memory_space<hbm>> -> memref<24x128xi32, #tpu.memory_space<hbm>>
    %dma_wait3A_197 = arith.constant 0 : i32
    %dma_wait3A_198 = arith.constant 0 : i32
    %dma_wait3A_199 = tpu.memref_slice %arg3[%dma_wait3A_197, %dma_wait3A_198] : memref<2568x128xi32, #tpu.memory_space<hbm>> -> memref<24x128xi32, #tpu.memory_space<hbm>>
    tpu.wait_dma2 semaphore(%arg14 : memref<!tpu.dma_semaphore, #tpu.memory_space<semaphore_mem>>) src(%dma_wait3A_199 : memref<24x128xi32, #tpu.memory_space<hbm>>) dst(%arg8 : memref<24x128xi32, #tpu.memory_space<vmem>>)
    %dma_wait3A_200 = arith.constant 0 : i32
    %dma_wait3A_201 = arith.constant 0 : i32
    %dma_wait3A_202 = tpu.memref_slice %arg4[%dma_wait3A_200, %dma_wait3A_201] : memref<2560x128xi32, #tpu.memory_space<hbm>> -> memref<16x128xi32, #tpu.memory_space<hbm>>
    %dma_wait3A_203 = arith.constant 0 : i32
    %dma_wait3A_204 = arith.constant 0 : i32
    %dma_wait3A_205 = tpu.memref_slice %arg4[%dma_wait3A_203, %dma_wait3A_204] : memref<2560x128xi32, #tpu.memory_space<hbm>> -> memref<16x128xi32, #tpu.memory_space<hbm>>
    tpu.wait_dma2 semaphore(%arg14 : memref<!tpu.dma_semaphore, #tpu.memory_space<semaphore_mem>>) src(%dma_wait3A_205 : memref<16x128xi32, #tpu.memory_space<hbm>>) dst(%arg10 : memref<16x128xi32, #tpu.memory_space<vmem>>)
    %scan3A_206 = arith.constant 0 : i32
    %scan3A_207 = arith.constant 4 : i32
    %scan3A_208 = arith.addi %scan3A_206, %scan3A_207 : i32
    %scan3A_209 = arith.constant 1 : i32
    scf.for %scan3A_379 = %scan3A_206 to %scan3A_208 step %scan3A_209  : i32 {
      %mul3A_380 = arith.constant 2 : i32
      %mul3A_381 = arith.muli %mul3A_380, %scan3A_379 : i32
      %add3A_382 = arith.constant 1 : i32
      %add3A_383 = arith.addi %mul3A_381, %add3A_382 : i32
      %dma_wait3A_384 = arith.constant 0 : i32
      %dma_wait3A_385 = arith.constant 0 : i32
      %dma_wait3A_386 = arith.constant 0 : i32
      %dma_wait3A_387 = tpu.memref_slice %arg11[%dma_wait3A_385, %dma_wait3A_386] : memref<128x128xf32, #tpu.memory_space<vmem>> -> memref<64x128xf32, #tpu.memory_space<vmem>>
      %dma_wait3A_388 = arith.constant 0 : i32
      %dma_wait3A_389 = tpu.memref_slice %arg7[%dma_wait3A_384, %dma_wait3A_388] : memref<24x128xi32, #tpu.memory_space<vmem>> -> memref<1x64xi32, #tpu.memory_space<vmem>>
      %dma_wait3A_390 = tpu.memref_squeeze %dma_wait3A_389 : memref<1x64xi32, #tpu.memory_space<vmem>> -> memref<64xi32, #tpu.memory_space<vmem>>
      %dma_wait3A_391 = arith.constant 0 : i32
      %dma_wait3A_392 = arith.constant 0 : i32
      %dma_wait3A_393 = tpu.memref_slice %arg2[%dma_wait3A_391, %dma_wait3A_392] : memref<10000x128xf32, #tpu.memory_space<hbm>> -> memref<10000x128xf32, #tpu.memory_space<hbm>>
      tpu.wait_indirect_dma semaphore(%arg15 : memref<!tpu.dma_semaphore, #tpu.memory_space<semaphore_mem>>) src(%dma_wait3A_393 : memref<10000x128xf32, #tpu.memory_space<hbm>>) dst(%dma_wait3A_387 : memref<64x128xf32, #tpu.memory_space<vmem>>)
      %dma_wait3A_394 = arith.constant 0 : i32
      %dma_wait3A_395 = arith.constant 64 : i32
      %dma_wait3A_396 = arith.constant 0 : i32
      %dma_wait3A_397 = tpu.memref_slice %arg11[%dma_wait3A_395, %dma_wait3A_396] : memref<128x128xf32, #tpu.memory_space<vmem>> -> memref<64x128xf32, #tpu.memory_space<vmem>>
      %dma_wait3A_398 = arith.constant 0 : i32
      %dma_wait3A_399 = tpu.memref_slice %arg7[%dma_wait3A_394, %dma_wait3A_398] : memref<24x128xi32, #tpu.memory_space<vmem>> -> memref<1x64xi32, #tpu.memory_space<vmem>>
      %dma_wait3A_400 = tpu.memref_squeeze %dma_wait3A_399 : memref<1x64xi32, #tpu.memory_space<vmem>> -> memref<64xi32, #tpu.memory_space<vmem>>
      %dma_wait3A_401 = arith.constant 0 : i32
      %dma_wait3A_402 = arith.constant 0 : i32
      %dma_wait3A_403 = tpu.memref_slice %arg2[%dma_wait3A_401, %dma_wait3A_402] : memref<10000x128xf32, #tpu.memory_space<hbm>> -> memref<10000x128xf32, #tpu.memory_space<hbm>>
      tpu.wait_indirect_dma semaphore(%arg17 : memref<!tpu.dma_semaphore, #tpu.memory_space<semaphore_mem>>) src(%dma_wait3A_403 : memref<10000x128xf32, #tpu.memory_space<hbm>>) dst(%dma_wait3A_397 : memref<64x128xf32, #tpu.memory_space<vmem>>)
      %dma_start3A_404 = arith.constant 0 : i32
      %dma_start3A_405 = tpu.memref_slice %arg10[%mul3A_381, %dma_start3A_404] : memref<16x128xi32, #tpu.memory_space<vmem>> -> memref<1x128xi32, #tpu.memory_space<vmem>>
      %dma_start3A_406 = tpu.memref_squeeze %dma_start3A_405 : memref<1x128xi32, #tpu.memory_space<vmem>> -> memref<128xi32, #tpu.memory_space<vmem>>
      %dma_start3A_407 = arith.constant 0 : i32
      %dma_start3A_408 = arith.constant 0 : i32
      %dma_start3A_409 = tpu.memref_slice %arg13[%dma_start3A_407, %dma_start3A_408] : memref<10240x128xf32, #tpu.memory_space<vmem_shared>> -> memref<10240x128xf32, #tpu.memory_space<vmem_shared>>
      tpu.enqueue_indirect_dma source(%arg11 : memref<128x128xf32, #tpu.memory_space<vmem>>) target(%dma_start3A_409 : memref<10240x128xf32, #tpu.memory_space<vmem_shared>>) offsets(%dma_start3A_406 : memref<128xi32, #tpu.memory_space<vmem>>) semaphore(%arg19 : memref<!tpu.dma_semaphore, #tpu.memory_space<semaphore_mem>>) {add = true}
      %dma_wait3A_410 = arith.constant 0 : i32
      %dma_wait3A_411 = arith.constant 0 : i32
      %dma_wait3A_412 = arith.constant 0 : i32
      %dma_wait3A_413 = tpu.memref_slice %arg12[%dma_wait3A_411, %dma_wait3A_412] : memref<128x128xf32, #tpu.memory_space<vmem>> -> memref<64x128xf32, #tpu.memory_space<vmem>>
      %dma_wait3A_414 = arith.constant 0 : i32
      %dma_wait3A_415 = tpu.memref_slice %arg7[%dma_wait3A_410, %dma_wait3A_414] : memref<24x128xi32, #tpu.memory_space<vmem>> -> memref<1x64xi32, #tpu.memory_space<vmem>>
      %dma_wait3A_416 = tpu.memref_squeeze %dma_wait3A_415 : memref<1x64xi32, #tpu.memory_space<vmem>> -> memref<64xi32, #tpu.memory_space<vmem>>
      %dma_wait3A_417 = arith.constant 0 : i32
      %dma_wait3A_418 = arith.constant 0 : i32
      %dma_wait3A_419 = tpu.memref_slice %arg2[%dma_wait3A_417, %dma_wait3A_418] : memref<10000x128xf32, #tpu.memory_space<hbm>> -> memref<10000x128xf32, #tpu.memory_space<hbm>>
      tpu.wait_indirect_dma semaphore(%arg16 : memref<!tpu.dma_semaphore, #tpu.memory_space<semaphore_mem>>) src(%dma_wait3A_419 : memref<10000x128xf32, #tpu.memory_space<hbm>>) dst(%dma_wait3A_413 : memref<64x128xf32, #tpu.memory_space<vmem>>)
      %dma_wait3A_420 = arith.constant 0 : i32
      %dma_wait3A_421 = arith.constant 64 : i32
      %dma_wait3A_422 = arith.constant 0 : i32
      %dma_wait3A_423 = tpu.memref_slice %arg12[%dma_wait3A_421, %dma_wait3A_422] : memref<128x128xf32, #tpu.memory_space<vmem>> -> memref<64x128xf32, #tpu.memory_space<vmem>>
      %dma_wait3A_424 = arith.constant 0 : i32
      %dma_wait3A_425 = tpu.memref_slice %arg7[%dma_wait3A_420, %dma_wait3A_424] : memref<24x128xi32, #tpu.memory_space<vmem>> -> memref<1x64xi32, #tpu.memory_space<vmem>>
      %dma_wait3A_426 = tpu.memref_squeeze %dma_wait3A_425 : memref<1x64xi32, #tpu.memory_space<vmem>> -> memref<64xi32, #tpu.memory_space<vmem>>
      %dma_wait3A_427 = arith.constant 0 : i32
      %dma_wait3A_428 = arith.constant 0 : i32
      %dma_wait3A_429 = tpu.memref_slice %arg2[%dma_wait3A_427, %dma_wait3A_428] : memref<10000x128xf32, #tpu.memory_space<hbm>> -> memref<10000x128xf32, #tpu.memory_space<hbm>>
      tpu.wait_indirect_dma semaphore(%arg18 : memref<!tpu.dma_semaphore, #tpu.memory_space<semaphore_mem>>) src(%dma_wait3A_429 : memref<10000x128xf32, #tpu.memory_space<hbm>>) dst(%dma_wait3A_423 : memref<64x128xf32, #tpu.memory_space<vmem>>)
      %dma_start3A_430 = arith.constant 0 : i32
      %dma_start3A_431 = tpu.memref_slice %arg10[%add3A_383, %dma_start3A_430] : memref<16x128xi32, #tpu.memory_space<vmem>> -> memref<1x128xi32, #tpu.memory_space<vmem>>
      %dma_start3A_432 = tpu.memref_squeeze %dma_start3A_431 : memref<1x128xi32, #tpu.memory_space<vmem>> -> memref<128xi32, #tpu.memory_space<vmem>>
      %dma_start3A_433 = arith.constant 0 : i32
      %dma_start3A_434 = arith.constant 0 : i32
      %dma_start3A_435 = tpu.memref_slice %arg13[%dma_start3A_433, %dma_start3A_434] : memref<10240x128xf32, #tpu.memory_space<vmem_shared>> -> memref<10240x128xf32, #tpu.memory_space<vmem_shared>>
      tpu.enqueue_indirect_dma source(%arg12 : memref<128x128xf32, #tpu.memory_space<vmem>>) target(%dma_start3A_435 : memref<10240x128xf32, #tpu.memory_space<vmem_shared>>) offsets(%dma_start3A_432 : memref<128xi32, #tpu.memory_space<vmem>>) semaphore(%arg20 : memref<!tpu.dma_semaphore, #tpu.memory_space<semaphore_mem>>) {add = true}
      %dma_wait3A_436 = arith.constant 0 : i32
      %dma_wait3A_437 = tpu.memref_slice %arg10[%mul3A_381, %dma_wait3A_436] : memref<16x128xi32, #tpu.memory_space<vmem>> -> memref<1x128xi32, #tpu.memory_space<vmem>>
      %dma_wait3A_438 = tpu.memref_squeeze %dma_wait3A_437 : memref<1x128xi32, #tpu.memory_space<vmem>> -> memref<128xi32, #tpu.memory_space<vmem>>
      %dma_wait3A_439 = arith.constant 0 : i32
      %dma_wait3A_440 = arith.constant 0 : i32
      %dma_wait3A_441 = tpu.memref_slice %arg13[%dma_wait3A_439, %dma_wait3A_440] : memref<10240x128xf32, #tpu.memory_space<vmem_shared>> -> memref<10240x128xf32, #tpu.memory_space<vmem_shared>>
      tpu.wait_indirect_dma semaphore(%arg19 : memref<!tpu.dma_semaphore, #tpu.memory_space<semaphore_mem>>) src(%arg11 : memref<128x128xf32, #tpu.memory_space<vmem>>) dst(%dma_wait3A_441 : memref<10240x128xf32, #tpu.memory_space<vmem_shared>>)
      %add3A_442 = arith.constant 2 : i32
      %add3A_443 = arith.addi %mul3A_381, %add3A_442 : i32
      %dma_start3A_444 = arith.constant 0 : i32
      %dma_start3A_445 = arith.constant 0 : i32
      %dma_start3A_446 = tpu.memref_slice %arg11[%dma_start3A_444, %dma_start3A_445] : memref<128x128xf32, #tpu.memory_space<vmem>> -> memref<64x128xf32, #tpu.memory_space<vmem>>
      %dma_start3A_447 = arith.constant 0 : i32
      %dma_start3A_448 = tpu.memref_slice %arg8[%add3A_443, %dma_start3A_447] : memref<24x128xi32, #tpu.memory_space<vmem>> -> memref<1x64xi32, #tpu.memory_space<vmem>>
      %dma_start3A_449 = tpu.memref_squeeze %dma_start3A_448 : memref<1x64xi32, #tpu.memory_space<vmem>> -> memref<64xi32, #tpu.memory_space<vmem>>
      %dma_start3A_450 = arith.constant 0 : i32
      %dma_start3A_451 = arith.constant 0 : i32
      %dma_start3A_452 = tpu.memref_slice %arg2[%dma_start3A_450, %dma_start3A_451] : memref<10000x128xf32, #tpu.memory_space<hbm>> -> memref<10000x128xf32, #tpu.memory_space<hbm>>
      tpu.enqueue_indirect_dma source(%dma_start3A_452 : memref<10000x128xf32, #tpu.memory_space<hbm>>) target(%dma_start3A_446 : memref<64x128xf32, #tpu.memory_space<vmem>>) offsets(%dma_start3A_449 : memref<64xi32, #tpu.memory_space<vmem>>) semaphore(%arg15 : memref<!tpu.dma_semaphore, #tpu.memory_space<semaphore_mem>>)
      %dma_start3A_453 = arith.constant 64 : i32
      %dma_start3A_454 = arith.constant 0 : i32
      %dma_start3A_455 = tpu.memref_slice %arg11[%dma_start3A_453, %dma_start3A_454] : memref<128x128xf32, #tpu.memory_space<vmem>> -> memref<64x128xf32, #tpu.memory_space<vmem>>
      %dma_start3A_456 = arith.constant 64 : i32
      %dma_start3A_457 = tpu.memref_slice %arg8[%add3A_443, %dma_start3A_456] : memref<24x128xi32, #tpu.memory_space<vmem>> -> memref<1x64xi32, #tpu.memory_space<vmem>>
      %dma_start3A_458 = tpu.memref_squeeze %dma_start3A_457 : memref<1x64xi32, #tpu.memory_space<vmem>> -> memref<64xi32, #tpu.memory_space<vmem>>
      %dma_start3A_459 = arith.constant 0 : i32
      %dma_start3A_460 = arith.constant 0 : i32
      %dma_start3A_461 = tpu.memref_slice %arg2[%dma_start3A_459, %dma_start3A_460] : memref<10000x128xf32, #tpu.memory_space<hbm>> -> memref<10000x128xf32, #tpu.memory_space<hbm>>
      tpu.enqueue_indirect_dma source(%dma_start3A_461 : memref<10000x128xf32, #tpu.memory_space<hbm>>) target(%dma_start3A_455 : memref<64x128xf32, #tpu.memory_space<vmem>>) offsets(%dma_start3A_458 : memref<64xi32, #tpu.memory_space<vmem>>) semaphore(%arg17 : memref<!tpu.dma_semaphore, #tpu.memory_space<semaphore_mem>>)
      %dma_wait3A_462 = arith.constant 0 : i32
      %dma_wait3A_463 = tpu.memref_slice %arg10[%add3A_383, %dma_wait3A_462] : memref<16x128xi32, #tpu.memory_space<vmem>> -> memref<1x128xi32, #tpu.memory_space<vmem>>
      %dma_wait3A_464 = tpu.memref_squeeze %dma_wait3A_463 : memref<1x128xi32, #tpu.memory_space<vmem>> -> memref<128xi32, #tpu.memory_space<vmem>>
      %dma_wait3A_465 = arith.constant 0 : i32
      %dma_wait3A_466 = arith.constant 0 : i32
      %dma_wait3A_467 = tpu.memref_slice %arg13[%dma_wait3A_465, %dma_wait3A_466] : memref<10240x128xf32, #tpu.memory_space<vmem_shared>> -> memref<10240x128xf32, #tpu.memory_space<vmem_shared>>
      tpu.wait_indirect_dma semaphore(%arg20 : memref<!tpu.dma_semaphore, #tpu.memory_space<semaphore_mem>>) src(%arg12 : memref<128x128xf32, #tpu.memory_space<vmem>>) dst(%dma_wait3A_467 : memref<10240x128xf32, #tpu.memory_space<vmem_shared>>)
      %add3A_468 = arith.constant 2 : i32
      %add3A_469 = arith.addi %add3A_383, %add3A_468 : i32
      %dma_start3A_470 = arith.constant 0 : i32
      %dma_start3A_471 = arith.constant 0 : i32
      %dma_start3A_472 = tpu.memref_slice %arg12[%dma_start3A_470, %dma_start3A_471] : memref<128x128xf32, #tpu.memory_space<vmem>> -> memref<64x128xf32, #tpu.memory_space<vmem>>
      %dma_start3A_473 = arith.constant 0 : i32
      %dma_start3A_474 = tpu.memref_slice %arg8[%add3A_469, %dma_start3A_473] : memref<24x128xi32, #tpu.memory_space<vmem>> -> memref<1x64xi32, #tpu.memory_space<vmem>>
      %dma_start3A_475 = tpu.memref_squeeze %dma_start3A_474 : memref<1x64xi32, #tpu.memory_space<vmem>> -> memref<64xi32, #tpu.memory_space<vmem>>
      %dma_start3A_476 = arith.constant 0 : i32
      %dma_start3A_477 = arith.constant 0 : i32
      %dma_start3A_478 = tpu.memref_slice %arg2[%dma_start3A_476, %dma_start3A_477] : memref<10000x128xf32, #tpu.memory_space<hbm>> -> memref<10000x128xf32, #tpu.memory_space<hbm>>
      tpu.enqueue_indirect_dma source(%dma_start3A_478 : memref<10000x128xf32, #tpu.memory_space<hbm>>) target(%dma_start3A_472 : memref<64x128xf32, #tpu.memory_space<vmem>>) offsets(%dma_start3A_475 : memref<64xi32, #tpu.memory_space<vmem>>) semaphore(%arg16 : memref<!tpu.dma_semaphore, #tpu.memory_space<semaphore_mem>>)
      %dma_start3A_479 = arith.constant 64 : i32
      %dma_start3A_480 = arith.constant 0 : i32
      %dma_start3A_481 = tpu.memref_slice %arg12[%dma_start3A_479, %dma_start3A_480] : memref<128x128xf32, #tpu.memory_space<vmem>> -> memref<64x128xf32, #tpu.memory_space<vmem>>
      %dma_start3A_482 = arith.constant 64 : i32
      %dma_start3A_483 = tpu.memref_slice %arg8[%add3A_469, %dma_start3A_482] : memref<24x128xi32, #tpu.memory_space<vmem>> -> memref<1x64xi32, #tpu.memory_space<vmem>>
      %dma_start3A_484 = tpu.memref_squeeze %dma_start3A_483 : memref<1x64xi32, #tpu.memory_space<vmem>> -> memref<64xi32, #tpu.memory_space<vmem>>
      %dma_start3A_485 = arith.constant 0 : i32
      %dma_start3A_486 = arith.constant 0 : i32
      %dma_start3A_487 = tpu.memref_slice %arg2[%dma_start3A_485, %dma_start3A_486] : memref<10000x128xf32, #tpu.memory_space<hbm>> -> memref<10000x128xf32, #tpu.memory_space<hbm>>
      tpu.enqueue_indirect_dma source(%dma_start3A_487 : memref<10000x128xf32, #tpu.memory_space<hbm>>) target(%dma_start3A_481 : memref<64x128xf32, #tpu.memory_space<vmem>>) offsets(%dma_start3A_484 : memref<64xi32, #tpu.memory_space<vmem>>) semaphore(%arg18 : memref<!tpu.dma_semaphore, #tpu.memory_space<semaphore_mem>>)
    }
    %scan3A_210 = arith.constant 4 : i32
    %add3A_211 = arith.constant 64 : i32
    %add3A_212 = arith.addi %mul3A_2, %add3A_211 : i32
    %dma_start3A_213 = arith.constant 0 : i32
    %dma_start3A_214 = tpu.memref_slice %arg3[%add3A_212, %dma_start3A_213] : memref<2568x128xi32, #tpu.memory_space<hbm>> -> memref<24x128xi32, #tpu.memory_space<hbm>>
    %dma_start3A_215 = arith.constant 0 : i32
    %dma_start3A_216 = tpu.memref_slice %arg3[%add3A_212, %dma_start3A_215] : memref<2568x128xi32, #tpu.memory_space<hbm>> -> memref<24x128xi32, #tpu.memory_space<hbm>>
    tpu.enqueue_dma source(%dma_start3A_216 : memref<24x128xi32, #tpu.memory_space<hbm>>) target(%arg7 : memref<24x128xi32, #tpu.memory_space<vmem>>) target_semaphore(%arg14 : memref<!tpu.dma_semaphore, #tpu.memory_space<semaphore_mem>>)
    %dma_start3A_217 = arith.constant 0 : i32
    %dma_start3A_218 = tpu.memref_slice %arg4[%add3A_212, %dma_start3A_217] : memref<2560x128xi32, #tpu.memory_space<hbm>> -> memref<16x128xi32, #tpu.memory_space<hbm>>
    %dma_start3A_219 = arith.constant 0 : i32
    %dma_start3A_220 = tpu.memref_slice %arg4[%add3A_212, %dma_start3A_219] : memref<2560x128xi32, #tpu.memory_space<hbm>> -> memref<16x128xi32, #tpu.memory_space<hbm>>
    tpu.enqueue_dma source(%dma_start3A_220 : memref<16x128xi32, #tpu.memory_space<hbm>>) target(%arg9 : memref<16x128xi32, #tpu.memory_space<vmem>>) target_semaphore(%arg14 : memref<!tpu.dma_semaphore, #tpu.memory_space<semaphore_mem>>)
    %scan3A_221 = arith.constant 4 : i32
    %scan3A_222 = arith.constant 4 : i32
    %scan3A_223 = arith.addi %scan3A_221, %scan3A_222 : i32
    %scan3A_224 = arith.constant 1 : i32
    scf.for %scan3A_379 = %scan3A_221 to %scan3A_223 step %scan3A_224  : i32 {
      %mul3A_380 = arith.constant 2 : i32
      %mul3A_381 = arith.muli %mul3A_380, %scan3A_379 : i32
      %add3A_382 = arith.constant 1 : i32
      %add3A_383 = arith.addi %mul3A_381, %add3A_382 : i32
      %dma_wait3A_384 = arith.constant 0 : i32
      %dma_wait3A_385 = arith.constant 0 : i32
      %dma_wait3A_386 = arith.constant 0 : i32
      %dma_wait3A_387 = tpu.memref_slice %arg11[%dma_wait3A_385, %dma_wait3A_386] : memref<128x128xf32, #tpu.memory_space<vmem>> -> memref<64x128xf32, #tpu.memory_space<vmem>>
      %dma_wait3A_388 = arith.constant 0 : i32
      %dma_wait3A_389 = tpu.memref_slice %arg7[%dma_wait3A_384, %dma_wait3A_388] : memref<24x128xi32, #tpu.memory_space<vmem>> -> memref<1x64xi32, #tpu.memory_space<vmem>>
      %dma_wait3A_390 = tpu.memref_squeeze %dma_wait3A_389 : memref<1x64xi32, #tpu.memory_space<vmem>> -> memref<64xi32, #tpu.memory_space<vmem>>
      %dma_wait3A_391 = arith.constant 0 : i32
      %dma_wait3A_392 = arith.constant 0 : i32
      %dma_wait3A_393 = tpu.memref_slice %arg2[%dma_wait3A_391, %dma_wait3A_392] : memref<10000x128xf32, #tpu.memory_space<hbm>> -> memref<10000x128xf32, #tpu.memory_space<hbm>>
      tpu.wait_indirect_dma semaphore(%arg15 : memref<!tpu.dma_semaphore, #tpu.memory_space<semaphore_mem>>) src(%dma_wait3A_393 : memref<10000x128xf32, #tpu.memory_space<hbm>>) dst(%dma_wait3A_387 : memref<64x128xf32, #tpu.memory_space<vmem>>)
      %dma_wait3A_394 = arith.constant 0 : i32
      %dma_wait3A_395 = arith.constant 64 : i32
      %dma_wait3A_396 = arith.constant 0 : i32
      %dma_wait3A_397 = tpu.memref_slice %arg11[%dma_wait3A_395, %dma_wait3A_396] : memref<128x128xf32, #tpu.memory_space<vmem>> -> memref<64x128xf32, #tpu.memory_space<vmem>>
      %dma_wait3A_398 = arith.constant 0 : i32
      %dma_wait3A_399 = tpu.memref_slice %arg7[%dma_wait3A_394, %dma_wait3A_398] : memref<24x128xi32, #tpu.memory_space<vmem>> -> memref<1x64xi32, #tpu.memory_space<vmem>>
      %dma_wait3A_400 = tpu.memref_squeeze %dma_wait3A_399 : memref<1x64xi32, #tpu.memory_space<vmem>> -> memref<64xi32, #tpu.memory_space<vmem>>
      %dma_wait3A_401 = arith.constant 0 : i32
      %dma_wait3A_402 = arith.constant 0 : i32
      %dma_wait3A_403 = tpu.memref_slice %arg2[%dma_wait3A_401, %dma_wait3A_402] : memref<10000x128xf32, #tpu.memory_space<hbm>> -> memref<10000x128xf32, #tpu.memory_space<hbm>>
      tpu.wait_indirect_dma semaphore(%arg17 : memref<!tpu.dma_semaphore, #tpu.memory_space<semaphore_mem>>) src(%dma_wait3A_403 : memref<10000x128xf32, #tpu.memory_space<hbm>>) dst(%dma_wait3A_397 : memref<64x128xf32, #tpu.memory_space<vmem>>)
      %dma_start3A_404 = arith.constant 0 : i32
      %dma_start3A_405 = tpu.memref_slice %arg10[%mul3A_381, %dma_start3A_404] : memref<16x128xi32, #tpu.memory_space<vmem>> -> memref<1x128xi32, #tpu.memory_space<vmem>>
      %dma_start3A_406 = tpu.memref_squeeze %dma_start3A_405 : memref<1x128xi32, #tpu.memory_space<vmem>> -> memref<128xi32, #tpu.memory_space<vmem>>
      %dma_start3A_407 = arith.constant 0 : i32
      %dma_start3A_408 = arith.constant 0 : i32
      %dma_start3A_409 = tpu.memref_slice %arg13[%dma_start3A_407, %dma_start3A_408] : memref<10240x128xf32, #tpu.memory_space<vmem_shared>> -> memref<10240x128xf32, #tpu.memory_space<vmem_shared>>
      tpu.enqueue_indirect_dma source(%arg11 : memref<128x128xf32, #tpu.memory_space<vmem>>) target(%dma_start3A_409 : memref<10240x128xf32, #tpu.memory_space<vmem_shared>>) offsets(%dma_start3A_406 : memref<128xi32, #tpu.memory_space<vmem>>) semaphore(%arg19 : memref<!tpu.dma_semaphore, #tpu.memory_space<semaphore_mem>>) {add = true}
      %dma_wait3A_410 = arith.constant 0 : i32
      %dma_wait3A_411 = arith.constant 0 : i32
      %dma_wait3A_412 = arith.constant 0 : i32
      %dma_wait3A_413 = tpu.memref_slice %arg12[%dma_wait3A_411, %dma_wait3A_412] : memref<128x128xf32, #tpu.memory_space<vmem>> -> memref<64x128xf32, #tpu.memory_space<vmem>>
      %dma_wait3A_414 = arith.constant 0 : i32
      %dma_wait3A_415 = tpu.memref_slice %arg7[%dma_wait3A_410, %dma_wait3A_414] : memref<24x128xi32, #tpu.memory_space<vmem>> -> memref<1x64xi32, #tpu.memory_space<vmem>>
      %dma_wait3A_416 = tpu.memref_squeeze %dma_wait3A_415 : memref<1x64xi32, #tpu.memory_space<vmem>> -> memref<64xi32, #tpu.memory_space<vmem>>
      %dma_wait3A_417 = arith.constant 0 : i32
      %dma_wait3A_418 = arith.constant 0 : i32
      %dma_wait3A_419 = tpu.memref_slice %arg2[%dma_wait3A_417, %dma_wait3A_418] : memref<10000x128xf32, #tpu.memory_space<hbm>> -> memref<10000x128xf32, #tpu.memory_space<hbm>>
      tpu.wait_indirect_dma semaphore(%arg16 : memref<!tpu.dma_semaphore, #tpu.memory_space<semaphore_mem>>) src(%dma_wait3A_419 : memref<10000x128xf32, #tpu.memory_space<hbm>>) dst(%dma_wait3A_413 : memref<64x128xf32, #tpu.memory_space<vmem>>)
      %dma_wait3A_420 = arith.constant 0 : i32
      %dma_wait3A_421 = arith.constant 64 : i32
      %dma_wait3A_422 = arith.constant 0 : i32
      %dma_wait3A_423 = tpu.memref_slice %arg12[%dma_wait3A_421, %dma_wait3A_422] : memref<128x128xf32, #tpu.memory_space<vmem>> -> memref<64x128xf32, #tpu.memory_space<vmem>>
      %dma_wait3A_424 = arith.constant 0 : i32
      %dma_wait3A_425 = tpu.memref_slice %arg7[%dma_wait3A_420, %dma_wait3A_424] : memref<24x128xi32, #tpu.memory_space<vmem>> -> memref<1x64xi32, #tpu.memory_space<vmem>>
      %dma_wait3A_426 = tpu.memref_squeeze %dma_wait3A_425 : memref<1x64xi32, #tpu.memory_space<vmem>> -> memref<64xi32, #tpu.memory_space<vmem>>
      %dma_wait3A_427 = arith.constant 0 : i32
      %dma_wait3A_428 = arith.constant 0 : i32
      %dma_wait3A_429 = tpu.memref_slice %arg2[%dma_wait3A_427, %dma_wait3A_428] : memref<10000x128xf32, #tpu.memory_space<hbm>> -> memref<10000x128xf32, #tpu.memory_space<hbm>>
      tpu.wait_indirect_dma semaphore(%arg18 : memref<!tpu.dma_semaphore, #tpu.memory_space<semaphore_mem>>) src(%dma_wait3A_429 : memref<10000x128xf32, #tpu.memory_space<hbm>>) dst(%dma_wait3A_423 : memref<64x128xf32, #tpu.memory_space<vmem>>)
      %dma_start3A_430 = arith.constant 0 : i32
      %dma_start3A_431 = tpu.memref_slice %arg10[%add3A_383, %dma_start3A_430] : memref<16x128xi32, #tpu.memory_space<vmem>> -> memref<1x128xi32, #tpu.memory_space<vmem>>
      %dma_start3A_432 = tpu.memref_squeeze %dma_start3A_431 : memref<1x128xi32, #tpu.memory_space<vmem>> -> memref<128xi32, #tpu.memory_space<vmem>>
      %dma_start3A_433 = arith.constant 0 : i32
      %dma_start3A_434 = arith.constant 0 : i32
      %dma_start3A_435 = tpu.memref_slice %arg13[%dma_start3A_433, %dma_start3A_434] : memref<10240x128xf32, #tpu.memory_space<vmem_shared>> -> memref<10240x128xf32, #tpu.memory_space<vmem_shared>>
      tpu.enqueue_indirect_dma source(%arg12 : memref<128x128xf32, #tpu.memory_space<vmem>>) target(%dma_start3A_435 : memref<10240x128xf32, #tpu.memory_space<vmem_shared>>) offsets(%dma_start3A_432 : memref<128xi32, #tpu.memory_space<vmem>>) semaphore(%arg20 : memref<!tpu.dma_semaphore, #tpu.memory_space<semaphore_mem>>) {add = true}
      %dma_wait3A_436 = arith.constant 0 : i32
      %dma_wait3A_437 = tpu.memref_slice %arg10[%mul3A_381, %dma_wait3A_436] : memref<16x128xi32, #tpu.memory_space<vmem>> -> memref<1x128xi32, #tpu.memory_space<vmem>>
      %dma_wait3A_438 = tpu.memref_squeeze %dma_wait3A_437 : memref<1x128xi32, #tpu.memory_space<vmem>> -> memref<128xi32, #tpu.memory_space<vmem>>
      %dma_wait3A_439 = arith.constant 0 : i32
      %dma_wait3A_440 = arith.constant 0 : i32
      %dma_wait3A_441 = tpu.memref_slice %arg13[%dma_wait3A_439, %dma_wait3A_440] : memref<10240x128xf32, #tpu.memory_space<vmem_shared>> -> memref<10240x128xf32, #tpu.memory_space<vmem_shared>>
      tpu.wait_indirect_dma semaphore(%arg19 : memref<!tpu.dma_semaphore, #tpu.memory_space<semaphore_mem>>) src(%arg11 : memref<128x128xf32, #tpu.memory_space<vmem>>) dst(%dma_wait3A_441 : memref<10240x128xf32, #tpu.memory_space<vmem_shared>>)
      %add3A_442 = arith.constant 2 : i32
      %add3A_443 = arith.addi %mul3A_381, %add3A_442 : i32
      %dma_start3A_444 = arith.constant 0 : i32
      %dma_start3A_445 = arith.constant 0 : i32
      %dma_start3A_446 = tpu.memref_slice %arg11[%dma_start3A_444, %dma_start3A_445] : memref<128x128xf32, #tpu.memory_space<vmem>> -> memref<64x128xf32, #tpu.memory_space<vmem>>
      %dma_start3A_447 = arith.constant 0 : i32
      %dma_start3A_448 = tpu.memref_slice %arg8[%add3A_443, %dma_start3A_447] : memref<24x128xi32, #tpu.memory_space<vmem>> -> memref<1x64xi32, #tpu.memory_space<vmem>>
      %dma_start3A_449 = tpu.memref_squeeze %dma_start3A_448 : memref<1x64xi32, #tpu.memory_space<vmem>> -> memref<64xi32, #tpu.memory_space<vmem>>
      %dma_start3A_450 = arith.constant 0 : i32
      %dma_start3A_451 = arith.constant 0 : i32
      %dma_start3A_452 = tpu.memref_slice %arg2[%dma_start3A_450, %dma_start3A_451] : memref<10000x128xf32, #tpu.memory_space<hbm>> -> memref<10000x128xf32, #tpu.memory_space<hbm>>
      tpu.enqueue_indirect_dma source(%dma_start3A_452 : memref<10000x128xf32, #tpu.memory_space<hbm>>) target(%dma_start3A_446 : memref<64x128xf32, #tpu.memory_space<vmem>>) offsets(%dma_start3A_449 : memref<64xi32, #tpu.memory_space<vmem>>) semaphore(%arg15 : memref<!tpu.dma_semaphore, #tpu.memory_space<semaphore_mem>>)
      %dma_start3A_453 = arith.constant 64 : i32
      %dma_start3A_454 = arith.constant 0 : i32
      %dma_start3A_455 = tpu.memref_slice %arg11[%dma_start3A_453, %dma_start3A_454] : memref<128x128xf32, #tpu.memory_space<vmem>> -> memref<64x128xf32, #tpu.memory_space<vmem>>
      %dma_start3A_456 = arith.constant 64 : i32
      %dma_start3A_457 = tpu.memref_slice %arg8[%add3A_443, %dma_start3A_456] : memref<24x128xi32, #tpu.memory_space<vmem>> -> memref<1x64xi32, #tpu.memory_space<vmem>>
      %dma_start3A_458 = tpu.memref_squeeze %dma_start3A_457 : memref<1x64xi32, #tpu.memory_space<vmem>> -> memref<64xi32, #tpu.memory_space<vmem>>
      %dma_start3A_459 = arith.constant 0 : i32
      %dma_start3A_460 = arith.constant 0 : i32
      %dma_start3A_461 = tpu.memref_slice %arg2[%dma_start3A_459, %dma_start3A_460] : memref<10000x128xf32, #tpu.memory_space<hbm>> -> memref<10000x128xf32, #tpu.memory_space<hbm>>
      tpu.enqueue_indirect_dma source(%dma_start3A_461 : memref<10000x128xf32, #tpu.memory_space<hbm>>) target(%dma_start3A_455 : memref<64x128xf32, #tpu.memory_space<vmem>>) offsets(%dma_start3A_458 : memref<64xi32, #tpu.memory_space<vmem>>) semaphore(%arg17 : memref<!tpu.dma_semaphore, #tpu.memory_space<semaphore_mem>>)
      %dma_wait3A_462 = arith.constant 0 : i32
      %dma_wait3A_463 = tpu.memref_slice %arg10[%add3A_383, %dma_wait3A_462] : memref<16x128xi32, #tpu.memory_space<vmem>> -> memref<1x128xi32, #tpu.memory_space<vmem>>
      %dma_wait3A_464 = tpu.memref_squeeze %dma_wait3A_463 : memref<1x128xi32, #tpu.memory_space<vmem>> -> memref<128xi32, #tpu.memory_space<vmem>>
      %dma_wait3A_465 = arith.constant 0 : i32
      %dma_wait3A_466 = arith.constant 0 : i32
      %dma_wait3A_467 = tpu.memref_slice %arg13[%dma_wait3A_465, %dma_wait3A_466] : memref<10240x128xf32, #tpu.memory_space<vmem_shared>> -> memref<10240x128xf32, #tpu.memory_space<vmem_shared>>
      tpu.wait_indirect_dma semaphore(%arg20 : memref<!tpu.dma_semaphore, #tpu.memory_space<semaphore_mem>>) src(%arg12 : memref<128x128xf32, #tpu.memory_space<vmem>>) dst(%dma_wait3A_467 : memref<10240x128xf32, #tpu.memory_space<vmem_shared>>)
      %add3A_468 = arith.constant 2 : i32
      %add3A_469 = arith.addi %add3A_383, %add3A_468 : i32
      %dma_start3A_470 = arith.constant 0 : i32
      %dma_start3A_471 = arith.constant 0 : i32
      %dma_start3A_472 = tpu.memref_slice %arg12[%dma_start3A_470, %dma_start3A_471] : memref<128x128xf32, #tpu.memory_space<vmem>> -> memref<64x128xf32, #tpu.memory_space<vmem>>
      %dma_start3A_473 = arith.constant 0 : i32
      %dma_start3A_474 = tpu.memref_slice %arg8[%add3A_469, %dma_start3A_473] : memref<24x128xi32, #tpu.memory_space<vmem>> -> memref<1x64xi32, #tpu.memory_space<vmem>>
      %dma_start3A_475 = tpu.memref_squeeze %dma_start3A_474 : memref<1x64xi32, #tpu.memory_space<vmem>> -> memref<64xi32, #tpu.memory_space<vmem>>
      %dma_start3A_476 = arith.constant 0 : i32
      %dma_start3A_477 = arith.constant 0 : i32
      %dma_start3A_478 = tpu.memref_slice %arg2[%dma_start3A_476, %dma_start3A_477] : memref<10000x128xf32, #tpu.memory_space<hbm>> -> memref<10000x128xf32, #tpu.memory_space<hbm>>
      tpu.enqueue_indirect_dma source(%dma_start3A_478 : memref<10000x128xf32, #tpu.memory_space<hbm>>) target(%dma_start3A_472 : memref<64x128xf32, #tpu.memory_space<vmem>>) offsets(%dma_start3A_475 : memref<64xi32, #tpu.memory_space<vmem>>) semaphore(%arg16 : memref<!tpu.dma_semaphore, #tpu.memory_space<semaphore_mem>>)
      %dma_start3A_479 = arith.constant 64 : i32
      %dma_start3A_480 = arith.constant 0 : i32
      %dma_start3A_481 = tpu.memref_slice %arg12[%dma_start3A_479, %dma_start3A_480] : memref<128x128xf32, #tpu.memory_space<vmem>> -> memref<64x128xf32, #tpu.memory_space<vmem>>
      %dma_start3A_482 = arith.constant 64 : i32
      %dma_start3A_483 = tpu.memref_slice %arg8[%add3A_469, %dma_start3A_482] : memref<24x128xi32, #tpu.memory_space<vmem>> -> memref<1x64xi32, #tpu.memory_space<vmem>>
      %dma_start3A_484 = tpu.memref_squeeze %dma_start3A_483 : memref<1x64xi32, #tpu.memory_space<vmem>> -> memref<64xi32, #tpu.memory_space<vmem>>
      %dma_start3A_485 = arith.constant 0 : i32
      %dma_start3A_486 = arith.constant 0 : i32
      %dma_start3A_487 = tpu.memref_slice %arg2[%dma_start3A_485, %dma_start3A_486] : memref<10000x128xf32, #tpu.memory_space<hbm>> -> memref<10000x128xf32, #tpu.memory_space<hbm>>
      tpu.enqueue_indirect_dma source(%dma_start3A_487 : memref<10000x128xf32, #tpu.memory_space<hbm>>) target(%dma_start3A_481 : memref<64x128xf32, #tpu.memory_space<vmem>>) offsets(%dma_start3A_484 : memref<64xi32, #tpu.memory_space<vmem>>) semaphore(%arg18 : memref<!tpu.dma_semaphore, #tpu.memory_space<semaphore_mem>>)
    }
    %scan3A_225 = arith.constant 4 : i32
    %dma_wait3A_226 = arith.constant 0 : i32
    %dma_wait3A_227 = arith.constant 0 : i32
    %dma_wait3A_228 = tpu.memref_slice %arg3[%dma_wait3A_226, %dma_wait3A_227] : memref<2568x128xi32, #tpu.memory_space<hbm>> -> memref<24x128xi32, #tpu.memory_space<hbm>>
    %dma_wait3A_229 = arith.constant 0 : i32
    %dma_wait3A_230 = arith.constant 0 : i32
    %dma_wait3A_231 = tpu.memref_slice %arg3[%dma_wait3A_229, %dma_wait3A_230] : memref<2568x128xi32, #tpu.memory_space<hbm>> -> memref<24x128xi32, #tpu.memory_space<hbm>>
    tpu.wait_dma2 semaphore(%arg14 : memref<!tpu.dma_semaphore, #tpu.memory_space<semaphore_mem>>) src(%dma_wait3A_231 : memref<24x128xi32, #tpu.memory_space<hbm>>) dst(%arg7 : memref<24x128xi32, #tpu.memory_space<vmem>>)
    %dma_wait3A_232 = arith.constant 0 : i32
    %dma_wait3A_233 = arith.constant 0 : i32
    %dma_wait3A_234 = tpu.memref_slice %arg4[%dma_wait3A_232, %dma_wait3A_233] : memref<2560x128xi32, #tpu.memory_space<hbm>> -> memref<16x128xi32, #tpu.memory_space<hbm>>
    %dma_wait3A_235 = arith.constant 0 : i32
    %dma_wait3A_236 = arith.constant 0 : i32
    %dma_wait3A_237 = tpu.memref_slice %arg4[%dma_wait3A_235, %dma_wait3A_236] : memref<2560x128xi32, #tpu.memory_space<hbm>> -> memref<16x128xi32, #tpu.memory_space<hbm>>
    tpu.wait_dma2 semaphore(%arg14 : memref<!tpu.dma_semaphore, #tpu.memory_space<semaphore_mem>>) src(%dma_wait3A_237 : memref<16x128xi32, #tpu.memory_space<hbm>>) dst(%arg9 : memref<16x128xi32, #tpu.memory_space<vmem>>)
    %scan3A_238 = arith.constant 0 : i32
    %scan3A_239 = arith.constant 4 : i32
    %scan3A_240 = arith.addi %scan3A_238, %scan3A_239 : i32
    %scan3A_241 = arith.constant 1 : i32
    scf.for %scan3A_379 = %scan3A_238 to %scan3A_240 step %scan3A_241  : i32 {
      %mul3A_380 = arith.constant 2 : i32
      %mul3A_381 = arith.muli %mul3A_380, %scan3A_379 : i32
      %add3A_382 = arith.constant 1 : i32
      %add3A_383 = arith.addi %mul3A_381, %add3A_382 : i32
      %dma_wait3A_384 = arith.constant 0 : i32
      %dma_wait3A_385 = arith.constant 0 : i32
      %dma_wait3A_386 = arith.constant 0 : i32
      %dma_wait3A_387 = tpu.memref_slice %arg11[%dma_wait3A_385, %dma_wait3A_386] : memref<128x128xf32, #tpu.memory_space<vmem>> -> memref<64x128xf32, #tpu.memory_space<vmem>>
      %dma_wait3A_388 = arith.constant 0 : i32
      %dma_wait3A_389 = tpu.memref_slice %arg7[%dma_wait3A_384, %dma_wait3A_388] : memref<24x128xi32, #tpu.memory_space<vmem>> -> memref<1x64xi32, #tpu.memory_space<vmem>>
      %dma_wait3A_390 = tpu.memref_squeeze %dma_wait3A_389 : memref<1x64xi32, #tpu.memory_space<vmem>> -> memref<64xi32, #tpu.memory_space<vmem>>
      %dma_wait3A_391 = arith.constant 0 : i32
      %dma_wait3A_392 = arith.constant 0 : i32
      %dma_wait3A_393 = tpu.memref_slice %arg2[%dma_wait3A_391, %dma_wait3A_392] : memref<10000x128xf32, #tpu.memory_space<hbm>> -> memref<10000x128xf32, #tpu.memory_space<hbm>>
      tpu.wait_indirect_dma semaphore(%arg15 : memref<!tpu.dma_semaphore, #tpu.memory_space<semaphore_mem>>) src(%dma_wait3A_393 : memref<10000x128xf32, #tpu.memory_space<hbm>>) dst(%dma_wait3A_387 : memref<64x128xf32, #tpu.memory_space<vmem>>)
      %dma_wait3A_394 = arith.constant 0 : i32
      %dma_wait3A_395 = arith.constant 64 : i32
      %dma_wait3A_396 = arith.constant 0 : i32
      %dma_wait3A_397 = tpu.memref_slice %arg11[%dma_wait3A_395, %dma_wait3A_396] : memref<128x128xf32, #tpu.memory_space<vmem>> -> memref<64x128xf32, #tpu.memory_space<vmem>>
      %dma_wait3A_398 = arith.constant 0 : i32
      %dma_wait3A_399 = tpu.memref_slice %arg7[%dma_wait3A_394, %dma_wait3A_398] : memref<24x128xi32, #tpu.memory_space<vmem>> -> memref<1x64xi32, #tpu.memory_space<vmem>>
      %dma_wait3A_400 = tpu.memref_squeeze %dma_wait3A_399 : memref<1x64xi32, #tpu.memory_space<vmem>> -> memref<64xi32, #tpu.memory_space<vmem>>
      %dma_wait3A_401 = arith.constant 0 : i32
      %dma_wait3A_402 = arith.constant 0 : i32
      %dma_wait3A_403 = tpu.memref_slice %arg2[%dma_wait3A_401, %dma_wait3A_402] : memref<10000x128xf32, #tpu.memory_space<hbm>> -> memref<10000x128xf32, #tpu.memory_space<hbm>>
      tpu.wait_indirect_dma semaphore(%arg17 : memref<!tpu.dma_semaphore, #tpu.memory_space<semaphore_mem>>) src(%dma_wait3A_403 : memref<10000x128xf32, #tpu.memory_space<hbm>>) dst(%dma_wait3A_397 : memref<64x128xf32, #tpu.memory_space<vmem>>)
      %dma_start3A_404 = arith.constant 0 : i32
      %dma_start3A_405 = tpu.memref_slice %arg9[%mul3A_381, %dma_start3A_404] : memref<16x128xi32, #tpu.memory_space<vmem>> -> memref<1x128xi32, #tpu.memory_space<vmem>>
      %dma_start3A_406 = tpu.memref_squeeze %dma_start3A_405 : memref<1x128xi32, #tpu.memory_space<vmem>> -> memref<128xi32, #tpu.memory_space<vmem>>
      %dma_start3A_407 = arith.constant 0 : i32
      %dma_start3A_408 = arith.constant 0 : i32
      %dma_start3A_409 = tpu.memref_slice %arg13[%dma_start3A_407, %dma_start3A_408] : memref<10240x128xf32, #tpu.memory_space<vmem_shared>> -> memref<10240x128xf32, #tpu.memory_space<vmem_shared>>
      tpu.enqueue_indirect_dma source(%arg11 : memref<128x128xf32, #tpu.memory_space<vmem>>) target(%dma_start3A_409 : memref<10240x128xf32, #tpu.memory_space<vmem_shared>>) offsets(%dma_start3A_406 : memref<128xi32, #tpu.memory_space<vmem>>) semaphore(%arg19 : memref<!tpu.dma_semaphore, #tpu.memory_space<semaphore_mem>>) {add = true}
      %dma_wait3A_410 = arith.constant 0 : i32
      %dma_wait3A_411 = arith.constant 0 : i32
      %dma_wait3A_412 = arith.constant 0 : i32
      %dma_wait3A_413 = tpu.memref_slice %arg12[%dma_wait3A_411, %dma_wait3A_412] : memref<128x128xf32, #tpu.memory_space<vmem>> -> memref<64x128xf32, #tpu.memory_space<vmem>>
      %dma_wait3A_414 = arith.constant 0 : i32
      %dma_wait3A_415 = tpu.memref_slice %arg7[%dma_wait3A_410, %dma_wait3A_414] : memref<24x128xi32, #tpu.memory_space<vmem>> -> memref<1x64xi32, #tpu.memory_space<vmem>>
      %dma_wait3A_416 = tpu.memref_squeeze %dma_wait3A_415 : memref<1x64xi32, #tpu.memory_space<vmem>> -> memref<64xi32, #tpu.memory_space<vmem>>
      %dma_wait3A_417 = arith.constant 0 : i32
      %dma_wait3A_418 = arith.constant 0 : i32
      %dma_wait3A_419 = tpu.memref_slice %arg2[%dma_wait3A_417, %dma_wait3A_418] : memref<10000x128xf32, #tpu.memory_space<hbm>> -> memref<10000x128xf32, #tpu.memory_space<hbm>>
      tpu.wait_indirect_dma semaphore(%arg16 : memref<!tpu.dma_semaphore, #tpu.memory_space<semaphore_mem>>) src(%dma_wait3A_419 : memref<10000x128xf32, #tpu.memory_space<hbm>>) dst(%dma_wait3A_413 : memref<64x128xf32, #tpu.memory_space<vmem>>)
      %dma_wait3A_420 = arith.constant 0 : i32
      %dma_wait3A_421 = arith.constant 64 : i32
      %dma_wait3A_422 = arith.constant 0 : i32
      %dma_wait3A_423 = tpu.memref_slice %arg12[%dma_wait3A_421, %dma_wait3A_422] : memref<128x128xf32, #tpu.memory_space<vmem>> -> memref<64x128xf32, #tpu.memory_space<vmem>>
      %dma_wait3A_424 = arith.constant 0 : i32
      %dma_wait3A_425 = tpu.memref_slice %arg7[%dma_wait3A_420, %dma_wait3A_424] : memref<24x128xi32, #tpu.memory_space<vmem>> -> memref<1x64xi32, #tpu.memory_space<vmem>>
      %dma_wait3A_426 = tpu.memref_squeeze %dma_wait3A_425 : memref<1x64xi32, #tpu.memory_space<vmem>> -> memref<64xi32, #tpu.memory_space<vmem>>
      %dma_wait3A_427 = arith.constant 0 : i32
      %dma_wait3A_428 = arith.constant 0 : i32
      %dma_wait3A_429 = tpu.memref_slice %arg2[%dma_wait3A_427, %dma_wait3A_428] : memref<10000x128xf32, #tpu.memory_space<hbm>> -> memref<10000x128xf32, #tpu.memory_space<hbm>>
      tpu.wait_indirect_dma semaphore(%arg18 : memref<!tpu.dma_semaphore, #tpu.memory_space<semaphore_mem>>) src(%dma_wait3A_429 : memref<10000x128xf32, #tpu.memory_space<hbm>>) dst(%dma_wait3A_423 : memref<64x128xf32, #tpu.memory_space<vmem>>)
      %dma_start3A_430 = arith.constant 0 : i32
      %dma_start3A_431 = tpu.memref_slice %arg9[%add3A_383, %dma_start3A_430] : memref<16x128xi32, #tpu.memory_space<vmem>> -> memref<1x128xi32, #tpu.memory_space<vmem>>
      %dma_start3A_432 = tpu.memref_squeeze %dma_start3A_431 : memref<1x128xi32, #tpu.memory_space<vmem>> -> memref<128xi32, #tpu.memory_space<vmem>>
      %dma_start3A_433 = arith.constant 0 : i32
      %dma_start3A_434 = arith.constant 0 : i32
      %dma_start3A_435 = tpu.memref_slice %arg13[%dma_start3A_433, %dma_start3A_434] : memref<10240x128xf32, #tpu.memory_space<vmem_shared>> -> memref<10240x128xf32, #tpu.memory_space<vmem_shared>>
      tpu.enqueue_indirect_dma source(%arg12 : memref<128x128xf32, #tpu.memory_space<vmem>>) target(%dma_start3A_435 : memref<10240x128xf32, #tpu.memory_space<vmem_shared>>) offsets(%dma_start3A_432 : memref<128xi32, #tpu.memory_space<vmem>>) semaphore(%arg20 : memref<!tpu.dma_semaphore, #tpu.memory_space<semaphore_mem>>) {add = true}
      %dma_wait3A_436 = arith.constant 0 : i32
      %dma_wait3A_437 = tpu.memref_slice %arg9[%mul3A_381, %dma_wait3A_436] : memref<16x128xi32, #tpu.memory_space<vmem>> -> memref<1x128xi32, #tpu.memory_space<vmem>>
      %dma_wait3A_438 = tpu.memref_squeeze %dma_wait3A_437 : memref<1x128xi32, #tpu.memory_space<vmem>> -> memref<128xi32, #tpu.memory_space<vmem>>
      %dma_wait3A_439 = arith.constant 0 : i32
      %dma_wait3A_440 = arith.constant 0 : i32
      %dma_wait3A_441 = tpu.memref_slice %arg13[%dma_wait3A_439, %dma_wait3A_440] : memref<10240x128xf32, #tpu.memory_space<vmem_shared>> -> memref<10240x128xf32, #tpu.memory_space<vmem_shared>>
      tpu.wait_indirect_dma semaphore(%arg19 : memref<!tpu.dma_semaphore, #tpu.memory_space<semaphore_mem>>) src(%arg11 : memref<128x128xf32, #tpu.memory_space<vmem>>) dst(%dma_wait3A_441 : memref<10240x128xf32, #tpu.memory_space<vmem_shared>>)
      %add3A_442 = arith.constant 2 : i32
      %add3A_443 = arith.addi %mul3A_381, %add3A_442 : i32
      %dma_start3A_444 = arith.constant 0 : i32
      %dma_start3A_445 = arith.constant 0 : i32
      %dma_start3A_446 = tpu.memref_slice %arg11[%dma_start3A_444, %dma_start3A_445] : memref<128x128xf32, #tpu.memory_space<vmem>> -> memref<64x128xf32, #tpu.memory_space<vmem>>
      %dma_start3A_447 = arith.constant 0 : i32
      %dma_start3A_448 = tpu.memref_slice %arg7[%add3A_443, %dma_start3A_447] : memref<24x128xi32, #tpu.memory_space<vmem>> -> memref<1x64xi32, #tpu.memory_space<vmem>>
      %dma_start3A_449 = tpu.memref_squeeze %dma_start3A_448 : memref<1x64xi32, #tpu.memory_space<vmem>> -> memref<64xi32, #tpu.memory_space<vmem>>
      %dma_start3A_450 = arith.constant 0 : i32
      %dma_start3A_451 = arith.constant 0 : i32
      %dma_start3A_452 = tpu.memref_slice %arg2[%dma_start3A_450, %dma_start3A_451] : memref<10000x128xf32, #tpu.memory_space<hbm>> -> memref<10000x128xf32, #tpu.memory_space<hbm>>
      tpu.enqueue_indirect_dma source(%dma_start3A_452 : memref<10000x128xf32, #tpu.memory_space<hbm>>) target(%dma_start3A_446 : memref<64x128xf32, #tpu.memory_space<vmem>>) offsets(%dma_start3A_449 : memref<64xi32, #tpu.memory_space<vmem>>) semaphore(%arg15 : memref<!tpu.dma_semaphore, #tpu.memory_space<semaphore_mem>>)
      %dma_start3A_453 = arith.constant 64 : i32
      %dma_start3A_454 = arith.constant 0 : i32
      %dma_start3A_455 = tpu.memref_slice %arg11[%dma_start3A_453, %dma_start3A_454] : memref<128x128xf32, #tpu.memory_space<vmem>> -> memref<64x128xf32, #tpu.memory_space<vmem>>
      %dma_start3A_456 = arith.constant 64 : i32
      %dma_start3A_457 = tpu.memref_slice %arg7[%add3A_443, %dma_start3A_456] : memref<24x128xi32, #tpu.memory_space<vmem>> -> memref<1x64xi32, #tpu.memory_space<vmem>>
      %dma_start3A_458 = tpu.memref_squeeze %dma_start3A_457 : memref<1x64xi32, #tpu.memory_space<vmem>> -> memref<64xi32, #tpu.memory_space<vmem>>
      %dma_start3A_459 = arith.constant 0 : i32
      %dma_start3A_460 = arith.constant 0 : i32
      %dma_start3A_461 = tpu.memref_slice %arg2[%dma_start3A_459, %dma_start3A_460] : memref<10000x128xf32, #tpu.memory_space<hbm>> -> memref<10000x128xf32, #tpu.memory_space<hbm>>
      tpu.enqueue_indirect_dma source(%dma_start3A_461 : memref<10000x128xf32, #tpu.memory_space<hbm>>) target(%dma_start3A_455 : memref<64x128xf32, #tpu.memory_space<vmem>>) offsets(%dma_start3A_458 : memref<64xi32, #tpu.memory_space<vmem>>) semaphore(%arg17 : memref<!tpu.dma_semaphore, #tpu.memory_space<semaphore_mem>>)
      %dma_wait3A_462 = arith.constant 0 : i32
      %dma_wait3A_463 = tpu.memref_slice %arg9[%add3A_383, %dma_wait3A_462] : memref<16x128xi32, #tpu.memory_space<vmem>> -> memref<1x128xi32, #tpu.memory_space<vmem>>
      %dma_wait3A_464 = tpu.memref_squeeze %dma_wait3A_463 : memref<1x128xi32, #tpu.memory_space<vmem>> -> memref<128xi32, #tpu.memory_space<vmem>>
      %dma_wait3A_465 = arith.constant 0 : i32
      %dma_wait3A_466 = arith.constant 0 : i32
      %dma_wait3A_467 = tpu.memref_slice %arg13[%dma_wait3A_465, %dma_wait3A_466] : memref<10240x128xf32, #tpu.memory_space<vmem_shared>> -> memref<10240x128xf32, #tpu.memory_space<vmem_shared>>
      tpu.wait_indirect_dma semaphore(%arg20 : memref<!tpu.dma_semaphore, #tpu.memory_space<semaphore_mem>>) src(%arg12 : memref<128x128xf32, #tpu.memory_space<vmem>>) dst(%dma_wait3A_467 : memref<10240x128xf32, #tpu.memory_space<vmem_shared>>)
      %add3A_468 = arith.constant 2 : i32
      %add3A_469 = arith.addi %add3A_383, %add3A_468 : i32
      %dma_start3A_470 = arith.constant 0 : i32
      %dma_start3A_471 = arith.constant 0 : i32
      %dma_start3A_472 = tpu.memref_slice %arg12[%dma_start3A_470, %dma_start3A_471] : memref<128x128xf32, #tpu.memory_space<vmem>> -> memref<64x128xf32, #tpu.memory_space<vmem>>
      %dma_start3A_473 = arith.constant 0 : i32
      %dma_start3A_474 = tpu.memref_slice %arg7[%add3A_469, %dma_start3A_473] : memref<24x128xi32, #tpu.memory_space<vmem>> -> memref<1x64xi32, #tpu.memory_space<vmem>>
      %dma_start3A_475 = tpu.memref_squeeze %dma_start3A_474 : memref<1x64xi32, #tpu.memory_space<vmem>> -> memref<64xi32, #tpu.memory_space<vmem>>
      %dma_start3A_476 = arith.constant 0 : i32
      %dma_start3A_477 = arith.constant 0 : i32
      %dma_start3A_478 = tpu.memref_slice %arg2[%dma_start3A_476, %dma_start3A_477] : memref<10000x128xf32, #tpu.memory_space<hbm>> -> memref<10000x128xf32, #tpu.memory_space<hbm>>
      tpu.enqueue_indirect_dma source(%dma_start3A_478 : memref<10000x128xf32, #tpu.memory_space<hbm>>) target(%dma_start3A_472 : memref<64x128xf32, #tpu.memory_space<vmem>>) offsets(%dma_start3A_475 : memref<64xi32, #tpu.memory_space<vmem>>) semaphore(%arg16 : memref<!tpu.dma_semaphore, #tpu.memory_space<semaphore_mem>>)
      %dma_start3A_479 = arith.constant 64 : i32
      %dma_start3A_480 = arith.constant 0 : i32
      %dma_start3A_481 = tpu.memref_slice %arg12[%dma_start3A_479, %dma_start3A_480] : memref<128x128xf32, #tpu.memory_space<vmem>> -> memref<64x128xf32, #tpu.memory_space<vmem>>
      %dma_start3A_482 = arith.constant 64 : i32
      %dma_start3A_483 = tpu.memref_slice %arg7[%add3A_469, %dma_start3A_482] : memref<24x128xi32, #tpu.memory_space<vmem>> -> memref<1x64xi32, #tpu.memory_space<vmem>>
      %dma_start3A_484 = tpu.memref_squeeze %dma_start3A_483 : memref<1x64xi32, #tpu.memory_space<vmem>> -> memref<64xi32, #tpu.memory_space<vmem>>
      %dma_start3A_485 = arith.constant 0 : i32
      %dma_start3A_486 = arith.constant 0 : i32
      %dma_start3A_487 = tpu.memref_slice %arg2[%dma_start3A_485, %dma_start3A_486] : memref<10000x128xf32, #tpu.memory_space<hbm>> -> memref<10000x128xf32, #tpu.memory_space<hbm>>
      tpu.enqueue_indirect_dma source(%dma_start3A_487 : memref<10000x128xf32, #tpu.memory_space<hbm>>) target(%dma_start3A_481 : memref<64x128xf32, #tpu.memory_space<vmem>>) offsets(%dma_start3A_484 : memref<64xi32, #tpu.memory_space<vmem>>) semaphore(%arg18 : memref<!tpu.dma_semaphore, #tpu.memory_space<semaphore_mem>>)
    }
    %scan3A_242 = arith.constant 4 : i32
    %scan3A_243 = arith.constant 4 : i32
    %scan3A_244 = arith.constant 4 : i32
    %scan3A_245 = arith.addi %scan3A_243, %scan3A_244 : i32
    %scan3A_246 = arith.constant 1 : i32
    scf.for %scan3A_379 = %scan3A_243 to %scan3A_245 step %scan3A_246  : i32 {
      %mul3A_380 = arith.constant 2 : i32
      %mul3A_381 = arith.muli %mul3A_380, %scan3A_379 : i32
      %add3A_382 = arith.constant 1 : i32
      %add3A_383 = arith.addi %mul3A_381, %add3A_382 : i32
      %dma_wait3A_384 = arith.constant 0 : i32
      %dma_wait3A_385 = arith.constant 0 : i32
      %dma_wait3A_386 = arith.constant 0 : i32
      %dma_wait3A_387 = tpu.memref_slice %arg11[%dma_wait3A_385, %dma_wait3A_386] : memref<128x128xf32, #tpu.memory_space<vmem>> -> memref<64x128xf32, #tpu.memory_space<vmem>>
      %dma_wait3A_388 = arith.constant 0 : i32
      %dma_wait3A_389 = tpu.memref_slice %arg7[%dma_wait3A_384, %dma_wait3A_388] : memref<24x128xi32, #tpu.memory_space<vmem>> -> memref<1x64xi32, #tpu.memory_space<vmem>>
      %dma_wait3A_390 = tpu.memref_squeeze %dma_wait3A_389 : memref<1x64xi32, #tpu.memory_space<vmem>> -> memref<64xi32, #tpu.memory_space<vmem>>
      %dma_wait3A_391 = arith.constant 0 : i32
      %dma_wait3A_392 = arith.constant 0 : i32
      %dma_wait3A_393 = tpu.memref_slice %arg2[%dma_wait3A_391, %dma_wait3A_392] : memref<10000x128xf32, #tpu.memory_space<hbm>> -> memref<10000x128xf32, #tpu.memory_space<hbm>>
      tpu.wait_indirect_dma semaphore(%arg15 : memref<!tpu.dma_semaphore, #tpu.memory_space<semaphore_mem>>) src(%dma_wait3A_393 : memref<10000x128xf32, #tpu.memory_space<hbm>>) dst(%dma_wait3A_387 : memref<64x128xf32, #tpu.memory_space<vmem>>)
      %dma_wait3A_394 = arith.constant 0 : i32
      %dma_wait3A_395 = arith.constant 64 : i32
      %dma_wait3A_396 = arith.constant 0 : i32
      %dma_wait3A_397 = tpu.memref_slice %arg11[%dma_wait3A_395, %dma_wait3A_396] : memref<128x128xf32, #tpu.memory_space<vmem>> -> memref<64x128xf32, #tpu.memory_space<vmem>>
      %dma_wait3A_398 = arith.constant 0 : i32
      %dma_wait3A_399 = tpu.memref_slice %arg7[%dma_wait3A_394, %dma_wait3A_398] : memref<24x128xi32, #tpu.memory_space<vmem>> -> memref<1x64xi32, #tpu.memory_space<vmem>>
      %dma_wait3A_400 = tpu.memref_squeeze %dma_wait3A_399 : memref<1x64xi32, #tpu.memory_space<vmem>> -> memref<64xi32, #tpu.memory_space<vmem>>
      %dma_wait3A_401 = arith.constant 0 : i32
      %dma_wait3A_402 = arith.constant 0 : i32
      %dma_wait3A_403 = tpu.memref_slice %arg2[%dma_wait3A_401, %dma_wait3A_402] : memref<10000x128xf32, #tpu.memory_space<hbm>> -> memref<10000x128xf32, #tpu.memory_space<hbm>>
      tpu.wait_indirect_dma semaphore(%arg17 : memref<!tpu.dma_semaphore, #tpu.memory_space<semaphore_mem>>) src(%dma_wait3A_403 : memref<10000x128xf32, #tpu.memory_space<hbm>>) dst(%dma_wait3A_397 : memref<64x128xf32, #tpu.memory_space<vmem>>)
      %dma_start3A_404 = arith.constant 0 : i32
      %dma_start3A_405 = tpu.memref_slice %arg9[%mul3A_381, %dma_start3A_404] : memref<16x128xi32, #tpu.memory_space<vmem>> -> memref<1x128xi32, #tpu.memory_space<vmem>>
      %dma_start3A_406 = tpu.memref_squeeze %dma_start3A_405 : memref<1x128xi32, #tpu.memory_space<vmem>> -> memref<128xi32, #tpu.memory_space<vmem>>
      %dma_start3A_407 = arith.constant 0 : i32
      %dma_start3A_408 = arith.constant 0 : i32
      %dma_start3A_409 = tpu.memref_slice %arg13[%dma_start3A_407, %dma_start3A_408] : memref<10240x128xf32, #tpu.memory_space<vmem_shared>> -> memref<10240x128xf32, #tpu.memory_space<vmem_shared>>
      tpu.enqueue_indirect_dma source(%arg11 : memref<128x128xf32, #tpu.memory_space<vmem>>) target(%dma_start3A_409 : memref<10240x128xf32, #tpu.memory_space<vmem_shared>>) offsets(%dma_start3A_406 : memref<128xi32, #tpu.memory_space<vmem>>) semaphore(%arg19 : memref<!tpu.dma_semaphore, #tpu.memory_space<semaphore_mem>>) {add = true}
      %dma_wait3A_410 = arith.constant 0 : i32
      %dma_wait3A_411 = arith.constant 0 : i32
      %dma_wait3A_412 = arith.constant 0 : i32
      %dma_wait3A_413 = tpu.memref_slice %arg12[%dma_wait3A_411, %dma_wait3A_412] : memref<128x128xf32, #tpu.memory_space<vmem>> -> memref<64x128xf32, #tpu.memory_space<vmem>>
      %dma_wait3A_414 = arith.constant 0 : i32
      %dma_wait3A_415 = tpu.memref_slice %arg7[%dma_wait3A_410, %dma_wait3A_414] : memref<24x128xi32, #tpu.memory_space<vmem>> -> memref<1x64xi32, #tpu.memory_space<vmem>>
      %dma_wait3A_416 = tpu.memref_squeeze %dma_wait3A_415 : memref<1x64xi32, #tpu.memory_space<vmem>> -> memref<64xi32, #tpu.memory_space<vmem>>
      %dma_wait3A_417 = arith.constant 0 : i32
      %dma_wait3A_418 = arith.constant 0 : i32
      %dma_wait3A_419 = tpu.memref_slice %arg2[%dma_wait3A_417, %dma_wait3A_418] : memref<10000x128xf32, #tpu.memory_space<hbm>> -> memref<10000x128xf32, #tpu.memory_space<hbm>>
      tpu.wait_indirect_dma semaphore(%arg16 : memref<!tpu.dma_semaphore, #tpu.memory_space<semaphore_mem>>) src(%dma_wait3A_419 : memref<10000x128xf32, #tpu.memory_space<hbm>>) dst(%dma_wait3A_413 : memref<64x128xf32, #tpu.memory_space<vmem>>)
      %dma_wait3A_420 = arith.constant 0 : i32
      %dma_wait3A_421 = arith.constant 64 : i32
      %dma_wait3A_422 = arith.constant 0 : i32
      %dma_wait3A_423 = tpu.memref_slice %arg12[%dma_wait3A_421, %dma_wait3A_422] : memref<128x128xf32, #tpu.memory_space<vmem>> -> memref<64x128xf32, #tpu.memory_space<vmem>>
      %dma_wait3A_424 = arith.constant 0 : i32
      %dma_wait3A_425 = tpu.memref_slice %arg7[%dma_wait3A_420, %dma_wait3A_424] : memref<24x128xi32, #tpu.memory_space<vmem>> -> memref<1x64xi32, #tpu.memory_space<vmem>>
      %dma_wait3A_426 = tpu.memref_squeeze %dma_wait3A_425 : memref<1x64xi32, #tpu.memory_space<vmem>> -> memref<64xi32, #tpu.memory_space<vmem>>
      %dma_wait3A_427 = arith.constant 0 : i32
      %dma_wait3A_428 = arith.constant 0 : i32
      %dma_wait3A_429 = tpu.memref_slice %arg2[%dma_wait3A_427, %dma_wait3A_428] : memref<10000x128xf32, #tpu.memory_space<hbm>> -> memref<10000x128xf32, #tpu.memory_space<hbm>>
      tpu.wait_indirect_dma semaphore(%arg18 : memref<!tpu.dma_semaphore, #tpu.memory_space<semaphore_mem>>) src(%dma_wait3A_429 : memref<10000x128xf32, #tpu.memory_space<hbm>>) dst(%dma_wait3A_423 : memref<64x128xf32, #tpu.memory_space<vmem>>)
      %dma_start3A_430 = arith.constant 0 : i32
      %dma_start3A_431 = tpu.memref_slice %arg9[%add3A_383, %dma_start3A_430] : memref<16x128xi32, #tpu.memory_space<vmem>> -> memref<1x128xi32, #tpu.memory_space<vmem>>
      %dma_start3A_432 = tpu.memref_squeeze %dma_start3A_431 : memref<1x128xi32, #tpu.memory_space<vmem>> -> memref<128xi32, #tpu.memory_space<vmem>>
      %dma_start3A_433 = arith.constant 0 : i32
      %dma_start3A_434 = arith.constant 0 : i32
      %dma_start3A_435 = tpu.memref_slice %arg13[%dma_start3A_433, %dma_start3A_434] : memref<10240x128xf32, #tpu.memory_space<vmem_shared>> -> memref<10240x128xf32, #tpu.memory_space<vmem_shared>>
      tpu.enqueue_indirect_dma source(%arg12 : memref<128x128xf32, #tpu.memory_space<vmem>>) target(%dma_start3A_435 : memref<10240x128xf32, #tpu.memory_space<vmem_shared>>) offsets(%dma_start3A_432 : memref<128xi32, #tpu.memory_space<vmem>>) semaphore(%arg20 : memref<!tpu.dma_semaphore, #tpu.memory_space<semaphore_mem>>) {add = true}
      %dma_wait3A_436 = arith.constant 0 : i32
      %dma_wait3A_437 = tpu.memref_slice %arg9[%mul3A_381, %dma_wait3A_436] : memref<16x128xi32, #tpu.memory_space<vmem>> -> memref<1x128xi32, #tpu.memory_space<vmem>>
      %dma_wait3A_438 = tpu.memref_squeeze %dma_wait3A_437 : memref<1x128xi32, #tpu.memory_space<vmem>> -> memref<128xi32, #tpu.memory_space<vmem>>
      %dma_wait3A_439 = arith.constant 0 : i32
      %dma_wait3A_440 = arith.constant 0 : i32
      %dma_wait3A_441 = tpu.memref_slice %arg13[%dma_wait3A_439, %dma_wait3A_440] : memref<10240x128xf32, #tpu.memory_space<vmem_shared>> -> memref<10240x128xf32, #tpu.memory_space<vmem_shared>>
      tpu.wait_indirect_dma semaphore(%arg19 : memref<!tpu.dma_semaphore, #tpu.memory_space<semaphore_mem>>) src(%arg11 : memref<128x128xf32, #tpu.memory_space<vmem>>) dst(%dma_wait3A_441 : memref<10240x128xf32, #tpu.memory_space<vmem_shared>>)
      %add3A_442 = arith.constant 2 : i32
      %add3A_443 = arith.addi %mul3A_381, %add3A_442 : i32
      %dma_start3A_444 = arith.constant 0 : i32
      %dma_start3A_445 = arith.constant 0 : i32
      %dma_start3A_446 = tpu.memref_slice %arg11[%dma_start3A_444, %dma_start3A_445] : memref<128x128xf32, #tpu.memory_space<vmem>> -> memref<64x128xf32, #tpu.memory_space<vmem>>
      %dma_start3A_447 = arith.constant 0 : i32
      %dma_start3A_448 = tpu.memref_slice %arg7[%add3A_443, %dma_start3A_447] : memref<24x128xi32, #tpu.memory_space<vmem>> -> memref<1x64xi32, #tpu.memory_space<vmem>>
      %dma_start3A_449 = tpu.memref_squeeze %dma_start3A_448 : memref<1x64xi32, #tpu.memory_space<vmem>> -> memref<64xi32, #tpu.memory_space<vmem>>
      %dma_start3A_450 = arith.constant 0 : i32
      %dma_start3A_451 = arith.constant 0 : i32
      %dma_start3A_452 = tpu.memref_slice %arg2[%dma_start3A_450, %dma_start3A_451] : memref<10000x128xf32, #tpu.memory_space<hbm>> -> memref<10000x128xf32, #tpu.memory_space<hbm>>
      tpu.enqueue_indirect_dma source(%dma_start3A_452 : memref<10000x128xf32, #tpu.memory_space<hbm>>) target(%dma_start3A_446 : memref<64x128xf32, #tpu.memory_space<vmem>>) offsets(%dma_start3A_449 : memref<64xi32, #tpu.memory_space<vmem>>) semaphore(%arg15 : memref<!tpu.dma_semaphore, #tpu.memory_space<semaphore_mem>>)
      %dma_start3A_453 = arith.constant 64 : i32
      %dma_start3A_454 = arith.constant 0 : i32
      %dma_start3A_455 = tpu.memref_slice %arg11[%dma_start3A_453, %dma_start3A_454] : memref<128x128xf32, #tpu.memory_space<vmem>> -> memref<64x128xf32, #tpu.memory_space<vmem>>
      %dma_start3A_456 = arith.constant 64 : i32
      %dma_start3A_457 = tpu.memref_slice %arg7[%add3A_443, %dma_start3A_456] : memref<24x128xi32, #tpu.memory_space<vmem>> -> memref<1x64xi32, #tpu.memory_space<vmem>>
      %dma_start3A_458 = tpu.memref_squeeze %dma_start3A_457 : memref<1x64xi32, #tpu.memory_space<vmem>> -> memref<64xi32, #tpu.memory_space<vmem>>
      %dma_start3A_459 = arith.constant 0 : i32
      %dma_start3A_460 = arith.constant 0 : i32
      %dma_start3A_461 = tpu.memref_slice %arg2[%dma_start3A_459, %dma_start3A_460] : memref<10000x128xf32, #tpu.memory_space<hbm>> -> memref<10000x128xf32, #tpu.memory_space<hbm>>
      tpu.enqueue_indirect_dma source(%dma_start3A_461 : memref<10000x128xf32, #tpu.memory_space<hbm>>) target(%dma_start3A_455 : memref<64x128xf32, #tpu.memory_space<vmem>>) offsets(%dma_start3A_458 : memref<64xi32, #tpu.memory_space<vmem>>) semaphore(%arg17 : memref<!tpu.dma_semaphore, #tpu.memory_space<semaphore_mem>>)
      %dma_wait3A_462 = arith.constant 0 : i32
      %dma_wait3A_463 = tpu.memref_slice %arg9[%add3A_383, %dma_wait3A_462] : memref<16x128xi32, #tpu.memory_space<vmem>> -> memref<1x128xi32, #tpu.memory_space<vmem>>
      %dma_wait3A_464 = tpu.memref_squeeze %dma_wait3A_463 : memref<1x128xi32, #tpu.memory_space<vmem>> -> memref<128xi32, #tpu.memory_space<vmem>>
      %dma_wait3A_465 = arith.constant 0 : i32
      %dma_wait3A_466 = arith.constant 0 : i32
      %dma_wait3A_467 = tpu.memref_slice %arg13[%dma_wait3A_465, %dma_wait3A_466] : memref<10240x128xf32, #tpu.memory_space<vmem_shared>> -> memref<10240x128xf32, #tpu.memory_space<vmem_shared>>
      tpu.wait_indirect_dma semaphore(%arg20 : memref<!tpu.dma_semaphore, #tpu.memory_space<semaphore_mem>>) src(%arg12 : memref<128x128xf32, #tpu.memory_space<vmem>>) dst(%dma_wait3A_467 : memref<10240x128xf32, #tpu.memory_space<vmem_shared>>)
      %add3A_468 = arith.constant 2 : i32
      %add3A_469 = arith.addi %add3A_383, %add3A_468 : i32
      %dma_start3A_470 = arith.constant 0 : i32
      %dma_start3A_471 = arith.constant 0 : i32
      %dma_start3A_472 = tpu.memref_slice %arg12[%dma_start3A_470, %dma_start3A_471] : memref<128x128xf32, #tpu.memory_space<vmem>> -> memref<64x128xf32, #tpu.memory_space<vmem>>
      %dma_start3A_473 = arith.constant 0 : i32
      %dma_start3A_474 = tpu.memref_slice %arg7[%add3A_469, %dma_start3A_473] : memref<24x128xi32, #tpu.memory_space<vmem>> -> memref<1x64xi32, #tpu.memory_space<vmem>>
      %dma_start3A_475 = tpu.memref_squeeze %dma_start3A_474 : memref<1x64xi32, #tpu.memory_space<vmem>> -> memref<64xi32, #tpu.memory_space<vmem>>
      %dma_start3A_476 = arith.constant 0 : i32
      %dma_start3A_477 = arith.constant 0 : i32
      %dma_start3A_478 = tpu.memref_slice %arg2[%dma_start3A_476, %dma_start3A_477] : memref<10000x128xf32, #tpu.memory_space<hbm>> -> memref<10000x128xf32, #tpu.memory_space<hbm>>
      tpu.enqueue_indirect_dma source(%dma_start3A_478 : memref<10000x128xf32, #tpu.memory_space<hbm>>) target(%dma_start3A_472 : memref<64x128xf32, #tpu.memory_space<vmem>>) offsets(%dma_start3A_475 : memref<64xi32, #tpu.memory_space<vmem>>) semaphore(%arg16 : memref<!tpu.dma_semaphore, #tpu.memory_space<semaphore_mem>>)
      %dma_start3A_479 = arith.constant 64 : i32
      %dma_start3A_480 = arith.constant 0 : i32
      %dma_start3A_481 = tpu.memref_slice %arg12[%dma_start3A_479, %dma_start3A_480] : memref<128x128xf32, #tpu.memory_space<vmem>> -> memref<64x128xf32, #tpu.memory_space<vmem>>
      %dma_start3A_482 = arith.constant 64 : i32
      %dma_start3A_483 = tpu.memref_slice %arg7[%add3A_469, %dma_start3A_482] : memref<24x128xi32, #tpu.memory_space<vmem>> -> memref<1x64xi32, #tpu.memory_space<vmem>>
      %dma_start3A_484 = tpu.memref_squeeze %dma_start3A_483 : memref<1x64xi32, #tpu.memory_space<vmem>> -> memref<64xi32, #tpu.memory_space<vmem>>
      %dma_start3A_485 = arith.constant 0 : i32
      %dma_start3A_486 = arith.constant 0 : i32
      %dma_start3A_487 = tpu.memref_slice %arg2[%dma_start3A_485, %dma_start3A_486] : memref<10000x128xf32, #tpu.memory_space<hbm>> -> memref<10000x128xf32, #tpu.memory_space<hbm>>
      tpu.enqueue_indirect_dma source(%dma_start3A_487 : memref<10000x128xf32, #tpu.memory_space<hbm>>) target(%dma_start3A_481 : memref<64x128xf32, #tpu.memory_space<vmem>>) offsets(%dma_start3A_484 : memref<64xi32, #tpu.memory_space<vmem>>) semaphore(%arg18 : memref<!tpu.dma_semaphore, #tpu.memory_space<semaphore_mem>>)
    }
    %scan3A_247 = arith.constant 4 : i32
    %dma_wait3A_248 = arith.constant 0 : i32
    %dma_wait3A_249 = arith.constant 0 : i32
    %dma_wait3A_250 = arith.constant 0 : i32
    %dma_wait3A_251 = tpu.memref_slice %arg11[%dma_wait3A_249, %dma_wait3A_250] : memref<128x128xf32, #tpu.memory_space<vmem>> -> memref<64x128xf32, #tpu.memory_space<vmem>>
    %dma_wait3A_252 = arith.constant 0 : i32
    %dma_wait3A_253 = tpu.memref_slice %arg7[%dma_wait3A_248, %dma_wait3A_252] : memref<24x128xi32, #tpu.memory_space<vmem>> -> memref<1x64xi32, #tpu.memory_space<vmem>>
    %dma_wait3A_254 = tpu.memref_squeeze %dma_wait3A_253 : memref<1x64xi32, #tpu.memory_space<vmem>> -> memref<64xi32, #tpu.memory_space<vmem>>
    %dma_wait3A_255 = arith.constant 0 : i32
    %dma_wait3A_256 = arith.constant 0 : i32
    %dma_wait3A_257 = tpu.memref_slice %arg2[%dma_wait3A_255, %dma_wait3A_256] : memref<10000x128xf32, #tpu.memory_space<hbm>> -> memref<10000x128xf32, #tpu.memory_space<hbm>>
    tpu.wait_indirect_dma semaphore(%arg15 : memref<!tpu.dma_semaphore, #tpu.memory_space<semaphore_mem>>) src(%dma_wait3A_257 : memref<10000x128xf32, #tpu.memory_space<hbm>>) dst(%dma_wait3A_251 : memref<64x128xf32, #tpu.memory_space<vmem>>)
    %dma_wait3A_258 = arith.constant 0 : i32
    %dma_wait3A_259 = arith.constant 64 : i32
    %dma_wait3A_260 = arith.constant 0 : i32
    %dma_wait3A_261 = tpu.memref_slice %arg11[%dma_wait3A_259, %dma_wait3A_260] : memref<128x128xf32, #tpu.memory_space<vmem>> -> memref<64x128xf32, #tpu.memory_space<vmem>>
    %dma_wait3A_262 = arith.constant 0 : i32
    %dma_wait3A_263 = tpu.memref_slice %arg7[%dma_wait3A_258, %dma_wait3A_262] : memref<24x128xi32, #tpu.memory_space<vmem>> -> memref<1x64xi32, #tpu.memory_space<vmem>>
    %dma_wait3A_264 = tpu.memref_squeeze %dma_wait3A_263 : memref<1x64xi32, #tpu.memory_space<vmem>> -> memref<64xi32, #tpu.memory_space<vmem>>
    %dma_wait3A_265 = arith.constant 0 : i32
    %dma_wait3A_266 = arith.constant 0 : i32
    %dma_wait3A_267 = tpu.memref_slice %arg2[%dma_wait3A_265, %dma_wait3A_266] : memref<10000x128xf32, #tpu.memory_space<hbm>> -> memref<10000x128xf32, #tpu.memory_space<hbm>>
    tpu.wait_indirect_dma semaphore(%arg17 : memref<!tpu.dma_semaphore, #tpu.memory_space<semaphore_mem>>) src(%dma_wait3A_267 : memref<10000x128xf32, #tpu.memory_space<hbm>>) dst(%dma_wait3A_261 : memref<64x128xf32, #tpu.memory_space<vmem>>)
    %dma_wait3A_268 = arith.constant 0 : i32
    %dma_wait3A_269 = arith.constant 0 : i32
    %dma_wait3A_270 = arith.constant 0 : i32
    %dma_wait3A_271 = tpu.memref_slice %arg12[%dma_wait3A_269, %dma_wait3A_270] : memref<128x128xf32, #tpu.memory_space<vmem>> -> memref<64x128xf32, #tpu.memory_space<vmem>>
    %dma_wait3A_272 = arith.constant 0 : i32
    %dma_wait3A_273 = tpu.memref_slice %arg7[%dma_wait3A_268, %dma_wait3A_272] : memref<24x128xi32, #tpu.memory_space<vmem>> -> memref<1x64xi32, #tpu.memory_space<vmem>>
    %dma_wait3A_274 = tpu.memref_squeeze %dma_wait3A_273 : memref<1x64xi32, #tpu.memory_space<vmem>> -> memref<64xi32, #tpu.memory_space<vmem>>
    %dma_wait3A_275 = arith.constant 0 : i32
    %dma_wait3A_276 = arith.constant 0 : i32
    %dma_wait3A_277 = tpu.memref_slice %arg2[%dma_wait3A_275, %dma_wait3A_276] : memref<10000x128xf32, #tpu.memory_space<hbm>> -> memref<10000x128xf32, #tpu.memory_space<hbm>>
    tpu.wait_indirect_dma semaphore(%arg16 : memref<!tpu.dma_semaphore, #tpu.memory_space<semaphore_mem>>) src(%dma_wait3A_277 : memref<10000x128xf32, #tpu.memory_space<hbm>>) dst(%dma_wait3A_271 : memref<64x128xf32, #tpu.memory_space<vmem>>)
    %dma_wait3A_278 = arith.constant 0 : i32
    %dma_wait3A_279 = arith.constant 64 : i32
    %dma_wait3A_280 = arith.constant 0 : i32
    %dma_wait3A_281 = tpu.memref_slice %arg12[%dma_wait3A_279, %dma_wait3A_280] : memref<128x128xf32, #tpu.memory_space<vmem>> -> memref<64x128xf32, #tpu.memory_space<vmem>>
    %dma_wait3A_282 = arith.constant 0 : i32
    %dma_wait3A_283 = tpu.memref_slice %arg7[%dma_wait3A_278, %dma_wait3A_282] : memref<24x128xi32, #tpu.memory_space<vmem>> -> memref<1x64xi32, #tpu.memory_space<vmem>>
    %dma_wait3A_284 = tpu.memref_squeeze %dma_wait3A_283 : memref<1x64xi32, #tpu.memory_space<vmem>> -> memref<64xi32, #tpu.memory_space<vmem>>
    %dma_wait3A_285 = arith.constant 0 : i32
    %dma_wait3A_286 = arith.constant 0 : i32
    %dma_wait3A_287 = tpu.memref_slice %arg2[%dma_wait3A_285, %dma_wait3A_286] : memref<10000x128xf32, #tpu.memory_space<hbm>> -> memref<10000x128xf32, #tpu.memory_space<hbm>>
    tpu.wait_indirect_dma semaphore(%arg18 : memref<!tpu.dma_semaphore, #tpu.memory_space<semaphore_mem>>) src(%dma_wait3A_287 : memref<10000x128xf32, #tpu.memory_space<hbm>>) dst(%dma_wait3A_281 : memref<64x128xf32, #tpu.memory_space<vmem>>)
    %barrier3A_288 = arith.constant 0 : index
    tpu.barrier barrier_id(%barrier3A_288)
    %mul3A_289 = arith.constant 640 : i32
    %mul3A_290 = arith.muli %arg1, %mul3A_289 : i32
    "tpu.region"() ({
      %run_scoped3A = tpu.sem_alloc : memref<!tpu.dma_semaphore, #tpu.memory_space<semaphore_mem>>
      %dma_start3A_379 = arith.constant 0 : i32
      %dma_start3A_380 = tpu.memref_slice %arg13[%mul3A_290, %dma_start3A_379] : memref<10240x128xf32, #tpu.memory_space<vmem_shared>> -> memref<128x128xf32, #tpu.memory_space<vmem_shared>>
      %dma_start3A_381 = arith.constant 0 : i32
      %dma_start3A_382 = tpu.memref_slice %arg13[%mul3A_290, %dma_start3A_381] : memref<10240x128xf32, #tpu.memory_space<vmem_shared>> -> memref<128x128xf32, #tpu.memory_space<vmem_shared>>
      tpu.enqueue_dma source(%dma_start3A_382 : memref<128x128xf32, #tpu.memory_space<vmem_shared>>) target(%arg11 : memref<128x128xf32, #tpu.memory_space<vmem>>) target_semaphore(%run_scoped3A : memref<!tpu.dma_semaphore, #tpu.memory_space<semaphore_mem>>)
      %dma_wait3A_383 = arith.constant 0 : i32
      %dma_wait3A_384 = tpu.memref_slice %arg13[%mul3A_290, %dma_wait3A_383] : memref<10240x128xf32, #tpu.memory_space<vmem_shared>> -> memref<128x128xf32, #tpu.memory_space<vmem_shared>>
      %dma_wait3A_385 = arith.constant 0 : i32
      %dma_wait3A_386 = tpu.memref_slice %arg13[%mul3A_290, %dma_wait3A_385] : memref<10240x128xf32, #tpu.memory_space<vmem_shared>> -> memref<128x128xf32, #tpu.memory_space<vmem_shared>>
      tpu.wait_dma2 semaphore(%run_scoped3A : memref<!tpu.dma_semaphore, #tpu.memory_space<semaphore_mem>>) src(%dma_wait3A_386 : memref<128x128xf32, #tpu.memory_space<vmem_shared>>) dst(%arg11 : memref<128x128xf32, #tpu.memory_space<vmem>>)
      tpu.yield
    }) : () -> ()
    %mul3A_291 = arith.constant 640 : i32
    %mul3A_292 = arith.muli %arg1, %mul3A_291 : i32
    %add3A_293 = arith.constant 0 : i32
    %add3A_294 = arith.addi %mul3A_292, %add3A_293 : i32
    %dma_start3A_295 = arith.constant 0 : i32
    %dma_start3A_296 = tpu.memref_slice %arg6[%arg0, %add3A_294, %dma_start3A_295] : memref<2x10240x128xf32, #tpu.memory_space<hbm>> -> memref<1x128x128xf32, #tpu.memory_space<hbm>>
    %dma_start3A_297 = tpu.memref_squeeze %dma_start3A_296 : memref<1x128x128xf32, #tpu.memory_space<hbm>> -> memref<128x128xf32, #tpu.memory_space<hbm>>
    %dma_start3A_298 = arith.constant 0 : i32
    %dma_start3A_299 = tpu.memref_slice %arg6[%arg0, %add3A_294, %dma_start3A_298] : memref<2x10240x128xf32, #tpu.memory_space<hbm>> -> memref<1x128x128xf32, #tpu.memory_space<hbm>>
    %dma_start3A_300 = tpu.memref_squeeze %dma_start3A_299 : memref<1x128x128xf32, #tpu.memory_space<hbm>> -> memref<128x128xf32, #tpu.memory_space<hbm>>
    tpu.enqueue_dma source(%arg11 : memref<128x128xf32, #tpu.memory_space<vmem>>) target(%dma_start3A_300 : memref<128x128xf32, #tpu.memory_space<hbm>>) target_semaphore(%arg21 : memref<!tpu.dma_semaphore, #tpu.memory_space<semaphore_mem>>)
    %add3A_301 = arith.constant 128 : i32
    %add3A_302 = arith.addi %add3A_294, %add3A_301 : i32
    "tpu.region"() ({
      %run_scoped3A = tpu.sem_alloc : memref<!tpu.dma_semaphore, #tpu.memory_space<semaphore_mem>>
      %dma_start3A_379 = arith.constant 0 : i32
      %dma_start3A_380 = tpu.memref_slice %arg13[%add3A_302, %dma_start3A_379] : memref<10240x128xf32, #tpu.memory_space<vmem_shared>> -> memref<128x128xf32, #tpu.memory_space<vmem_shared>>
      %dma_start3A_381 = arith.constant 0 : i32
      %dma_start3A_382 = tpu.memref_slice %arg13[%add3A_302, %dma_start3A_381] : memref<10240x128xf32, #tpu.memory_space<vmem_shared>> -> memref<128x128xf32, #tpu.memory_space<vmem_shared>>
      tpu.enqueue_dma source(%dma_start3A_382 : memref<128x128xf32, #tpu.memory_space<vmem_shared>>) target(%arg12 : memref<128x128xf32, #tpu.memory_space<vmem>>) target_semaphore(%run_scoped3A : memref<!tpu.dma_semaphore, #tpu.memory_space<semaphore_mem>>)
      %dma_wait3A_383 = arith.constant 0 : i32
      %dma_wait3A_384 = tpu.memref_slice %arg13[%add3A_302, %dma_wait3A_383] : memref<10240x128xf32, #tpu.memory_space<vmem_shared>> -> memref<128x128xf32, #tpu.memory_space<vmem_shared>>
      %dma_wait3A_385 = arith.constant 0 : i32
      %dma_wait3A_386 = tpu.memref_slice %arg13[%add3A_302, %dma_wait3A_385] : memref<10240x128xf32, #tpu.memory_space<vmem_shared>> -> memref<128x128xf32, #tpu.memory_space<vmem_shared>>
      tpu.wait_dma2 semaphore(%run_scoped3A : memref<!tpu.dma_semaphore, #tpu.memory_space<semaphore_mem>>) src(%dma_wait3A_386 : memref<128x128xf32, #tpu.memory_space<vmem_shared>>) dst(%arg12 : memref<128x128xf32, #tpu.memory_space<vmem>>)
      tpu.yield
    }) : () -> ()
    %dma_wait3A_303 = arith.constant 0 : i32
    %dma_wait3A_304 = tpu.memref_slice %arg6[%arg0, %add3A_294, %dma_wait3A_303] : memref<2x10240x128xf32, #tpu.memory_space<hbm>> -> memref<1x128x128xf32, #tpu.memory_space<hbm>>
    %dma_wait3A_305 = tpu.memref_squeeze %dma_wait3A_304 : memref<1x128x128xf32, #tpu.memory_space<hbm>> -> memref<128x128xf32, #tpu.memory_space<hbm>>
    %dma_wait3A_306 = arith.constant 0 : i32
    %dma_wait3A_307 = tpu.memref_slice %arg6[%arg0, %add3A_294, %dma_wait3A_306] : memref<2x10240x128xf32, #tpu.memory_space<hbm>> -> memref<1x128x128xf32, #tpu.memory_space<hbm>>
    %dma_wait3A_308 = tpu.memref_squeeze %dma_wait3A_307 : memref<1x128x128xf32, #tpu.memory_space<hbm>> -> memref<128x128xf32, #tpu.memory_space<hbm>>
    tpu.wait_dma2 semaphore(%arg21 : memref<!tpu.dma_semaphore, #tpu.memory_space<semaphore_mem>>) src(%arg11 : memref<128x128xf32, #tpu.memory_space<vmem>>) dst(%dma_wait3A_308 : memref<128x128xf32, #tpu.memory_space<hbm>>)
    %mul3A_309 = arith.constant 640 : i32
    %mul3A_310 = arith.muli %arg1, %mul3A_309 : i32
    %add3A_311 = arith.constant 128 : i32
    %add3A_312 = arith.addi %mul3A_310, %add3A_311 : i32
    %dma_start3A_313 = arith.constant 0 : i32
    %dma_start3A_314 = tpu.memref_slice %arg6[%arg0, %add3A_312, %dma_start3A_313] : memref<2x10240x128xf32, #tpu.memory_space<hbm>> -> memref<1x128x128xf32, #tpu.memory_space<hbm>>
    %dma_start3A_315 = tpu.memref_squeeze %dma_start3A_314 : memref<1x128x128xf32, #tpu.memory_space<hbm>> -> memref<128x128xf32, #tpu.memory_space<hbm>>
    %dma_start3A_316 = arith.constant 0 : i32
    %dma_start3A_317 = tpu.memref_slice %arg6[%arg0, %add3A_312, %dma_start3A_316] : memref<2x10240x128xf32, #tpu.memory_space<hbm>> -> memref<1x128x128xf32, #tpu.memory_space<hbm>>
    %dma_start3A_318 = tpu.memref_squeeze %dma_start3A_317 : memref<1x128x128xf32, #tpu.memory_space<hbm>> -> memref<128x128xf32, #tpu.memory_space<hbm>>
    tpu.enqueue_dma source(%arg12 : memref<128x128xf32, #tpu.memory_space<vmem>>) target(%dma_start3A_318 : memref<128x128xf32, #tpu.memory_space<hbm>>) target_semaphore(%arg21 : memref<!tpu.dma_semaphore, #tpu.memory_space<semaphore_mem>>)
    %add3A_319 = arith.constant 128 : i32
    %add3A_320 = arith.addi %add3A_312, %add3A_319 : i32
    "tpu.region"() ({
      %run_scoped3A = tpu.sem_alloc : memref<!tpu.dma_semaphore, #tpu.memory_space<semaphore_mem>>
      %dma_start3A_379 = arith.constant 0 : i32
      %dma_start3A_380 = tpu.memref_slice %arg13[%add3A_320, %dma_start3A_379] : memref<10240x128xf32, #tpu.memory_space<vmem_shared>> -> memref<128x128xf32, #tpu.memory_space<vmem_shared>>
      %dma_start3A_381 = arith.constant 0 : i32
      %dma_start3A_382 = tpu.memref_slice %arg13[%add3A_320, %dma_start3A_381] : memref<10240x128xf32, #tpu.memory_space<vmem_shared>> -> memref<128x128xf32, #tpu.memory_space<vmem_shared>>
      tpu.enqueue_dma source(%dma_start3A_382 : memref<128x128xf32, #tpu.memory_space<vmem_shared>>) target(%arg11 : memref<128x128xf32, #tpu.memory_space<vmem>>) target_semaphore(%run_scoped3A : memref<!tpu.dma_semaphore, #tpu.memory_space<semaphore_mem>>)
      %dma_wait3A_383 = arith.constant 0 : i32
      %dma_wait3A_384 = tpu.memref_slice %arg13[%add3A_320, %dma_wait3A_383] : memref<10240x128xf32, #tpu.memory_space<vmem_shared>> -> memref<128x128xf32, #tpu.memory_space<vmem_shared>>
      %dma_wait3A_385 = arith.constant 0 : i32
      %dma_wait3A_386 = tpu.memref_slice %arg13[%add3A_320, %dma_wait3A_385] : memref<10240x128xf32, #tpu.memory_space<vmem_shared>> -> memref<128x128xf32, #tpu.memory_space<vmem_shared>>
      tpu.wait_dma2 semaphore(%run_scoped3A : memref<!tpu.dma_semaphore, #tpu.memory_space<semaphore_mem>>) src(%dma_wait3A_386 : memref<128x128xf32, #tpu.memory_space<vmem_shared>>) dst(%arg11 : memref<128x128xf32, #tpu.memory_space<vmem>>)
      tpu.yield
    }) : () -> ()
    %dma_wait3A_321 = arith.constant 0 : i32
    %dma_wait3A_322 = tpu.memref_slice %arg6[%arg0, %add3A_312, %dma_wait3A_321] : memref<2x10240x128xf32, #tpu.memory_space<hbm>> -> memref<1x128x128xf32, #tpu.memory_space<hbm>>
    %dma_wait3A_323 = tpu.memref_squeeze %dma_wait3A_322 : memref<1x128x128xf32, #tpu.memory_space<hbm>> -> memref<128x128xf32, #tpu.memory_space<hbm>>
    %dma_wait3A_324 = arith.constant 0 : i32
    %dma_wait3A_325 = tpu.memref_slice %arg6[%arg0, %add3A_312, %dma_wait3A_324] : memref<2x10240x128xf32, #tpu.memory_space<hbm>> -> memref<1x128x128xf32, #tpu.memory_space<hbm>>
    %dma_wait3A_326 = tpu.memref_squeeze %dma_wait3A_325 : memref<1x128x128xf32, #tpu.memory_space<hbm>> -> memref<128x128xf32, #tpu.memory_space<hbm>>
    tpu.wait_dma2 semaphore(%arg21 : memref<!tpu.dma_semaphore, #tpu.memory_space<semaphore_mem>>) src(%arg12 : memref<128x128xf32, #tpu.memory_space<vmem>>) dst(%dma_wait3A_326 : memref<128x128xf32, #tpu.memory_space<hbm>>)
    %mul3A_327 = arith.constant 640 : i32
    %mul3A_328 = arith.muli %arg1, %mul3A_327 : i32
    %add3A_329 = arith.constant 256 : i32
    %add3A_330 = arith.addi %mul3A_328, %add3A_329 : i32
    %dma_start3A_331 = arith.constant 0 : i32
    %dma_start3A_332 = tpu.memref_slice %arg6[%arg0, %add3A_330, %dma_start3A_331] : memref<2x10240x128xf32, #tpu.memory_space<hbm>> -> memref<1x128x128xf32, #tpu.memory_space<hbm>>
    %dma_start3A_333 = tpu.memref_squeeze %dma_start3A_332 : memref<1x128x128xf32, #tpu.memory_space<hbm>> -> memref<128x128xf32, #tpu.memory_space<hbm>>
    %dma_start3A_334 = arith.constant 0 : i32
    %dma_start3A_335 = tpu.memref_slice %arg6[%arg0, %add3A_330, %dma_start3A_334] : memref<2x10240x128xf32, #tpu.memory_space<hbm>> -> memref<1x128x128xf32, #tpu.memory_space<hbm>>
    %dma_start3A_336 = tpu.memref_squeeze %dma_start3A_335 : memref<1x128x128xf32, #tpu.memory_space<hbm>> -> memref<128x128xf32, #tpu.memory_space<hbm>>
    tpu.enqueue_dma source(%arg11 : memref<128x128xf32, #tpu.memory_space<vmem>>) target(%dma_start3A_336 : memref<128x128xf32, #tpu.memory_space<hbm>>) target_semaphore(%arg21 : memref<!tpu.dma_semaphore, #tpu.memory_space<semaphore_mem>>)
    %add3A_337 = arith.constant 128 : i32
    %add3A_338 = arith.addi %add3A_330, %add3A_337 : i32
    "tpu.region"() ({
      %run_scoped3A = tpu.sem_alloc : memref<!tpu.dma_semaphore, #tpu.memory_space<semaphore_mem>>
      %dma_start3A_379 = arith.constant 0 : i32
      %dma_start3A_380 = tpu.memref_slice %arg13[%add3A_338, %dma_start3A_379] : memref<10240x128xf32, #tpu.memory_space<vmem_shared>> -> memref<128x128xf32, #tpu.memory_space<vmem_shared>>
      %dma_start3A_381 = arith.constant 0 : i32
      %dma_start3A_382 = tpu.memref_slice %arg13[%add3A_338, %dma_start3A_381] : memref<10240x128xf32, #tpu.memory_space<vmem_shared>> -> memref<128x128xf32, #tpu.memory_space<vmem_shared>>
      tpu.enqueue_dma source(%dma_start3A_382 : memref<128x128xf32, #tpu.memory_space<vmem_shared>>) target(%arg12 : memref<128x128xf32, #tpu.memory_space<vmem>>) target_semaphore(%run_scoped3A : memref<!tpu.dma_semaphore, #tpu.memory_space<semaphore_mem>>)
      %dma_wait3A_383 = arith.constant 0 : i32
      %dma_wait3A_384 = tpu.memref_slice %arg13[%add3A_338, %dma_wait3A_383] : memref<10240x128xf32, #tpu.memory_space<vmem_shared>> -> memref<128x128xf32, #tpu.memory_space<vmem_shared>>
      %dma_wait3A_385 = arith.constant 0 : i32
      %dma_wait3A_386 = tpu.memref_slice %arg13[%add3A_338, %dma_wait3A_385] : memref<10240x128xf32, #tpu.memory_space<vmem_shared>> -> memref<128x128xf32, #tpu.memory_space<vmem_shared>>
      tpu.wait_dma2 semaphore(%run_scoped3A : memref<!tpu.dma_semaphore, #tpu.memory_space<semaphore_mem>>) src(%dma_wait3A_386 : memref<128x128xf32, #tpu.memory_space<vmem_shared>>) dst(%arg12 : memref<128x128xf32, #tpu.memory_space<vmem>>)
      tpu.yield
    }) : () -> ()
    %dma_wait3A_339 = arith.constant 0 : i32
    %dma_wait3A_340 = tpu.memref_slice %arg6[%arg0, %add3A_330, %dma_wait3A_339] : memref<2x10240x128xf32, #tpu.memory_space<hbm>> -> memref<1x128x128xf32, #tpu.memory_space<hbm>>
    %dma_wait3A_341 = tpu.memref_squeeze %dma_wait3A_340 : memref<1x128x128xf32, #tpu.memory_space<hbm>> -> memref<128x128xf32, #tpu.memory_space<hbm>>
    %dma_wait3A_342 = arith.constant 0 : i32
    %dma_wait3A_343 = tpu.memref_slice %arg6[%arg0, %add3A_330, %dma_wait3A_342] : memref<2x10240x128xf32, #tpu.memory_space<hbm>> -> memref<1x128x128xf32, #tpu.memory_space<hbm>>
    %dma_wait3A_344 = tpu.memref_squeeze %dma_wait3A_343 : memref<1x128x128xf32, #tpu.memory_space<hbm>> -> memref<128x128xf32, #tpu.memory_space<hbm>>
    tpu.wait_dma2 semaphore(%arg21 : memref<!tpu.dma_semaphore, #tpu.memory_space<semaphore_mem>>) src(%arg11 : memref<128x128xf32, #tpu.memory_space<vmem>>) dst(%dma_wait3A_344 : memref<128x128xf32, #tpu.memory_space<hbm>>)
    %mul3A_345 = arith.constant 640 : i32
    %mul3A_346 = arith.muli %arg1, %mul3A_345 : i32
    %add3A_347 = arith.constant 384 : i32
    %add3A_348 = arith.addi %mul3A_346, %add3A_347 : i32
    %dma_start3A_349 = arith.constant 0 : i32
    %dma_start3A_350 = tpu.memref_slice %arg6[%arg0, %add3A_348, %dma_start3A_349] : memref<2x10240x128xf32, #tpu.memory_space<hbm>> -> memref<1x128x128xf32, #tpu.memory_space<hbm>>
    %dma_start3A_351 = tpu.memref_squeeze %dma_start3A_350 : memref<1x128x128xf32, #tpu.memory_space<hbm>> -> memref<128x128xf32, #tpu.memory_space<hbm>>
    %dma_start3A_352 = arith.constant 0 : i32
    %dma_start3A_353 = tpu.memref_slice %arg6[%arg0, %add3A_348, %dma_start3A_352] : memref<2x10240x128xf32, #tpu.memory_space<hbm>> -> memref<1x128x128xf32, #tpu.memory_space<hbm>>
    %dma_start3A_354 = tpu.memref_squeeze %dma_start3A_353 : memref<1x128x128xf32, #tpu.memory_space<hbm>> -> memref<128x128xf32, #tpu.memory_space<hbm>>
    tpu.enqueue_dma source(%arg12 : memref<128x128xf32, #tpu.memory_space<vmem>>) target(%dma_start3A_354 : memref<128x128xf32, #tpu.memory_space<hbm>>) target_semaphore(%arg21 : memref<!tpu.dma_semaphore, #tpu.memory_space<semaphore_mem>>)
    %add3A_355 = arith.constant 128 : i32
    %add3A_356 = arith.addi %add3A_348, %add3A_355 : i32
    "tpu.region"() ({
      %run_scoped3A = tpu.sem_alloc : memref<!tpu.dma_semaphore, #tpu.memory_space<semaphore_mem>>
      %dma_start3A_379 = arith.constant 0 : i32
      %dma_start3A_380 = tpu.memref_slice %arg13[%add3A_356, %dma_start3A_379] : memref<10240x128xf32, #tpu.memory_space<vmem_shared>> -> memref<128x128xf32, #tpu.memory_space<vmem_shared>>
      %dma_start3A_381 = arith.constant 0 : i32
      %dma_start3A_382 = tpu.memref_slice %arg13[%add3A_356, %dma_start3A_381] : memref<10240x128xf32, #tpu.memory_space<vmem_shared>> -> memref<128x128xf32, #tpu.memory_space<vmem_shared>>
      tpu.enqueue_dma source(%dma_start3A_382 : memref<128x128xf32, #tpu.memory_space<vmem_shared>>) target(%arg11 : memref<128x128xf32, #tpu.memory_space<vmem>>) target_semaphore(%run_scoped3A : memref<!tpu.dma_semaphore, #tpu.memory_space<semaphore_mem>>)
      %dma_wait3A_383 = arith.constant 0 : i32
      %dma_wait3A_384 = tpu.memref_slice %arg13[%add3A_356, %dma_wait3A_383] : memref<10240x128xf32, #tpu.memory_space<vmem_shared>> -> memref<128x128xf32, #tpu.memory_space<vmem_shared>>
      %dma_wait3A_385 = arith.constant 0 : i32
      %dma_wait3A_386 = tpu.memref_slice %arg13[%add3A_356, %dma_wait3A_385] : memref<10240x128xf32, #tpu.memory_space<vmem_shared>> -> memref<128x128xf32, #tpu.memory_space<vmem_shared>>
      tpu.wait_dma2 semaphore(%run_scoped3A : memref<!tpu.dma_semaphore, #tpu.memory_space<semaphore_mem>>) src(%dma_wait3A_386 : memref<128x128xf32, #tpu.memory_space<vmem_shared>>) dst(%arg11 : memref<128x128xf32, #tpu.memory_space<vmem>>)
      tpu.yield
    }) : () -> ()
    %dma_wait3A_357 = arith.constant 0 : i32
    %dma_wait3A_358 = tpu.memref_slice %arg6[%arg0, %add3A_348, %dma_wait3A_357] : memref<2x10240x128xf32, #tpu.memory_space<hbm>> -> memref<1x128x128xf32, #tpu.memory_space<hbm>>
    %dma_wait3A_359 = tpu.memref_squeeze %dma_wait3A_358 : memref<1x128x128xf32, #tpu.memory_space<hbm>> -> memref<128x128xf32, #tpu.memory_space<hbm>>
    %dma_wait3A_360 = arith.constant 0 : i32
    %dma_wait3A_361 = tpu.memref_slice %arg6[%arg0, %add3A_348, %dma_wait3A_360] : memref<2x10240x128xf32, #tpu.memory_space<hbm>> -> memref<1x128x128xf32, #tpu.memory_space<hbm>>
    %dma_wait3A_362 = tpu.memref_squeeze %dma_wait3A_361 : memref<1x128x128xf32, #tpu.memory_space<hbm>> -> memref<128x128xf32, #tpu.memory_space<hbm>>
    tpu.wait_dma2 semaphore(%arg21 : memref<!tpu.dma_semaphore, #tpu.memory_space<semaphore_mem>>) src(%arg12 : memref<128x128xf32, #tpu.memory_space<vmem>>) dst(%dma_wait3A_362 : memref<128x128xf32, #tpu.memory_space<hbm>>)
    %mul3A_363 = arith.constant 640 : i32
    %mul3A_364 = arith.muli %arg1, %mul3A_363 : i32
    %add3A_365 = arith.constant 512 : i32
    %add3A_366 = arith.addi %mul3A_364, %add3A_365 : i32
    %dma_start3A_367 = arith.constant 0 : i32
    %dma_start3A_368 = tpu.memref_slice %arg6[%arg0, %add3A_366, %dma_start3A_367] : memref<2x10240x128xf32, #tpu.memory_space<hbm>> -> memref<1x128x128xf32, #tpu.memory_space<hbm>>
    %dma_start3A_369 = tpu.memref_squeeze %dma_start3A_368 : memref<1x128x128xf32, #tpu.memory_space<hbm>> -> memref<128x128xf32, #tpu.memory_space<hbm>>
    %dma_start3A_370 = arith.constant 0 : i32
    %dma_start3A_371 = tpu.memref_slice %arg6[%arg0, %add3A_366, %dma_start3A_370] : memref<2x10240x128xf32, #tpu.memory_space<hbm>> -> memref<1x128x128xf32, #tpu.memory_space<hbm>>
    %dma_start3A_372 = tpu.memref_squeeze %dma_start3A_371 : memref<1x128x128xf32, #tpu.memory_space<hbm>> -> memref<128x128xf32, #tpu.memory_space<hbm>>
    tpu.enqueue_dma source(%arg11 : memref<128x128xf32, #tpu.memory_space<vmem>>) target(%dma_start3A_372 : memref<128x128xf32, #tpu.memory_space<hbm>>) target_semaphore(%arg21 : memref<!tpu.dma_semaphore, #tpu.memory_space<semaphore_mem>>)
    %dma_wait3A_373 = arith.constant 0 : i32
    %dma_wait3A_374 = tpu.memref_slice %arg6[%arg0, %add3A_366, %dma_wait3A_373] : memref<2x10240x128xf32, #tpu.memory_space<hbm>> -> memref<1x128x128xf32, #tpu.memory_space<hbm>>
    %dma_wait3A_375 = tpu.memref_squeeze %dma_wait3A_374 : memref<1x128x128xf32, #tpu.memory_space<hbm>> -> memref<128x128xf32, #tpu.memory_space<hbm>>
    %dma_wait3A_376 = arith.constant 0 : i32
    %dma_wait3A_377 = tpu.memref_slice %arg6[%arg0, %add3A_366, %dma_wait3A_376] : memref<2x10240x128xf32, #tpu.memory_space<hbm>> -> memref<1x128x128xf32, #tpu.memory_space<hbm>>
    %dma_wait3A_378 = tpu.memref_squeeze %dma_wait3A_377 : memref<1x128x128xf32, #tpu.memory_space<hbm>> -> memref<128x128xf32, #tpu.memory_space<hbm>>
    tpu.wait_dma2 semaphore(%arg21 : memref<!tpu.dma_semaphore, #tpu.memory_space<semaphore_mem>>) src(%arg11 : memref<128x128xf32, #tpu.memory_space<vmem>>) dst(%dma_wait3A_378 : memref<128x128xf32, #tpu.memory_space<hbm>>)
    return
  }
}

</mosaic_0001>

<sc_bundles>
// kernel: _sc_agg.3.cloned.1.call-start
scs
__scs_entry_jumppad:
0x0: {  	(pc) =	sbr.rel $0x88, $3  }
0x1: {  	(tag) =	ssettag $0x0;
	lr =	simm.s32 $0x1  }
0x2: {  	[smem:$0x3F9D] =	sst lr;
	_ =	strace $0xD0000000  }
0x3: {  	_ = 	snop  }
0x4: {  	_ = 	snop  }
0x5: {  	_ = 	snop  }
0x6: {  	_ = 	snop  }
0x7: {  	_ = 	snop  }
__scs_overlays_trampoline_lowered:
0x8: {  	[smem:$0x3FAC] =	sst s0  }
0x9: {  	[smem:$0x3FAD] =	sst s1  }
0xa: {  	[smem:$0x3FAE] =	sst s2  }
0xb: {  	[smem:$0x3FAF] =	sst s3  }
0xc: {  	[smem:$0x3FB0] =	sst s4  }
0xd: {  	[smem:$0x3FB1] =	sst s5  }
0xe: {  	[smem:$0x3FB2] =	sst s6  }
0xf: {  	[smem:$0x3FB3] =	sst s7  }
0x10: {  	[smem:$0x3FB4] =	sst s8  }
0x11: {  	[smem:$0x3FB5] =	sst s9;
	s0 =	simm.s32 @!p0 $0x0  }
0x12: {  	s1 =	sld [smem:$0x3F9B];
	s0 =	simm.s32 @p0 $0x1  }
0x13: {  	[smem:$0x3FB6] =	sst s0;
	s0 =	simm.s32 @!p1 $0x0  }
0x14: {  	s2 =	sld [smem:$0x3F9A];
	s0 =	simm.s32 @p1 $0x1  }
0x15: {  	[smem:$0x3FB7] =	sst s0;
	s0 =	simm.s32 @!p2 $0x0  }
0x16: {  	s3 =	sld [smem:$0x3FDB];
	s0 =	simm.s32 @p2 $0x1  }
0x17: {  	s4 =	simm.s32 $0x1BF5;
	[smem:$0x3FB9] =	sst s0  }
0x18: {  	s0 =	sld [smem:$0x3F9C];
	_ =	swait.ge [sflag:s4], $0x0  }
0x19: {  	s7 =	sld [smem:$0x3F9D]  }
0x1a: {  	s8 =	sadd.s32 $0xFFFFE003, lr  }
0x1b: {  	s9 =	sadd.s32 $0xFFFFFEF7, lr;
	s5 =	simm.s32 $0xFFFFFFFF;
	p2 =	slt.u32 s8, $0xFFFFF086  }
0x1c: {  	p1 =	slt.u32 s9, $0xF7A;
	s5 =	simm.s32 @!p2 $0x0  }
0x1d: {  	s5 =	simm.s32 @p1 $0x1;
	p0 =	seq.s32 s7, s2  }
0x1e: {  	s7 =	smul.u32 @!p0 $0xF7A, s2;
	p2 =	seq.s32 @!p0 s5, $0x0  }
0x1f: {  	s9 =	smul.u32 $0xF7A, s1;
	s8 =	simm.s32 @!p0 $0x1BF5;
	p2 =	por !p2, p0  }
0x20: {  	[sflag:s8] =	ssyncset.s32 @!p0 $0xFFFFF086;
	s6 =	sadd.s32 @!p0 s3, s7;
	s7 =	simm.s32 @!p0 $0x108  }
0x21: {  	s3 =	sadd.s32 s3, s9;
	s6 =	sadd.s32 @!p0 $0x88, s6;
	s7 =	simm.s32 @p2 $0x1082  }
0x22: {  	[simem:s7], [sflag:s8] =	dma.local @!p0 [hbm:s6], $0xF7A  }
0x23: {  	s9 =	sor.u32 $0xD0000000, s2;
	s6 =	simm.s32 $0x108;
	_ =	swait.ge @!p0 [sflag:s8], $0x0  }
0x24: {  	s3 =	sadd.s32 $0x88, s3;
	s6 =	simm.s32 @!p1 $0x1082;
	[sflag:s4] =	ssyncset.s32 $0xFFFFF086  }
0x25: {  	[simem:s6], [sflag:s4] =	dma.local [hbm:s3], $0xF7A  }
0x26: {  	[smem:$0x3F9D] =	sst s1;
	(tag) =	ssettag s2;
	_ =	strace s9  }
0x27: {  	s1 =	sld [smem:$0x3FAD]  }
0x28: {  	s2 =	sld [smem:$0x3FAE]  }
0x29: {  	s4 =	sld [smem:$0x3FB0]  }
0x2a: {  	p0 =	seq.s32 s5, $0x0;
	s5 =	sld [smem:$0x3FB1]  }
0x2b: {  	s6 =	sld [smem:$0x3FB2]  }
0x2c: {  	s7 =	sld [smem:$0x3FB3]  }
0x2d: {  	s3 =	simm.s32 $0x108;
	s8 =	sld [smem:$0x3FB4]  }
0x2e: {  	s3 =	simm.s32 @!p0 $0x1082;
	s9 =	sld [smem:$0x3FB5]  }
0x2f: {  	lr =	sadd.s32 s0, s3;
	s0 =	sld [smem:$0x3FAC]  }
0x30: {  	s3 =	sld [smem:$0x3FAF]  }
0x31: {  	[smem:$0x3FB8] =	sst s10  }
0x32: {  	s10 =	sld [smem:$0x3FB6];
	_ =	sdelay $0x3  }
0x33: {  	p0 =	seq.s32 s10, $0x1;
	s10 =	sld [smem:$0x3FB8];
	_ =	sdelay $0x3  }
0x34: {  	[smem:$0x3FB8] =	sst s10  }
0x35: {  	s10 =	sld [smem:$0x3FB7];
	_ =	sdelay $0x3  }
0x36: {  	p1 =	seq.s32 s10, $0x1;
	s10 =	sld [smem:$0x3FB8];
	_ =	sdelay $0x3  }
0x37: {  	[smem:$0x3FB8] =	sst s10  }
0x38: {  	s10 =	sld [smem:$0x3FB9]  }
0x39: {  	_ = 	snop;
	(pc) =	sbr.ind lr, $3  }
0x3a: {  	_ = 	snop  }
0x3b: {  	_ = 	snop  }
0x3c: {  	p2 =	seq.s32 s10, $0x1;
	s10 =	sld [smem:$0x3FB8]  }
0x3d: {  	_ =	shalt  }
0x3e: {  	_ =	shalt  }
0x3f: {  	_ =	shalt  }
0x40: {  	_ =	shalt  }
0x41: {  	_ =	shalt  }
0x42: {  	_ =	shalt  }
0x43: {  	_ =	shalt  }
0x44: {  	_ =	shalt  }
0x45: {  	_ =	shalt  }
0x46: {  	_ =	shalt  }
0x47: {  	_ =	shalt  }
0x48: {  	_ =	shalt  }
0x49: {  	_ =	shalt  }
0x4a: {  	_ =	shalt  }
0x4b: {  	_ =	shalt  }
0x4c: {  	_ =	shalt  }
0x4d: {  	_ =	shalt  }
0x4e: {  	_ =	shalt  }
0x4f: {  	_ =	shalt  }
0x50: {  	_ =	shalt  }
0x51: {  	_ =	shalt  }
0x52: {  	_ =	shalt  }
0x53: {  	_ =	shalt  }
0x54: {  	_ =	shalt  }
0x55: {  	_ =	shalt  }
0x56: {  	_ =	shalt  }
0x57: {  	_ =	shalt  }
0x58: {  	_ =	shalt  }
0x59: {  	_ =	shalt  }
0x5a: {  	_ =	shalt  }
0x5b: {  	_ =	shalt  }
0x5c: {  	_ =	shalt  }
0x5d: {  	_ =	shalt  }
0x5e: {  	_ =	shalt  }
0x5f: {  	_ =	shalt  }
0x60: {  	_ =	shalt  }
0x61: {  	_ =	shalt  }
0x62: {  	_ =	shalt  }
0x63: {  	_ =	shalt  }
0x64: {  	_ =	shalt  }
0x65: {  	_ =	shalt  }
0x66: {  	_ =	shalt  }
0x67: {  	_ =	shalt  }
0x68: {  	_ =	shalt  }
0x69: {  	_ =	shalt  }
0x6a: {  	_ =	shalt  }
0x6b: {  	_ =	shalt  }
0x6c: {  	_ =	shalt  }
0x6d: {  	_ =	shalt  }
0x6e: {  	_ =	shalt  }
0x6f: {  	_ =	shalt  }
0x70: {  	_ =	shalt  }
0x71: {  	_ =	shalt  }
0x72: {  	_ =	shalt  }
0x73: {  	_ =	shalt  }
0x74: {  	_ =	shalt  }
0x75: {  	_ =	shalt  }
0x76: {  	_ =	shalt  }
0x77: {  	_ =	shalt  }
0x78: {  	_ =	shalt  }
0x79: {  	_ =	shalt  }
0x7a: {  	_ =	shalt  }
0x7b: {  	_ =	shalt  }
0x7c: {  	_ =	shalt  }
0x7d: {  	_ =	shalt  }
0x7e: {  	_ =	shalt  }
0x7f: {  	_ =	shalt  }
0x80: {  	_ =	shalt  }
0x81: {  	_ =	shalt  }
0x82: {  	_ =	shalt  }
0x83: {  	_ =	shalt  }
0x84: {  	_ =	shalt  }
0x85: {  	_ =	shalt  }
0x86: {  	_ =	shalt  }
0x87: {  	_ =	shalt  }
.Lfunc_end0:
.L_simem_size_0:
called_computation_lowered:
.L_overlay_start_0:
0x88: {  	s2 =	sld [smem:$0x3FD9]  }
0x89: {  	s3 =	sld [smem:$0x3FFE];
	_ =	sdelay $0x1  }
0x8a: {  	s1 =	srdreg.scid  }
0x8b: {  	s0 =	sand.u32 $0x1, s1  }
0x8c: {  	s18 =	sshll.u32 s0, $0xA;
	s2 =	sadd.s32 s3, s2  }
0x8d: {  	s2 =	sadd.s32 s2, s18  }
0x8e: {  	[smem:$0x3FC4] =	sst s2  }
0x8f: {  	_ = 	snop  }
0x90: {  	s2 =	sld [smem:$0x3FC9]  }
0x91: {  	s19 =	sld [smem:$0x3FC8]  }
0x92: {  	s4 =	sld [smem:$0x3FC7]  }
0x93: {  	s5 =	sld [smem:$0x3FC6]  }
0x94: {  	s6 =	sld [smem:$0x3FD0];
	(tm) =	ssettm $0x1  }
0x95: {  	s7 =	sld [smem:$0x3FFB];
	_ =	sdelay $0x3  }
0x96: {  	_ =	strace s7  }
0x97: {  	s7 =	sld [smem:$0x3FFC];
	_ =	sdelay $0x3  }
0x98: {  	_ =	strace s7  }
0x99: {  	s7 =	sld [smem:$0x3FFD];
	_ =	sdelay $0x3  }
0x9a: {  	_ =	strace s7  }
0x9b: {  	_ =	strace $0x8FFFFFFF  }
0x9c: {  	s20 =	sld [smem:$0x3FDB];
	_ =	sdelay $0x1  }
0x9d: {  	s8 =	simm.s32 $_scs_section_size  }
0x9e: {  	s9 =	simm.s32 $_size__tile_overlayer_lowered;
	s10 =	simm.s32 $_tile_overlayer_lowered  }
0x9f: {  	s23 =	simm.s32 $0x1BFF;
	s22 =	sshll.u32 s10, $0x1;
	s7 =	sadd.s32 s8, s20  }
0xa0: {  	s11 =	simm.s32 $0x0;
	s21 =	sshll.u32 s9, $0x1;
	s9 =	sadd.s32 s22, s7  }
0xa1: {  	[timem:s11], [sflag:s23] =	dma.local [hbm:s9], s21  }
0xa2: {  	_ =	swait.ge [sflag:s23], s21  }
0xa3: {  	s8 =	ssub.s32 $0x0, s21;
	[sflag:s23] =	ssyncset.done $0x0  }
0xa4: {  	[sflag:s23] =	ssyncadd.s32 s8;
	_ =	sdelay $0x1  }
0xa5: {  	s24 =	simm.s32 $0x1B8B  }
0xa6: {  	_ =	swait.ge [sflag:s24], $0x1  }
0xa7: {  	[sflag:s24] =	ssyncset.done $0x0  }
0xa8: {  	s25 =	simm.s32 $0x1B8E;
	[sflag:s24] =	ssyncadd.s32 $0xFFFFFFFF  }
0xa9: {  	s26 =	simm.s32 $execute0_lowered;
	[smem:$0x3FD2] =	sst s25  }
0xaa: {  	s8 =	sshll.u32 s26, $0x1;
	_ =	strace $0x80000046;
	[dreg:$0x1] =	wrdreg $0xFFFFFFFF  }
0xab: {  	s28 =	simm.s32 $_size_execute0_lowered;
	s7 =	sadd.s32 s7, s8;
	[dreg:$0x0] =	wrdreg $0x0  }
0xac: {  	s8 =	sshll.u32 s28, $0x1;
	[dreg:$0x2] =	wrdreg s7  }
0xad: {  	[dreg:$0x3] =	wrdreg s8  }
0xae: {  	[dreg:$0x4] =	wrdreg $0xC0  }
0xaf: {  	_ =	task [dreg:s11], $0x5FFFF  }
0xb0: {  	[dreg:$0x1] =	wrdreg $0xFFFFFFFF  }
0xb1: {  	[dreg:$0x0] =	wrdreg $0x60  }
0xb2: {  	[dreg:$0x2] =	wrdreg s2  }
0xb3: {  	[dreg:$0x3] =	wrdreg s19  }
0xb4: {  	[dreg:$0x4] =	wrdreg s4  }
0xb5: {  	[dreg:$0x5] =	wrdreg s5  }
0xb6: {  	[dreg:$0x6] =	wrdreg s6  }
0xb7: {  	[dreg:$0x7] =	wrdreg $0xA8000  }
0xb8: {  	[dreg:$0x8] =	wrdreg $0x9  }
0xb9: {  	_ =	task.clear_ibuf [dreg:s11], $0x9FFFF;
	_ =	strace $0x90000046  }
0xba: {  	s29 =	simm.s32 $0x9;
	_ =	strace $0x80000048  }
0xbb: {  	_ =	swait.ge [sflag:s29], $0x1  }
0xbc: {  	[sflag:s29] =	ssyncadd.s32 $0xFFFFFFFF  }
0xbd: {  	_ =	strace $0x90000048  }
0xbe: {  	_ =	sfence  }
0xbf: {  	s30 =	sld [smem:$0x0];
	_ =	sdelay $0x2  }
0xc0: {  	s31 =	sshll.u32 s1, $0xD;
	s1 =	sshrl.u32 s1, $0x2  }
0xc1: {  	s3 =	sand.u32 $0x4000, s31;
	s1 =	sadd.s32 s1, s30  }
0xc2: {  	s0 =	sor.u32 s3, s0;
	s1 =	sshll.u32 s1, $0x11  }
0xc3: {  	s0 =	sor.u32 s1, s0  }
0xc4: {  	s0 =	sadd.s32 $0x8F2B, s0  }
0xc5: {  	[sflag:s0] =	ssyncadd.remote.s32 $0x1  }
0xc6: {  	_ =	sfence.sel $0xFFFF  }
0xc7: {  	[dreg:$0x0] =	wrdreg $0xFFFFFFFF;
	(pc) =	sbr.abs _section_cstart, $3  }
0xc8: {  	[dreg:$0x1] =	wrdreg $0xFFFFFFFF  }
0xc9: {  	_ =	task.clear_ibuf [dreg:s11], $0x2FFFF;
	_ =	strace $0x9FFFFFFF  }
0xca: {  	(tm) =	ssettm $0x7FFFFFFF  }
0xcb: {  	_ =	shalt  }
tec
execute0_lowered:
.L_overlay_start_1:
0x0: {  	(tag) =	ssettag $0x1  }
0x1: {  	s0 =	rddreg [dreg:$0x0]  }
0x2: {  	s2 =	rddreg [dreg:$0x1]  }
0x3: {  	s8 =	rddreg [dreg:$0x2]  }
0x4: {  	s1 =	rddreg [dreg:$0x3]  }
0x5: {  	s4 =	srdreg.scid;
	s13 =	stileid.u32  }
0x6: {  	s3 =	rddreg [dreg:$0x5];
	s29 =	simm.s32 $0x7;
	s30 =	simm.s32 $0x1  }
0x7: {  	s28 =	simm.s32 $0x2180;
	[dreg:$0x7] =	wrdreg s1;
	s6 =	smul.u32 $0x50000, s13  }
0x8: {  	s9 =	sand.u32 $0x1, s4;
	s15 =	sshll.u32 s13, $0x1;
	s20 =	smul.u32 $0x14000, s13  }
0x9: {  	s5 =	sor.u32 s9, s15;
	s7 =	ssub.s32 $0x2, s9;
	s9 =	smul.u32 $0x140000, s9  }
0xa: {  	s1 =	rddreg [dreg:$0x4];
	s4 =	simm.s32 $0x0;
	s10 =	smul.u32 $0x500, s5  }
0xb: {  	[smem:$0x7FF] =	sst s4;
	s11 =	sshrl.u32 s7, $0x1;
	s12 =	smul.u32 $0x2800, s5  }
0xc: {  	_ =	strace $0x80000047;
	s16 =	sshrl.u32 s6, $0x2;
	s13 =	sadd.s32 $0x4000, s20  }
0xd: {  	s15 =	sadd.s32 $0x8000, s20;
	s6 =	sadd.s32 $0xC000, s20;
	s11 =	ssub.s32 s7, s11  }
0xe: {  	s5 =	sadd.s32 s16, s3;
	s26 =	sadd.s32 s13, s3;
	s31 =	sadd.s32 s15, s3  }
0xf: {  	s7 =	sadd.s32 $0x10000, s20;
	[dreg:$0x18] =	wrdreg s5;
	s17 =	sadd.s32 s2, s10  }
0x10: {  	s12 =	sshrl.u32 s12, $0x3;
	s18 =	sadd.s32 s8, s10;
	[dreg:$0x19] =	wrdreg s26  }
0x11: {  	[dreg:$0x1a] =	wrdreg s31;
	s26 =	sadd.s32 s7, s3;
	s10 =	smax.u32 s11, $0x1  }
0x12: {  	s11 =	simm.s32 $0x2800;
	s31 =	simm.s32 $0xC0;
	[dreg:$0x8] =	wrdreg s17  }
0x13: {  	s19 =	sadd.s32 $0x100, s12;
	[dreg:$0x9] =	wrdreg s18;
	s23 =	sadd.s32 $0x200, s12  }
0x14: {  	s14 =	sadd.s32 $0x300, s12;
	s12 =	sadd.s32 $0x400, s12;
	[dreg:$0x1c] =	wrdreg s26  }
0x15: {  	s17 =	sadd.s32 s20, s9;
	[dreg:$0x17] =	wrdreg s31;
	s21 =	sadd.s32 s2, s19  }
0x16: {  	s18 =	sadd.s32 s9, s13;
	s22 =	sadd.s32 s8, s19;
	[dreg:$0xa] =	wrdreg s21  }
0x17: {  	s13 =	simm.s32 $0x2000;
	s24 =	sadd.s32 s2, s23;
	[dreg:$0xb] =	wrdreg s22  }
0x18: {  	s26 =	simm.s32 $0xD40;
	s25 =	sadd.s32 s8, s23;
	[dreg:$0xc] =	wrdreg s24  }
0x19: {  	s16 =	sadd.s32 s2, s14;
	s14 =	sadd.s32 s8, s14;
	[dreg:$0xd] =	wrdreg s25  }
0x1a: {  	s2 =	sadd.s32 s2, s12;
	s8 =	sadd.s32 s8, s12;
	[dreg:$0xe] =	wrdreg s16  }
0x1b: {  	s19 =	sshrl.u32 s18, $0x3;
	s23 =	sadd.s32 s9, s6;
	[dreg:$0xf] =	wrdreg s14  }
0x1c: {  	s12 =	simm.s32 $0x9;
	s18 =	simm.s32 $0x6800;
	[dreg:$0x10] =	wrdreg s2  }
0x1d: {  	s2 =	sshrl.u32 s17, $0x3;
	[dreg:$0x11] =	wrdreg s8;
	s20 =	sadd.s32 s1, s19  }
0x1e: {  	s21 =	sadd.s32 s9, s15;
	s8 =	sshrl.u32 s23, $0x3;
	s9 =	sadd.s32 s9, s7  }
0x1f: {  	s25 =	sadd.s32 s6, s3;
	s14 =	simm.s32 $0x8;
	s15 =	simm.s32 $0x40  }
0x20: {  	s16 =	simm.s32 $0x4800;
	s17 =	simm.s32 $0x80;
	s19 =	simm.s32 $0x8800  }
0x21: {  	s23 =	simm.s32 $0x5;
	s7 =	simm.s32 $0xD80;
	s2 =	sadd.s32 s1, s2  }
0x22: {  	[dreg:$0x13] =	wrdreg s20;
	s22 =	sshrl.u32 s21, $0x3;
	s24 =	sadd.s32 s1, s8  }
0x23: {  	s9 =	sshrl.u32 s9, $0x3;
	[dreg:$0x1b] =	wrdreg s25;
	s20 =	simm.s32 $0x2  }
0x24: {  	s21 =	simm.s32 $0x4;
	s25 =	simm.s32 $0x6;
	[dreg:$0x12] =	wrdreg s2  }
0x25: {  	s8 =	simm.s32 $0xDC0;
	s2 =	sadd.s32 s1, s22;
	[dreg:$0x15] =	wrdreg s24  }
0x26: {  	s1 =	sadd.s32 s1, s9;
	s22 =	simm.s32 $0x3;
	[dreg:$0x14] =	wrdreg s2  }
0x27: {  	s24 =	simm.s32 $0xD00;
	s9 =	simm.s32 $0x2100;
	[dreg:$0x16] =	wrdreg s1  }
.LBB2_1:
0x28: {  	s31 =	rddreg [dreg:$0x7]  }
0x29: {  	[tilespmem:s11], [sflag:$0x9] =	stream.linear.gather [hbm4b:s31+s4], $0x4000, $0x38;
	[tilespmem:$0x1E800] =	vst v63  }
0x2a: {  	_ =	swait.ge [sflag:s12], $0x4000  }
0x2b: {  	[sflag:s12] =	ssyncset.done $0x0  }
0x2c: {  	s1 =	rddreg [dreg:$0x18];
	[sflag:s12] =	ssyncadd.s32 $0xFFFFC000  }
0x2d: {  	[spmem:s1] =	stream.linear.scatter [tilespmem:s11], [sflag:$0x8], $0x4000, $0x38;
	[tilespmem:$0x1E800] =	vst v63  }
0x2e: {  	s6 =	rddreg [dreg:$0x19]  }
0x2f: {  	[spmem:s6] =	stream.linear.scatter [tilespmem:s11], [sflag:$0x8], $0x4000, $0x38;
	[tilespmem:$0x1E800] =	vst v63  }
0x30: {  	s31 =	rddreg [dreg:$0x1a]  }
0x31: {  	[spmem:s31] =	stream.linear.scatter [tilespmem:s11], [sflag:$0x8], $0x4000, $0x38;
	[tilespmem:$0x1E800] =	vst v63  }
0x32: {  	s2 =	rddreg [dreg:$0x1b]  }
0x33: {  	[spmem:s2] =	stream.linear.scatter [tilespmem:s11], [sflag:$0x8], $0x4000, $0x38;
	[tilespmem:$0x1E800] =	vst v63  }
0x34: {  	s6 =	rddreg [dreg:$0x1c]  }
0x35: {  	[spmem:s6] =	stream.linear.scatter [tilespmem:s11], [sflag:$0x8], $0x4000, $0x38;
	[tilespmem:$0x1E800] =	vst v63  }
0x36: {  	s5 =	rddreg [dreg:$0x8]  }
0x37: {  	[tilespmem:s4], [sflag:$0x9] =	stream.linear.gather [hbm4b:s5+s4], $0xC00, $0x38;
	[tilespmem:$0x1E800] =	vst v63  }
0x38: {  	_ =	swait.ge [sflag:s12], $0xC00  }
0x39: {  	[sflag:s12] =	ssyncset.done $0x0  }
0x3a: {  	s1 =	simm.s32 $0x1800;
	s2 =	rddreg [dreg:$0x9];
	[sflag:s12] =	ssyncadd.s32 $0xFFFFF400  }
0x3b: {  	[tilespmem:s1], [sflag:$0x9] =	stream.linear.gather [hbm4b:s2+s4], $0x800, $0x38;
	[tilespmem:$0x1E800] =	vst v63  }
0x3c: {  	_ =	swait.ge [sflag:s12], $0x800  }
0x3d: {  	[sflag:s12] =	ssyncset.done $0x0  }
0x3e: {  	[sflag:s12] =	ssyncadd.s32 $0xFFFFF800  }
0x3f: {  	_ =	swait.ge [sflag:s14], $0x4000  }
0x40: {  	[sflag:s14] =	ssyncset.done $0x0  }
0x41: {  	[sflag:s14] =	ssyncadd.s32 $0xFFFFC000  }
0x42: {  	_ =	swait.ge [sflag:s14], $0x4000  }
0x43: {  	[sflag:s14] =	ssyncset.done $0x0  }
0x44: {  	[sflag:s14] =	ssyncadd.s32 $0xFFFFC000  }
0x45: {  	_ =	swait.ge [sflag:s14], $0x4000  }
0x46: {  	[sflag:s14] =	ssyncset.done $0x0  }
0x47: {  	[sflag:s14] =	ssyncadd.s32 $0xFFFFC000  }
0x48: {  	_ =	swait.ge [sflag:s14], $0x4000  }
0x49: {  	[sflag:s14] =	ssyncset.done $0x0  }
0x4a: {  	[sflag:s14] =	ssyncadd.s32 $0xFFFFC000  }
0x4b: {  	_ =	swait.ge [sflag:s14], $0x4000  }
0x4c: {  	[sflag:s14] =	ssyncset.done $0x0  }
0x4d: {  	[sflag:s14] =	ssyncadd.s32 $0xFFFFC000  }
0x4e: {  	[tilespmem:s11], [sflag:$0x2] =	stream.indirect.gather [hbm4b:s0+s15], $0x80, s4, s15, $0xb8;
	[tilespmem:$0x1E800] =	vst v63  }
0x4f: {  	_ = 	snop  }
0x50: {  	[tilespmem:s16], [sflag:$0x4] =	stream.indirect.gather [hbm4b:s0+s15], $0x80, s15, s15, $0xb8;
	[tilespmem:$0x1E800] =	vst v63  }
0x51: {  	_ = 	snop  }
0x52: {  	[tilespmem:s18], [sflag:$0x3] =	stream.indirect.gather [hbm4b:s0+s15], $0x80, s17, s15, $0xb8;
	[tilespmem:$0x1E800] =	vst v63  }
0x53: {  	s5 =	rddreg [dreg:$0x17]  }
0x54: {  	[tilespmem:s19], [sflag:$0x5] =	stream.indirect.gather [hbm4b:s0+s15], $0x80, s5, s15, $0xb8;
	[tilespmem:$0x1E800] =	vst v63  }
0x55: {  	[bflag:$0x0] =	sbarrier.arrive $0xFFFF  }
0x56: {  	_ =	swait.ge [sflag:s20], $0x2000  }
0x57: {  	[sflag:s20] =	ssyncset.done $0x0  }
0x58: {  	[sflag:s20] =	ssyncadd.s32 $0xFFFFE000  }
0x59: {  	_ =	swait.ge [sflag:s21], $0x2000  }
0x5a: {  	[sflag:s21] =	ssyncset.done $0x0  }
0x5b: {  	[sflag:s21] =	ssyncadd.s32 $0xFFFFE000  }
0x5c: {  	[spmem:s3] =	stream.indirect.scatter.add.f32 [tilespmem:s11], [sflag:$0x6], $0x80, s1, s17, $0xb8;
	[tilespmem:$0x1E800] =	vst v63  }
0x5d: {  	_ =	swait.ge [sflag:s22], $0x2000  }
0x5e: {  	[sflag:s22] =	ssyncset.done $0x0  }
0x5f: {  	[sflag:s22] =	ssyncadd.s32 $0xFFFFE000  }
0x60: {  	_ =	swait.ge [sflag:s23], $0x2000  }
0x61: {  	[sflag:s23] =	ssyncset.done $0x0  }
0x62: {  	s2 =	simm.s32 $0x1880;
	[sflag:s23] =	ssyncadd.s32 $0xFFFFE000  }
0x63: {  	[spmem:s3] =	stream.indirect.scatter.add.f32 [tilespmem:s18], [sflag:$0x7], $0x80, s2, s17, $0xb8;
	[tilespmem:$0x1E800] =	vst v63  }
0x64: {  	_ =	swait.ge [sflag:s25], $0x4000  }
0x65: {  	[sflag:s25] =	ssyncset.done $0x0  }
0x66: {  	s6 =	simm.s32 $0x100;
	[sflag:s25] =	ssyncadd.s32 $0xFFFFC000  }
0x67: {  	[tilespmem:s11], [sflag:$0x2] =	stream.indirect.gather [hbm4b:s0+s15], $0x80, s6, s15, $0xb8;
	[tilespmem:$0x1E800] =	vst v63  }
0x68: {  	s31 =	simm.s32 $0x140  }
0x69: {  	[tilespmem:s16], [sflag:$0x4] =	stream.indirect.gather [hbm4b:s0+s15], $0x80, s31, s15, $0xb8;
	[tilespmem:$0x1E800] =	vst v63  }
0x6a: {  	_ =	swait.ge [sflag:s29], $0x4000  }
0x6b: {  	[sflag:s29] =	ssyncset.done $0x0  }
0x6c: {  	s5 =	simm.s32 $0x180;
	[sflag:s29] =	ssyncadd.s32 $0xFFFFC000  }
0x6d: {  	[tilespmem:s18], [sflag:$0x3] =	stream.indirect.gather [hbm4b:s0+s15], $0x80, s5, s15, $0xb8;
	[tilespmem:$0x1E800] =	vst v63  }
0x6e: {  	s6 =	simm.s32 $0x1C0  }
0x6f: {  	[tilespmem:s19], [sflag:$0x5] =	stream.indirect.gather [hbm4b:s0+s15], $0x80, s6, s15, $0xb8;
	[tilespmem:$0x1E800] =	vst v63  }
0x70: {  	_ =	swait.ge [sflag:s20], $0x2000  }
0x71: {  	[sflag:s20] =	ssyncset.done $0x0  }
0x72: {  	[sflag:s20] =	ssyncadd.s32 $0xFFFFE000  }
0x73: {  	_ =	swait.ge [sflag:s21], $0x2000  }
0x74: {  	[sflag:s21] =	ssyncset.done $0x0  }
0x75: {  	s31 =	simm.s32 $0x1900;
	[sflag:s21] =	ssyncadd.s32 $0xFFFFE000  }
0x76: {  	[spmem:s3] =	stream.indirect.scatter.add.f32 [tilespmem:s11], [sflag:$0x6], $0x80, s31, s17, $0xb8;
	[tilespmem:$0x1E800] =	vst v63  }
0x77: {  	_ =	swait.ge [sflag:s22], $0x2000  }
0x78: {  	[sflag:s22] =	ssyncset.done $0x0  }
0x79: {  	[sflag:s22] =	ssyncadd.s32 $0xFFFFE000  }
0x7a: {  	_ =	swait.ge [sflag:s23], $0x2000  }
0x7b: {  	[sflag:s23] =	ssyncset.done $0x0  }
0x7c: {  	s5 =	simm.s32 $0x1980;
	[sflag:s23] =	ssyncadd.s32 $0xFFFFE000  }
0x7d: {  	[spmem:s3] =	stream.indirect.scatter.add.f32 [tilespmem:s18], [sflag:$0x7], $0x80, s5, s17, $0xb8;
	[tilespmem:$0x1E800] =	vst v63  }
0x7e: {  	_ =	swait.ge [sflag:s25], $0x4000  }
0x7f: {  	[sflag:s25] =	ssyncset.done $0x0  }
0x80: {  	s6 =	simm.s32 $0x200;
	[sflag:s25] =	ssyncadd.s32 $0xFFFFC000  }
0x81: {  	[tilespmem:s11], [sflag:$0x2] =	stream.indirect.gather [hbm4b:s0+s15], $0x80, s6, s15, $0xb8;
	[tilespmem:$0x1E800] =	vst v63  }
0x82: {  	s31 =	simm.s32 $0x240  }
0x83: {  	[tilespmem:s16], [sflag:$0x4] =	stream.indirect.gather [hbm4b:s0+s15], $0x80, s31, s15, $0xb8;
	[tilespmem:$0x1E800] =	vst v63  }
0x84: {  	_ =	swait.ge [sflag:s29], $0x4000  }
0x85: {  	[sflag:s29] =	ssyncset.done $0x0  }
0x86: {  	s5 =	simm.s32 $0x280;
	[sflag:s29] =	ssyncadd.s32 $0xFFFFC000  }
0x87: {  	[tilespmem:s18], [sflag:$0x3] =	stream.indirect.gather [hbm4b:s0+s15], $0x80, s5, s15, $0xb8;
	[tilespmem:$0x1E800] =	vst v63  }
0x88: {  	s6 =	simm.s32 $0x2C0  }
0x89: {  	[tilespmem:s19], [sflag:$0x5] =	stream.indirect.gather [hbm4b:s0+s15], $0x80, s6, s15, $0xb8;
	[tilespmem:$0x1E800] =	vst v63  }
0x8a: {  	_ =	swait.ge [sflag:s20], $0x2000  }
0x8b: {  	[sflag:s20] =	ssyncset.done $0x0  }
0x8c: {  	[sflag:s20] =	ssyncadd.s32 $0xFFFFE000  }
0x8d: {  	_ =	swait.ge [sflag:s21], $0x2000  }
0x8e: {  	[sflag:s21] =	ssyncset.done $0x0  }
0x8f: {  	s31 =	simm.s32 $0x1A00;
	[sflag:s21] =	ssyncadd.s32 $0xFFFFE000  }
0x90: {  	[spmem:s3] =	stream.indirect.scatter.add.f32 [tilespmem:s11], [sflag:$0x6], $0x80, s31, s17, $0xb8;
	[tilespmem:$0x1E800] =	vst v63  }
0x91: {  	_ =	swait.ge [sflag:s22], $0x2000  }
0x92: {  	[sflag:s22] =	ssyncset.done $0x0  }
0x93: {  	[sflag:s22] =	ssyncadd.s32 $0xFFFFE000  }
0x94: {  	_ =	swait.ge [sflag:s23], $0x2000  }
0x95: {  	[sflag:s23] =	ssyncset.done $0x0  }
0x96: {  	s5 =	simm.s32 $0x1A80;
	[sflag:s23] =	ssyncadd.s32 $0xFFFFE000  }
0x97: {  	[spmem:s3] =	stream.indirect.scatter.add.f32 [tilespmem:s18], [sflag:$0x7], $0x80, s5, s17, $0xb8;
	[tilespmem:$0x1E800] =	vst v63  }
0x98: {  	_ =	swait.ge [sflag:s25], $0x4000  }
0x99: {  	[sflag:s25] =	ssyncset.done $0x0  }
0x9a: {  	s6 =	simm.s32 $0x300;
	[sflag:s25] =	ssyncadd.s32 $0xFFFFC000  }
0x9b: {  	[tilespmem:s11], [sflag:$0x2] =	stream.indirect.gather [hbm4b:s0+s15], $0x80, s6, s15, $0xb8;
	[tilespmem:$0x1E800] =	vst v63  }
0x9c: {  	s31 =	simm.s32 $0x340  }
0x9d: {  	[tilespmem:s16], [sflag:$0x4] =	stream.indirect.gather [hbm4b:s0+s15], $0x80, s31, s15, $0xb8;
	[tilespmem:$0x1E800] =	vst v63  }
0x9e: {  	_ =	swait.ge [sflag:s29], $0x4000  }
0x9f: {  	[sflag:s29] =	ssyncset.done $0x0  }
0xa0: {  	s5 =	simm.s32 $0x380;
	[sflag:s29] =	ssyncadd.s32 $0xFFFFC000  }
0xa1: {  	[tilespmem:s18], [sflag:$0x3] =	stream.indirect.gather [hbm4b:s0+s15], $0x80, s5, s15, $0xb8;
	[tilespmem:$0x1E800] =	vst v63  }
0xa2: {  	s6 =	simm.s32 $0x3C0  }
0xa3: {  	[tilespmem:s19], [sflag:$0x5] =	stream.indirect.gather [hbm4b:s0+s15], $0x80, s6, s15, $0xb8;
	[tilespmem:$0x1E800] =	vst v63  }
0xa4: {  	_ =	swait.ge [sflag:s20], $0x2000  }
0xa5: {  	[sflag:s20] =	ssyncset.done $0x0  }
0xa6: {  	[sflag:s20] =	ssyncadd.s32 $0xFFFFE000  }
0xa7: {  	_ =	swait.ge [sflag:s21], $0x2000  }
0xa8: {  	[sflag:s21] =	ssyncset.done $0x0  }
0xa9: {  	s31 =	simm.s32 $0x1B00;
	[sflag:s21] =	ssyncadd.s32 $0xFFFFE000  }
0xaa: {  	[spmem:s3] =	stream.indirect.scatter.add.f32 [tilespmem:s11], [sflag:$0x6], $0x80, s31, s17, $0xb8;
	[tilespmem:$0x1E800] =	vst v63  }
0xab: {  	_ =	swait.ge [sflag:s22], $0x2000  }
0xac: {  	[sflag:s22] =	ssyncset.done $0x0  }
0xad: {  	[sflag:s22] =	ssyncadd.s32 $0xFFFFE000  }
0xae: {  	_ =	swait.ge [sflag:s23], $0x2000  }
0xaf: {  	[sflag:s23] =	ssyncset.done $0x0  }
0xb0: {  	s5 =	simm.s32 $0x1B80;
	[sflag:s23] =	ssyncadd.s32 $0xFFFFE000  }
0xb1: {  	[spmem:s3] =	stream.indirect.scatter.add.f32 [tilespmem:s18], [sflag:$0x7], $0x80, s5, s17, $0xb8;
	[tilespmem:$0x1E800] =	vst v63  }
0xb2: {  	_ =	swait.ge [sflag:s25], $0x4000  }
0xb3: {  	[sflag:s25] =	ssyncset.done $0x0  }
0xb4: {  	s6 =	simm.s32 $0x400;
	[sflag:s25] =	ssyncadd.s32 $0xFFFFC000  }
0xb5: {  	[tilespmem:s11], [sflag:$0x2] =	stream.indirect.gather [hbm4b:s0+s15], $0x80, s6, s15, $0xb8;
	[tilespmem:$0x1E800] =	vst v63  }
0xb6: {  	s31 =	simm.s32 $0x440  }
0xb7: {  	[tilespmem:s16], [sflag:$0x4] =	stream.indirect.gather [hbm4b:s0+s15], $0x80, s31, s15, $0xb8;
	[tilespmem:$0x1E800] =	vst v63  }
0xb8: {  	_ =	swait.ge [sflag:s29], $0x4000  }
0xb9: {  	[sflag:s29] =	ssyncset.done $0x0  }
0xba: {  	s5 =	simm.s32 $0x480;
	[sflag:s29] =	ssyncadd.s32 $0xFFFFC000  }
0xbb: {  	[tilespmem:s18], [sflag:$0x3] =	stream.indirect.gather [hbm4b:s0+s15], $0x80, s5, s15, $0xb8;
	[tilespmem:$0x1E800] =	vst v63  }
0xbc: {  	s6 =	simm.s32 $0x4C0  }
0xbd: {  	[tilespmem:s19], [sflag:$0x5] =	stream.indirect.gather [hbm4b:s0+s15], $0x80, s6, s15, $0xb8;
	[tilespmem:$0x1E800] =	vst v63  }
0xbe: {  	s31 =	rddreg [dreg:$0xa];
	s6 =	simm.s32 $0xC00  }
0xbf: {  	[tilespmem:s6], [sflag:$0x1] =	stream.linear.gather [hbm4b:s31+s4], $0xC00, $0x38;
	[tilespmem:$0x1E800] =	vst v63  }
0xc0: {  	s5 =	rddreg [dreg:$0xb]  }
0xc1: {  	[tilespmem:s13], [sflag:$0x1] =	stream.linear.gather [hbm4b:s5+s4], $0x800, $0x38;
	[tilespmem:$0x1E800] =	vst v63  }
0xc2: {  	_ =	swait.ge [sflag:s20], $0x2000  }
0xc3: {  	[sflag:s20] =	ssyncset.done $0x0  }
0xc4: {  	[sflag:s20] =	ssyncadd.s32 $0xFFFFE000  }
0xc5: {  	_ =	swait.ge [sflag:s21], $0x2000  }
0xc6: {  	[sflag:s21] =	ssyncset.done $0x0  }
0xc7: {  	s31 =	simm.s32 $0x1C00;
	[sflag:s21] =	ssyncadd.s32 $0xFFFFE000  }
0xc8: {  	[spmem:s3] =	stream.indirect.scatter.add.f32 [tilespmem:s11], [sflag:$0x6], $0x80, s31, s17, $0xb8;
	[tilespmem:$0x1E800] =	vst v63  }
0xc9: {  	_ =	swait.ge [sflag:s22], $0x2000  }
0xca: {  	[sflag:s22] =	ssyncset.done $0x0  }
0xcb: {  	[sflag:s22] =	ssyncadd.s32 $0xFFFFE000  }
0xcc: {  	_ =	swait.ge [sflag:s23], $0x2000  }
0xcd: {  	[sflag:s23] =	ssyncset.done $0x0  }
0xce: {  	s5 =	simm.s32 $0x1C80;
	[sflag:s23] =	ssyncadd.s32 $0xFFFFE000  }
0xcf: {  	[spmem:s3] =	stream.indirect.scatter.add.f32 [tilespmem:s18], [sflag:$0x7], $0x80, s5, s17, $0xb8;
	[tilespmem:$0x1E800] =	vst v63  }
0xd0: {  	_ =	swait.ge [sflag:s25], $0x4000  }
0xd1: {  	[sflag:s25] =	ssyncset.done $0x0  }
0xd2: {  	s31 =	simm.s32 $0x500;
	[sflag:s25] =	ssyncadd.s32 $0xFFFFC000  }
0xd3: {  	[tilespmem:s11], [sflag:$0x2] =	stream.indirect.gather [hbm4b:s0+s15], $0x80, s31, s15, $0xb8;
	[tilespmem:$0x1E800] =	vst v63  }
0xd4: {  	s5 =	simm.s32 $0x540  }
0xd5: {  	[tilespmem:s16], [sflag:$0x4] =	stream.indirect.gather [hbm4b:s0+s15], $0x80, s5, s15, $0xb8;
	[tilespmem:$0x1E800] =	vst v63  }
0xd6: {  	_ =	swait.ge [sflag:s29], $0x4000  }
0xd7: {  	[sflag:s29] =	ssyncset.done $0x0  }
0xd8: {  	s31 =	simm.s32 $0x580;
	[sflag:s29] =	ssyncadd.s32 $0xFFFFC000  }
0xd9: {  	[tilespmem:s18], [sflag:$0x3] =	stream.indirect.gather [hbm4b:s0+s15], $0x80, s31, s15, $0xb8;
	[tilespmem:$0x1E800] =	vst v63  }
0xda: {  	s5 =	simm.s32 $0x5C0  }
0xdb: {  	[tilespmem:s19], [sflag:$0x5] =	stream.indirect.gather [hbm4b:s0+s15], $0x80, s5, s15, $0xb8;
	[tilespmem:$0x1E800] =	vst v63  }
0xdc: {  	_ =	swait.ge [sflag:s20], $0x2000  }
0xdd: {  	[sflag:s20] =	ssyncset.done $0x0  }
0xde: {  	[sflag:s20] =	ssyncadd.s32 $0xFFFFE000  }
0xdf: {  	_ =	swait.ge [sflag:s21], $0x2000  }
0xe0: {  	[sflag:s21] =	ssyncset.done $0x0  }
0xe1: {  	s31 =	simm.s32 $0x1D00;
	[sflag:s21] =	ssyncadd.s32 $0xFFFFE000  }
0xe2: {  	[spmem:s3] =	stream.indirect.scatter.add.f32 [tilespmem:s11], [sflag:$0x6], $0x80, s31, s17, $0xb8;
	[tilespmem:$0x1E800] =	vst v63  }
0xe3: {  	_ =	swait.ge [sflag:s22], $0x2000  }
0xe4: {  	[sflag:s22] =	ssyncset.done $0x0  }
0xe5: {  	[sflag:s22] =	ssyncadd.s32 $0xFFFFE000  }
0xe6: {  	_ =	swait.ge [sflag:s23], $0x2000  }
0xe7: {  	[sflag:s23] =	ssyncset.done $0x0  }
0xe8: {  	s5 =	simm.s32 $0x1D80;
	[sflag:s23] =	ssyncadd.s32 $0xFFFFE000  }
0xe9: {  	[spmem:s3] =	stream.indirect.scatter.add.f32 [tilespmem:s18], [sflag:$0x7], $0x80, s5, s17, $0xb8;
	[tilespmem:$0x1E800] =	vst v63  }
0xea: {  	_ =	swait.ge [sflag:s25], $0x4000  }
0xeb: {  	[sflag:s25] =	ssyncset.done $0x0  }
0xec: {  	s31 =	simm.s32 $0x600;
	[sflag:s25] =	ssyncadd.s32 $0xFFFFC000  }
0xed: {  	[tilespmem:s11], [sflag:$0x2] =	stream.indirect.gather [hbm4b:s0+s15], $0x80, s31, s15, $0xb8;
	[tilespmem:$0x1E800] =	vst v63  }
0xee: {  	s5 =	simm.s32 $0x640  }
0xef: {  	[tilespmem:s16], [sflag:$0x4] =	stream.indirect.gather [hbm4b:s0+s15], $0x80, s5, s15, $0xb8;
	[tilespmem:$0x1E800] =	vst v63  }
0xf0: {  	_ =	swait.ge [sflag:s29], $0x4000  }
0xf1: {  	[sflag:s29] =	ssyncset.done $0x0  }
0xf2: {  	s31 =	simm.s32 $0x680;
	[sflag:s29] =	ssyncadd.s32 $0xFFFFC000  }
0xf3: {  	[tilespmem:s18], [sflag:$0x3] =	stream.indirect.gather [hbm4b:s0+s15], $0x80, s31, s15, $0xb8;
	[tilespmem:$0x1E800] =	vst v63  }
0xf4: {  	s5 =	simm.s32 $0x6C0  }
0xf5: {  	[tilespmem:s19], [sflag:$0x5] =	stream.indirect.gather [hbm4b:s0+s15], $0x80, s5, s15, $0xb8;
	[tilespmem:$0x1E800] =	vst v63  }
0xf6: {  	_ =	swait.ge [sflag:s20], $0x2000  }
0xf7: {  	[sflag:s20] =	ssyncset.done $0x0  }
0xf8: {  	[sflag:s20] =	ssyncadd.s32 $0xFFFFE000  }
0xf9: {  	_ =	swait.ge [sflag:s21], $0x2000  }
0xfa: {  	[sflag:s21] =	ssyncset.done $0x0  }
0xfb: {  	s31 =	simm.s32 $0x1E00;
	[sflag:s21] =	ssyncadd.s32 $0xFFFFE000  }
0xfc: {  	[spmem:s3] =	stream.indirect.scatter.add.f32 [tilespmem:s11], [sflag:$0x6], $0x80, s31, s17, $0xb8;
	[tilespmem:$0x1E800] =	vst v63  }
0xfd: {  	_ =	swait.ge [sflag:s22], $0x2000  }
0xfe: {  	[sflag:s22] =	ssyncset.done $0x0  }
0xff: {  	[sflag:s22] =	ssyncadd.s32 $0xFFFFE000  }
0x100: {  	_ =	swait.ge [sflag:s23], $0x2000  }
0x101: {  	[sflag:s23] =	ssyncset.done $0x0  }
0x102: {  	s5 =	simm.s32 $0x1E80;
	[sflag:s23] =	ssyncadd.s32 $0xFFFFE000  }
0x103: {  	[spmem:s3] =	stream.indirect.scatter.add.f32 [tilespmem:s18], [sflag:$0x7], $0x80, s5, s17, $0xb8;
	[tilespmem:$0x1E800] =	vst v63  }
0x104: {  	_ =	swait.ge [sflag:s25], $0x4000  }
0x105: {  	[sflag:s25] =	ssyncset.done $0x0  }
0x106: {  	s31 =	simm.s32 $0x700;
	[sflag:s25] =	ssyncadd.s32 $0xFFFFC000  }
0x107: {  	[tilespmem:s11], [sflag:$0x2] =	stream.indirect.gather [hbm4b:s0+s15], $0x80, s31, s15, $0xb8;
	[tilespmem:$0x1E800] =	vst v63  }
0x108: {  	s5 =	simm.s32 $0x740  }
0x109: {  	[tilespmem:s16], [sflag:$0x4] =	stream.indirect.gather [hbm4b:s0+s15], $0x80, s5, s15, $0xb8;
	[tilespmem:$0x1E800] =	vst v63  }
0x10a: {  	_ =	swait.ge [sflag:s29], $0x4000  }
0x10b: {  	[sflag:s29] =	ssyncset.done $0x0  }
0x10c: {  	s31 =	simm.s32 $0x780;
	[sflag:s29] =	ssyncadd.s32 $0xFFFFC000  }
0x10d: {  	[tilespmem:s18], [sflag:$0x3] =	stream.indirect.gather [hbm4b:s0+s15], $0x80, s31, s15, $0xb8;
	[tilespmem:$0x1E800] =	vst v63  }
0x10e: {  	s5 =	simm.s32 $0x7C0  }
0x10f: {  	[tilespmem:s19], [sflag:$0x5] =	stream.indirect.gather [hbm4b:s0+s15], $0x80, s5, s15, $0xb8;
	[tilespmem:$0x1E800] =	vst v63  }
0x110: {  	_ =	swait.ge [sflag:s20], $0x2000  }
0x111: {  	[sflag:s20] =	ssyncset.done $0x0  }
0x112: {  	[sflag:s20] =	ssyncadd.s32 $0xFFFFE000  }
0x113: {  	_ =	swait.ge [sflag:s21], $0x2000  }
0x114: {  	[sflag:s21] =	ssyncset.done $0x0  }
0x115: {  	s31 =	simm.s32 $0x1F00;
	[sflag:s21] =	ssyncadd.s32 $0xFFFFE000  }
0x116: {  	[spmem:s3] =	stream.indirect.scatter.add.f32 [tilespmem:s11], [sflag:$0x6], $0x80, s31, s17, $0xb8;
	[tilespmem:$0x1E800] =	vst v63  }
0x117: {  	_ =	swait.ge [sflag:s22], $0x2000  }
0x118: {  	[sflag:s22] =	ssyncset.done $0x0  }
0x119: {  	[sflag:s22] =	ssyncadd.s32 $0xFFFFE000  }
0x11a: {  	_ =	swait.ge [sflag:s23], $0x2000  }
0x11b: {  	[sflag:s23] =	ssyncset.done $0x0  }
0x11c: {  	s5 =	simm.s32 $0x1F80;
	[sflag:s23] =	ssyncadd.s32 $0xFFFFE000  }
0x11d: {  	[spmem:s3] =	stream.indirect.scatter.add.f32 [tilespmem:s18], [sflag:$0x7], $0x80, s5, s17, $0xb8;
	[tilespmem:$0x1E800] =	vst v63  }
0x11e: {  	_ =	swait.ge [sflag:s25], $0x4000  }
0x11f: {  	[sflag:s25] =	ssyncset.done $0x0  }
0x120: {  	s31 =	simm.s32 $0x800;
	[sflag:s25] =	ssyncadd.s32 $0xFFFFC000  }
0x121: {  	[tilespmem:s11], [sflag:$0x2] =	stream.indirect.gather [hbm4b:s0+s15], $0x80, s31, s15, $0xb8;
	[tilespmem:$0x1E800] =	vst v63  }
0x122: {  	s5 =	simm.s32 $0x840  }
0x123: {  	[tilespmem:s16], [sflag:$0x4] =	stream.indirect.gather [hbm4b:s0+s15], $0x80, s5, s15, $0xb8;
	[tilespmem:$0x1E800] =	vst v63  }
0x124: {  	_ =	swait.ge [sflag:s29], $0x4000  }
0x125: {  	[sflag:s29] =	ssyncset.done $0x0  }
0x126: {  	s31 =	simm.s32 $0x880;
	[sflag:s29] =	ssyncadd.s32 $0xFFFFC000  }
0x127: {  	[tilespmem:s18], [sflag:$0x3] =	stream.indirect.gather [hbm4b:s0+s15], $0x80, s31, s15, $0xb8;
	[tilespmem:$0x1E800] =	vst v63  }
0x128: {  	s5 =	simm.s32 $0x8C0  }
0x129: {  	[tilespmem:s19], [sflag:$0x5] =	stream.indirect.gather [hbm4b:s0+s15], $0x80, s5, s15, $0xb8;
	[tilespmem:$0x1E800] =	vst v63  }
0x12a: {  	_ =	swait.ge [sflag:s30], $0xC00  }
0x12b: {  	[sflag:s30] =	ssyncset.done $0x0  }
0x12c: {  	[sflag:s30] =	ssyncadd.s32 $0xFFFFF400  }
0x12d: {  	_ =	swait.ge [sflag:s30], $0x800  }
0x12e: {  	[sflag:s30] =	ssyncset.done $0x0  }
0x12f: {  	[sflag:s30] =	ssyncadd.s32 $0xFFFFF800  }
0x130: {  	_ =	swait.ge [sflag:s20], $0x2000  }
0x131: {  	[sflag:s20] =	ssyncset.done $0x0  }
0x132: {  	[sflag:s20] =	ssyncadd.s32 $0xFFFFE000  }
0x133: {  	_ =	swait.ge [sflag:s21], $0x2000  }
0x134: {  	[sflag:s21] =	ssyncset.done $0x0  }
0x135: {  	[sflag:s21] =	ssyncadd.s32 $0xFFFFE000  }
0x136: {  	[spmem:s3] =	stream.indirect.scatter.add.f32 [tilespmem:s11], [sflag:$0x6], $0x80, s13, s17, $0xb8;
	[tilespmem:$0x1E800] =	vst v63  }
0x137: {  	_ =	swait.ge [sflag:s22], $0x2000  }
0x138: {  	[sflag:s22] =	ssyncset.done $0x0  }
0x139: {  	[sflag:s22] =	ssyncadd.s32 $0xFFFFE000  }
0x13a: {  	_ =	swait.ge [sflag:s23], $0x2000  }
0x13b: {  	[sflag:s23] =	ssyncset.done $0x0  }
0x13c: {  	s5 =	simm.s32 $0x2080;
	[sflag:s23] =	ssyncadd.s32 $0xFFFFE000  }
0x13d: {  	[spmem:s3] =	stream.indirect.scatter.add.f32 [tilespmem:s18], [sflag:$0x7], $0x80, s5, s17, $0xb8;
	[tilespmem:$0x1E800] =	vst v63  }
0x13e: {  	_ =	swait.ge [sflag:s25], $0x4000  }
0x13f: {  	[sflag:s25] =	ssyncset.done $0x0  }
0x140: {  	[sflag:s25] =	ssyncadd.s32 $0xFFFFC000  }
0x141: {  	[tilespmem:s11], [sflag:$0x2] =	stream.indirect.gather [hbm4b:s0+s15], $0x80, s24, s15, $0xb8;
	[tilespmem:$0x1E800] =	vst v63  }
0x142: {  	_ = 	snop  }
0x143: {  	[tilespmem:s16], [sflag:$0x4] =	stream.indirect.gather [hbm4b:s0+s15], $0x80, s26, s15, $0xb8;
	[tilespmem:$0x1E800] =	vst v63  }
0x144: {  	_ =	swait.ge [sflag:s29], $0x4000  }
0x145: {  	[sflag:s29] =	ssyncset.done $0x0  }
0x146: {  	[sflag:s29] =	ssyncadd.s32 $0xFFFFC000  }
0x147: {  	[tilespmem:s18], [sflag:$0x3] =	stream.indirect.gather [hbm4b:s0+s15], $0x80, s7, s15, $0xb8;
	[tilespmem:$0x1E800] =	vst v63  }
0x148: {  	_ = 	snop  }
0x149: {  	[tilespmem:s19], [sflag:$0x5] =	stream.indirect.gather [hbm4b:s0+s15], $0x80, s8, s15, $0xb8;
	[tilespmem:$0x1E800] =	vst v63  }
0x14a: {  	_ =	swait.ge [sflag:s20], $0x2000  }
0x14b: {  	[sflag:s20] =	ssyncset.done $0x0  }
0x14c: {  	[sflag:s20] =	ssyncadd.s32 $0xFFFFE000  }
0x14d: {  	_ =	swait.ge [sflag:s21], $0x2000  }
0x14e: {  	[sflag:s21] =	ssyncset.done $0x0  }
0x14f: {  	[sflag:s21] =	ssyncadd.s32 $0xFFFFE000  }
0x150: {  	[spmem:s3] =	stream.indirect.scatter.add.f32 [tilespmem:s11], [sflag:$0x6], $0x80, s9, s17, $0xb8;
	[tilespmem:$0x1E800] =	vst v63  }
0x151: {  	_ =	swait.ge [sflag:s22], $0x2000  }
0x152: {  	[sflag:s22] =	ssyncset.done $0x0  }
0x153: {  	[sflag:s22] =	ssyncadd.s32 $0xFFFFE000  }
0x154: {  	_ =	swait.ge [sflag:s23], $0x2000  }
0x155: {  	[sflag:s23] =	ssyncset.done $0x0  }
0x156: {  	[sflag:s23] =	ssyncadd.s32 $0xFFFFE000  }
0x157: {  	[spmem:s3] =	stream.indirect.scatter.add.f32 [tilespmem:s18], [sflag:$0x7], $0x80, s28, s17, $0xb8;
	[tilespmem:$0x1E800] =	vst v63  }
0x158: {  	_ =	swait.ge [sflag:s25], $0x4000  }
0x159: {  	[sflag:s25] =	ssyncset.done $0x0  }
0x15a: {  	s31 =	simm.s32 $0xE00;
	[sflag:s25] =	ssyncadd.s32 $0xFFFFC000  }
0x15b: {  	[tilespmem:s11], [sflag:$0x2] =	stream.indirect.gather [hbm4b:s0+s15], $0x80, s31, s15, $0xb8;
	[tilespmem:$0x1E800] =	vst v63  }
0x15c: {  	s31 =	simm.s32 $0xE40  }
0x15d: {  	[tilespmem:s16], [sflag:$0x4] =	stream.indirect.gather [hbm4b:s0+s15], $0x80, s31, s15, $0xb8;
	[tilespmem:$0x1E800] =	vst v63  }
0x15e: {  	_ =	swait.ge [sflag:s29], $0x4000  }
0x15f: {  	[sflag:s29] =	ssyncset.done $0x0  }
0x160: {  	s31 =	simm.s32 $0xE80;
	[sflag:s29] =	ssyncadd.s32 $0xFFFFC000  }
0x161: {  	[tilespmem:s18], [sflag:$0x3] =	stream.indirect.gather [hbm4b:s0+s15], $0x80, s31, s15, $0xb8;
	[tilespmem:$0x1E800] =	vst v63  }
0x162: {  	s31 =	simm.s32 $0xEC0  }
0x163: {  	[tilespmem:s19], [sflag:$0x5] =	stream.indirect.gather [hbm4b:s0+s15], $0x80, s31, s15, $0xb8;
	[tilespmem:$0x1E800] =	vst v63  }
0x164: {  	_ =	swait.ge [sflag:s20], $0x2000  }
0x165: {  	[sflag:s20] =	ssyncset.done $0x0  }
0x166: {  	[sflag:s20] =	ssyncadd.s32 $0xFFFFE000  }
0x167: {  	_ =	swait.ge [sflag:s21], $0x2000  }
0x168: {  	[sflag:s21] =	ssyncset.done $0x0  }
0x169: {  	s31 =	simm.s32 $0x2200;
	[sflag:s21] =	ssyncadd.s32 $0xFFFFE000  }
0x16a: {  	[spmem:s3] =	stream.indirect.scatter.add.f32 [tilespmem:s11], [sflag:$0x6], $0x80, s31, s17, $0xb8;
	[tilespmem:$0x1E800] =	vst v63  }
0x16b: {  	_ =	swait.ge [sflag:s22], $0x2000  }
0x16c: {  	[sflag:s22] =	ssyncset.done $0x0  }
0x16d: {  	[sflag:s22] =	ssyncadd.s32 $0xFFFFE000  }
0x16e: {  	_ =	swait.ge [sflag:s23], $0x2000  }
0x16f: {  	[sflag:s23] =	ssyncset.done $0x0  }
0x170: {  	s31 =	simm.s32 $0x2280;
	[sflag:s23] =	ssyncadd.s32 $0xFFFFE000  }
0x171: {  	[spmem:s3] =	stream.indirect.scatter.add.f32 [tilespmem:s18], [sflag:$0x7], $0x80, s31, s17, $0xb8;
	[tilespmem:$0x1E800] =	vst v63  }
0x172: {  	_ =	swait.ge [sflag:s25], $0x4000  }
0x173: {  	[sflag:s25] =	ssyncset.done $0x0  }
0x174: {  	s31 =	simm.s32 $0xF00;
	[sflag:s25] =	ssyncadd.s32 $0xFFFFC000  }
0x175: {  	[tilespmem:s11], [sflag:$0x2] =	stream.indirect.gather [hbm4b:s0+s15], $0x80, s31, s15, $0xb8;
	[tilespmem:$0x1E800] =	vst v63  }
0x176: {  	s31 =	simm.s32 $0xF40  }
0x177: {  	[tilespmem:s16], [sflag:$0x4] =	stream.indirect.gather [hbm4b:s0+s15], $0x80, s31, s15, $0xb8;
	[tilespmem:$0x1E800] =	vst v63  }
0x178: {  	_ =	swait.ge [sflag:s29], $0x4000  }
0x179: {  	[sflag:s29] =	ssyncset.done $0x0  }
0x17a: {  	s31 =	simm.s32 $0xF80;
	[sflag:s29] =	ssyncadd.s32 $0xFFFFC000  }
0x17b: {  	[tilespmem:s18], [sflag:$0x3] =	stream.indirect.gather [hbm4b:s0+s15], $0x80, s31, s15, $0xb8;
	[tilespmem:$0x1E800] =	vst v63  }
0x17c: {  	s31 =	simm.s32 $0xFC0  }
0x17d: {  	[tilespmem:s19], [sflag:$0x5] =	stream.indirect.gather [hbm4b:s0+s15], $0x80, s31, s15, $0xb8;
	[tilespmem:$0x1E800] =	vst v63  }
0x17e: {  	_ =	swait.ge [sflag:s20], $0x2000  }
0x17f: {  	[sflag:s20] =	ssyncset.done $0x0  }
0x180: {  	[sflag:s20] =	ssyncadd.s32 $0xFFFFE000  }
0x181: {  	_ =	swait.ge [sflag:s21], $0x2000  }
0x182: {  	[sflag:s21] =	ssyncset.done $0x0  }
0x183: {  	s31 =	simm.s32 $0x2300;
	[sflag:s21] =	ssyncadd.s32 $0xFFFFE000  }
0x184: {  	[spmem:s3] =	stream.indirect.scatter.add.f32 [tilespmem:s11], [sflag:$0x6], $0x80, s31, s17, $0xb8;
	[tilespmem:$0x1E800] =	vst v63  }
0x185: {  	_ =	swait.ge [sflag:s22], $0x2000  }
0x186: {  	[sflag:s22] =	ssyncset.done $0x0  }
0x187: {  	[sflag:s22] =	ssyncadd.s32 $0xFFFFE000  }
0x188: {  	_ =	swait.ge [sflag:s23], $0x2000  }
0x189: {  	[sflag:s23] =	ssyncset.done $0x0  }
0x18a: {  	s31 =	simm.s32 $0x2380;
	[sflag:s23] =	ssyncadd.s32 $0xFFFFE000  }
0x18b: {  	[spmem:s3] =	stream.indirect.scatter.add.f32 [tilespmem:s18], [sflag:$0x7], $0x80, s31, s17, $0xb8;
	[tilespmem:$0x1E800] =	vst v63  }
0x18c: {  	_ =	swait.ge [sflag:s25], $0x4000  }
0x18d: {  	[sflag:s25] =	ssyncset.done $0x0  }
0x18e: {  	s31 =	simm.s32 $0x1000;
	[sflag:s25] =	ssyncadd.s32 $0xFFFFC000  }
0x18f: {  	[tilespmem:s11], [sflag:$0x2] =	stream.indirect.gather [hbm4b:s0+s15], $0x80, s31, s15, $0xb8;
	[tilespmem:$0x1E800] =	vst v63  }
0x190: {  	s31 =	simm.s32 $0x1040  }
0x191: {  	[tilespmem:s16], [sflag:$0x4] =	stream.indirect.gather [hbm4b:s0+s15], $0x80, s31, s15, $0xb8;
	[tilespmem:$0x1E800] =	vst v63  }
0x192: {  	_ =	swait.ge [sflag:s29], $0x4000  }
0x193: {  	[sflag:s29] =	ssyncset.done $0x0  }
0x194: {  	s31 =	simm.s32 $0x1080;
	[sflag:s29] =	ssyncadd.s32 $0xFFFFC000  }
0x195: {  	[tilespmem:s18], [sflag:$0x3] =	stream.indirect.gather [hbm4b:s0+s15], $0x80, s31, s15, $0xb8;
	[tilespmem:$0x1E800] =	vst v63  }
0x196: {  	s31 =	simm.s32 $0x10C0  }
0x197: {  	[tilespmem:s19], [sflag:$0x5] =	stream.indirect.gather [hbm4b:s0+s15], $0x80, s31, s15, $0xb8;
	[tilespmem:$0x1E800] =	vst v63  }
0x198: {  	s2 =	rddreg [dreg:$0xc]  }
0x199: {  	[tilespmem:s4], [sflag:$0x1] =	stream.linear.gather [hbm4b:s2+s4], $0xC00, $0x38;
	[tilespmem:$0x1E800] =	vst v63  }
0x19a: {  	s31 =	rddreg [dreg:$0xd]  }
0x19b: {  	[tilespmem:s1], [sflag:$0x1] =	stream.linear.gather [hbm4b:s31+s4], $0x800, $0x38;
	[tilespmem:$0x1E800] =	vst v63  }
0x19c: {  	_ =	swait.ge [sflag:s20], $0x2000  }
0x19d: {  	[sflag:s20] =	ssyncset.done $0x0  }
0x19e: {  	[sflag:s20] =	ssyncadd.s32 $0xFFFFE000  }
0x19f: {  	_ =	swait.ge [sflag:s21], $0x2000  }
0x1a0: {  	[sflag:s21] =	ssyncset.done $0x0  }
0x1a1: {  	s31 =	simm.s32 $0x2400;
	[sflag:s21] =	ssyncadd.s32 $0xFFFFE000  }
0x1a2: {  	[spmem:s3] =	stream.indirect.scatter.add.f32 [tilespmem:s11], [sflag:$0x6], $0x80, s31, s17, $0xb8;
	[tilespmem:$0x1E800] =	vst v63  }
0x1a3: {  	_ =	swait.ge [sflag:s22], $0x2000  }
0x1a4: {  	[sflag:s22] =	ssyncset.done $0x0  }
0x1a5: {  	[sflag:s22] =	ssyncadd.s32 $0xFFFFE000  }
0x1a6: {  	_ =	swait.ge [sflag:s23], $0x2000  }
0x1a7: {  	[sflag:s23] =	ssyncset.done $0x0  }
0x1a8: {  	s31 =	simm.s32 $0x2480;
	[sflag:s23] =	ssyncadd.s32 $0xFFFFE000  }
0x1a9: {  	[spmem:s3] =	stream.indirect.scatter.add.f32 [tilespmem:s18], [sflag:$0x7], $0x80, s31, s17, $0xb8;
	[tilespmem:$0x1E800] =	vst v63  }
0x1aa: {  	_ =	swait.ge [sflag:s25], $0x4000  }
0x1ab: {  	[sflag:s25] =	ssyncset.done $0x0  }
0x1ac: {  	s31 =	simm.s32 $0x1100;
	[sflag:s25] =	ssyncadd.s32 $0xFFFFC000  }
0x1ad: {  	[tilespmem:s11], [sflag:$0x2] =	stream.indirect.gather [hbm4b:s0+s15], $0x80, s31, s15, $0xb8;
	[tilespmem:$0x1E800] =	vst v63  }
0x1ae: {  	s31 =	simm.s32 $0x1140  }
0x1af: {  	[tilespmem:s16], [sflag:$0x4] =	stream.indirect.gather [hbm4b:s0+s15], $0x80, s31, s15, $0xb8;
	[tilespmem:$0x1E800] =	vst v63  }
0x1b0: {  	_ =	swait.ge [sflag:s29], $0x4000  }
0x1b1: {  	[sflag:s29] =	ssyncset.done $0x0  }
0x1b2: {  	s31 =	simm.s32 $0x1180;
	[sflag:s29] =	ssyncadd.s32 $0xFFFFC000  }
0x1b3: {  	[tilespmem:s18], [sflag:$0x3] =	stream.indirect.gather [hbm4b:s0+s15], $0x80, s31, s15, $0xb8;
	[tilespmem:$0x1E800] =	vst v63  }
0x1b4: {  	s31 =	simm.s32 $0x11C0  }
0x1b5: {  	[tilespmem:s19], [sflag:$0x5] =	stream.indirect.gather [hbm4b:s0+s15], $0x80, s31, s15, $0xb8;
	[tilespmem:$0x1E800] =	vst v63  }
0x1b6: {  	_ =	swait.ge [sflag:s20], $0x2000  }
0x1b7: {  	[sflag:s20] =	ssyncset.done $0x0  }
0x1b8: {  	[sflag:s20] =	ssyncadd.s32 $0xFFFFE000  }
0x1b9: {  	_ =	swait.ge [sflag:s21], $0x2000  }
0x1ba: {  	[sflag:s21] =	ssyncset.done $0x0  }
0x1bb: {  	s31 =	simm.s32 $0x2500;
	[sflag:s21] =	ssyncadd.s32 $0xFFFFE000  }
0x1bc: {  	[spmem:s3] =	stream.indirect.scatter.add.f32 [tilespmem:s11], [sflag:$0x6], $0x80, s31, s17, $0xb8;
	[tilespmem:$0x1E800] =	vst v63  }
0x1bd: {  	_ =	swait.ge [sflag:s22], $0x2000  }
0x1be: {  	[sflag:s22] =	ssyncset.done $0x0  }
0x1bf: {  	[sflag:s22] =	ssyncadd.s32 $0xFFFFE000  }
0x1c0: {  	_ =	swait.ge [sflag:s23], $0x2000  }
0x1c1: {  	[sflag:s23] =	ssyncset.done $0x0  }
0x1c2: {  	s31 =	simm.s32 $0x2580;
	[sflag:s23] =	ssyncadd.s32 $0xFFFFE000  }
0x1c3: {  	[spmem:s3] =	stream.indirect.scatter.add.f32 [tilespmem:s18], [sflag:$0x7], $0x80, s31, s17, $0xb8;
	[tilespmem:$0x1E800] =	vst v63  }
0x1c4: {  	_ =	swait.ge [sflag:s25], $0x4000  }
0x1c5: {  	[sflag:s25] =	ssyncset.done $0x0  }
0x1c6: {  	s31 =	simm.s32 $0x1200;
	[sflag:s25] =	ssyncadd.s32 $0xFFFFC000  }
0x1c7: {  	[tilespmem:s11], [sflag:$0x2] =	stream.indirect.gather [hbm4b:s0+s15], $0x80, s31, s15, $0xb8;
	[tilespmem:$0x1E800] =	vst v63  }
0x1c8: {  	s31 =	simm.s32 $0x1240  }
0x1c9: {  	[tilespmem:s16], [sflag:$0x4] =	stream.indirect.gather [hbm4b:s0+s15], $0x80, s31, s15, $0xb8;
	[tilespmem:$0x1E800] =	vst v63  }
0x1ca: {  	_ =	swait.ge [sflag:s29], $0x4000  }
0x1cb: {  	[sflag:s29] =	ssyncset.done $0x0  }
0x1cc: {  	s31 =	simm.s32 $0x1280;
	[sflag:s29] =	ssyncadd.s32 $0xFFFFC000  }
0x1cd: {  	[tilespmem:s18], [sflag:$0x3] =	stream.indirect.gather [hbm4b:s0+s15], $0x80, s31, s15, $0xb8;
	[tilespmem:$0x1E800] =	vst v63  }
0x1ce: {  	s31 =	simm.s32 $0x12C0  }
0x1cf: {  	[tilespmem:s19], [sflag:$0x5] =	stream.indirect.gather [hbm4b:s0+s15], $0x80, s31, s15, $0xb8;
	[tilespmem:$0x1E800] =	vst v63  }
0x1d0: {  	_ =	swait.ge [sflag:s20], $0x2000  }
0x1d1: {  	[sflag:s20] =	ssyncset.done $0x0  }
0x1d2: {  	[sflag:s20] =	ssyncadd.s32 $0xFFFFE000  }
0x1d3: {  	_ =	swait.ge [sflag:s21], $0x2000  }
0x1d4: {  	[sflag:s21] =	ssyncset.done $0x0  }
0x1d5: {  	s31 =	simm.s32 $0x2600;
	[sflag:s21] =	ssyncadd.s32 $0xFFFFE000  }
0x1d6: {  	[spmem:s3] =	stream.indirect.scatter.add.f32 [tilespmem:s11], [sflag:$0x6], $0x80, s31, s17, $0xb8;
	[tilespmem:$0x1E800] =	vst v63  }
0x1d7: {  	_ =	swait.ge [sflag:s22], $0x2000  }
0x1d8: {  	[sflag:s22] =	ssyncset.done $0x0  }
0x1d9: {  	[sflag:s22] =	ssyncadd.s32 $0xFFFFE000  }
0x1da: {  	_ =	swait.ge [sflag:s23], $0x2000  }
0x1db: {  	[sflag:s23] =	ssyncset.done $0x0  }
0x1dc: {  	s31 =	simm.s32 $0x2680;
	[sflag:s23] =	ssyncadd.s32 $0xFFFFE000  }
0x1dd: {  	[spmem:s3] =	stream.indirect.scatter.add.f32 [tilespmem:s18], [sflag:$0x7], $0x80, s31, s17, $0xb8;
	[tilespmem:$0x1E800] =	vst v63  }
0x1de: {  	_ =	swait.ge [sflag:s25], $0x4000  }
0x1df: {  	[sflag:s25] =	ssyncset.done $0x0  }
0x1e0: {  	s31 =	simm.s32 $0x1300;
	[sflag:s25] =	ssyncadd.s32 $0xFFFFC000  }
0x1e1: {  	[tilespmem:s11], [sflag:$0x2] =	stream.indirect.gather [hbm4b:s0+s15], $0x80, s31, s15, $0xb8;
	[tilespmem:$0x1E800] =	vst v63  }
0x1e2: {  	s31 =	simm.s32 $0x1340  }
0x1e3: {  	[tilespmem:s16], [sflag:$0x4] =	stream.indirect.gather [hbm4b:s0+s15], $0x80, s31, s15, $0xb8;
	[tilespmem:$0x1E800] =	vst v63  }
0x1e4: {  	_ =	swait.ge [sflag:s29], $0x4000  }
0x1e5: {  	[sflag:s29] =	ssyncset.done $0x0  }
0x1e6: {  	s31 =	simm.s32 $0x1380;
	[sflag:s29] =	ssyncadd.s32 $0xFFFFC000  }
0x1e7: {  	[tilespmem:s18], [sflag:$0x3] =	stream.indirect.gather [hbm4b:s0+s15], $0x80, s31, s15, $0xb8;
	[tilespmem:$0x1E800] =	vst v63  }
0x1e8: {  	s31 =	simm.s32 $0x13C0  }
0x1e9: {  	[tilespmem:s19], [sflag:$0x5] =	stream.indirect.gather [hbm4b:s0+s15], $0x80, s31, s15, $0xb8;
	[tilespmem:$0x1E800] =	vst v63  }
0x1ea: {  	_ =	swait.ge [sflag:s20], $0x2000  }
0x1eb: {  	[sflag:s20] =	ssyncset.done $0x0  }
0x1ec: {  	[sflag:s20] =	ssyncadd.s32 $0xFFFFE000  }
0x1ed: {  	_ =	swait.ge [sflag:s21], $0x2000  }
0x1ee: {  	[sflag:s21] =	ssyncset.done $0x0  }
0x1ef: {  	s31 =	simm.s32 $0x2700;
	[sflag:s21] =	ssyncadd.s32 $0xFFFFE000  }
0x1f0: {  	[spmem:s3] =	stream.indirect.scatter.add.f32 [tilespmem:s11], [sflag:$0x6], $0x80, s31, s17, $0xb8;
	[tilespmem:$0x1E800] =	vst v63  }
0x1f1: {  	_ =	swait.ge [sflag:s22], $0x2000  }
0x1f2: {  	[sflag:s22] =	ssyncset.done $0x0  }
0x1f3: {  	[sflag:s22] =	ssyncadd.s32 $0xFFFFE000  }
0x1f4: {  	_ =	swait.ge [sflag:s23], $0x2000  }
0x1f5: {  	[sflag:s23] =	ssyncset.done $0x0  }
0x1f6: {  	s31 =	simm.s32 $0x2780;
	[sflag:s23] =	ssyncadd.s32 $0xFFFFE000  }
0x1f7: {  	[spmem:s3] =	stream.indirect.scatter.add.f32 [tilespmem:s18], [sflag:$0x7], $0x80, s31, s17, $0xb8;
	[tilespmem:$0x1E800] =	vst v63  }
0x1f8: {  	_ =	swait.ge [sflag:s25], $0x4000  }
0x1f9: {  	[sflag:s25] =	ssyncset.done $0x0  }
0x1fa: {  	s31 =	simm.s32 $0x1400;
	[sflag:s25] =	ssyncadd.s32 $0xFFFFC000  }
0x1fb: {  	[tilespmem:s11], [sflag:$0x2] =	stream.indirect.gather [hbm4b:s0+s15], $0x80, s31, s15, $0xb8;
	[tilespmem:$0x1E800] =	vst v63  }
0x1fc: {  	s31 =	simm.s32 $0x1440  }
0x1fd: {  	[tilespmem:s16], [sflag:$0x4] =	stream.indirect.gather [hbm4b:s0+s15], $0x80, s31, s15, $0xb8;
	[tilespmem:$0x1E800] =	vst v63  }
0x1fe: {  	_ =	swait.ge [sflag:s29], $0x4000  }
0x1ff: {  	[sflag:s29] =	ssyncset.done $0x0  }
0x200: {  	s31 =	simm.s32 $0x1480;
	[sflag:s29] =	ssyncadd.s32 $0xFFFFC000  }
0x201: {  	[tilespmem:s18], [sflag:$0x3] =	stream.indirect.gather [hbm4b:s0+s15], $0x80, s31, s15, $0xb8;
	[tilespmem:$0x1E800] =	vst v63  }
0x202: {  	s31 =	simm.s32 $0x14C0  }
0x203: {  	[tilespmem:s19], [sflag:$0x5] =	stream.indirect.gather [hbm4b:s0+s15], $0x80, s31, s15, $0xb8;
	[tilespmem:$0x1E800] =	vst v63  }
0x204: {  	_ =	swait.ge [sflag:s30], $0xC00  }
0x205: {  	[sflag:s30] =	ssyncset.done $0x0  }
0x206: {  	[sflag:s30] =	ssyncadd.s32 $0xFFFFF400  }
0x207: {  	_ =	swait.ge [sflag:s30], $0x800  }
0x208: {  	[sflag:s30] =	ssyncset.done $0x0  }
0x209: {  	[sflag:s30] =	ssyncadd.s32 $0xFFFFF800  }
0x20a: {  	_ =	swait.ge [sflag:s20], $0x2000  }
0x20b: {  	[sflag:s20] =	ssyncset.done $0x0  }
0x20c: {  	[sflag:s20] =	ssyncadd.s32 $0xFFFFE000  }
0x20d: {  	_ =	swait.ge [sflag:s21], $0x2000  }
0x20e: {  	[sflag:s21] =	ssyncset.done $0x0  }
0x20f: {  	[sflag:s21] =	ssyncadd.s32 $0xFFFFE000  }
0x210: {  	[spmem:s3] =	stream.indirect.scatter.add.f32 [tilespmem:s11], [sflag:$0x6], $0x80, s1, s17, $0xb8;
	[tilespmem:$0x1E800] =	vst v63  }
0x211: {  	_ =	swait.ge [sflag:s22], $0x2000  }
0x212: {  	[sflag:s22] =	ssyncset.done $0x0  }
0x213: {  	[sflag:s22] =	ssyncadd.s32 $0xFFFFE000  }
0x214: {  	_ =	swait.ge [sflag:s23], $0x2000  }
0x215: {  	[sflag:s23] =	ssyncset.done $0x0  }
0x216: {  	s31 =	simm.s32 $0x1880;
	[sflag:s23] =	ssyncadd.s32 $0xFFFFE000  }
0x217: {  	[spmem:s3] =	stream.indirect.scatter.add.f32 [tilespmem:s18], [sflag:$0x7], $0x80, s31, s17, $0xb8;
	[tilespmem:$0x1E800] =	vst v63  }
0x218: {  	_ =	swait.ge [sflag:s25], $0x4000  }
0x219: {  	[sflag:s25] =	ssyncset.done $0x0  }
0x21a: {  	s31 =	simm.s32 $0x100;
	[sflag:s25] =	ssyncadd.s32 $0xFFFFC000  }
0x21b: {  	[tilespmem:s11], [sflag:$0x2] =	stream.indirect.gather [hbm4b:s0+s15], $0x80, s31, s15, $0xb8;
	[tilespmem:$0x1E800] =	vst v63  }
0x21c: {  	s31 =	simm.s32 $0x140  }
0x21d: {  	[tilespmem:s16], [sflag:$0x4] =	stream.indirect.gather [hbm4b:s0+s15], $0x80, s31, s15, $0xb8;
	[tilespmem:$0x1E800] =	vst v63  }
0x21e: {  	_ =	swait.ge [sflag:s29], $0x4000  }
0x21f: {  	[sflag:s29] =	ssyncset.done $0x0  }
0x220: {  	s31 =	simm.s32 $0x180;
	[sflag:s29] =	ssyncadd.s32 $0xFFFFC000  }
0x221: {  	[tilespmem:s18], [sflag:$0x3] =	stream.indirect.gather [hbm4b:s0+s15], $0x80, s31, s15, $0xb8;
	[tilespmem:$0x1E800] =	vst v63  }
0x222: {  	s31 =	simm.s32 $0x1C0  }
0x223: {  	[tilespmem:s19], [sflag:$0x5] =	stream.indirect.gather [hbm4b:s0+s15], $0x80, s31, s15, $0xb8;
	[tilespmem:$0x1E800] =	vst v63  }
0x224: {  	_ =	swait.ge [sflag:s20], $0x2000  }
0x225: {  	[sflag:s20] =	ssyncset.done $0x0  }
0x226: {  	[sflag:s20] =	ssyncadd.s32 $0xFFFFE000  }
0x227: {  	_ =	swait.ge [sflag:s21], $0x2000  }
0x228: {  	[sflag:s21] =	ssyncset.done $0x0  }
0x229: {  	s31 =	simm.s32 $0x1900;
	[sflag:s21] =	ssyncadd.s32 $0xFFFFE000  }
0x22a: {  	[spmem:s3] =	stream.indirect.scatter.add.f32 [tilespmem:s11], [sflag:$0x6], $0x80, s31, s17, $0xb8;
	[tilespmem:$0x1E800] =	vst v63  }
0x22b: {  	_ =	swait.ge [sflag:s22], $0x2000  }
0x22c: {  	[sflag:s22] =	ssyncset.done $0x0  }
0x22d: {  	[sflag:s22] =	ssyncadd.s32 $0xFFFFE000  }
0x22e: {  	_ =	swait.ge [sflag:s23], $0x2000  }
0x22f: {  	[sflag:s23] =	ssyncset.done $0x0  }
0x230: {  	s31 =	simm.s32 $0x1980;
	[sflag:s23] =	ssyncadd.s32 $0xFFFFE000  }
0x231: {  	[spmem:s3] =	stream.indirect.scatter.add.f32 [tilespmem:s18], [sflag:$0x7], $0x80, s31, s17, $0xb8;
	[tilespmem:$0x1E800] =	vst v63  }
0x232: {  	_ =	swait.ge [sflag:s25], $0x4000  }
0x233: {  	[sflag:s25] =	ssyncset.done $0x0  }
0x234: {  	s31 =	simm.s32 $0x200;
	[sflag:s25] =	ssyncadd.s32 $0xFFFFC000  }
0x235: {  	[tilespmem:s11], [sflag:$0x2] =	stream.indirect.gather [hbm4b:s0+s15], $0x80, s31, s15, $0xb8;
	[tilespmem:$0x1E800] =	vst v63  }
0x236: {  	s31 =	simm.s32 $0x240  }
0x237: {  	[tilespmem:s16], [sflag:$0x4] =	stream.indirect.gather [hbm4b:s0+s15], $0x80, s31, s15, $0xb8;
	[tilespmem:$0x1E800] =	vst v63  }
0x238: {  	_ =	swait.ge [sflag:s29], $0x4000  }
0x239: {  	[sflag:s29] =	ssyncset.done $0x0  }
0x23a: {  	s31 =	simm.s32 $0x280;
	[sflag:s29] =	ssyncadd.s32 $0xFFFFC000  }
0x23b: {  	[tilespmem:s18], [sflag:$0x3] =	stream.indirect.gather [hbm4b:s0+s15], $0x80, s31, s15, $0xb8;
	[tilespmem:$0x1E800] =	vst v63  }
0x23c: {  	s31 =	simm.s32 $0x2C0  }
0x23d: {  	[tilespmem:s19], [sflag:$0x5] =	stream.indirect.gather [hbm4b:s0+s15], $0x80, s31, s15, $0xb8;
	[tilespmem:$0x1E800] =	vst v63  }
0x23e: {  	_ =	swait.ge [sflag:s20], $0x2000  }
0x23f: {  	[sflag:s20] =	ssyncset.done $0x0  }
0x240: {  	[sflag:s20] =	ssyncadd.s32 $0xFFFFE000  }
0x241: {  	_ =	swait.ge [sflag:s21], $0x2000  }
0x242: {  	[sflag:s21] =	ssyncset.done $0x0  }
0x243: {  	s31 =	simm.s32 $0x1A00;
	[sflag:s21] =	ssyncadd.s32 $0xFFFFE000  }
0x244: {  	[spmem:s3] =	stream.indirect.scatter.add.f32 [tilespmem:s11], [sflag:$0x6], $0x80, s31, s17, $0xb8;
	[tilespmem:$0x1E800] =	vst v63  }
0x245: {  	_ =	swait.ge [sflag:s22], $0x2000  }
0x246: {  	[sflag:s22] =	ssyncset.done $0x0  }
0x247: {  	[sflag:s22] =	ssyncadd.s32 $0xFFFFE000  }
0x248: {  	_ =	swait.ge [sflag:s23], $0x2000  }
0x249: {  	[sflag:s23] =	ssyncset.done $0x0  }
0x24a: {  	s31 =	simm.s32 $0x1A80;
	[sflag:s23] =	ssyncadd.s32 $0xFFFFE000  }
0x24b: {  	[spmem:s3] =	stream.indirect.scatter.add.f32 [tilespmem:s18], [sflag:$0x7], $0x80, s31, s17, $0xb8;
	[tilespmem:$0x1E800] =	vst v63  }
0x24c: {  	_ =	swait.ge [sflag:s25], $0x4000  }
0x24d: {  	[sflag:s25] =	ssyncset.done $0x0  }
0x24e: {  	s31 =	simm.s32 $0x300;
	[sflag:s25] =	ssyncadd.s32 $0xFFFFC000  }
0x24f: {  	[tilespmem:s11], [sflag:$0x2] =	stream.indirect.gather [hbm4b:s0+s15], $0x80, s31, s15, $0xb8;
	[tilespmem:$0x1E800] =	vst v63  }
0x250: {  	s31 =	simm.s32 $0x340  }
0x251: {  	[tilespmem:s16], [sflag:$0x4] =	stream.indirect.gather [hbm4b:s0+s15], $0x80, s31, s15, $0xb8;
	[tilespmem:$0x1E800] =	vst v63  }
0x252: {  	_ =	swait.ge [sflag:s29], $0x4000  }
0x253: {  	[sflag:s29] =	ssyncset.done $0x0  }
0x254: {  	s31 =	simm.s32 $0x380;
	[sflag:s29] =	ssyncadd.s32 $0xFFFFC000  }
0x255: {  	[tilespmem:s18], [sflag:$0x3] =	stream.indirect.gather [hbm4b:s0+s15], $0x80, s31, s15, $0xb8;
	[tilespmem:$0x1E800] =	vst v63  }
0x256: {  	s31 =	simm.s32 $0x3C0  }
0x257: {  	[tilespmem:s19], [sflag:$0x5] =	stream.indirect.gather [hbm4b:s0+s15], $0x80, s31, s15, $0xb8;
	[tilespmem:$0x1E800] =	vst v63  }
0x258: {  	_ =	swait.ge [sflag:s20], $0x2000  }
0x259: {  	[sflag:s20] =	ssyncset.done $0x0  }
0x25a: {  	[sflag:s20] =	ssyncadd.s32 $0xFFFFE000  }
0x25b: {  	_ =	swait.ge [sflag:s21], $0x2000  }
0x25c: {  	[sflag:s21] =	ssyncset.done $0x0  }
0x25d: {  	s31 =	simm.s32 $0x1B00;
	[sflag:s21] =	ssyncadd.s32 $0xFFFFE000  }
0x25e: {  	[spmem:s3] =	stream.indirect.scatter.add.f32 [tilespmem:s11], [sflag:$0x6], $0x80, s31, s17, $0xb8;
	[tilespmem:$0x1E800] =	vst v63  }
0x25f: {  	_ =	swait.ge [sflag:s22], $0x2000  }
0x260: {  	[sflag:s22] =	ssyncset.done $0x0  }
0x261: {  	[sflag:s22] =	ssyncadd.s32 $0xFFFFE000  }
0x262: {  	_ =	swait.ge [sflag:s23], $0x2000  }
0x263: {  	[sflag:s23] =	ssyncset.done $0x0  }
0x264: {  	s31 =	simm.s32 $0x1B80;
	[sflag:s23] =	ssyncadd.s32 $0xFFFFE000  }
0x265: {  	[spmem:s3] =	stream.indirect.scatter.add.f32 [tilespmem:s18], [sflag:$0x7], $0x80, s31, s17, $0xb8;
	[tilespmem:$0x1E800] =	vst v63  }
0x266: {  	_ =	swait.ge [sflag:s25], $0x4000  }
0x267: {  	[sflag:s25] =	ssyncset.done $0x0  }
0x268: {  	s31 =	simm.s32 $0x400;
	[sflag:s25] =	ssyncadd.s32 $0xFFFFC000  }
0x269: {  	[tilespmem:s11], [sflag:$0x2] =	stream.indirect.gather [hbm4b:s0+s15], $0x80, s31, s15, $0xb8;
	[tilespmem:$0x1E800] =	vst v63  }
0x26a: {  	s31 =	simm.s32 $0x440  }
0x26b: {  	[tilespmem:s16], [sflag:$0x4] =	stream.indirect.gather [hbm4b:s0+s15], $0x80, s31, s15, $0xb8;
	[tilespmem:$0x1E800] =	vst v63  }
0x26c: {  	_ =	swait.ge [sflag:s29], $0x4000  }
0x26d: {  	[sflag:s29] =	ssyncset.done $0x0  }
0x26e: {  	s31 =	simm.s32 $0x480;
	[sflag:s29] =	ssyncadd.s32 $0xFFFFC000  }
0x26f: {  	[tilespmem:s18], [sflag:$0x3] =	stream.indirect.gather [hbm4b:s0+s15], $0x80, s31, s15, $0xb8;
	[tilespmem:$0x1E800] =	vst v63  }
0x270: {  	s31 =	simm.s32 $0x4C0  }
0x271: {  	[tilespmem:s19], [sflag:$0x5] =	stream.indirect.gather [hbm4b:s0+s15], $0x80, s31, s15, $0xb8;
	[tilespmem:$0x1E800] =	vst v63  }
0x272: {  	s2 =	rddreg [dreg:$0xe]  }
0x273: {  	[tilespmem:s6], [sflag:$0x1] =	stream.linear.gather [hbm4b:s2+s4], $0xC00, $0x38;
	[tilespmem:$0x1E800] =	vst v63  }
0x274: {  	s31 =	rddreg [dreg:$0xf]  }
0x275: {  	[tilespmem:s13], [sflag:$0x1] =	stream.linear.gather [hbm4b:s31+s4], $0x800, $0x38;
	[tilespmem:$0x1E800] =	vst v63  }
0x276: {  	_ =	swait.ge [sflag:s20], $0x2000  }
0x277: {  	[sflag:s20] =	ssyncset.done $0x0  }
0x278: {  	[sflag:s20] =	ssyncadd.s32 $0xFFFFE000  }
0x279: {  	_ =	swait.ge [sflag:s21], $0x2000  }
0x27a: {  	[sflag:s21] =	ssyncset.done $0x0  }
0x27b: {  	s6 =	simm.s32 $0x1C00;
	[sflag:s21] =	ssyncadd.s32 $0xFFFFE000  }
0x27c: {  	[spmem:s3] =	stream.indirect.scatter.add.f32 [tilespmem:s11], [sflag:$0x6], $0x80, s6, s17, $0xb8;
	[tilespmem:$0x1E800] =	vst v63  }
0x27d: {  	_ =	swait.ge [sflag:s22], $0x2000  }
0x27e: {  	[sflag:s22] =	ssyncset.done $0x0  }
0x27f: {  	[sflag:s22] =	ssyncadd.s32 $0xFFFFE000  }
0x280: {  	_ =	swait.ge [sflag:s23], $0x2000  }
0x281: {  	[sflag:s23] =	ssyncset.done $0x0  }
0x282: {  	s31 =	simm.s32 $0x1C80;
	[sflag:s23] =	ssyncadd.s32 $0xFFFFE000  }
0x283: {  	[spmem:s3] =	stream.indirect.scatter.add.f32 [tilespmem:s18], [sflag:$0x7], $0x80, s31, s17, $0xb8;
	[tilespmem:$0x1E800] =	vst v63  }
0x284: {  	_ =	swait.ge [sflag:s25], $0x4000  }
0x285: {  	[sflag:s25] =	ssyncset.done $0x0  }
0x286: {  	s6 =	simm.s32 $0x500;
	[sflag:s25] =	ssyncadd.s32 $0xFFFFC000  }
0x287: {  	[tilespmem:s11], [sflag:$0x2] =	stream.indirect.gather [hbm4b:s0+s15], $0x80, s6, s15, $0xb8;
	[tilespmem:$0x1E800] =	vst v63  }
0x288: {  	s31 =	simm.s32 $0x540  }
0x289: {  	[tilespmem:s16], [sflag:$0x4] =	stream.indirect.gather [hbm4b:s0+s15], $0x80, s31, s15, $0xb8;
	[tilespmem:$0x1E800] =	vst v63  }
0x28a: {  	_ =	swait.ge [sflag:s29], $0x4000  }
0x28b: {  	[sflag:s29] =	ssyncset.done $0x0  }
0x28c: {  	s31 =	simm.s32 $0x580;
	[sflag:s29] =	ssyncadd.s32 $0xFFFFC000  }
0x28d: {  	[tilespmem:s18], [sflag:$0x3] =	stream.indirect.gather [hbm4b:s0+s15], $0x80, s31, s15, $0xb8;
	[tilespmem:$0x1E800] =	vst v63  }
0x28e: {  	s31 =	simm.s32 $0x5C0  }
0x28f: {  	[tilespmem:s19], [sflag:$0x5] =	stream.indirect.gather [hbm4b:s0+s15], $0x80, s31, s15, $0xb8;
	[tilespmem:$0x1E800] =	vst v63  }
0x290: {  	_ =	swait.ge [sflag:s20], $0x2000  }
0x291: {  	[sflag:s20] =	ssyncset.done $0x0  }
0x292: {  	[sflag:s20] =	ssyncadd.s32 $0xFFFFE000  }
0x293: {  	_ =	swait.ge [sflag:s21], $0x2000  }
0x294: {  	[sflag:s21] =	ssyncset.done $0x0  }
0x295: {  	s31 =	simm.s32 $0x1D00;
	[sflag:s21] =	ssyncadd.s32 $0xFFFFE000  }
0x296: {  	[spmem:s3] =	stream.indirect.scatter.add.f32 [tilespmem:s11], [sflag:$0x6], $0x80, s31, s17, $0xb8;
	[tilespmem:$0x1E800] =	vst v63  }
0x297: {  	_ =	swait.ge [sflag:s22], $0x2000  }
0x298: {  	[sflag:s22] =	ssyncset.done $0x0  }
0x299: {  	[sflag:s22] =	ssyncadd.s32 $0xFFFFE000  }
0x29a: {  	_ =	swait.ge [sflag:s23], $0x2000  }
0x29b: {  	[sflag:s23] =	ssyncset.done $0x0  }
0x29c: {  	s31 =	simm.s32 $0x1D80;
	[sflag:s23] =	ssyncadd.s32 $0xFFFFE000  }
0x29d: {  	[spmem:s3] =	stream.indirect.scatter.add.f32 [tilespmem:s18], [sflag:$0x7], $0x80, s31, s17, $0xb8;
	[tilespmem:$0x1E800] =	vst v63  }
0x29e: {  	_ =	swait.ge [sflag:s25], $0x4000  }
0x29f: {  	[sflag:s25] =	ssyncset.done $0x0  }
0x2a0: {  	s31 =	simm.s32 $0x600;
	[sflag:s25] =	ssyncadd.s32 $0xFFFFC000  }
0x2a1: {  	[tilespmem:s11], [sflag:$0x2] =	stream.indirect.gather [hbm4b:s0+s15], $0x80, s31, s15, $0xb8;
	[tilespmem:$0x1E800] =	vst v63  }
0x2a2: {  	s31 =	simm.s32 $0x640  }
0x2a3: {  	[tilespmem:s16], [sflag:$0x4] =	stream.indirect.gather [hbm4b:s0+s15], $0x80, s31, s15, $0xb8;
	[tilespmem:$0x1E800] =	vst v63  }
0x2a4: {  	_ =	swait.ge [sflag:s29], $0x4000  }
0x2a5: {  	[sflag:s29] =	ssyncset.done $0x0  }
0x2a6: {  	s31 =	simm.s32 $0x680;
	[sflag:s29] =	ssyncadd.s32 $0xFFFFC000  }
0x2a7: {  	[tilespmem:s18], [sflag:$0x3] =	stream.indirect.gather [hbm4b:s0+s15], $0x80, s31, s15, $0xb8;
	[tilespmem:$0x1E800] =	vst v63  }
0x2a8: {  	s31 =	simm.s32 $0x6C0  }
0x2a9: {  	[tilespmem:s19], [sflag:$0x5] =	stream.indirect.gather [hbm4b:s0+s15], $0x80, s31, s15, $0xb8;
	[tilespmem:$0x1E800] =	vst v63  }
0x2aa: {  	_ =	swait.ge [sflag:s20], $0x2000  }
0x2ab: {  	[sflag:s20] =	ssyncset.done $0x0  }
0x2ac: {  	[sflag:s20] =	ssyncadd.s32 $0xFFFFE000  }
0x2ad: {  	_ =	swait.ge [sflag:s21], $0x2000  }
0x2ae: {  	[sflag:s21] =	ssyncset.done $0x0  }
0x2af: {  	s31 =	simm.s32 $0x1E00;
	[sflag:s21] =	ssyncadd.s32 $0xFFFFE000  }
0x2b0: {  	[spmem:s3] =	stream.indirect.scatter.add.f32 [tilespmem:s11], [sflag:$0x6], $0x80, s31, s17, $0xb8;
	[tilespmem:$0x1E800] =	vst v63  }
0x2b1: {  	_ =	swait.ge [sflag:s22], $0x2000  }
0x2b2: {  	[sflag:s22] =	ssyncset.done $0x0  }
0x2b3: {  	[sflag:s22] =	ssyncadd.s32 $0xFFFFE000  }
0x2b4: {  	_ =	swait.ge [sflag:s23], $0x2000  }
0x2b5: {  	[sflag:s23] =	ssyncset.done $0x0  }
0x2b6: {  	s31 =	simm.s32 $0x1E80;
	[sflag:s23] =	ssyncadd.s32 $0xFFFFE000  }
0x2b7: {  	[spmem:s3] =	stream.indirect.scatter.add.f32 [tilespmem:s18], [sflag:$0x7], $0x80, s31, s17, $0xb8;
	[tilespmem:$0x1E800] =	vst v63  }
0x2b8: {  	_ =	swait.ge [sflag:s25], $0x4000  }
0x2b9: {  	[sflag:s25] =	ssyncset.done $0x0  }
0x2ba: {  	s31 =	simm.s32 $0x700;
	[sflag:s25] =	ssyncadd.s32 $0xFFFFC000  }
0x2bb: {  	[tilespmem:s11], [sflag:$0x2] =	stream.indirect.gather [hbm4b:s0+s15], $0x80, s31, s15, $0xb8;
	[tilespmem:$0x1E800] =	vst v63  }
0x2bc: {  	s31 =	simm.s32 $0x740  }
0x2bd: {  	[tilespmem:s16], [sflag:$0x4] =	stream.indirect.gather [hbm4b:s0+s15], $0x80, s31, s15, $0xb8;
	[tilespmem:$0x1E800] =	vst v63  }
0x2be: {  	_ =	swait.ge [sflag:s29], $0x4000  }
0x2bf: {  	[sflag:s29] =	ssyncset.done $0x0  }
0x2c0: {  	s31 =	simm.s32 $0x780;
	[sflag:s29] =	ssyncadd.s32 $0xFFFFC000  }
0x2c1: {  	[tilespmem:s18], [sflag:$0x3] =	stream.indirect.gather [hbm4b:s0+s15], $0x80, s31, s15, $0xb8;
	[tilespmem:$0x1E800] =	vst v63  }
0x2c2: {  	s31 =	simm.s32 $0x7C0  }
0x2c3: {  	[tilespmem:s19], [sflag:$0x5] =	stream.indirect.gather [hbm4b:s0+s15], $0x80, s31, s15, $0xb8;
	[tilespmem:$0x1E800] =	vst v63  }
0x2c4: {  	_ =	swait.ge [sflag:s20], $0x2000  }
0x2c5: {  	[sflag:s20] =	ssyncset.done $0x0  }
0x2c6: {  	[sflag:s20] =	ssyncadd.s32 $0xFFFFE000  }
0x2c7: {  	_ =	swait.ge [sflag:s21], $0x2000  }
0x2c8: {  	[sflag:s21] =	ssyncset.done $0x0  }
0x2c9: {  	s31 =	simm.s32 $0x1F00;
	[sflag:s21] =	ssyncadd.s32 $0xFFFFE000  }
0x2ca: {  	[spmem:s3] =	stream.indirect.scatter.add.f32 [tilespmem:s11], [sflag:$0x6], $0x80, s31, s17, $0xb8;
	[tilespmem:$0x1E800] =	vst v63  }
0x2cb: {  	_ =	swait.ge [sflag:s22], $0x2000  }
0x2cc: {  	[sflag:s22] =	ssyncset.done $0x0  }
0x2cd: {  	[sflag:s22] =	ssyncadd.s32 $0xFFFFE000  }
0x2ce: {  	_ =	swait.ge [sflag:s23], $0x2000  }
0x2cf: {  	[sflag:s23] =	ssyncset.done $0x0  }
0x2d0: {  	s31 =	simm.s32 $0x1F80;
	[sflag:s23] =	ssyncadd.s32 $0xFFFFE000  }
0x2d1: {  	[spmem:s3] =	stream.indirect.scatter.add.f32 [tilespmem:s18], [sflag:$0x7], $0x80, s31, s17, $0xb8;
	[tilespmem:$0x1E800] =	vst v63  }
0x2d2: {  	_ =	swait.ge [sflag:s25], $0x4000  }
0x2d3: {  	[sflag:s25] =	ssyncset.done $0x0  }
0x2d4: {  	s31 =	simm.s32 $0x800;
	[sflag:s25] =	ssyncadd.s32 $0xFFFFC000  }
0x2d5: {  	[tilespmem:s11], [sflag:$0x2] =	stream.indirect.gather [hbm4b:s0+s15], $0x80, s31, s15, $0xb8;
	[tilespmem:$0x1E800] =	vst v63  }
0x2d6: {  	s31 =	simm.s32 $0x840  }
0x2d7: {  	[tilespmem:s16], [sflag:$0x4] =	stream.indirect.gather [hbm4b:s0+s15], $0x80, s31, s15, $0xb8;
	[tilespmem:$0x1E800] =	vst v63  }
0x2d8: {  	_ =	swait.ge [sflag:s29], $0x4000  }
0x2d9: {  	[sflag:s29] =	ssyncset.done $0x0  }
0x2da: {  	s31 =	simm.s32 $0x880;
	[sflag:s29] =	ssyncadd.s32 $0xFFFFC000  }
0x2db: {  	[tilespmem:s18], [sflag:$0x3] =	stream.indirect.gather [hbm4b:s0+s15], $0x80, s31, s15, $0xb8;
	[tilespmem:$0x1E800] =	vst v63  }
0x2dc: {  	s31 =	simm.s32 $0x8C0  }
0x2dd: {  	[tilespmem:s19], [sflag:$0x5] =	stream.indirect.gather [hbm4b:s0+s15], $0x80, s31, s15, $0xb8;
	[tilespmem:$0x1E800] =	vst v63  }
0x2de: {  	_ =	swait.ge [sflag:s30], $0xC00  }
0x2df: {  	[sflag:s30] =	ssyncset.done $0x0  }
0x2e0: {  	[sflag:s30] =	ssyncadd.s32 $0xFFFFF400  }
0x2e1: {  	_ =	swait.ge [sflag:s30], $0x800  }
0x2e2: {  	[sflag:s30] =	ssyncset.done $0x0  }
0x2e3: {  	[sflag:s30] =	ssyncadd.s32 $0xFFFFF800  }
0x2e4: {  	_ =	swait.ge [sflag:s20], $0x2000  }
0x2e5: {  	[sflag:s20] =	ssyncset.done $0x0  }
0x2e6: {  	[sflag:s20] =	ssyncadd.s32 $0xFFFFE000  }
0x2e7: {  	_ =	swait.ge [sflag:s21], $0x2000  }
0x2e8: {  	[sflag:s21] =	ssyncset.done $0x0  }
0x2e9: {  	[sflag:s21] =	ssyncadd.s32 $0xFFFFE000  }
0x2ea: {  	[spmem:s3] =	stream.indirect.scatter.add.f32 [tilespmem:s11], [sflag:$0x6], $0x80, s13, s17, $0xb8;
	[tilespmem:$0x1E800] =	vst v63  }
0x2eb: {  	_ =	swait.ge [sflag:s22], $0x2000  }
0x2ec: {  	[sflag:s22] =	ssyncset.done $0x0  }
0x2ed: {  	[sflag:s22] =	ssyncadd.s32 $0xFFFFE000  }
0x2ee: {  	_ =	swait.ge [sflag:s23], $0x2000  }
0x2ef: {  	[sflag:s23] =	ssyncset.done $0x0  }
0x2f0: {  	[sflag:s23] =	ssyncadd.s32 $0xFFFFE000  }
0x2f1: {  	[spmem:s3] =	stream.indirect.scatter.add.f32 [tilespmem:s18], [sflag:$0x7], $0x80, s5, s17, $0xb8;
	[tilespmem:$0x1E800] =	vst v63  }
0x2f2: {  	_ =	swait.ge [sflag:s25], $0x4000  }
0x2f3: {  	[sflag:s25] =	ssyncset.done $0x0  }
0x2f4: {  	[sflag:s25] =	ssyncadd.s32 $0xFFFFC000  }
0x2f5: {  	[tilespmem:s11], [sflag:$0x2] =	stream.indirect.gather [hbm4b:s0+s15], $0x80, s24, s15, $0xb8;
	[tilespmem:$0x1E800] =	vst v63  }
0x2f6: {  	_ = 	snop  }
0x2f7: {  	[tilespmem:s16], [sflag:$0x4] =	stream.indirect.gather [hbm4b:s0+s15], $0x80, s26, s15, $0xb8;
	[tilespmem:$0x1E800] =	vst v63  }
0x2f8: {  	_ =	swait.ge [sflag:s29], $0x4000  }
0x2f9: {  	[sflag:s29] =	ssyncset.done $0x0  }
0x2fa: {  	[sflag:s29] =	ssyncadd.s32 $0xFFFFC000  }
0x2fb: {  	[tilespmem:s18], [sflag:$0x3] =	stream.indirect.gather [hbm4b:s0+s15], $0x80, s7, s15, $0xb8;
	[tilespmem:$0x1E800] =	vst v63  }
0x2fc: {  	_ = 	snop  }
0x2fd: {  	[tilespmem:s19], [sflag:$0x5] =	stream.indirect.gather [hbm4b:s0+s15], $0x80, s8, s15, $0xb8;
	[tilespmem:$0x1E800] =	vst v63  }
0x2fe: {  	_ =	swait.ge [sflag:s20], $0x2000  }
0x2ff: {  	[sflag:s20] =	ssyncset.done $0x0  }
0x300: {  	[sflag:s20] =	ssyncadd.s32 $0xFFFFE000  }
0x301: {  	_ =	swait.ge [sflag:s21], $0x2000  }
0x302: {  	[sflag:s21] =	ssyncset.done $0x0  }
0x303: {  	[sflag:s21] =	ssyncadd.s32 $0xFFFFE000  }
0x304: {  	[spmem:s3] =	stream.indirect.scatter.add.f32 [tilespmem:s11], [sflag:$0x6], $0x80, s9, s17, $0xb8;
	[tilespmem:$0x1E800] =	vst v63  }
0x305: {  	_ =	swait.ge [sflag:s22], $0x2000  }
0x306: {  	[sflag:s22] =	ssyncset.done $0x0  }
0x307: {  	[sflag:s22] =	ssyncadd.s32 $0xFFFFE000  }
0x308: {  	_ =	swait.ge [sflag:s23], $0x2000  }
0x309: {  	[sflag:s23] =	ssyncset.done $0x0  }
0x30a: {  	[sflag:s23] =	ssyncadd.s32 $0xFFFFE000  }
0x30b: {  	[spmem:s3] =	stream.indirect.scatter.add.f32 [tilespmem:s18], [sflag:$0x7], $0x80, s28, s17, $0xb8;
	[tilespmem:$0x1E800] =	vst v63  }
0x30c: {  	_ =	swait.ge [sflag:s25], $0x4000  }
0x30d: {  	[sflag:s25] =	ssyncset.done $0x0  }
0x30e: {  	s5 =	simm.s32 $0xE00;
	[sflag:s25] =	ssyncadd.s32 $0xFFFFC000  }
0x30f: {  	[tilespmem:s11], [sflag:$0x2] =	stream.indirect.gather [hbm4b:s0+s15], $0x80, s5, s15, $0xb8;
	[tilespmem:$0x1E800] =	vst v63  }
0x310: {  	s31 =	simm.s32 $0xE40  }
0x311: {  	[tilespmem:s16], [sflag:$0x4] =	stream.indirect.gather [hbm4b:s0+s15], $0x80, s31, s15, $0xb8;
	[tilespmem:$0x1E800] =	vst v63  }
0x312: {  	_ =	swait.ge [sflag:s29], $0x4000  }
0x313: {  	[sflag:s29] =	ssyncset.done $0x0  }
0x314: {  	s5 =	simm.s32 $0xE80;
	[sflag:s29] =	ssyncadd.s32 $0xFFFFC000  }
0x315: {  	[tilespmem:s18], [sflag:$0x3] =	stream.indirect.gather [hbm4b:s0+s15], $0x80, s5, s15, $0xb8;
	[tilespmem:$0x1E800] =	vst v63  }
0x316: {  	s31 =	simm.s32 $0xEC0  }
0x317: {  	[tilespmem:s19], [sflag:$0x5] =	stream.indirect.gather [hbm4b:s0+s15], $0x80, s31, s15, $0xb8;
	[tilespmem:$0x1E800] =	vst v63  }
0x318: {  	_ =	swait.ge [sflag:s20], $0x2000  }
0x319: {  	[sflag:s20] =	ssyncset.done $0x0  }
0x31a: {  	[sflag:s20] =	ssyncadd.s32 $0xFFFFE000  }
0x31b: {  	_ =	swait.ge [sflag:s21], $0x2000  }
0x31c: {  	[sflag:s21] =	ssyncset.done $0x0  }
0x31d: {  	s5 =	simm.s32 $0x2200;
	[sflag:s21] =	ssyncadd.s32 $0xFFFFE000  }
0x31e: {  	[spmem:s3] =	stream.indirect.scatter.add.f32 [tilespmem:s11], [sflag:$0x6], $0x80, s5, s17, $0xb8;
	[tilespmem:$0x1E800] =	vst v63  }
0x31f: {  	_ =	swait.ge [sflag:s22], $0x2000  }
0x320: {  	[sflag:s22] =	ssyncset.done $0x0  }
0x321: {  	[sflag:s22] =	ssyncadd.s32 $0xFFFFE000  }
0x322: {  	_ =	swait.ge [sflag:s23], $0x2000  }
0x323: {  	[sflag:s23] =	ssyncset.done $0x0  }
0x324: {  	s31 =	simm.s32 $0x2280;
	[sflag:s23] =	ssyncadd.s32 $0xFFFFE000  }
0x325: {  	[spmem:s3] =	stream.indirect.scatter.add.f32 [tilespmem:s18], [sflag:$0x7], $0x80, s31, s17, $0xb8;
	[tilespmem:$0x1E800] =	vst v63  }
0x326: {  	_ =	swait.ge [sflag:s25], $0x4000  }
0x327: {  	[sflag:s25] =	ssyncset.done $0x0  }
0x328: {  	s5 =	simm.s32 $0xF00;
	[sflag:s25] =	ssyncadd.s32 $0xFFFFC000  }
0x329: {  	[tilespmem:s11], [sflag:$0x2] =	stream.indirect.gather [hbm4b:s0+s15], $0x80, s5, s15, $0xb8;
	[tilespmem:$0x1E800] =	vst v63  }
0x32a: {  	s31 =	simm.s32 $0xF40  }
0x32b: {  	[tilespmem:s16], [sflag:$0x4] =	stream.indirect.gather [hbm4b:s0+s15], $0x80, s31, s15, $0xb8;
	[tilespmem:$0x1E800] =	vst v63  }
0x32c: {  	_ =	swait.ge [sflag:s29], $0x4000  }
0x32d: {  	[sflag:s29] =	ssyncset.done $0x0  }
0x32e: {  	s5 =	simm.s32 $0xF80;
	[sflag:s29] =	ssyncadd.s32 $0xFFFFC000  }
0x32f: {  	[tilespmem:s18], [sflag:$0x3] =	stream.indirect.gather [hbm4b:s0+s15], $0x80, s5, s15, $0xb8;
	[tilespmem:$0x1E800] =	vst v63  }
0x330: {  	s31 =	simm.s32 $0xFC0  }
0x331: {  	[tilespmem:s19], [sflag:$0x5] =	stream.indirect.gather [hbm4b:s0+s15], $0x80, s31, s15, $0xb8;
	[tilespmem:$0x1E800] =	vst v63  }
0x332: {  	_ =	swait.ge [sflag:s20], $0x2000  }
0x333: {  	[sflag:s20] =	ssyncset.done $0x0  }
0x334: {  	[sflag:s20] =	ssyncadd.s32 $0xFFFFE000  }
0x335: {  	_ =	swait.ge [sflag:s21], $0x2000  }
0x336: {  	[sflag:s21] =	ssyncset.done $0x0  }
0x337: {  	s5 =	simm.s32 $0x2300;
	[sflag:s21] =	ssyncadd.s32 $0xFFFFE000  }
0x338: {  	[spmem:s3] =	stream.indirect.scatter.add.f32 [tilespmem:s11], [sflag:$0x6], $0x80, s5, s17, $0xb8;
	[tilespmem:$0x1E800] =	vst v63  }
0x339: {  	_ =	swait.ge [sflag:s22], $0x2000  }
0x33a: {  	[sflag:s22] =	ssyncset.done $0x0  }
0x33b: {  	[sflag:s22] =	ssyncadd.s32 $0xFFFFE000  }
0x33c: {  	_ =	swait.ge [sflag:s23], $0x2000  }
0x33d: {  	[sflag:s23] =	ssyncset.done $0x0  }
0x33e: {  	s31 =	simm.s32 $0x2380;
	[sflag:s23] =	ssyncadd.s32 $0xFFFFE000  }
0x33f: {  	[spmem:s3] =	stream.indirect.scatter.add.f32 [tilespmem:s18], [sflag:$0x7], $0x80, s31, s17, $0xb8;
	[tilespmem:$0x1E800] =	vst v63  }
0x340: {  	_ =	swait.ge [sflag:s25], $0x4000  }
0x341: {  	[sflag:s25] =	ssyncset.done $0x0  }
0x342: {  	s5 =	simm.s32 $0x1000;
	[sflag:s25] =	ssyncadd.s32 $0xFFFFC000  }
0x343: {  	[tilespmem:s11], [sflag:$0x2] =	stream.indirect.gather [hbm4b:s0+s15], $0x80, s5, s15, $0xb8;
	[tilespmem:$0x1E800] =	vst v63  }
0x344: {  	s31 =	simm.s32 $0x1040  }
0x345: {  	[tilespmem:s16], [sflag:$0x4] =	stream.indirect.gather [hbm4b:s0+s15], $0x80, s31, s15, $0xb8;
	[tilespmem:$0x1E800] =	vst v63  }
0x346: {  	_ =	swait.ge [sflag:s29], $0x4000  }
0x347: {  	[sflag:s29] =	ssyncset.done $0x0  }
0x348: {  	s5 =	simm.s32 $0x1080;
	[sflag:s29] =	ssyncadd.s32 $0xFFFFC000  }
0x349: {  	[tilespmem:s18], [sflag:$0x3] =	stream.indirect.gather [hbm4b:s0+s15], $0x80, s5, s15, $0xb8;
	[tilespmem:$0x1E800] =	vst v63  }
0x34a: {  	s31 =	simm.s32 $0x10C0  }
0x34b: {  	[tilespmem:s19], [sflag:$0x5] =	stream.indirect.gather [hbm4b:s0+s15], $0x80, s31, s15, $0xb8;
	[tilespmem:$0x1E800] =	vst v63  }
0x34c: {  	s2 =	rddreg [dreg:$0x10]  }
0x34d: {  	[tilespmem:s4], [sflag:$0x1] =	stream.linear.gather [hbm4b:s2+s4], $0xC00, $0x38;
	[tilespmem:$0x1E800] =	vst v63  }
0x34e: {  	s5 =	rddreg [dreg:$0x11]  }
0x34f: {  	[tilespmem:s1], [sflag:$0x1] =	stream.linear.gather [hbm4b:s5+s4], $0x800, $0x38;
	[tilespmem:$0x1E800] =	vst v63  }
0x350: {  	_ =	swait.ge [sflag:s20], $0x2000  }
0x351: {  	[sflag:s20] =	ssyncset.done $0x0  }
0x352: {  	[sflag:s20] =	ssyncadd.s32 $0xFFFFE000  }
0x353: {  	_ =	swait.ge [sflag:s21], $0x2000  }
0x354: {  	[sflag:s21] =	ssyncset.done $0x0  }
0x355: {  	s5 =	simm.s32 $0x2400;
	[sflag:s21] =	ssyncadd.s32 $0xFFFFE000  }
0x356: {  	[spmem:s3] =	stream.indirect.scatter.add.f32 [tilespmem:s11], [sflag:$0x6], $0x80, s5, s17, $0xb8;
	[tilespmem:$0x1E800] =	vst v63  }
0x357: {  	_ =	swait.ge [sflag:s22], $0x2000  }
0x358: {  	[sflag:s22] =	ssyncset.done $0x0  }
0x359: {  	[sflag:s22] =	ssyncadd.s32 $0xFFFFE000  }
0x35a: {  	_ =	swait.ge [sflag:s23], $0x2000  }
0x35b: {  	[sflag:s23] =	ssyncset.done $0x0  }
0x35c: {  	s31 =	simm.s32 $0x2480;
	[sflag:s23] =	ssyncadd.s32 $0xFFFFE000  }
0x35d: {  	[spmem:s3] =	stream.indirect.scatter.add.f32 [tilespmem:s18], [sflag:$0x7], $0x80, s31, s17, $0xb8;
	[tilespmem:$0x1E800] =	vst v63  }
0x35e: {  	_ =	swait.ge [sflag:s25], $0x4000  }
0x35f: {  	[sflag:s25] =	ssyncset.done $0x0  }
0x360: {  	s5 =	simm.s32 $0x1100;
	[sflag:s25] =	ssyncadd.s32 $0xFFFFC000  }
0x361: {  	[tilespmem:s11], [sflag:$0x2] =	stream.indirect.gather [hbm4b:s0+s15], $0x80, s5, s15, $0xb8;
	[tilespmem:$0x1E800] =	vst v63  }
0x362: {  	s31 =	simm.s32 $0x1140  }
0x363: {  	[tilespmem:s16], [sflag:$0x4] =	stream.indirect.gather [hbm4b:s0+s15], $0x80, s31, s15, $0xb8;
	[tilespmem:$0x1E800] =	vst v63  }
0x364: {  	_ =	swait.ge [sflag:s29], $0x4000  }
0x365: {  	[sflag:s29] =	ssyncset.done $0x0  }
0x366: {  	s5 =	simm.s32 $0x1180;
	[sflag:s29] =	ssyncadd.s32 $0xFFFFC000  }
0x367: {  	[tilespmem:s18], [sflag:$0x3] =	stream.indirect.gather [hbm4b:s0+s15], $0x80, s5, s15, $0xb8;
	[tilespmem:$0x1E800] =	vst v63  }
0x368: {  	s31 =	simm.s32 $0x11C0  }
0x369: {  	[tilespmem:s19], [sflag:$0x5] =	stream.indirect.gather [hbm4b:s0+s15], $0x80, s31, s15, $0xb8;
	[tilespmem:$0x1E800] =	vst v63  }
0x36a: {  	_ =	swait.ge [sflag:s20], $0x2000  }
0x36b: {  	[sflag:s20] =	ssyncset.done $0x0  }
0x36c: {  	[sflag:s20] =	ssyncadd.s32 $0xFFFFE000  }
0x36d: {  	_ =	swait.ge [sflag:s21], $0x2000  }
0x36e: {  	[sflag:s21] =	ssyncset.done $0x0  }
0x36f: {  	s5 =	simm.s32 $0x2500;
	[sflag:s21] =	ssyncadd.s32 $0xFFFFE000  }
0x370: {  	[spmem:s3] =	stream.indirect.scatter.add.f32 [tilespmem:s11], [sflag:$0x6], $0x80, s5, s17, $0xb8;
	[tilespmem:$0x1E800] =	vst v63  }
0x371: {  	_ =	swait.ge [sflag:s22], $0x2000  }
0x372: {  	[sflag:s22] =	ssyncset.done $0x0  }
0x373: {  	[sflag:s22] =	ssyncadd.s32 $0xFFFFE000  }
0x374: {  	_ =	swait.ge [sflag:s23], $0x2000  }
0x375: {  	[sflag:s23] =	ssyncset.done $0x0  }
0x376: {  	s31 =	simm.s32 $0x2580;
	[sflag:s23] =	ssyncadd.s32 $0xFFFFE000  }
0x377: {  	[spmem:s3] =	stream.indirect.scatter.add.f32 [tilespmem:s18], [sflag:$0x7], $0x80, s31, s17, $0xb8;
	[tilespmem:$0x1E800] =	vst v63  }
0x378: {  	_ =	swait.ge [sflag:s25], $0x4000  }
0x379: {  	[sflag:s25] =	ssyncset.done $0x0  }
0x37a: {  	s5 =	simm.s32 $0x1200;
	[sflag:s25] =	ssyncadd.s32 $0xFFFFC000  }
0x37b: {  	[tilespmem:s11], [sflag:$0x2] =	stream.indirect.gather [hbm4b:s0+s15], $0x80, s5, s15, $0xb8;
	[tilespmem:$0x1E800] =	vst v63  }
0x37c: {  	s31 =	simm.s32 $0x1240  }
0x37d: {  	[tilespmem:s16], [sflag:$0x4] =	stream.indirect.gather [hbm4b:s0+s15], $0x80, s31, s15, $0xb8;
	[tilespmem:$0x1E800] =	vst v63  }
0x37e: {  	_ =	swait.ge [sflag:s29], $0x4000  }
0x37f: {  	[sflag:s29] =	ssyncset.done $0x0  }
0x380: {  	s5 =	simm.s32 $0x1280;
	[sflag:s29] =	ssyncadd.s32 $0xFFFFC000  }
0x381: {  	[tilespmem:s18], [sflag:$0x3] =	stream.indirect.gather [hbm4b:s0+s15], $0x80, s5, s15, $0xb8;
	[tilespmem:$0x1E800] =	vst v63  }
0x382: {  	s31 =	simm.s32 $0x12C0  }
0x383: {  	[tilespmem:s19], [sflag:$0x5] =	stream.indirect.gather [hbm4b:s0+s15], $0x80, s31, s15, $0xb8;
	[tilespmem:$0x1E800] =	vst v63  }
0x384: {  	_ =	swait.ge [sflag:s20], $0x2000  }
0x385: {  	[sflag:s20] =	ssyncset.done $0x0  }
0x386: {  	[sflag:s20] =	ssyncadd.s32 $0xFFFFE000  }
0x387: {  	_ =	swait.ge [sflag:s21], $0x2000  }
0x388: {  	[sflag:s21] =	ssyncset.done $0x0  }
0x389: {  	s5 =	simm.s32 $0x2600;
	[sflag:s21] =	ssyncadd.s32 $0xFFFFE000  }
0x38a: {  	[spmem:s3] =	stream.indirect.scatter.add.f32 [tilespmem:s11], [sflag:$0x6], $0x80, s5, s17, $0xb8;
	[tilespmem:$0x1E800] =	vst v63  }
0x38b: {  	_ =	swait.ge [sflag:s22], $0x2000  }
0x38c: {  	[sflag:s22] =	ssyncset.done $0x0  }
0x38d: {  	[sflag:s22] =	ssyncadd.s32 $0xFFFFE000  }
0x38e: {  	_ =	swait.ge [sflag:s23], $0x2000  }
0x38f: {  	[sflag:s23] =	ssyncset.done $0x0  }
0x390: {  	s31 =	simm.s32 $0x2680;
	[sflag:s23] =	ssyncadd.s32 $0xFFFFE000  }
0x391: {  	[spmem:s3] =	stream.indirect.scatter.add.f32 [tilespmem:s18], [sflag:$0x7], $0x80, s31, s17, $0xb8;
	[tilespmem:$0x1E800] =	vst v63  }
0x392: {  	_ =	swait.ge [sflag:s25], $0x4000  }
0x393: {  	[sflag:s25] =	ssyncset.done $0x0  }
0x394: {  	s5 =	simm.s32 $0x1300;
	[sflag:s25] =	ssyncadd.s32 $0xFFFFC000  }
0x395: {  	[tilespmem:s11], [sflag:$0x2] =	stream.indirect.gather [hbm4b:s0+s15], $0x80, s5, s15, $0xb8;
	[tilespmem:$0x1E800] =	vst v63  }
0x396: {  	s31 =	simm.s32 $0x1340  }
0x397: {  	[tilespmem:s16], [sflag:$0x4] =	stream.indirect.gather [hbm4b:s0+s15], $0x80, s31, s15, $0xb8;
	[tilespmem:$0x1E800] =	vst v63  }
0x398: {  	_ =	swait.ge [sflag:s29], $0x4000  }
0x399: {  	[sflag:s29] =	ssyncset.done $0x0  }
0x39a: {  	s5 =	simm.s32 $0x1380;
	[sflag:s29] =	ssyncadd.s32 $0xFFFFC000  }
0x39b: {  	[tilespmem:s18], [sflag:$0x3] =	stream.indirect.gather [hbm4b:s0+s15], $0x80, s5, s15, $0xb8;
	[tilespmem:$0x1E800] =	vst v63  }
0x39c: {  	s31 =	simm.s32 $0x13C0  }
0x39d: {  	[tilespmem:s19], [sflag:$0x5] =	stream.indirect.gather [hbm4b:s0+s15], $0x80, s31, s15, $0xb8;
	[tilespmem:$0x1E800] =	vst v63  }
0x39e: {  	_ =	swait.ge [sflag:s20], $0x2000  }
0x39f: {  	[sflag:s20] =	ssyncset.done $0x0  }
0x3a0: {  	[sflag:s20] =	ssyncadd.s32 $0xFFFFE000  }
0x3a1: {  	_ =	swait.ge [sflag:s21], $0x2000  }
0x3a2: {  	[sflag:s21] =	ssyncset.done $0x0  }
0x3a3: {  	s5 =	simm.s32 $0x2700;
	[sflag:s21] =	ssyncadd.s32 $0xFFFFE000  }
0x3a4: {  	[spmem:s3] =	stream.indirect.scatter.add.f32 [tilespmem:s11], [sflag:$0x6], $0x80, s5, s17, $0xb8;
	[tilespmem:$0x1E800] =	vst v63  }
0x3a5: {  	_ =	swait.ge [sflag:s22], $0x2000  }
0x3a6: {  	[sflag:s22] =	ssyncset.done $0x0  }
0x3a7: {  	[sflag:s22] =	ssyncadd.s32 $0xFFFFE000  }
0x3a8: {  	_ =	swait.ge [sflag:s23], $0x2000  }
0x3a9: {  	[sflag:s23] =	ssyncset.done $0x0  }
0x3aa: {  	s31 =	simm.s32 $0x2780;
	[sflag:s23] =	ssyncadd.s32 $0xFFFFE000  }
0x3ab: {  	[spmem:s3] =	stream.indirect.scatter.add.f32 [tilespmem:s18], [sflag:$0x7], $0x80, s31, s17, $0xb8;
	[tilespmem:$0x1E800] =	vst v63  }
0x3ac: {  	_ =	swait.ge [sflag:s25], $0x4000  }
0x3ad: {  	[sflag:s25] =	ssyncset.done $0x0  }
0x3ae: {  	s5 =	simm.s32 $0x1400;
	[sflag:s25] =	ssyncadd.s32 $0xFFFFC000  }
0x3af: {  	[tilespmem:s11], [sflag:$0x2] =	stream.indirect.gather [hbm4b:s0+s15], $0x80, s5, s15, $0xb8;
	[tilespmem:$0x1E800] =	vst v63  }
0x3b0: {  	s31 =	simm.s32 $0x1440  }
0x3b1: {  	[tilespmem:s16], [sflag:$0x4] =	stream.indirect.gather [hbm4b:s0+s15], $0x80, s31, s15, $0xb8;
	[tilespmem:$0x1E800] =	vst v63  }
0x3b2: {  	_ =	swait.ge [sflag:s29], $0x4000  }
0x3b3: {  	[sflag:s29] =	ssyncset.done $0x0  }
0x3b4: {  	s5 =	simm.s32 $0x1480;
	[sflag:s29] =	ssyncadd.s32 $0xFFFFC000  }
0x3b5: {  	[tilespmem:s18], [sflag:$0x3] =	stream.indirect.gather [hbm4b:s0+s15], $0x80, s5, s15, $0xb8;
	[tilespmem:$0x1E800] =	vst v63  }
0x3b6: {  	s31 =	simm.s32 $0x14C0  }
0x3b7: {  	[tilespmem:s19], [sflag:$0x5] =	stream.indirect.gather [hbm4b:s0+s15], $0x80, s31, s15, $0xb8;
	[tilespmem:$0x1E800] =	vst v63  }
0x3b8: {  	_ =	swait.ge [sflag:s30], $0xC00  }
0x3b9: {  	[sflag:s30] =	ssyncset.done $0x0  }
0x3ba: {  	[sflag:s30] =	ssyncadd.s32 $0xFFFFF400  }
0x3bb: {  	_ =	swait.ge [sflag:s30], $0x800  }
0x3bc: {  	[sflag:s30] =	ssyncset.done $0x0  }
0x3bd: {  	[sflag:s30] =	ssyncadd.s32 $0xFFFFF800  }
0x3be: {  	_ =	swait.ge [sflag:s20], $0x2000  }
0x3bf: {  	[sflag:s20] =	ssyncset.done $0x0  }
0x3c0: {  	[sflag:s20] =	ssyncadd.s32 $0xFFFFE000  }
0x3c1: {  	_ =	swait.ge [sflag:s21], $0x2000  }
0x3c2: {  	[sflag:s21] =	ssyncset.done $0x0  }
0x3c3: {  	[sflag:s21] =	ssyncadd.s32 $0xFFFFE000  }
0x3c4: {  	[spmem:s3] =	stream.indirect.scatter.add.f32 [tilespmem:s11], [sflag:$0x6], $0x80, s1, s17, $0xb8;
	[tilespmem:$0x1E800] =	vst v63  }
0x3c5: {  	_ =	swait.ge [sflag:s22], $0x2000  }
0x3c6: {  	[sflag:s22] =	ssyncset.done $0x0  }
0x3c7: {  	[sflag:s22] =	ssyncadd.s32 $0xFFFFE000  }
0x3c8: {  	_ =	swait.ge [sflag:s23], $0x2000  }
0x3c9: {  	[sflag:s23] =	ssyncset.done $0x0  }
0x3ca: {  	s5 =	simm.s32 $0x1880;
	[sflag:s23] =	ssyncadd.s32 $0xFFFFE000  }
0x3cb: {  	[spmem:s3] =	stream.indirect.scatter.add.f32 [tilespmem:s18], [sflag:$0x7], $0x80, s5, s17, $0xb8;
	[tilespmem:$0x1E800] =	vst v63  }
0x3cc: {  	_ =	swait.ge [sflag:s25], $0x4000  }
0x3cd: {  	[sflag:s25] =	ssyncset.done $0x0  }
0x3ce: {  	s31 =	simm.s32 $0x100;
	[sflag:s25] =	ssyncadd.s32 $0xFFFFC000  }
0x3cf: {  	[tilespmem:s11], [sflag:$0x2] =	stream.indirect.gather [hbm4b:s0+s15], $0x80, s31, s15, $0xb8;
	[tilespmem:$0x1E800] =	vst v63  }
0x3d0: {  	s2 =	simm.s32 $0x140  }
0x3d1: {  	[tilespmem:s16], [sflag:$0x4] =	stream.indirect.gather [hbm4b:s0+s15], $0x80, s2, s15, $0xb8;
	[tilespmem:$0x1E800] =	vst v63  }
0x3d2: {  	_ =	swait.ge [sflag:s29], $0x4000  }
0x3d3: {  	[sflag:s29] =	ssyncset.done $0x0  }
0x3d4: {  	s5 =	simm.s32 $0x180;
	[sflag:s29] =	ssyncadd.s32 $0xFFFFC000  }
0x3d5: {  	[tilespmem:s18], [sflag:$0x3] =	stream.indirect.gather [hbm4b:s0+s15], $0x80, s5, s15, $0xb8;
	[tilespmem:$0x1E800] =	vst v63  }
0x3d6: {  	s31 =	simm.s32 $0x1C0  }
0x3d7: {  	[tilespmem:s19], [sflag:$0x5] =	stream.indirect.gather [hbm4b:s0+s15], $0x80, s31, s15, $0xb8;
	[tilespmem:$0x1E800] =	vst v63  }
0x3d8: {  	_ =	swait.ge [sflag:s20], $0x2000  }
0x3d9: {  	[sflag:s20] =	ssyncset.done $0x0  }
0x3da: {  	[sflag:s20] =	ssyncadd.s32 $0xFFFFE000  }
0x3db: {  	_ =	swait.ge [sflag:s21], $0x2000  }
0x3dc: {  	[sflag:s21] =	ssyncset.done $0x0  }
0x3dd: {  	s2 =	simm.s32 $0x1900;
	[sflag:s21] =	ssyncadd.s32 $0xFFFFE000  }
0x3de: {  	[spmem:s3] =	stream.indirect.scatter.add.f32 [tilespmem:s11], [sflag:$0x6], $0x80, s2, s17, $0xb8;
	[tilespmem:$0x1E800] =	vst v63  }
0x3df: {  	_ =	swait.ge [sflag:s22], $0x2000  }
0x3e0: {  	[sflag:s22] =	ssyncset.done $0x0  }
0x3e1: {  	[sflag:s22] =	ssyncadd.s32 $0xFFFFE000  }
0x3e2: {  	_ =	swait.ge [sflag:s23], $0x2000  }
0x3e3: {  	[sflag:s23] =	ssyncset.done $0x0  }
0x3e4: {  	s5 =	simm.s32 $0x1980;
	[sflag:s23] =	ssyncadd.s32 $0xFFFFE000  }
0x3e5: {  	[spmem:s3] =	stream.indirect.scatter.add.f32 [tilespmem:s18], [sflag:$0x7], $0x80, s5, s17, $0xb8;
	[tilespmem:$0x1E800] =	vst v63  }
0x3e6: {  	_ =	swait.ge [sflag:s25], $0x4000  }
0x3e7: {  	[sflag:s25] =	ssyncset.done $0x0  }
0x3e8: {  	s31 =	simm.s32 $0x200;
	[sflag:s25] =	ssyncadd.s32 $0xFFFFC000  }
0x3e9: {  	[tilespmem:s11], [sflag:$0x2] =	stream.indirect.gather [hbm4b:s0+s15], $0x80, s31, s15, $0xb8;
	[tilespmem:$0x1E800] =	vst v63  }
0x3ea: {  	s2 =	simm.s32 $0x240  }
0x3eb: {  	[tilespmem:s16], [sflag:$0x4] =	stream.indirect.gather [hbm4b:s0+s15], $0x80, s2, s15, $0xb8;
	[tilespmem:$0x1E800] =	vst v63  }
0x3ec: {  	_ =	swait.ge [sflag:s29], $0x4000  }
0x3ed: {  	[sflag:s29] =	ssyncset.done $0x0  }
0x3ee: {  	s5 =	simm.s32 $0x280;
	[sflag:s29] =	ssyncadd.s32 $0xFFFFC000  }
0x3ef: {  	[tilespmem:s18], [sflag:$0x3] =	stream.indirect.gather [hbm4b:s0+s15], $0x80, s5, s15, $0xb8;
	[tilespmem:$0x1E800] =	vst v63  }
0x3f0: {  	s31 =	simm.s32 $0x2C0  }
0x3f1: {  	[tilespmem:s19], [sflag:$0x5] =	stream.indirect.gather [hbm4b:s0+s15], $0x80, s31, s15, $0xb8;
	[tilespmem:$0x1E800] =	vst v63  }
0x3f2: {  	_ =	swait.ge [sflag:s20], $0x2000  }
0x3f3: {  	[sflag:s20] =	ssyncset.done $0x0  }
0x3f4: {  	[sflag:s20] =	ssyncadd.s32 $0xFFFFE000  }
0x3f5: {  	_ =	swait.ge [sflag:s21], $0x2000  }
0x3f6: {  	[sflag:s21] =	ssyncset.done $0x0  }
0x3f7: {  	s2 =	simm.s32 $0x1A00;
	[sflag:s21] =	ssyncadd.s32 $0xFFFFE000  }
0x3f8: {  	[spmem:s3] =	stream.indirect.scatter.add.f32 [tilespmem:s11], [sflag:$0x6], $0x80, s2, s17, $0xb8;
	[tilespmem:$0x1E800] =	vst v63  }
0x3f9: {  	_ =	swait.ge [sflag:s22], $0x2000  }
0x3fa: {  	[sflag:s22] =	ssyncset.done $0x0  }
0x3fb: {  	[sflag:s22] =	ssyncadd.s32 $0xFFFFE000  }
0x3fc: {  	_ =	swait.ge [sflag:s23], $0x2000  }
0x3fd: {  	[sflag:s23] =	ssyncset.done $0x0  }
0x3fe: {  	s5 =	simm.s32 $0x1A80;
	[sflag:s23] =	ssyncadd.s32 $0xFFFFE000  }
0x3ff: {  	[spmem:s3] =	stream.indirect.scatter.add.f32 [tilespmem:s18], [sflag:$0x7], $0x80, s5, s17, $0xb8;
	[tilespmem:$0x1E800] =	vst v63  }
0x400: {  	_ =	swait.ge [sflag:s25], $0x4000  }
0x401: {  	[sflag:s25] =	ssyncset.done $0x0  }
0x402: {  	s31 =	simm.s32 $0x300;
	[sflag:s25] =	ssyncadd.s32 $0xFFFFC000  }
0x403: {  	[tilespmem:s11], [sflag:$0x2] =	stream.indirect.gather [hbm4b:s0+s15], $0x80, s31, s15, $0xb8;
	[tilespmem:$0x1E800] =	vst v63  }
0x404: {  	s2 =	simm.s32 $0x340  }
0x405: {  	[tilespmem:s16], [sflag:$0x4] =	stream.indirect.gather [hbm4b:s0+s15], $0x80, s2, s15, $0xb8;
	[tilespmem:$0x1E800] =	vst v63  }
0x406: {  	_ =	swait.ge [sflag:s29], $0x4000  }
0x407: {  	[sflag:s29] =	ssyncset.done $0x0  }
0x408: {  	s5 =	simm.s32 $0x380;
	[sflag:s29] =	ssyncadd.s32 $0xFFFFC000  }
0x409: {  	[tilespmem:s18], [sflag:$0x3] =	stream.indirect.gather [hbm4b:s0+s15], $0x80, s5, s15, $0xb8;
	[tilespmem:$0x1E800] =	vst v63  }
0x40a: {  	s31 =	simm.s32 $0x3C0  }
0x40b: {  	[tilespmem:s19], [sflag:$0x5] =	stream.indirect.gather [hbm4b:s0+s15], $0x80, s31, s15, $0xb8;
	[tilespmem:$0x1E800] =	vst v63  }
0x40c: {  	_ =	swait.ge [sflag:s20], $0x2000  }
0x40d: {  	[sflag:s20] =	ssyncset.done $0x0  }
0x40e: {  	[sflag:s20] =	ssyncadd.s32 $0xFFFFE000  }
0x40f: {  	_ =	swait.ge [sflag:s21], $0x2000  }
0x410: {  	[sflag:s21] =	ssyncset.done $0x0  }
0x411: {  	s2 =	simm.s32 $0x1B00;
	[sflag:s21] =	ssyncadd.s32 $0xFFFFE000  }
0x412: {  	[spmem:s3] =	stream.indirect.scatter.add.f32 [tilespmem:s11], [sflag:$0x6], $0x80, s2, s17, $0xb8;
	[tilespmem:$0x1E800] =	vst v63  }
0x413: {  	_ =	swait.ge [sflag:s22], $0x2000  }
0x414: {  	[sflag:s22] =	ssyncset.done $0x0  }
0x415: {  	[sflag:s22] =	ssyncadd.s32 $0xFFFFE000  }
0x416: {  	_ =	swait.ge [sflag:s23], $0x2000  }
0x417: {  	[sflag:s23] =	ssyncset.done $0x0  }
0x418: {  	s5 =	simm.s32 $0x1B80;
	[sflag:s23] =	ssyncadd.s32 $0xFFFFE000  }
0x419: {  	[spmem:s3] =	stream.indirect.scatter.add.f32 [tilespmem:s18], [sflag:$0x7], $0x80, s5, s17, $0xb8;
	[tilespmem:$0x1E800] =	vst v63  }
0x41a: {  	_ =	swait.ge [sflag:s25], $0x4000  }
0x41b: {  	[sflag:s25] =	ssyncset.done $0x0  }
0x41c: {  	s31 =	simm.s32 $0x400;
	[sflag:s25] =	ssyncadd.s32 $0xFFFFC000  }
0x41d: {  	[tilespmem:s11], [sflag:$0x2] =	stream.indirect.gather [hbm4b:s0+s15], $0x80, s31, s15, $0xb8;
	[tilespmem:$0x1E800] =	vst v63  }
0x41e: {  	s2 =	simm.s32 $0x440  }
0x41f: {  	[tilespmem:s16], [sflag:$0x4] =	stream.indirect.gather [hbm4b:s0+s15], $0x80, s2, s15, $0xb8;
	[tilespmem:$0x1E800] =	vst v63  }
0x420: {  	_ =	swait.ge [sflag:s29], $0x4000  }
0x421: {  	[sflag:s29] =	ssyncset.done $0x0  }
0x422: {  	s5 =	simm.s32 $0x480;
	[sflag:s29] =	ssyncadd.s32 $0xFFFFC000  }
0x423: {  	[tilespmem:s18], [sflag:$0x3] =	stream.indirect.gather [hbm4b:s0+s15], $0x80, s5, s15, $0xb8;
	[tilespmem:$0x1E800] =	vst v63  }
0x424: {  	s31 =	simm.s32 $0x4C0  }
0x425: {  	[tilespmem:s19], [sflag:$0x5] =	stream.indirect.gather [hbm4b:s0+s15], $0x80, s31, s15, $0xb8;
	[tilespmem:$0x1E800] =	vst v63  }
0x426: {  	_ =	swait.ge [sflag:s20], $0x2000  }
0x427: {  	[sflag:s20] =	ssyncset.done $0x0  }
0x428: {  	[sflag:s20] =	ssyncadd.s32 $0xFFFFE000  }
0x429: {  	_ =	swait.ge [sflag:s21], $0x2000  }
0x42a: {  	[sflag:s21] =	ssyncset.done $0x0  }
0x42b: {  	s2 =	simm.s32 $0x1C00;
	[sflag:s21] =	ssyncadd.s32 $0xFFFFE000  }
0x42c: {  	[spmem:s3] =	stream.indirect.scatter.add.f32 [tilespmem:s11], [sflag:$0x6], $0x80, s2, s17, $0xb8;
	[tilespmem:$0x1E800] =	vst v63  }
0x42d: {  	_ =	swait.ge [sflag:s22], $0x2000  }
0x42e: {  	[sflag:s22] =	ssyncset.done $0x0  }
0x42f: {  	[sflag:s22] =	ssyncadd.s32 $0xFFFFE000  }
0x430: {  	_ =	swait.ge [sflag:s23], $0x2000  }
0x431: {  	[sflag:s23] =	ssyncset.done $0x0  }
0x432: {  	s5 =	simm.s32 $0x1C80;
	[sflag:s23] =	ssyncadd.s32 $0xFFFFE000  }
0x433: {  	[spmem:s3] =	stream.indirect.scatter.add.f32 [tilespmem:s18], [sflag:$0x7], $0x80, s5, s17, $0xb8;
	[tilespmem:$0x1E800] =	vst v63  }
0x434: {  	_ =	swait.ge [sflag:s25], $0x4000  }
0x435: {  	[sflag:s25] =	ssyncset.done $0x0  }
0x436: {  	s6 =	simm.s32 $0x500;
	[sflag:s25] =	ssyncadd.s32 $0xFFFFC000  }
0x437: {  	[tilespmem:s11], [sflag:$0x2] =	stream.indirect.gather [hbm4b:s0+s15], $0x80, s6, s15, $0xb8;
	[tilespmem:$0x1E800] =	vst v63  }
0x438: {  	s6 =	simm.s32 $0x540  }
0x439: {  	[tilespmem:s16], [sflag:$0x4] =	stream.indirect.gather [hbm4b:s0+s15], $0x80, s6, s15, $0xb8;
	[tilespmem:$0x1E800] =	vst v63  }
0x43a: {  	_ =	swait.ge [sflag:s29], $0x4000  }
0x43b: {  	[sflag:s29] =	ssyncset.done $0x0  }
0x43c: {  	s31 =	simm.s32 $0x580;
	[sflag:s29] =	ssyncadd.s32 $0xFFFFC000  }
0x43d: {  	[tilespmem:s18], [sflag:$0x3] =	stream.indirect.gather [hbm4b:s0+s15], $0x80, s31, s15, $0xb8;
	[tilespmem:$0x1E800] =	vst v63  }
0x43e: {  	s2 =	simm.s32 $0x5C0  }
0x43f: {  	[tilespmem:s19], [sflag:$0x5] =	stream.indirect.gather [hbm4b:s0+s15], $0x80, s2, s15, $0xb8;
	[tilespmem:$0x1E800] =	vst v63  }
0x440: {  	_ =	swait.ge [sflag:s20], $0x2000  }
0x441: {  	[sflag:s20] =	ssyncset.done $0x0  }
0x442: {  	[sflag:s20] =	ssyncadd.s32 $0xFFFFE000  }
0x443: {  	_ =	swait.ge [sflag:s21], $0x2000  }
0x444: {  	[sflag:s21] =	ssyncset.done $0x0  }
0x445: {  	s5 =	simm.s32 $0x1D00;
	[sflag:s21] =	ssyncadd.s32 $0xFFFFE000  }
0x446: {  	[spmem:s3] =	stream.indirect.scatter.add.f32 [tilespmem:s11], [sflag:$0x6], $0x80, s5, s17, $0xb8;
	[tilespmem:$0x1E800] =	vst v63  }
0x447: {  	_ =	swait.ge [sflag:s22], $0x2000  }
0x448: {  	[sflag:s22] =	ssyncset.done $0x0  }
0x449: {  	[sflag:s22] =	ssyncadd.s32 $0xFFFFE000  }
0x44a: {  	_ =	swait.ge [sflag:s23], $0x2000  }
0x44b: {  	[sflag:s23] =	ssyncset.done $0x0  }
0x44c: {  	s6 =	simm.s32 $0x1D80;
	[sflag:s23] =	ssyncadd.s32 $0xFFFFE000  }
0x44d: {  	[spmem:s3] =	stream.indirect.scatter.add.f32 [tilespmem:s18], [sflag:$0x7], $0x80, s6, s17, $0xb8;
	[tilespmem:$0x1E800] =	vst v63  }
0x44e: {  	_ =	swait.ge [sflag:s25], $0x4000  }
0x44f: {  	[sflag:s25] =	ssyncset.done $0x0  }
0x450: {  	s31 =	simm.s32 $0x600;
	[sflag:s25] =	ssyncadd.s32 $0xFFFFC000  }
0x451: {  	[tilespmem:s11], [sflag:$0x2] =	stream.indirect.gather [hbm4b:s0+s15], $0x80, s31, s15, $0xb8;
	[tilespmem:$0x1E800] =	vst v63  }
0x452: {  	s2 =	simm.s32 $0x640  }
0x453: {  	[tilespmem:s16], [sflag:$0x4] =	stream.indirect.gather [hbm4b:s0+s15], $0x80, s2, s15, $0xb8;
	[tilespmem:$0x1E800] =	vst v63  }
0x454: {  	_ =	swait.ge [sflag:s29], $0x4000  }
0x455: {  	[sflag:s29] =	ssyncset.done $0x0  }
0x456: {  	s5 =	simm.s32 $0x680;
	[sflag:s29] =	ssyncadd.s32 $0xFFFFC000  }
0x457: {  	[tilespmem:s18], [sflag:$0x3] =	stream.indirect.gather [hbm4b:s0+s15], $0x80, s5, s15, $0xb8;
	[tilespmem:$0x1E800] =	vst v63  }
0x458: {  	s6 =	simm.s32 $0x6C0  }
0x459: {  	[tilespmem:s19], [sflag:$0x5] =	stream.indirect.gather [hbm4b:s0+s15], $0x80, s6, s15, $0xb8;
	[tilespmem:$0x1E800] =	vst v63  }
0x45a: {  	_ =	swait.ge [sflag:s20], $0x2000  }
0x45b: {  	[sflag:s20] =	ssyncset.done $0x0  }
0x45c: {  	[sflag:s20] =	ssyncadd.s32 $0xFFFFE000  }
0x45d: {  	_ =	swait.ge [sflag:s21], $0x2000  }
0x45e: {  	[sflag:s21] =	ssyncset.done $0x0  }
0x45f: {  	s31 =	simm.s32 $0x1E00;
	[sflag:s21] =	ssyncadd.s32 $0xFFFFE000  }
0x460: {  	[spmem:s3] =	stream.indirect.scatter.add.f32 [tilespmem:s11], [sflag:$0x6], $0x80, s31, s17, $0xb8;
	[tilespmem:$0x1E800] =	vst v63  }
0x461: {  	_ =	swait.ge [sflag:s22], $0x2000  }
0x462: {  	[sflag:s22] =	ssyncset.done $0x0  }
0x463: {  	[sflag:s22] =	ssyncadd.s32 $0xFFFFE000  }
0x464: {  	_ =	swait.ge [sflag:s23], $0x2000  }
0x465: {  	[sflag:s23] =	ssyncset.done $0x0  }
0x466: {  	s2 =	simm.s32 $0x1E80;
	[sflag:s23] =	ssyncadd.s32 $0xFFFFE000  }
0x467: {  	[spmem:s3] =	stream.indirect.scatter.add.f32 [tilespmem:s18], [sflag:$0x7], $0x80, s2, s17, $0xb8;
	[tilespmem:$0x1E800] =	vst v63  }
0x468: {  	_ =	swait.ge [sflag:s25], $0x4000  }
0x469: {  	[sflag:s25] =	ssyncset.done $0x0  }
0x46a: {  	s5 =	simm.s32 $0x700;
	[sflag:s25] =	ssyncadd.s32 $0xFFFFC000  }
0x46b: {  	[tilespmem:s11], [sflag:$0x2] =	stream.indirect.gather [hbm4b:s0+s15], $0x80, s5, s15, $0xb8;
	[tilespmem:$0x1E800] =	vst v63  }
0x46c: {  	s6 =	simm.s32 $0x740  }
0x46d: {  	[tilespmem:s16], [sflag:$0x4] =	stream.indirect.gather [hbm4b:s0+s15], $0x80, s6, s15, $0xb8;
	[tilespmem:$0x1E800] =	vst v63  }
0x46e: {  	_ =	swait.ge [sflag:s29], $0x4000  }
0x46f: {  	[sflag:s29] =	ssyncset.done $0x0  }
0x470: {  	s31 =	simm.s32 $0x780;
	[sflag:s29] =	ssyncadd.s32 $0xFFFFC000  }
0x471: {  	[tilespmem:s18], [sflag:$0x3] =	stream.indirect.gather [hbm4b:s0+s15], $0x80, s31, s15, $0xb8;
	[tilespmem:$0x1E800] =	vst v63  }
0x472: {  	s2 =	simm.s32 $0x7C0  }
0x473: {  	[tilespmem:s19], [sflag:$0x5] =	stream.indirect.gather [hbm4b:s0+s15], $0x80, s2, s15, $0xb8;
	[tilespmem:$0x1E800] =	vst v63  }
0x474: {  	_ =	swait.ge [sflag:s20], $0x2000  }
0x475: {  	[sflag:s20] =	ssyncset.done $0x0  }
0x476: {  	[sflag:s20] =	ssyncadd.s32 $0xFFFFE000  }
0x477: {  	_ =	swait.ge [sflag:s21], $0x2000  }
0x478: {  	[sflag:s21] =	ssyncset.done $0x0  }
0x479: {  	s5 =	simm.s32 $0x1F00;
	[sflag:s21] =	ssyncadd.s32 $0xFFFFE000  }
0x47a: {  	[spmem:s3] =	stream.indirect.scatter.add.f32 [tilespmem:s11], [sflag:$0x6], $0x80, s5, s17, $0xb8;
	[tilespmem:$0x1E800] =	vst v63  }
0x47b: {  	_ =	swait.ge [sflag:s22], $0x2000  }
0x47c: {  	[sflag:s22] =	ssyncset.done $0x0  }
0x47d: {  	[sflag:s22] =	ssyncadd.s32 $0xFFFFE000  }
0x47e: {  	_ =	swait.ge [sflag:s23], $0x2000  }
0x47f: {  	[sflag:s23] =	ssyncset.done $0x0  }
0x480: {  	s6 =	simm.s32 $0x1F80;
	[sflag:s23] =	ssyncadd.s32 $0xFFFFE000  }
0x481: {  	[spmem:s3] =	stream.indirect.scatter.add.f32 [tilespmem:s18], [sflag:$0x7], $0x80, s6, s17, $0xb8;
	[tilespmem:$0x1E800] =	vst v63  }
0x482: {  	_ =	swait.ge [sflag:s25], $0x4000  }
0x483: {  	[sflag:s25] =	ssyncset.done $0x0  }
0x484: {  	s31 =	simm.s32 $0x800;
	[sflag:s25] =	ssyncadd.s32 $0xFFFFC000  }
0x485: {  	[tilespmem:s11], [sflag:$0x2] =	stream.indirect.gather [hbm4b:s0+s15], $0x80, s31, s15, $0xb8;
	[tilespmem:$0x1E800] =	vst v63  }
0x486: {  	s2 =	simm.s32 $0x840  }
0x487: {  	[tilespmem:s16], [sflag:$0x4] =	stream.indirect.gather [hbm4b:s0+s15], $0x80, s2, s15, $0xb8;
	[tilespmem:$0x1E800] =	vst v63  }
0x488: {  	_ =	swait.ge [sflag:s29], $0x4000  }
0x489: {  	[sflag:s29] =	ssyncset.done $0x0  }
0x48a: {  	s5 =	simm.s32 $0x880;
	[sflag:s29] =	ssyncadd.s32 $0xFFFFC000  }
0x48b: {  	[tilespmem:s18], [sflag:$0x3] =	stream.indirect.gather [hbm4b:s0+s15], $0x80, s5, s15, $0xb8;
	[tilespmem:$0x1E800] =	vst v63  }
0x48c: {  	s6 =	simm.s32 $0x8C0  }
0x48d: {  	[tilespmem:s19], [sflag:$0x5] =	stream.indirect.gather [hbm4b:s0+s15], $0x80, s6, s15, $0xb8;
	[tilespmem:$0x1E800] =	vst v63  }
0x48e: {  	_ =	swait.ge [sflag:s20], $0x2000  }
0x48f: {  	[sflag:s20] =	ssyncset.done $0x0  }
0x490: {  	[sflag:s20] =	ssyncadd.s32 $0xFFFFE000  }
0x491: {  	_ =	swait.ge [sflag:s21], $0x2000  }
0x492: {  	[sflag:s21] =	ssyncset.done $0x0  }
0x493: {  	[sflag:s21] =	ssyncadd.s32 $0xFFFFE000  }
0x494: {  	_ =	swait.ge [sflag:s22], $0x2000  }
0x495: {  	[sflag:s22] =	ssyncset.done $0x0  }
0x496: {  	[sflag:s22] =	ssyncadd.s32 $0xFFFFE000  }
0x497: {  	_ =	swait.ge [sflag:s23], $0x2000  }
0x498: {  	[sflag:s23] =	ssyncset.done $0x0  }
0x499: {  	[sflag:s23] =	ssyncadd.s32 $0xFFFFE000  }
0x49a: {  	[bflag:$0x0] =	sbarrier.arrive $0xFFFF  }
0x49b: {  	s31 =	rddreg [dreg:$0x18]  }
0x49c: {  	[tilespmem:s11], [sflag:$0x9] =	stream.linear.gather [spmem:s31], $0x4000, $0x38;
	[tilespmem:$0x1E800] =	vst v63  }
0x49d: {  	_ =	swait.ge [sflag:s12], $0x4000  }
0x49e: {  	[sflag:s12] =	ssyncset.done $0x0  }
0x49f: {  	s1 =	rddreg [dreg:$0x12];
	[sflag:s12] =	ssyncadd.s32 $0xFFFFC000  }
0x4a0: {  	[hbm4b:s1+s4] =	stream.linear.scatter [tilespmem:s11], [sflag:$0x8], $0x4000, $0x38;
	[tilespmem:$0x1E800] =	vst v63  }
0x4a1: {  	s5 =	rddreg [dreg:$0x19]  }
0x4a2: {  	[tilespmem:s18], [sflag:$0x9] =	stream.linear.gather [spmem:s5], $0x4000, $0x38;
	[tilespmem:$0x1E800] =	vst v63  }
0x4a3: {  	_ =	swait.ge [sflag:s12], $0x4000  }
0x4a4: {  	[sflag:s12] =	ssyncset.done $0x0  }
0x4a5: {  	[sflag:s12] =	ssyncadd.s32 $0xFFFFC000  }
0x4a6: {  	_ =	swait.ge [sflag:s14], $0x4000  }
0x4a7: {  	[sflag:s14] =	ssyncset.done $0x0  }
0x4a8: {  	s6 =	rddreg [dreg:$0x13];
	[sflag:s14] =	ssyncadd.s32 $0xFFFFC000  }
0x4a9: {  	[hbm4b:s6+s4] =	stream.linear.scatter [tilespmem:s18], [sflag:$0x8], $0x4000, $0x38;
	[tilespmem:$0x1E800] =	vst v63  }
0x4aa: {  	s31 =	rddreg [dreg:$0x1a]  }
0x4ab: {  	[tilespmem:s11], [sflag:$0x9] =	stream.linear.gather [spmem:s31], $0x4000, $0x38;
	[tilespmem:$0x1E800] =	vst v63  }
0x4ac: {  	_ =	swait.ge [sflag:s12], $0x4000  }
0x4ad: {  	[sflag:s12] =	ssyncset.done $0x0  }
0x4ae: {  	[sflag:s12] =	ssyncadd.s32 $0xFFFFC000  }
0x4af: {  	_ =	swait.ge [sflag:s14], $0x4000  }
0x4b0: {  	[sflag:s14] =	ssyncset.done $0x0  }
0x4b1: {  	s1 =	rddreg [dreg:$0x14];
	[sflag:s14] =	ssyncadd.s32 $0xFFFFC000  }
0x4b2: {  	[hbm4b:s1+s4] =	stream.linear.scatter [tilespmem:s11], [sflag:$0x8], $0x4000, $0x38;
	[tilespmem:$0x1E800] =	vst v63  }
0x4b3: {  	s2 =	rddreg [dreg:$0x1b]  }
0x4b4: {  	[tilespmem:s18], [sflag:$0x9] =	stream.linear.gather [spmem:s2], $0x4000, $0x38;
	[tilespmem:$0x1E800] =	vst v63  }
0x4b5: {  	_ =	swait.ge [sflag:s12], $0x4000  }
0x4b6: {  	[sflag:s12] =	ssyncset.done $0x0  }
0x4b7: {  	[sflag:s12] =	ssyncadd.s32 $0xFFFFC000  }
0x4b8: {  	_ =	swait.ge [sflag:s14], $0x4000  }
0x4b9: {  	[sflag:s14] =	ssyncset.done $0x0  }
0x4ba: {  	s5 =	rddreg [dreg:$0x15];
	[sflag:s14] =	ssyncadd.s32 $0xFFFFC000  }
0x4bb: {  	[hbm4b:s5+s4] =	stream.linear.scatter [tilespmem:s18], [sflag:$0x8], $0x4000, $0x38;
	[tilespmem:$0x1E800] =	vst v63  }
0x4bc: {  	s6 =	rddreg [dreg:$0x1c]  }
0x4bd: {  	[tilespmem:s11], [sflag:$0x9] =	stream.linear.gather [spmem:s6], $0x4000, $0x38;
	[tilespmem:$0x1E800] =	vst v63  }
0x4be: {  	_ =	swait.ge [sflag:s12], $0x4000  }
0x4bf: {  	[sflag:s12] =	ssyncset.done $0x0  }
0x4c0: {  	[sflag:s12] =	ssyncadd.s32 $0xFFFFC000  }
0x4c1: {  	_ =	swait.ge [sflag:s14], $0x4000  }
0x4c2: {  	p0 =	sne.s32 s10, $0x1;
	[sflag:s14] =	ssyncset.done $0x0  }
.Ltmp0:
0x4c3: {  	s31 =	rddreg [dreg:$0x16];
	[sflag:s14] =	ssyncadd.s32 $0xFFFFC000;
	(pc) =	sbr.rel @p0 .LBB2_1-.Ltmp0, $4  }
0x4c4: {  	[hbm4b:s31+s4] =	stream.linear.scatter [tilespmem:s11], [sflag:$0x8], $0x4000, $0x38;
	[tilespmem:$0x1E800] =	vst v63  }
0x4c5: {  	_ =	swait.ge [sflag:s14], $0x4000  }
0x4c6: {  	[sflag:s14] =	ssyncset.done $0x0  }
0x4c7: {  	s10 =	sadd.s32 $0xFFFFFFFF, s10;
	[sflag:s14] =	ssyncadd.s32 $0xFFFFC000  }
0x4c8: {  	_ =	sfence.sel $0x180000  }
0x4c9: {  	[bflag:$0x0] =	sbarrier.arrive $0xFFFF  }
0x4ca: {  	_ =	strace $0x90000047  }
0x4cb: {  	s0 =	stileid.u32;
	[bflag:$0x2] =	sbarrier.arrive $0xFFFF  }
0x4cc: {  	p0 =	sne.s32 s0, $0x0;
	s0 =	rddreg [dreg:$0x6]  }
0x4cd: {  	s0 =	sadd.s32 @!p0 $0x100000, s0  }
0x4ce: {  	[sflag:s0] =	ssyncadd.tile.s32 @!p0 $0x1;
	_ =	shalt  }
.Lfunc_end2:
_tile_overlayer_lowered:
.L_overlay_start_2:
0x4cf: {  	(tag) =	ssettag $0x2  }
0x4d0: {  	s0 =	rddreg [dreg:$0x0];
	s2 =	stileid.u32  }
0x4d1: {  	s1 =	rddreg [dreg:$0x1];
	p0 =	sne.s32 s2, $0x0  }
0x4d2: {  	s3 =	rddreg [dreg:$0x2];
	[bflag:$0x3] =	sbarrier.arrive $0xFFFF;
	s2 =	simm.s32 @!p0 $0x1C09  }
0x4d3: {  	[timem:s3], [sflag:s2] =	dma.local @!p0 [hbm:s0], s1  }
0x4d4: {  	s0 =	simm.s32 @!p0 $0x9  }
0x4d5: {  	_ =	swait.ge @!p0 [sflag:s0], s1  }
0x4d6: {  	s1 =	ssub.s32 @!p0 $0x0, s1;
	[sflag:s0] =	ssyncset.done @!p0 $0x0  }
0x4d7: {  	[sflag:s0] =	ssyncadd.s32 @!p0 s1  }
0x4d8: {  	[bflag:$0x3] =	sbarrier.arrive $0xFFFF  }
0x4d9: {  	_ =	shalt  }

</sc_bundles>
